<compile_context>
chip_gen: v7x
topology: tpu7x:2x2x1
jax: 0.10.2.dev20260603
libtpu: 0.0.44.dev20260713+nightly
codegen_flags: <defaults>
</compile_context>

<pallas_src>
import functools

import jax
import jax.numpy as jnp
from jax import lax
from jax.experimental import pallas as pl
from jax.experimental.pallas import tpu as pltpu
from jax.experimental.pallas import tpu_sc as plsc

B = 16384
HIST = 50
D = 64
NC = 2
NS = 16
NW = NC * NS
BPW = B // NW
LROWS = B // 128
LPW = BPW // 128


VOCAB = 1000001
TCB = 2048
TNB = 2 * (-(-VOCAB // (2 * TCB)))
VPAD = TNB * TCB


def _tc_transpose_body(xa_ref, xb_ref, o_ref):
    o_ref[...] = jnp.concatenate(
        [jnp.transpose(xa_ref[...]), jnp.transpose(xb_ref[...])], axis=1)


def _tc_transpose(table_t):
    nblk = VPAD // 2 // TCB
    return pl.pallas_call(
        _tc_transpose_body,
        grid=(nblk,),
        in_specs=[
            pl.BlockSpec((D, TCB), lambda i: (0, i)),
            pl.BlockSpec(
                (D, TCB),
                lambda i: (0, jnp.minimum(i + VPAD // 2 // TCB,
                                          (VOCAB - 1) // TCB)),
            ),
        ],
        out_specs=pl.BlockSpec((TCB, 2 * D), lambda i: (i, 0)),
        out_shape=jax.ShapeDtypeStruct((VPAD // 2, 2 * D), jnp.float32),
    )(table_t, table_t)


def _sc_gather_pool(symp, label2d, symp_table, dise_table):
    mesh = plsc.VectorSubcoreMesh(core_axis_name="c", subcore_axis_name="s")

    @functools.partial(
        pl.kernel,
        out_type=(
            jax.ShapeDtypeStruct((B, D), jnp.float32),
            jax.ShapeDtypeStruct((B, D), jnp.float32),
        ),
        mesh=mesh,
        compiler_params=pltpu.CompilerParams(use_tc_tiling_on_sc=False),
        scratch_types=[
            pltpu.VMEM((BPW, HIST), jnp.int32),
            pltpu.VMEM((2, HIST, D), jnp.float32),
            pltpu.VMEM((BPW, D), jnp.float32),
            pltpu.VMEM((LPW, 128), jnp.int32),
            pltpu.VMEM((BPW, D), jnp.float32),
            pltpu.SemaphoreType.DMA,
            pltpu.SemaphoreType.DMA,
            pltpu.SemaphoreType.DMA,
        ],
    )
    def k(symp_hbm, label_hbm, stab_hbm, dtab_hbm, out_u_hbm, out_d_hbm,
          idx_v, rows_v, outu_v, lidx_v, drows_v, sem0, sem1, semd):
        wid = lax.axis_index("s") * NC + lax.axis_index("c")
        base = wid * BPW

        pltpu.sync_copy(symp_hbm.at[pl.ds(base, BPW)], idx_v)
        pltpu.sync_copy(label_hbm.at[pl.ds(wid * LPW, LPW)], lidx_v)

        for j in range(LPW):
            pltpu.async_copy(
                dtab_hbm.at[lidx_v.at[j]], drows_v.at[pl.ds(j * 128, 128)], semd)

        def accum(buf, b):
            for d in range(D // 16):
                acc = rows_v[buf, 0, pl.ds(d * 16, 16)]
                for r in range(1, HIST):
                    acc = acc + rows_v[buf, r, pl.ds(d * 16, 16)]
                outu_v[b, pl.ds(d * 16, 16)] = acc

        pltpu.async_copy(stab_hbm.at[idx_v.at[0]], rows_v.at[0], sem0)

        def body(i, carry):
            b0 = 2 * i
            b1 = b0 + 1
            pltpu.async_copy(stab_hbm.at[idx_v.at[b1]], rows_v.at[1], sem1)
            pltpu.make_async_copy(
                stab_hbm.at[idx_v.at[b0]], rows_v.at[0], sem0).wait()
            accum(0, b0)

            @pl.when(i + 1 < BPW // 2)
            def _():
                pltpu.async_copy(
                    stab_hbm.at[idx_v.at[b0 + 2]], rows_v.at[0], sem0)

            pltpu.make_async_copy(
                stab_hbm.at[idx_v.at[b1]], rows_v.at[1], sem1).wait()
            accum(1, b1)
            return carry

        lax.fori_loop(0, BPW // 2, body, 0)

        pltpu.sync_copy(outu_v, out_u_hbm.at[pl.ds(base, BPW)])
        for j in range(LPW):
            pltpu.make_async_copy(
                dtab_hbm.at[lidx_v.at[j]], drows_v.at[pl.ds(j * 128, 128)],
                semd).wait()
        pltpu.sync_copy(drows_v, out_d_hbm.at[pl.ds(base, BPW)])

    return k(symp, label2d, symp_table, dise_table)


def _mlp_body(symp_ref, su_ref, sd_ref, w1u_ref, w1d_ref, b1_ref, w2_ref,
              b2_ref, o_ref):
    cnt = jnp.sum((symp_ref[...] != 0).astype(jnp.float32), axis=1,
                  keepdims=True)
    w = 1.0 / (cnt + 1e-8)
    w = jnp.where(w >= 1e8, 0.0, w)
    u = jnp.maximum(su_ref[...] * w, 0.0)
    d = jnp.maximum(sd_ref[...], 0.0)
    h = (jnp.dot(u, w1u_ref[...], preferred_element_type=jnp.float32)
         + jnp.dot(d, w1d_ref[...], preferred_element_type=jnp.float32)
         + b1_ref[...])
    h = jnp.maximum(h, 0.0)
    o_ref[...] = jnp.sum(h * w2_ref[...], axis=1, keepdims=True) + b2_ref[...]


def _mlp(symp, sum_u, sum_d, W1, b1, W2, b2):
    BLK = 2048
    return pl.pallas_call(
        _mlp_body,
        grid=(B // BLK,),
        in_specs=[
            pl.BlockSpec((BLK, HIST), lambda i: (i, 0)),
            pl.BlockSpec((BLK, D), lambda i: (i, 0)),
            pl.BlockSpec((BLK, D), lambda i: (i, 0)),
            pl.BlockSpec((D, D), lambda i: (0, 0)),
            pl.BlockSpec((D, D), lambda i: (0, 0)),
            pl.BlockSpec((1, D), lambda i: (0, 0)),
            pl.BlockSpec((1, D), lambda i: (0, 0)),
            pl.BlockSpec((1, 1), lambda i: (0, 0)),
        ],
        out_specs=pl.BlockSpec((BLK, 1), lambda i: (i, 0)),
        out_shape=jax.ShapeDtypeStruct((B, 1), jnp.float32),
    )(symp, sum_u, sum_d, W1[:D], W1[D:], b1.reshape(1, D),
      W2.reshape(1, D), b2.reshape(1, 1))


def kernel(symp, label, symp_table, dise_table, W1, b1, W2, b2):
    symp_i = symp.astype(jnp.int32)
    label2d = label.astype(jnp.int32).reshape(LROWS, 128)
    h = VPAD // 2
    symp_r = jnp.where(symp_i < h, 2 * symp_i, 2 * (symp_i - h) + 1)
    table_lin = _tc_transpose(symp_table.T).reshape(VPAD, D)
    sum_u, sum_d = _sc_gather_pool(symp_r, label2d, table_lin, dise_table)
    return _mlp(symp_i, sum_u, sum_d, W1, b1, W2, b2)

# --- scband reference (transcript-rebuilt; emitter-appended) ---
"""Pipeline reference for scband-neu-mf-16131897164337 (READ-ONLY COPY).

The authoritative reference and input builder live on the scoring server;
editing this copy changes nothing except your own understanding.
"""

import jax, jax.numpy as jnp
import numpy as np

NUM_SYMP = 1000000
NUM_DISE = 1000
EMBED_DIM = 64
BATCH = 16384
HIST = 50

def setup_inputs(seed: int = 0) -> dict:
    key = jax.random.key(seed)
    k1, k2, k3, k4, k5, k6, k7, k8 = jax.random.split(key, 8)
    symp = jax.random.randint(k1, (BATCH, HIST), 0, NUM_SYMP)
    label = jax.random.randint(k2, (BATCH,), 0, NUM_DISE)
    symp_table = jax.random.normal(k3, (NUM_SYMP + 1, EMBED_DIM), dtype=jnp.float32) * 0.02
    symp_table = symp_table.at[0].set(0.0)  # padding_idx=0
    dise_table = jax.random.normal(k4, (NUM_DISE + 1, EMBED_DIM), dtype=jnp.float32) * 0.02
    dise_table = dise_table.at[0].set(0.0)  # padding_idx=0
    W1 = jax.random.normal(k5, (2 * EMBED_DIM, EMBED_DIM), dtype=jnp.float32) * (1.0 / np.sqrt(2 * EMBED_DIM))
    b1 = jax.random.normal(k6, (EMBED_DIM,), dtype=jnp.float32) * 0.01
    W2 = jax.random.normal(k7, (EMBED_DIM, 1), dtype=jnp.float32) * (1.0 / np.sqrt(EMBED_DIM))
    b2 = jax.random.normal(k8, (1,), dtype=jnp.float32) * 0.01
    return {"symp": symp, "label": label, "symp_table": symp_table, "dise_table": dise_table, "W1": W1, "b1": b1, "W2": W2, "b2": b2}

def reference(symp, label, symp_table, dise_table, W1, b1, W2, b2):
    # eval-mode forward of NeuMF
    emb_dise = jnp.take(dise_table, label, axis=0)                     # [B, D]
    real_num_neighbor = (symp != 0).sum(axis=1).astype(jnp.float32)[:, None]  # [B, 1]
    emb_symp = jnp.take(symp_table, symp, axis=0)                      # [B, L, D]
    weight = 1.0 / (real_num_neighbor + 1e-08)
    weight = jnp.where(weight >= 1e8, 0.0, weight)
    emb_user = emb_symp.sum(axis=1) * weight                           # [B, D]
    emb_u_s = jnp.concatenate([emb_user, emb_dise], axis=1)           # [B, 2D]
    h = jax.nn.relu(emb_u_s)
    h = h @ W1 + b1
    h = jax.nn.relu(h)
    pred_score = h @ W2 + b2                                           # [B, 1]
    return pred_score

if __name__ == "__main__":
    import jax
    _d = setup_inputs()
    print(jax.jit(kernel)(*tuple(_d.values())))

</pallas_src>

<mosaic_0001>
#map = affine_map<(d0, d1) -> (0, 0)>
module attributes {stable_mosaic.version = 14 : i64} {
  func.func @k(%arg0: i32, %arg1: i32, %arg2: memref<16384x50xi32, #tpu.memory_space<hbm>>, %arg3: memref<128x128xi32, #tpu.memory_space<hbm>>, %arg4: memref<1003520x64xf32, #tpu.memory_space<hbm>>, %arg5: memref<1001x64xf32, #tpu.memory_space<hbm>>, %arg6: memref<16384x64xf32, #tpu.memory_space<hbm>>, %arg7: memref<16384x64xf32, #tpu.memory_space<hbm>>, %arg8: memref<512x50xi32, #tpu.memory_space<vmem>>, %arg9: memref<2x50x64xf32, #tpu.memory_space<vmem>>, %arg10: memref<512x64xf32, #tpu.memory_space<vmem>>, %arg11: memref<4x128xi32, #tpu.memory_space<vmem>>, %arg12: memref<512x64xf32, #tpu.memory_space<vmem>>, %arg13: memref<!tpu.dma_semaphore, #tpu.memory_space<semaphore_mem>>, %arg14: memref<!tpu.dma_semaphore, #tpu.memory_space<semaphore_mem>>, %arg15: memref<!tpu.dma_semaphore, #tpu.memory_space<semaphore_mem>>) attributes {dimension_semantics = [#tpu.dimension_semantics<core_parallel>, #tpu.dimension_semantics<subcore_parallel>], iteration_bounds = array<i64: 2, 16>, scalar_prefetch = 0 : i64, scratch_operands = 8 : i64, tpu.core_type = #tpu.core_type<sc_vector_subcore>, window_params = [{transform_indices = #map}, {transform_indices = #map}, {transform_indices = #map}, {transform_indices = #map}, {transform_indices = #map}, {transform_indices = #map}]} {
    %mul3A = arith.constant 2 : i32
    %mul3A_0 = arith.muli %arg1, %mul3A : i32
    %add3A = arith.addi %mul3A_0, %arg0 : i32
    %mul3A_1 = arith.constant 512 : i32
    %mul3A_2 = arith.muli %add3A, %mul3A_1 : i32
    "tpu.region"() ({
      %run_scoped3A = tpu.sem_alloc : memref<!tpu.dma_semaphore, #tpu.memory_space<semaphore_mem>>
      %dma_start3A_100 = arith.constant 0 : i32
      %dma_start3A_101 = tpu.memref_slice %arg2[%mul3A_2, %dma_start3A_100] : memref<16384x50xi32, #tpu.memory_space<hbm>> -> memref<512x50xi32, #tpu.memory_space<hbm>>
      %dma_start3A_102 = arith.constant 0 : i32
      %dma_start3A_103 = tpu.memref_slice %arg2[%mul3A_2, %dma_start3A_102] : memref<16384x50xi32, #tpu.memory_space<hbm>> -> memref<512x50xi32, #tpu.memory_space<hbm>>
      tpu.enqueue_dma source(%dma_start3A_103 : memref<512x50xi32, #tpu.memory_space<hbm>>) target(%arg8 : memref<512x50xi32, #tpu.memory_space<vmem>>) target_semaphore(%run_scoped3A : memref<!tpu.dma_semaphore, #tpu.memory_space<semaphore_mem>>)
      %dma_wait3A_104 = arith.constant 0 : i32
      %dma_wait3A_105 = tpu.memref_slice %arg2[%mul3A_2, %dma_wait3A_104] : memref<16384x50xi32, #tpu.memory_space<hbm>> -> memref<512x50xi32, #tpu.memory_space<hbm>>
      %dma_wait3A_106 = arith.constant 0 : i32
      %dma_wait3A_107 = tpu.memref_slice %arg2[%mul3A_2, %dma_wait3A_106] : memref<16384x50xi32, #tpu.memory_space<hbm>> -> memref<512x50xi32, #tpu.memory_space<hbm>>
      tpu.wait_dma2 semaphore(%run_scoped3A : memref<!tpu.dma_semaphore, #tpu.memory_space<semaphore_mem>>) src(%dma_wait3A_107 : memref<512x50xi32, #tpu.memory_space<hbm>>) dst(%arg8 : memref<512x50xi32, #tpu.memory_space<vmem>>)
      tpu.yield
    }) : () -> ()
    %mul3A_3 = arith.constant 4 : i32
    %mul3A_4 = arith.muli %add3A, %mul3A_3 : i32
    "tpu.region"() ({
      %run_scoped3A = tpu.sem_alloc : memref<!tpu.dma_semaphore, #tpu.memory_space<semaphore_mem>>
      %dma_start3A_100 = arith.constant 0 : i32
      %dma_start3A_101 = tpu.memref_slice %arg3[%mul3A_4, %dma_start3A_100] : memref<128x128xi32, #tpu.memory_space<hbm>> -> memref<4x128xi32, #tpu.memory_space<hbm>>
      %dma_start3A_102 = arith.constant 0 : i32
      %dma_start3A_103 = tpu.memref_slice %arg3[%mul3A_4, %dma_start3A_102] : memref<128x128xi32, #tpu.memory_space<hbm>> -> memref<4x128xi32, #tpu.memory_space<hbm>>
      tpu.enqueue_dma source(%dma_start3A_103 : memref<4x128xi32, #tpu.memory_space<hbm>>) target(%arg11 : memref<4x128xi32, #tpu.memory_space<vmem>>) target_semaphore(%run_scoped3A : memref<!tpu.dma_semaphore, #tpu.memory_space<semaphore_mem>>)
      %dma_wait3A_104 = arith.constant 0 : i32
      %dma_wait3A_105 = tpu.memref_slice %arg3[%mul3A_4, %dma_wait3A_104] : memref<128x128xi32, #tpu.memory_space<hbm>> -> memref<4x128xi32, #tpu.memory_space<hbm>>
      %dma_wait3A_106 = arith.constant 0 : i32
      %dma_wait3A_107 = tpu.memref_slice %arg3[%mul3A_4, %dma_wait3A_106] : memref<128x128xi32, #tpu.memory_space<hbm>> -> memref<4x128xi32, #tpu.memory_space<hbm>>
      tpu.wait_dma2 semaphore(%run_scoped3A : memref<!tpu.dma_semaphore, #tpu.memory_space<semaphore_mem>>) src(%dma_wait3A_107 : memref<4x128xi32, #tpu.memory_space<hbm>>) dst(%arg11 : memref<4x128xi32, #tpu.memory_space<vmem>>)
      tpu.yield
    }) : () -> ()
    %dma_start3A = arith.constant 0 : i32
    %dma_start3A_5 = arith.constant 0 : i32
    %dma_start3A_6 = arith.constant 0 : i32
    %dma_start3A_7 = tpu.memref_slice %arg12[%dma_start3A_5, %dma_start3A_6] : memref<512x64xf32, #tpu.memory_space<vmem>> -> memref<128x64xf32, #tpu.memory_space<vmem>>
    %dma_start3A_8 = arith.constant 0 : i32
    %dma_start3A_9 = tpu.memref_slice %arg11[%dma_start3A, %dma_start3A_8] : memref<4x128xi32, #tpu.memory_space<vmem>> -> memref<1x128xi32, #tpu.memory_space<vmem>>
    %dma_start3A_10 = tpu.memref_squeeze %dma_start3A_9 : memref<1x128xi32, #tpu.memory_space<vmem>> -> memref<128xi32, #tpu.memory_space<vmem>>
    %dma_start3A_11 = arith.constant 0 : i32
    %dma_start3A_12 = arith.constant 0 : i32
    %dma_start3A_13 = tpu.memref_slice %arg5[%dma_start3A_11, %dma_start3A_12] : memref<1001x64xf32, #tpu.memory_space<hbm>> -> memref<1001x64xf32, #tpu.memory_space<hbm>>
    tpu.enqueue_indirect_dma source(%dma_start3A_13 : memref<1001x64xf32, #tpu.memory_space<hbm>>) target(%dma_start3A_7 : memref<128x64xf32, #tpu.memory_space<vmem>>) offsets(%dma_start3A_10 : memref<128xi32, #tpu.memory_space<vmem>>) semaphore(%arg15 : memref<!tpu.dma_semaphore, #tpu.memory_space<semaphore_mem>>)
    %dma_start3A_14 = arith.constant 1 : i32
    %dma_start3A_15 = arith.constant 128 : i32
    %dma_start3A_16 = arith.constant 0 : i32
    %dma_start3A_17 = tpu.memref_slice %arg12[%dma_start3A_15, %dma_start3A_16] : memref<512x64xf32, #tpu.memory_space<vmem>> -> memref<128x64xf32, #tpu.memory_space<vmem>>
    %dma_start3A_18 = arith.constant 0 : i32
    %dma_start3A_19 = tpu.memref_slice %arg11[%dma_start3A_14, %dma_start3A_18] : memref<4x128xi32, #tpu.memory_space<vmem>> -> memref<1x128xi32, #tpu.memory_space<vmem>>
    %dma_start3A_20 = tpu.memref_squeeze %dma_start3A_19 : memref<1x128xi32, #tpu.memory_space<vmem>> -> memref<128xi32, #tpu.memory_space<vmem>>
    %dma_start3A_21 = arith.constant 0 : i32
    %dma_start3A_22 = arith.constant 0 : i32
    %dma_start3A_23 = tpu.memref_slice %arg5[%dma_start3A_21, %dma_start3A_22] : memref<1001x64xf32, #tpu.memory_space<hbm>> -> memref<1001x64xf32, #tpu.memory_space<hbm>>
    tpu.enqueue_indirect_dma source(%dma_start3A_23 : memref<1001x64xf32, #tpu.memory_space<hbm>>) target(%dma_start3A_17 : memref<128x64xf32, #tpu.memory_space<vmem>>) offsets(%dma_start3A_20 : memref<128xi32, #tpu.memory_space<vmem>>) semaphore(%arg15 : memref<!tpu.dma_semaphore, #tpu.memory_space<semaphore_mem>>)
    %dma_start3A_24 = arith.constant 2 : i32
    %dma_start3A_25 = arith.constant 256 : i32
    %dma_start3A_26 = arith.constant 0 : i32
    %dma_start3A_27 = tpu.memref_slice %arg12[%dma_start3A_25, %dma_start3A_26] : memref<512x64xf32, #tpu.memory_space<vmem>> -> memref<128x64xf32, #tpu.memory_space<vmem>>
    %dma_start3A_28 = arith.constant 0 : i32
    %dma_start3A_29 = tpu.memref_slice %arg11[%dma_start3A_24, %dma_start3A_28] : memref<4x128xi32, #tpu.memory_space<vmem>> -> memref<1x128xi32, #tpu.memory_space<vmem>>
    %dma_start3A_30 = tpu.memref_squeeze %dma_start3A_29 : memref<1x128xi32, #tpu.memory_space<vmem>> -> memref<128xi32, #tpu.memory_space<vmem>>
    %dma_start3A_31 = arith.constant 0 : i32
    %dma_start3A_32 = arith.constant 0 : i32
    %dma_start3A_33 = tpu.memref_slice %arg5[%dma_start3A_31, %dma_start3A_32] : memref<1001x64xf32, #tpu.memory_space<hbm>> -> memref<1001x64xf32, #tpu.memory_space<hbm>>
    tpu.enqueue_indirect_dma source(%dma_start3A_33 : memref<1001x64xf32, #tpu.memory_space<hbm>>) target(%dma_start3A_27 : memref<128x64xf32, #tpu.memory_space<vmem>>) offsets(%dma_start3A_30 : memref<128xi32, #tpu.memory_space<vmem>>) semaphore(%arg15 : memref<!tpu.dma_semaphore, #tpu.memory_space<semaphore_mem>>)
    %dma_start3A_34 = arith.constant 3 : i32
    %dma_start3A_35 = arith.constant 384 : i32
    %dma_start3A_36 = arith.constant 0 : i32
    %dma_start3A_37 = tpu.memref_slice %arg12[%dma_start3A_35, %dma_start3A_36] : memref<512x64xf32, #tpu.memory_space<vmem>> -> memref<128x64xf32, #tpu.memory_space<vmem>>
    %dma_start3A_38 = arith.constant 0 : i32
    %dma_start3A_39 = tpu.memref_slice %arg11[%dma_start3A_34, %dma_start3A_38] : memref<4x128xi32, #tpu.memory_space<vmem>> -> memref<1x128xi32, #tpu.memory_space<vmem>>
    %dma_start3A_40 = tpu.memref_squeeze %dma_start3A_39 : memref<1x128xi32, #tpu.memory_space<vmem>> -> memref<128xi32, #tpu.memory_space<vmem>>
    %dma_start3A_41 = arith.constant 0 : i32
    %dma_start3A_42 = arith.constant 0 : i32
    %dma_start3A_43 = tpu.memref_slice %arg5[%dma_start3A_41, %dma_start3A_42] : memref<1001x64xf32, #tpu.memory_space<hbm>> -> memref<1001x64xf32, #tpu.memory_space<hbm>>
    tpu.enqueue_indirect_dma source(%dma_start3A_43 : memref<1001x64xf32, #tpu.memory_space<hbm>>) target(%dma_start3A_37 : memref<128x64xf32, #tpu.memory_space<vmem>>) offsets(%dma_start3A_40 : memref<128xi32, #tpu.memory_space<vmem>>) semaphore(%arg15 : memref<!tpu.dma_semaphore, #tpu.memory_space<semaphore_mem>>)
    %dma_start3A_44 = arith.constant 0 : i32
    %dma_start3A_45 = arith.constant 0 : i32
    %dma_start3A_46 = arith.constant 0 : i32
    %dma_start3A_47 = arith.constant 0 : i32
    %dma_start3A_48 = tpu.memref_slice %arg9[%dma_start3A_45, %dma_start3A_46, %dma_start3A_47] : memref<2x50x64xf32, #tpu.memory_space<vmem>> -> memref<1x50x64xf32, #tpu.memory_space<vmem>>
    %dma_start3A_49 = tpu.memref_squeeze %dma_start3A_48 : memref<1x50x64xf32, #tpu.memory_space<vmem>> -> memref<50x64xf32, #tpu.memory_space<vmem>>
    %dma_start3A_50 = arith.constant 0 : i32
    %dma_start3A_51 = tpu.memref_slice %arg8[%dma_start3A_44, %dma_start3A_50] : memref<512x50xi32, #tpu.memory_space<vmem>> -> memref<1x50xi32, #tpu.memory_space<vmem>>
    %dma_start3A_52 = tpu.memref_squeeze %dma_start3A_51 : memref<1x50xi32, #tpu.memory_space<vmem>> -> memref<50xi32, #tpu.memory_space<vmem>>
    %dma_start3A_53 = arith.constant 0 : i32
    %dma_start3A_54 = arith.constant 0 : i32
    %dma_start3A_55 = tpu.memref_slice %arg4[%dma_start3A_53, %dma_start3A_54] : memref<1003520x64xf32, #tpu.memory_space<hbm>> -> memref<1003520x64xf32, #tpu.memory_space<hbm>>
    tpu.enqueue_indirect_dma source(%dma_start3A_55 : memref<1003520x64xf32, #tpu.memory_space<hbm>>) target(%dma_start3A_49 : memref<50x64xf32, #tpu.memory_space<vmem>>) offsets(%dma_start3A_52 : memref<50xi32, #tpu.memory_space<vmem>>) semaphore(%arg13 : memref<!tpu.dma_semaphore, #tpu.memory_space<semaphore_mem>>)
    %scan3A = arith.constant 0 : i32
    %scan3A_56 = arith.constant 0 : i32
    %scan3A_57 = arith.constant 256 : i32
    %scan3A_58 = arith.addi %scan3A_56, %scan3A_57 : i32
    %scan3A_59 = arith.constant 1 : i32
    scf.for %scan3A_100 = %scan3A_56 to %scan3A_58 step %scan3A_59  : i32 {
      %mul3A_101 = arith.constant 2 : i32
      %mul3A_102 = arith.muli %mul3A_101, %scan3A_100 : i32
      %add3A_103 = arith.constant 1 : i32
      %add3A_104 = arith.addi %mul3A_102, %add3A_103 : i32
      %dma_start3A_105 = arith.constant 1 : i32
      %dma_start3A_106 = arith.constant 0 : i32
      %dma_start3A_107 = arith.constant 0 : i32
      %dma_start3A_108 = tpu.memref_slice %arg9[%dma_start3A_105, %dma_start3A_106, %dma_start3A_107] : memref<2x50x64xf32, #tpu.memory_space<vmem>> -> memref<1x50x64xf32, #tpu.memory_space<vmem>>
      %dma_start3A_109 = tpu.memref_squeeze %dma_start3A_108 : memref<1x50x64xf32, #tpu.memory_space<vmem>> -> memref<50x64xf32, #tpu.memory_space<vmem>>
      %dma_start3A_110 = arith.constant 0 : i32
      %dma_start3A_111 = tpu.memref_slice %arg8[%add3A_104, %dma_start3A_110] : memref<512x50xi32, #tpu.memory_space<vmem>> -> memref<1x50xi32, #tpu.memory_space<vmem>>
      %dma_start3A_112 = tpu.memref_squeeze %dma_start3A_111 : memref<1x50xi32, #tpu.memory_space<vmem>> -> memref<50xi32, #tpu.memory_space<vmem>>
      %dma_start3A_113 = arith.constant 0 : i32
      %dma_start3A_114 = arith.constant 0 : i32
      %dma_start3A_115 = tpu.memref_slice %arg4[%dma_start3A_113, %dma_start3A_114] : memref<1003520x64xf32, #tpu.memory_space<hbm>> -> memref<1003520x64xf32, #tpu.memory_space<hbm>>
      tpu.enqueue_indirect_dma source(%dma_start3A_115 : memref<1003520x64xf32, #tpu.memory_space<hbm>>) target(%dma_start3A_109 : memref<50x64xf32, #tpu.memory_space<vmem>>) offsets(%dma_start3A_112 : memref<50xi32, #tpu.memory_space<vmem>>) semaphore(%arg14 : memref<!tpu.dma_semaphore, #tpu.memory_space<semaphore_mem>>)
      %dma_wait3A_116 = arith.constant 0 : i32
      %dma_wait3A_117 = arith.constant 0 : i32
      %dma_wait3A_118 = arith.constant 0 : i32
      %dma_wait3A_119 = tpu.memref_slice %arg9[%dma_wait3A_116, %dma_wait3A_117, %dma_wait3A_118] : memref<2x50x64xf32, #tpu.memory_space<vmem>> -> memref<1x50x64xf32, #tpu.memory_space<vmem>>
      %dma_wait3A_120 = tpu.memref_squeeze %dma_wait3A_119 : memref<1x50x64xf32, #tpu.memory_space<vmem>> -> memref<50x64xf32, #tpu.memory_space<vmem>>
      %dma_wait3A_121 = arith.constant 0 : i32
      %dma_wait3A_122 = tpu.memref_slice %arg8[%mul3A_102, %dma_wait3A_121] : memref<512x50xi32, #tpu.memory_space<vmem>> -> memref<1x50xi32, #tpu.memory_space<vmem>>
      %dma_wait3A_123 = tpu.memref_squeeze %dma_wait3A_122 : memref<1x50xi32, #tpu.memory_space<vmem>> -> memref<50xi32, #tpu.memory_space<vmem>>
      %dma_wait3A_124 = arith.constant 0 : i32
      %dma_wait3A_125 = arith.constant 0 : i32
      %dma_wait3A_126 = tpu.memref_slice %arg4[%dma_wait3A_124, %dma_wait3A_125] : memref<1003520x64xf32, #tpu.memory_space<hbm>> -> memref<1003520x64xf32, #tpu.memory_space<hbm>>
      tpu.wait_indirect_dma semaphore(%arg13 : memref<!tpu.dma_semaphore, #tpu.memory_space<semaphore_mem>>) src(%dma_wait3A_126 : memref<1003520x64xf32, #tpu.memory_space<hbm>>) dst(%dma_wait3A_120 : memref<50x64xf32, #tpu.memory_space<vmem>>)
      %get3A = arith.constant 0 : i32
      %get3A_127 = arith.constant 0 : i32
      %get3A_128 = arith.index_cast %get3A : i32 to index
      %get3A_129 = arith.index_cast %get3A_127 : i32 to index
      %get3A_130 = arith.constant 0 : index
      %get3A_131 = tpu.vector_load %arg9[%get3A_128, %get3A_129, %get3A_130] {strides = array<i32>} : memref<2x50x64xf32, #tpu.memory_space<vmem>>, vector<1x1x16xf32>,
      %get3A_132 = vector.shape_cast %get3A_131 : vector<1x1x16xf32> to vector<16xf32>
      %get3A_133 = arith.constant 0 : i32
      %get3A_134 = arith.constant 1 : i32
      %get3A_135 = arith.index_cast %get3A_133 : i32 to index
      %get3A_136 = arith.index_cast %get3A_134 : i32 to index
      %get3A_137 = arith.constant 0 : index
      %get3A_138 = tpu.vector_load %arg9[%get3A_135, %get3A_136, %get3A_137] {strides = array<i32>} : memref<2x50x64xf32, #tpu.memory_space<vmem>>, vector<1x1x16xf32>,
      %get3A_139 = vector.shape_cast %get3A_138 : vector<1x1x16xf32> to vector<16xf32>
      %add3A_140 = arith.addf %get3A_132, %get3A_139 : vector<16xf32>
      %get3A_141 = arith.constant 0 : i32
      %get3A_142 = arith.constant 2 : i32
      %get3A_143 = arith.index_cast %get3A_141 : i32 to index
      %get3A_144 = arith.index_cast %get3A_142 : i32 to index
      %get3A_145 = arith.constant 0 : index
      %get3A_146 = tpu.vector_load %arg9[%get3A_143, %get3A_144, %get3A_145] {strides = array<i32>} : memref<2x50x64xf32, #tpu.memory_space<vmem>>, vector<1x1x16xf32>,
      %get3A_147 = vector.shape_cast %get3A_146 : vector<1x1x16xf32> to vector<16xf32>
      %add3A_148 = arith.addf %add3A_140, %get3A_147 : vector<16xf32>
      %get3A_149 = arith.constant 0 : i32
      %get3A_150 = arith.constant 3 : i32
      %get3A_151 = arith.index_cast %get3A_149 : i32 to index
      %get3A_152 = arith.index_cast %get3A_150 : i32 to index
      %get3A_153 = arith.constant 0 : index
      %get3A_154 = tpu.vector_load %arg9[%get3A_151, %get3A_152, %get3A_153] {strides = array<i32>} : memref<2x50x64xf32, #tpu.memory_space<vmem>>, vector<1x1x16xf32>,
      %get3A_155 = vector.shape_cast %get3A_154 : vector<1x1x16xf32> to vector<16xf32>
      %add3A_156 = arith.addf %add3A_148, %get3A_155 : vector<16xf32>
      %get3A_157 = arith.constant 0 : i32
      %get3A_158 = arith.constant 4 : i32
      %get3A_159 = arith.index_cast %get3A_157 : i32 to index
      %get3A_160 = arith.index_cast %get3A_158 : i32 to index
      %get3A_161 = arith.constant 0 : index
      %get3A_162 = tpu.vector_load %arg9[%get3A_159, %get3A_160, %get3A_161] {strides = array<i32>} : memref<2x50x64xf32, #tpu.memory_space<vmem>>, vector<1x1x16xf32>,
      %get3A_163 = vector.shape_cast %get3A_162 : vector<1x1x16xf32> to vector<16xf32>
      %add3A_164 = arith.addf %add3A_156, %get3A_163 : vector<16xf32>
      %get3A_165 = arith.constant 0 : i32
      %get3A_166 = arith.constant 5 : i32
      %get3A_167 = arith.index_cast %get3A_165 : i32 to index
      %get3A_168 = arith.index_cast %get3A_166 : i32 to index
      %get3A_169 = arith.constant 0 : index
      %get3A_170 = tpu.vector_load %arg9[%get3A_167, %get3A_168, %get3A_169] {strides = array<i32>} : memref<2x50x64xf32, #tpu.memory_space<vmem>>, vector<1x1x16xf32>,
      %get3A_171 = vector.shape_cast %get3A_170 : vector<1x1x16xf32> to vector<16xf32>
      %add3A_172 = arith.addf %add3A_164, %get3A_171 : vector<16xf32>
      %get3A_173 = arith.constant 0 : i32
      %get3A_174 = arith.constant 6 : i32
      %get3A_175 = arith.index_cast %get3A_173 : i32 to index
      %get3A_176 = arith.index_cast %get3A_174 : i32 to index
      %get3A_177 = arith.constant 0 : index
      %get3A_178 = tpu.vector_load %arg9[%get3A_175, %get3A_176, %get3A_177] {strides = array<i32>} : memref<2x50x64xf32, #tpu.memory_space<vmem>>, vector<1x1x16xf32>,
      %get3A_179 = vector.shape_cast %get3A_178 : vector<1x1x16xf32> to vector<16xf32>
      %add3A_180 = arith.addf %add3A_172, %get3A_179 : vector<16xf32>
      %get3A_181 = arith.constant 0 : i32
      %get3A_182 = arith.constant 7 : i32
      %get3A_183 = arith.index_cast %get3A_181 : i32 to index
      %get3A_184 = arith.index_cast %get3A_182 : i32 to index
      %get3A_185 = arith.constant 0 : index
      %get3A_186 = tpu.vector_load %arg9[%get3A_183, %get3A_184, %get3A_185] {strides = array<i32>} : memref<2x50x64xf32, #tpu.memory_space<vmem>>, vector<1x1x16xf32>,
      %get3A_187 = vector.shape_cast %get3A_186 : vector<1x1x16xf32> to vector<16xf32>
      %add3A_188 = arith.addf %add3A_180, %get3A_187 : vector<16xf32>
      %get3A_189 = arith.constant 0 : i32
      %get3A_190 = arith.constant 8 : i32
      %get3A_191 = arith.index_cast %get3A_189 : i32 to index
      %get3A_192 = arith.index_cast %get3A_190 : i32 to index
      %get3A_193 = arith.constant 0 : index
      %get3A_194 = tpu.vector_load %arg9[%get3A_191, %get3A_192, %get3A_193] {strides = array<i32>} : memref<2x50x64xf32, #tpu.memory_space<vmem>>, vector<1x1x16xf32>,
      %get3A_195 = vector.shape_cast %get3A_194 : vector<1x1x16xf32> to vector<16xf32>
      %add3A_196 = arith.addf %add3A_188, %get3A_195 : vector<16xf32>
      %get3A_197 = arith.constant 0 : i32
      %get3A_198 = arith.constant 9 : i32
      %get3A_199 = arith.index_cast %get3A_197 : i32 to index
      %get3A_200 = arith.index_cast %get3A_198 : i32 to index
      %get3A_201 = arith.constant 0 : index
      %get3A_202 = tpu.vector_load %arg9[%get3A_199, %get3A_200, %get3A_201] {strides = array<i32>} : memref<2x50x64xf32, #tpu.memory_space<vmem>>, vector<1x1x16xf32>,
      %get3A_203 = vector.shape_cast %get3A_202 : vector<1x1x16xf32> to vector<16xf32>
      %add3A_204 = arith.addf %add3A_196, %get3A_203 : vector<16xf32>
      %get3A_205 = arith.constant 0 : i32
      %get3A_206 = arith.constant 10 : i32
      %get3A_207 = arith.index_cast %get3A_205 : i32 to index
      %get3A_208 = arith.index_cast %get3A_206 : i32 to index
      %get3A_209 = arith.constant 0 : index
      %get3A_210 = tpu.vector_load %arg9[%get3A_207, %get3A_208, %get3A_209] {strides = array<i32>} : memref<2x50x64xf32, #tpu.memory_space<vmem>>, vector<1x1x16xf32>,
      %get3A_211 = vector.shape_cast %get3A_210 : vector<1x1x16xf32> to vector<16xf32>
      %add3A_212 = arith.addf %add3A_204, %get3A_211 : vector<16xf32>
      %get3A_213 = arith.constant 0 : i32
      %get3A_214 = arith.constant 11 : i32
      %get3A_215 = arith.index_cast %get3A_213 : i32 to index
      %get3A_216 = arith.index_cast %get3A_214 : i32 to index
      %get3A_217 = arith.constant 0 : index
      %get3A_218 = tpu.vector_load %arg9[%get3A_215, %get3A_216, %get3A_217] {strides = array<i32>} : memref<2x50x64xf32, #tpu.memory_space<vmem>>, vector<1x1x16xf32>,
      %get3A_219 = vector.shape_cast %get3A_218 : vector<1x1x16xf32> to vector<16xf32>
      %add3A_220 = arith.addf %add3A_212, %get3A_219 : vector<16xf32>
      %get3A_221 = arith.constant 0 : i32
      %get3A_222 = arith.constant 12 : i32
      %get3A_223 = arith.index_cast %get3A_221 : i32 to index
      %get3A_224 = arith.index_cast %get3A_222 : i32 to index
      %get3A_225 = arith.constant 0 : index
      %get3A_226 = tpu.vector_load %arg9[%get3A_223, %get3A_224, %get3A_225] {strides = array<i32>} : memref<2x50x64xf32, #tpu.memory_space<vmem>>, vector<1x1x16xf32>,
      %get3A_227 = vector.shape_cast %get3A_226 : vector<1x1x16xf32> to vector<16xf32>
      %add3A_228 = arith.addf %add3A_220, %get3A_227 : vector<16xf32>
      %get3A_229 = arith.constant 0 : i32
      %get3A_230 = arith.constant 13 : i32
      %get3A_231 = arith.index_cast %get3A_229 : i32 to index
      %get3A_232 = arith.index_cast %get3A_230 : i32 to index
      %get3A_233 = arith.constant 0 : index
      %get3A_234 = tpu.vector_load %arg9[%get3A_231, %get3A_232, %get3A_233] {strides = array<i32>} : memref<2x50x64xf32, #tpu.memory_space<vmem>>, vector<1x1x16xf32>,
      %get3A_235 = vector.shape_cast %get3A_234 : vector<1x1x16xf32> to vector<16xf32>
      %add3A_236 = arith.addf %add3A_228, %get3A_235 : vector<16xf32>
      %get3A_237 = arith.constant 0 : i32
      %get3A_238 = arith.constant 14 : i32
      %get3A_239 = arith.index_cast %get3A_237 : i32 to index
      %get3A_240 = arith.index_cast %get3A_238 : i32 to index
      %get3A_241 = arith.constant 0 : index
      %get3A_242 = tpu.vector_load %arg9[%get3A_239, %get3A_240, %get3A_241] {strides = array<i32>} : memref<2x50x64xf32, #tpu.memory_space<vmem>>, vector<1x1x16xf32>,
      %get3A_243 = vector.shape_cast %get3A_242 : vector<1x1x16xf32> to vector<16xf32>
      %add3A_244 = arith.addf %add3A_236, %get3A_243 : vector<16xf32>
      %get3A_245 = arith.constant 0 : i32
      %get3A_246 = arith.constant 15 : i32
      %get3A_247 = arith.index_cast %get3A_245 : i32 to index
      %get3A_248 = arith.index_cast %get3A_246 : i32 to index
      %get3A_249 = arith.constant 0 : index
      %get3A_250 = tpu.vector_load %arg9[%get3A_247, %get3A_248, %get3A_249] {strides = array<i32>} : memref<2x50x64xf32, #tpu.memory_space<vmem>>, vector<1x1x16xf32>,
      %get3A_251 = vector.shape_cast %get3A_250 : vector<1x1x16xf32> to vector<16xf32>
      %add3A_252 = arith.addf %add3A_244, %get3A_251 : vector<16xf32>
      %get3A_253 = arith.constant 0 : i32
      %get3A_254 = arith.constant 16 : i32
      %get3A_255 = arith.index_cast %get3A_253 : i32 to index
      %get3A_256 = arith.index_cast %get3A_254 : i32 to index
      %get3A_257 = arith.constant 0 : index
      %get3A_258 = tpu.vector_load %arg9[%get3A_255, %get3A_256, %get3A_257] {strides = array<i32>} : memref<2x50x64xf32, #tpu.memory_space<vmem>>, vector<1x1x16xf32>,
      %get3A_259 = vector.shape_cast %get3A_258 : vector<1x1x16xf32> to vector<16xf32>
      %add3A_260 = arith.addf %add3A_252, %get3A_259 : vector<16xf32>
      %get3A_261 = arith.constant 0 : i32
      %get3A_262 = arith.constant 17 : i32
      %get3A_263 = arith.index_cast %get3A_261 : i32 to index
      %get3A_264 = arith.index_cast %get3A_262 : i32 to index
      %get3A_265 = arith.constant 0 : index
      %get3A_266 = tpu.vector_load %arg9[%get3A_263, %get3A_264, %get3A_265] {strides = array<i32>} : memref<2x50x64xf32, #tpu.memory_space<vmem>>, vector<1x1x16xf32>,
      %get3A_267 = vector.shape_cast %get3A_266 : vector<1x1x16xf32> to vector<16xf32>
      %add3A_268 = arith.addf %add3A_260, %get3A_267 : vector<16xf32>
      %get3A_269 = arith.constant 0 : i32
      %get3A_270 = arith.constant 18 : i32
      %get3A_271 = arith.index_cast %get3A_269 : i32 to index
      %get3A_272 = arith.index_cast %get3A_270 : i32 to index
      %get3A_273 = arith.constant 0 : index
      %get3A_274 = tpu.vector_load %arg9[%get3A_271, %get3A_272, %get3A_273] {strides = array<i32>} : memref<2x50x64xf32, #tpu.memory_space<vmem>>, vector<1x1x16xf32>,
      %get3A_275 = vector.shape_cast %get3A_274 : vector<1x1x16xf32> to vector<16xf32>
      %add3A_276 = arith.addf %add3A_268, %get3A_275 : vector<16xf32>
      %get3A_277 = arith.constant 0 : i32
      %get3A_278 = arith.constant 19 : i32
      %get3A_279 = arith.index_cast %get3A_277 : i32 to index
      %get3A_280 = arith.index_cast %get3A_278 : i32 to index
      %get3A_281 = arith.constant 0 : index
      %get3A_282 = tpu.vector_load %arg9[%get3A_279, %get3A_280, %get3A_281] {strides = array<i32>} : memref<2x50x64xf32, #tpu.memory_space<vmem>>, vector<1x1x16xf32>,
      %get3A_283 = vector.shape_cast %get3A_282 : vector<1x1x16xf32> to vector<16xf32>
      %add3A_284 = arith.addf %add3A_276, %get3A_283 : vector<16xf32>
      %get3A_285 = arith.constant 0 : i32
      %get3A_286 = arith.constant 20 : i32
      %get3A_287 = arith.index_cast %get3A_285 : i32 to index
      %get3A_288 = arith.index_cast %get3A_286 : i32 to index
      %get3A_289 = arith.constant 0 : index
      %get3A_290 = tpu.vector_load %arg9[%get3A_287, %get3A_288, %get3A_289] {strides = array<i32>} : memref<2x50x64xf32, #tpu.memory_space<vmem>>, vector<1x1x16xf32>,
      %get3A_291 = vector.shape_cast %get3A_290 : vector<1x1x16xf32> to vector<16xf32>
      %add3A_292 = arith.addf %add3A_284, %get3A_291 : vector<16xf32>
      %get3A_293 = arith.constant 0 : i32
      %get3A_294 = arith.constant 21 : i32
      %get3A_295 = arith.index_cast %get3A_293 : i32 to index
      %get3A_296 = arith.index_cast %get3A_294 : i32 to index
      %get3A_297 = arith.constant 0 : index
      %get3A_298 = tpu.vector_load %arg9[%get3A_295, %get3A_296, %get3A_297] {strides = array<i32>} : memref<2x50x64xf32, #tpu.memory_space<vmem>>, vector<1x1x16xf32>,
      %get3A_299 = vector.shape_cast %get3A_298 : vector<1x1x16xf32> to vector<16xf32>
      %add3A_300 = arith.addf %add3A_292, %get3A_299 : vector<16xf32>
      %get3A_301 = arith.constant 0 : i32
      %get3A_302 = arith.constant 22 : i32
      %get3A_303 = arith.index_cast %get3A_301 : i32 to index
      %get3A_304 = arith.index_cast %get3A_302 : i32 to index
      %get3A_305 = arith.constant 0 : index
      %get3A_306 = tpu.vector_load %arg9[%get3A_303, %get3A_304, %get3A_305] {strides = array<i32>} : memref<2x50x64xf32, #tpu.memory_space<vmem>>, vector<1x1x16xf32>,
      %get3A_307 = vector.shape_cast %get3A_306 : vector<1x1x16xf32> to vector<16xf32>
      %add3A_308 = arith.addf %add3A_300, %get3A_307 : vector<16xf32>
      %get3A_309 = arith.constant 0 : i32
      %get3A_310 = arith.constant 23 : i32
      %get3A_311 = arith.index_cast %get3A_309 : i32 to index
      %get3A_312 = arith.index_cast %get3A_310 : i32 to index
      %get3A_313 = arith.constant 0 : index
      %get3A_314 = tpu.vector_load %arg9[%get3A_311, %get3A_312, %get3A_313] {strides = array<i32>} : memref<2x50x64xf32, #tpu.memory_space<vmem>>, vector<1x1x16xf32>,
      %get3A_315 = vector.shape_cast %get3A_314 : vector<1x1x16xf32> to vector<16xf32>
      %add3A_316 = arith.addf %add3A_308, %get3A_315 : vector<16xf32>
      %get3A_317 = arith.constant 0 : i32
      %get3A_318 = arith.constant 24 : i32
      %get3A_319 = arith.index_cast %get3A_317 : i32 to index
      %get3A_320 = arith.index_cast %get3A_318 : i32 to index
      %get3A_321 = arith.constant 0 : index
      %get3A_322 = tpu.vector_load %arg9[%get3A_319, %get3A_320, %get3A_321] {strides = array<i32>} : memref<2x50x64xf32, #tpu.memory_space<vmem>>, vector<1x1x16xf32>,
      %get3A_323 = vector.shape_cast %get3A_322 : vector<1x1x16xf32> to vector<16xf32>
      %add3A_324 = arith.addf %add3A_316, %get3A_323 : vector<16xf32>
      %get3A_325 = arith.constant 0 : i32
      %get3A_326 = arith.constant 25 : i32
      %get3A_327 = arith.index_cast %get3A_325 : i32 to index
      %get3A_328 = arith.index_cast %get3A_326 : i32 to index
      %get3A_329 = arith.constant 0 : index
      %get3A_330 = tpu.vector_load %arg9[%get3A_327, %get3A_328, %get3A_329] {strides = array<i32>} : memref<2x50x64xf32, #tpu.memory_space<vmem>>, vector<1x1x16xf32>,
      %get3A_331 = vector.shape_cast %get3A_330 : vector<1x1x16xf32> to vector<16xf32>
      %add3A_332 = arith.addf %add3A_324, %get3A_331 : vector<16xf32>
      %get3A_333 = arith.constant 0 : i32
      %get3A_334 = arith.constant 26 : i32
      %get3A_335 = arith.index_cast %get3A_333 : i32 to index
      %get3A_336 = arith.index_cast %get3A_334 : i32 to index
      %get3A_337 = arith.constant 0 : index
      %get3A_338 = tpu.vector_load %arg9[%get3A_335, %get3A_336, %get3A_337] {strides = array<i32>} : memref<2x50x64xf32, #tpu.memory_space<vmem>>, vector<1x1x16xf32>,
      %get3A_339 = vector.shape_cast %get3A_338 : vector<1x1x16xf32> to vector<16xf32>
      %add3A_340 = arith.addf %add3A_332, %get3A_339 : vector<16xf32>
      %get3A_341 = arith.constant 0 : i32
      %get3A_342 = arith.constant 27 : i32
      %get3A_343 = arith.index_cast %get3A_341 : i32 to index
      %get3A_344 = arith.index_cast %get3A_342 : i32 to index
      %get3A_345 = arith.constant 0 : index
      %get3A_346 = tpu.vector_load %arg9[%get3A_343, %get3A_344, %get3A_345] {strides = array<i32>} : memref<2x50x64xf32, #tpu.memory_space<vmem>>, vector<1x1x16xf32>,
      %get3A_347 = vector.shape_cast %get3A_346 : vector<1x1x16xf32> to vector<16xf32>
      %add3A_348 = arith.addf %add3A_340, %get3A_347 : vector<16xf32>
      %get3A_349 = arith.constant 0 : i32
      %get3A_350 = arith.constant 28 : i32
      %get3A_351 = arith.index_cast %get3A_349 : i32 to index
      %get3A_352 = arith.index_cast %get3A_350 : i32 to index
      %get3A_353 = arith.constant 0 : index
      %get3A_354 = tpu.vector_load %arg9[%get3A_351, %get3A_352, %get3A_353] {strides = array<i32>} : memref<2x50x64xf32, #tpu.memory_space<vmem>>, vector<1x1x16xf32>,
      %get3A_355 = vector.shape_cast %get3A_354 : vector<1x1x16xf32> to vector<16xf32>
      %add3A_356 = arith.addf %add3A_348, %get3A_355 : vector<16xf32>
      %get3A_357 = arith.constant 0 : i32
      %get3A_358 = arith.constant 29 : i32
      %get3A_359 = arith.index_cast %get3A_357 : i32 to index
      %get3A_360 = arith.index_cast %get3A_358 : i32 to index
      %get3A_361 = arith.constant 0 : index
      %get3A_362 = tpu.vector_load %arg9[%get3A_359, %get3A_360, %get3A_361] {strides = array<i32>} : memref<2x50x64xf32, #tpu.memory_space<vmem>>, vector<1x1x16xf32>,
      %get3A_363 = vector.shape_cast %get3A_362 : vector<1x1x16xf32> to vector<16xf32>
      %add3A_364 = arith.addf %add3A_356, %get3A_363 : vector<16xf32>
      %get3A_365 = arith.constant 0 : i32
      %get3A_366 = arith.constant 30 : i32
      %get3A_367 = arith.index_cast %get3A_365 : i32 to index
      %get3A_368 = arith.index_cast %get3A_366 : i32 to index
      %get3A_369 = arith.constant 0 : index
      %get3A_370 = tpu.vector_load %arg9[%get3A_367, %get3A_368, %get3A_369] {strides = array<i32>} : memref<2x50x64xf32, #tpu.memory_space<vmem>>, vector<1x1x16xf32>,
      %get3A_371 = vector.shape_cast %get3A_370 : vector<1x1x16xf32> to vector<16xf32>
      %add3A_372 = arith.addf %add3A_364, %get3A_371 : vector<16xf32>
      %get3A_373 = arith.constant 0 : i32
      %get3A_374 = arith.constant 31 : i32
      %get3A_375 = arith.index_cast %get3A_373 : i32 to index
      %get3A_376 = arith.index_cast %get3A_374 : i32 to index
      %get3A_377 = arith.constant 0 : index
      %get3A_378 = tpu.vector_load %arg9[%get3A_375, %get3A_376, %get3A_377] {strides = array<i32>} : memref<2x50x64xf32, #tpu.memory_space<vmem>>, vector<1x1x16xf32>,
      %get3A_379 = vector.shape_cast %get3A_378 : vector<1x1x16xf32> to vector<16xf32>
      %add3A_380 = arith.addf %add3A_372, %get3A_379 : vector<16xf32>
      %get3A_381 = arith.constant 0 : i32
      %get3A_382 = arith.constant 32 : i32
      %get3A_383 = arith.index_cast %get3A_381 : i32 to index
      %get3A_384 = arith.index_cast %get3A_382 : i32 to index
      %get3A_385 = arith.constant 0 : index
      %get3A_386 = tpu.vector_load %arg9[%get3A_383, %get3A_384, %get3A_385] {strides = array<i32>} : memref<2x50x64xf32, #tpu.memory_space<vmem>>, vector<1x1x16xf32>,
      %get3A_387 = vector.shape_cast %get3A_386 : vector<1x1x16xf32> to vector<16xf32>
      %add3A_388 = arith.addf %add3A_380, %get3A_387 : vector<16xf32>
      %get3A_389 = arith.constant 0 : i32
      %get3A_390 = arith.constant 33 : i32
      %get3A_391 = arith.index_cast %get3A_389 : i32 to index
      %get3A_392 = arith.index_cast %get3A_390 : i32 to index
      %get3A_393 = arith.constant 0 : index
      %get3A_394 = tpu.vector_load %arg9[%get3A_391, %get3A_392, %get3A_393] {strides = array<i32>} : memref<2x50x64xf32, #tpu.memory_space<vmem>>, vector<1x1x16xf32>,
      %get3A_395 = vector.shape_cast %get3A_394 : vector<1x1x16xf32> to vector<16xf32>
      %add3A_396 = arith.addf %add3A_388, %get3A_395 : vector<16xf32>
      %get3A_397 = arith.constant 0 : i32
      %get3A_398 = arith.constant 34 : i32
      %get3A_399 = arith.index_cast %get3A_397 : i32 to index
      %get3A_400 = arith.index_cast %get3A_398 : i32 to index
      %get3A_401 = arith.constant 0 : index
      %get3A_402 = tpu.vector_load %arg9[%get3A_399, %get3A_400, %get3A_401] {strides = array<i32>} : memref<2x50x64xf32, #tpu.memory_space<vmem>>, vector<1x1x16xf32>,
      %get3A_403 = vector.shape_cast %get3A_402 : vector<1x1x16xf32> to vector<16xf32>
      %add3A_404 = arith.addf %add3A_396, %get3A_403 : vector<16xf32>
      %get3A_405 = arith.constant 0 : i32
      %get3A_406 = arith.constant 35 : i32
      %get3A_407 = arith.index_cast %get3A_405 : i32 to index
      %get3A_408 = arith.index_cast %get3A_406 : i32 to index
      %get3A_409 = arith.constant 0 : index
      %get3A_410 = tpu.vector_load %arg9[%get3A_407, %get3A_408, %get3A_409] {strides = array<i32>} : memref<2x50x64xf32, #tpu.memory_space<vmem>>, vector<1x1x16xf32>,
      %get3A_411 = vector.shape_cast %get3A_410 : vector<1x1x16xf32> to vector<16xf32>
      %add3A_412 = arith.addf %add3A_404, %get3A_411 : vector<16xf32>
      %get3A_413 = arith.constant 0 : i32
      %get3A_414 = arith.constant 36 : i32
      %get3A_415 = arith.index_cast %get3A_413 : i32 to index
      %get3A_416 = arith.index_cast %get3A_414 : i32 to index
      %get3A_417 = arith.constant 0 : index
      %get3A_418 = tpu.vector_load %arg9[%get3A_415, %get3A_416, %get3A_417] {strides = array<i32>} : memref<2x50x64xf32, #tpu.memory_space<vmem>>, vector<1x1x16xf32>,
      %get3A_419 = vector.shape_cast %get3A_418 : vector<1x1x16xf32> to vector<16xf32>
      %add3A_420 = arith.addf %add3A_412, %get3A_419 : vector<16xf32>
      %get3A_421 = arith.constant 0 : i32
      %get3A_422 = arith.constant 37 : i32
      %get3A_423 = arith.index_cast %get3A_421 : i32 to index
      %get3A_424 = arith.index_cast %get3A_422 : i32 to index
      %get3A_425 = arith.constant 0 : index
      %get3A_426 = tpu.vector_load %arg9[%get3A_423, %get3A_424, %get3A_425] {strides = array<i32>} : memref<2x50x64xf32, #tpu.memory_space<vmem>>, vector<1x1x16xf32>,
      %get3A_427 = vector.shape_cast %get3A_426 : vector<1x1x16xf32> to vector<16xf32>
      %add3A_428 = arith.addf %add3A_420, %get3A_427 : vector<16xf32>
      %get3A_429 = arith.constant 0 : i32
      %get3A_430 = arith.constant 38 : i32
      %get3A_431 = arith.index_cast %get3A_429 : i32 to index
      %get3A_432 = arith.index_cast %get3A_430 : i32 to index
      %get3A_433 = arith.constant 0 : index
      %get3A_434 = tpu.vector_load %arg9[%get3A_431, %get3A_432, %get3A_433] {strides = array<i32>} : memref<2x50x64xf32, #tpu.memory_space<vmem>>, vector<1x1x16xf32>,
      %get3A_435 = vector.shape_cast %get3A_434 : vector<1x1x16xf32> to vector<16xf32>
      %add3A_436 = arith.addf %add3A_428, %get3A_435 : vector<16xf32>
      %get3A_437 = arith.constant 0 : i32
      %get3A_438 = arith.constant 39 : i32
      %get3A_439 = arith.index_cast %get3A_437 : i32 to index
      %get3A_440 = arith.index_cast %get3A_438 : i32 to index
      %get3A_441 = arith.constant 0 : index
      %get3A_442 = tpu.vector_load %arg9[%get3A_439, %get3A_440, %get3A_441] {strides = array<i32>} : memref<2x50x64xf32, #tpu.memory_space<vmem>>, vector<1x1x16xf32>,
      %get3A_443 = vector.shape_cast %get3A_442 : vector<1x1x16xf32> to vector<16xf32>
      %add3A_444 = arith.addf %add3A_436, %get3A_443 : vector<16xf32>
      %get3A_445 = arith.constant 0 : i32
      %get3A_446 = arith.constant 40 : i32
      %get3A_447 = arith.index_cast %get3A_445 : i32 to index
      %get3A_448 = arith.index_cast %get3A_446 : i32 to index
      %get3A_449 = arith.constant 0 : index
      %get3A_450 = tpu.vector_load %arg9[%get3A_447, %get3A_448, %get3A_449] {strides = array<i32>} : memref<2x50x64xf32, #tpu.memory_space<vmem>>, vector<1x1x16xf32>,
      %get3A_451 = vector.shape_cast %get3A_450 : vector<1x1x16xf32> to vector<16xf32>
      %add3A_452 = arith.addf %add3A_444, %get3A_451 : vector<16xf32>
      %get3A_453 = arith.constant 0 : i32
      %get3A_454 = arith.constant 41 : i32
      %get3A_455 = arith.index_cast %get3A_453 : i32 to index
      %get3A_456 = arith.index_cast %get3A_454 : i32 to index
      %get3A_457 = arith.constant 0 : index
      %get3A_458 = tpu.vector_load %arg9[%get3A_455, %get3A_456, %get3A_457] {strides = array<i32>} : memref<2x50x64xf32, #tpu.memory_space<vmem>>, vector<1x1x16xf32>,
      %get3A_459 = vector.shape_cast %get3A_458 : vector<1x1x16xf32> to vector<16xf32>
      %add3A_460 = arith.addf %add3A_452, %get3A_459 : vector<16xf32>
      %get3A_461 = arith.constant 0 : i32
      %get3A_462 = arith.constant 42 : i32
      %get3A_463 = arith.index_cast %get3A_461 : i32 to index
      %get3A_464 = arith.index_cast %get3A_462 : i32 to index
      %get3A_465 = arith.constant 0 : index
      %get3A_466 = tpu.vector_load %arg9[%get3A_463, %get3A_464, %get3A_465] {strides = array<i32>} : memref<2x50x64xf32, #tpu.memory_space<vmem>>, vector<1x1x16xf32>,
      %get3A_467 = vector.shape_cast %get3A_466 : vector<1x1x16xf32> to vector<16xf32>
      %add3A_468 = arith.addf %add3A_460, %get3A_467 : vector<16xf32>
      %get3A_469 = arith.constant 0 : i32
      %get3A_470 = arith.constant 43 : i32
      %get3A_471 = arith.index_cast %get3A_469 : i32 to index
      %get3A_472 = arith.index_cast %get3A_470 : i32 to index
      %get3A_473 = arith.constant 0 : index
      %get3A_474 = tpu.vector_load %arg9[%get3A_471, %get3A_472, %get3A_473] {strides = array<i32>} : memref<2x50x64xf32, #tpu.memory_space<vmem>>, vector<1x1x16xf32>,
      %get3A_475 = vector.shape_cast %get3A_474 : vector<1x1x16xf32> to vector<16xf32>
      %add3A_476 = arith.addf %add3A_468, %get3A_475 : vector<16xf32>
      %get3A_477 = arith.constant 0 : i32
      %get3A_478 = arith.constant 44 : i32
      %get3A_479 = arith.index_cast %get3A_477 : i32 to index
      %get3A_480 = arith.index_cast %get3A_478 : i32 to index
      %get3A_481 = arith.constant 0 : index
      %get3A_482 = tpu.vector_load %arg9[%get3A_479, %get3A_480, %get3A_481] {strides = array<i32>} : memref<2x50x64xf32, #tpu.memory_space<vmem>>, vector<1x1x16xf32>,
      %get3A_483 = vector.shape_cast %get3A_482 : vector<1x1x16xf32> to vector<16xf32>
      %add3A_484 = arith.addf %add3A_476, %get3A_483 : vector<16xf32>
      %get3A_485 = arith.constant 0 : i32
      %get3A_486 = arith.constant 45 : i32
      %get3A_487 = arith.index_cast %get3A_485 : i32 to index
      %get3A_488 = arith.index_cast %get3A_486 : i32 to index
      %get3A_489 = arith.constant 0 : index
      %get3A_490 = tpu.vector_load %arg9[%get3A_487, %get3A_488, %get3A_489] {strides = array<i32>} : memref<2x50x64xf32, #tpu.memory_space<vmem>>, vector<1x1x16xf32>,
      %get3A_491 = vector.shape_cast %get3A_490 : vector<1x1x16xf32> to vector<16xf32>
      %add3A_492 = arith.addf %add3A_484, %get3A_491 : vector<16xf32>
      %get3A_493 = arith.constant 0 : i32
      %get3A_494 = arith.constant 46 : i32
      %get3A_495 = arith.index_cast %get3A_493 : i32 to index
      %get3A_496 = arith.index_cast %get3A_494 : i32 to index
      %get3A_497 = arith.constant 0 : index
      %get3A_498 = tpu.vector_load %arg9[%get3A_495, %get3A_496, %get3A_497] {strides = array<i32>} : memref<2x50x64xf32, #tpu.memory_space<vmem>>, vector<1x1x16xf32>,
      %get3A_499 = vector.shape_cast %get3A_498 : vector<1x1x16xf32> to vector<16xf32>
      %add3A_500 = arith.addf %add3A_492, %get3A_499 : vector<16xf32>
      %get3A_501 = arith.constant 0 : i32
      %get3A_502 = arith.constant 47 : i32
      %get3A_503 = arith.index_cast %get3A_501 : i32 to index
      %get3A_504 = arith.index_cast %get3A_502 : i32 to index
      %get3A_505 = arith.constant 0 : index
      %get3A_506 = tpu.vector_load %arg9[%get3A_503, %get3A_504, %get3A_505] {strides = array<i32>} : memref<2x50x64xf32, #tpu.memory_space<vmem>>, vector<1x1x16xf32>,
      %get3A_507 = vector.shape_cast %get3A_506 : vector<1x1x16xf32> to vector<16xf32>
      %add3A_508 = arith.addf %add3A_500, %get3A_507 : vector<16xf32>
      %get3A_509 = arith.constant 0 : i32
      %get3A_510 = arith.constant 48 : i32
      %get3A_511 = arith.index_cast %get3A_509 : i32 to index
      %get3A_512 = arith.index_cast %get3A_510 : i32 to index
      %get3A_513 = arith.constant 0 : index
      %get3A_514 = tpu.vector_load %arg9[%get3A_511, %get3A_512, %get3A_513] {strides = array<i32>} : memref<2x50x64xf32, #tpu.memory_space<vmem>>, vector<1x1x16xf32>,
      %get3A_515 = vector.shape_cast %get3A_514 : vector<1x1x16xf32> to vector<16xf32>
      %add3A_516 = arith.addf %add3A_508, %get3A_515 : vector<16xf32>
      %get3A_517 = arith.constant 0 : i32
      %get3A_518 = arith.constant 49 : i32
      %get3A_519 = arith.index_cast %get3A_517 : i32 to index
      %get3A_520 = arith.index_cast %get3A_518 : i32 to index
      %get3A_521 = arith.constant 0 : index
      %get3A_522 = tpu.vector_load %arg9[%get3A_519, %get3A_520, %get3A_521] {strides = array<i32>} : memref<2x50x64xf32, #tpu.memory_space<vmem>>, vector<1x1x16xf32>,
      %get3A_523 = vector.shape_cast %get3A_522 : vector<1x1x16xf32> to vector<16xf32>
      %add3A_524 = arith.addf %add3A_516, %get3A_523 : vector<16xf32>
      %swap3A = arith.index_cast %mul3A_102 : i32 to index
      %swap3A_525 = arith.constant 0 : index
      %swap3A_526 = tpu.vector_load %arg10[%swap3A, %swap3A_525] {strides = array<i32>} : memref<512x64xf32, #tpu.memory_space<vmem>>, vector<1x16xf32>,
      %swap3A_527 = vector.shape_cast %swap3A_526 : vector<1x16xf32> to vector<16xf32>
      %swap3A_528 = vector.shape_cast %add3A_524 : vector<16xf32> to vector<1x16xf32>
      tpu.vector_store %arg10[%swap3A, %swap3A_525], %swap3A_528 {strides = array<i32>} : memref<512x64xf32, #tpu.memory_space<vmem>>, vector<1x16xf32>,
      %get3A_529 = arith.constant 0 : i32
      %get3A_530 = arith.constant 0 : i32
      %get3A_531 = arith.index_cast %get3A_529 : i32 to index
      %get3A_532 = arith.index_cast %get3A_530 : i32 to index
      %get3A_533 = arith.constant 16 : index
      %get3A_534 = tpu.vector_load %arg9[%get3A_531, %get3A_532, %get3A_533] {strides = array<i32>} : memref<2x50x64xf32, #tpu.memory_space<vmem>>, vector<1x1x16xf32>,
      %get3A_535 = vector.shape_cast %get3A_534 : vector<1x1x16xf32> to vector<16xf32>
      %get3A_536 = arith.constant 0 : i32
      %get3A_537 = arith.constant 1 : i32
      %get3A_538 = arith.index_cast %get3A_536 : i32 to index
      %get3A_539 = arith.index_cast %get3A_537 : i32 to index
      %get3A_540 = arith.constant 16 : index
      %get3A_541 = tpu.vector_load %arg9[%get3A_538, %get3A_539, %get3A_540] {strides = array<i32>} : memref<2x50x64xf32, #tpu.memory_space<vmem>>, vector<1x1x16xf32>,
      %get3A_542 = vector.shape_cast %get3A_541 : vector<1x1x16xf32> to vector<16xf32>
      %add3A_543 = arith.addf %get3A_535, %get3A_542 : vector<16xf32>
      %get3A_544 = arith.constant 0 : i32
      %get3A_545 = arith.constant 2 : i32
      %get3A_546 = arith.index_cast %get3A_544 : i32 to index
      %get3A_547 = arith.index_cast %get3A_545 : i32 to index
      %get3A_548 = arith.constant 16 : index
      %get3A_549 = tpu.vector_load %arg9[%get3A_546, %get3A_547, %get3A_548] {strides = array<i32>} : memref<2x50x64xf32, #tpu.memory_space<vmem>>, vector<1x1x16xf32>,
      %get3A_550 = vector.shape_cast %get3A_549 : vector<1x1x16xf32> to vector<16xf32>
      %add3A_551 = arith.addf %add3A_543, %get3A_550 : vector<16xf32>
      %get3A_552 = arith.constant 0 : i32
      %get3A_553 = arith.constant 3 : i32
      %get3A_554 = arith.index_cast %get3A_552 : i32 to index
      %get3A_555 = arith.index_cast %get3A_553 : i32 to index
      %get3A_556 = arith.constant 16 : index
      %get3A_557 = tpu.vector_load %arg9[%get3A_554, %get3A_555, %get3A_556] {strides = array<i32>} : memref<2x50x64xf32, #tpu.memory_space<vmem>>, vector<1x1x16xf32>,
      %get3A_558 = vector.shape_cast %get3A_557 : vector<1x1x16xf32> to vector<16xf32>
      %add3A_559 = arith.addf %add3A_551, %get3A_558 : vector<16xf32>
      %get3A_560 = arith.constant 0 : i32
      %get3A_561 = arith.constant 4 : i32
      %get3A_562 = arith.index_cast %get3A_560 : i32 to index
      %get3A_563 = arith.index_cast %get3A_561 : i32 to index
      %get3A_564 = arith.constant 16 : index
      %get3A_565 = tpu.vector_load %arg9[%get3A_562, %get3A_563, %get3A_564] {strides = array<i32>} : memref<2x50x64xf32, #tpu.memory_space<vmem>>, vector<1x1x16xf32>,
      %get3A_566 = vector.shape_cast %get3A_565 : vector<1x1x16xf32> to vector<16xf32>
      %add3A_567 = arith.addf %add3A_559, %get3A_566 : vector<16xf32>
      %get3A_568 = arith.constant 0 : i32
      %get3A_569 = arith.constant 5 : i32
      %get3A_570 = arith.index_cast %get3A_568 : i32 to index
      %get3A_571 = arith.index_cast %get3A_569 : i32 to index
      %get3A_572 = arith.constant 16 : index
      %get3A_573 = tpu.vector_load %arg9[%get3A_570, %get3A_571, %get3A_572] {strides = array<i32>} : memref<2x50x64xf32, #tpu.memory_space<vmem>>, vector<1x1x16xf32>,
      %get3A_574 = vector.shape_cast %get3A_573 : vector<1x1x16xf32> to vector<16xf32>
      %add3A_575 = arith.addf %add3A_567, %get3A_574 : vector<16xf32>
      %get3A_576 = arith.constant 0 : i32
      %get3A_577 = arith.constant 6 : i32
      %get3A_578 = arith.index_cast %get3A_576 : i32 to index
      %get3A_579 = arith.index_cast %get3A_577 : i32 to index
      %get3A_580 = arith.constant 16 : index
      %get3A_581 = tpu.vector_load %arg9[%get3A_578, %get3A_579, %get3A_580] {strides = array<i32>} : memref<2x50x64xf32, #tpu.memory_space<vmem>>, vector<1x1x16xf32>,
      %get3A_582 = vector.shape_cast %get3A_581 : vector<1x1x16xf32> to vector<16xf32>
      %add3A_583 = arith.addf %add3A_575, %get3A_582 : vector<16xf32>
      %get3A_584 = arith.constant 0 : i32
      %get3A_585 = arith.constant 7 : i32
      %get3A_586 = arith.index_cast %get3A_584 : i32 to index
      %get3A_587 = arith.index_cast %get3A_585 : i32 to index
      %get3A_588 = arith.constant 16 : index
      %get3A_589 = tpu.vector_load %arg9[%get3A_586, %get3A_587, %get3A_588] {strides = array<i32>} : memref<2x50x64xf32, #tpu.memory_space<vmem>>, vector<1x1x16xf32>,
      %get3A_590 = vector.shape_cast %get3A_589 : vector<1x1x16xf32> to vector<16xf32>
      %add3A_591 = arith.addf %add3A_583, %get3A_590 : vector<16xf32>
      %get3A_592 = arith.constant 0 : i32
      %get3A_593 = arith.constant 8 : i32
      %get3A_594 = arith.index_cast %get3A_592 : i32 to index
      %get3A_595 = arith.index_cast %get3A_593 : i32 to index
      %get3A_596 = arith.constant 16 : index
      %get3A_597 = tpu.vector_load %arg9[%get3A_594, %get3A_595, %get3A_596] {strides = array<i32>} : memref<2x50x64xf32, #tpu.memory_space<vmem>>, vector<1x1x16xf32>,
      %get3A_598 = vector.shape_cast %get3A_597 : vector<1x1x16xf32> to vector<16xf32>
      %add3A_599 = arith.addf %add3A_591, %get3A_598 : vector<16xf32>
      %get3A_600 = arith.constant 0 : i32
      %get3A_601 = arith.constant 9 : i32
      %get3A_602 = arith.index_cast %get3A_600 : i32 to index
      %get3A_603 = arith.index_cast %get3A_601 : i32 to index
      %get3A_604 = arith.constant 16 : index
      %get3A_605 = tpu.vector_load %arg9[%get3A_602, %get3A_603, %get3A_604] {strides = array<i32>} : memref<2x50x64xf32, #tpu.memory_space<vmem>>, vector<1x1x16xf32>,
      %get3A_606 = vector.shape_cast %get3A_605 : vector<1x1x16xf32> to vector<16xf32>
      %add3A_607 = arith.addf %add3A_599, %get3A_606 : vector<16xf32>
      %get3A_608 = arith.constant 0 : i32
      %get3A_609 = arith.constant 10 : i32
      %get3A_610 = arith.index_cast %get3A_608 : i32 to index
      %get3A_611 = arith.index_cast %get3A_609 : i32 to index
      %get3A_612 = arith.constant 16 : index
      %get3A_613 = tpu.vector_load %arg9[%get3A_610, %get3A_611, %get3A_612] {strides = array<i32>} : memref<2x50x64xf32, #tpu.memory_space<vmem>>, vector<1x1x16xf32>,
      %get3A_614 = vector.shape_cast %get3A_613 : vector<1x1x16xf32> to vector<16xf32>
      %add3A_615 = arith.addf %add3A_607, %get3A_614 : vector<16xf32>
      %get3A_616 = arith.constant 0 : i32
      %get3A_617 = arith.constant 11 : i32
      %get3A_618 = arith.index_cast %get3A_616 : i32 to index
      %get3A_619 = arith.index_cast %get3A_617 : i32 to index
      %get3A_620 = arith.constant 16 : index
      %get3A_621 = tpu.vector_load %arg9[%get3A_618, %get3A_619, %get3A_620] {strides = array<i32>} : memref<2x50x64xf32, #tpu.memory_space<vmem>>, vector<1x1x16xf32>,
      %get3A_622 = vector.shape_cast %get3A_621 : vector<1x1x16xf32> to vector<16xf32>
      %add3A_623 = arith.addf %add3A_615, %get3A_622 : vector<16xf32>
      %get3A_624 = arith.constant 0 : i32
      %get3A_625 = arith.constant 12 : i32
      %get3A_626 = arith.index_cast %get3A_624 : i32 to index
      %get3A_627 = arith.index_cast %get3A_625 : i32 to index
      %get3A_628 = arith.constant 16 : index
      %get3A_629 = tpu.vector_load %arg9[%get3A_626, %get3A_627, %get3A_628] {strides = array<i32>} : memref<2x50x64xf32, #tpu.memory_space<vmem>>, vector<1x1x16xf32>,
      %get3A_630 = vector.shape_cast %get3A_629 : vector<1x1x16xf32> to vector<16xf32>
      %add3A_631 = arith.addf %add3A_623, %get3A_630 : vector<16xf32>
      %get3A_632 = arith.constant 0 : i32
      %get3A_633 = arith.constant 13 : i32
      %get3A_634 = arith.index_cast %get3A_632 : i32 to index
      %get3A_635 = arith.index_cast %get3A_633 : i32 to index
      %get3A_636 = arith.constant 16 : index
      %get3A_637 = tpu.vector_load %arg9[%get3A_634, %get3A_635, %get3A_636] {strides = array<i32>} : memref<2x50x64xf32, #tpu.memory_space<vmem>>, vector<1x1x16xf32>,
      %get3A_638 = vector.shape_cast %get3A_637 : vector<1x1x16xf32> to vector<16xf32>
      %add3A_639 = arith.addf %add3A_631, %get3A_638 : vector<16xf32>
      %get3A_640 = arith.constant 0 : i32
      %get3A_641 = arith.constant 14 : i32
      %get3A_642 = arith.index_cast %get3A_640 : i32 to index
      %get3A_643 = arith.index_cast %get3A_641 : i32 to index
      %get3A_644 = arith.constant 16 : index
      %get3A_645 = tpu.vector_load %arg9[%get3A_642, %get3A_643, %get3A_644] {strides = array<i32>} : memref<2x50x64xf32, #tpu.memory_space<vmem>>, vector<1x1x16xf32>,
      %get3A_646 = vector.shape_cast %get3A_645 : vector<1x1x16xf32> to vector<16xf32>
      %add3A_647 = arith.addf %add3A_639, %get3A_646 : vector<16xf32>
      %get3A_648 = arith.constant 0 : i32
      %get3A_649 = arith.constant 15 : i32
      %get3A_650 = arith.index_cast %get3A_648 : i32 to index
      %get3A_651 = arith.index_cast %get3A_649 : i32 to index
      %get3A_652 = arith.constant 16 : index
      %get3A_653 = tpu.vector_load %arg9[%get3A_650, %get3A_651, %get3A_652] {strides = array<i32>} : memref<2x50x64xf32, #tpu.memory_space<vmem>>, vector<1x1x16xf32>,
      %get3A_654 = vector.shape_cast %get3A_653 : vector<1x1x16xf32> to vector<16xf32>
      %add3A_655 = arith.addf %add3A_647, %get3A_654 : vector<16xf32>
      %get3A_656 = arith.constant 0 : i32
      %get3A_657 = arith.constant 16 : i32
      %get3A_658 = arith.index_cast %get3A_656 : i32 to index
      %get3A_659 = arith.index_cast %get3A_657 : i32 to index
      %get3A_660 = arith.constant 16 : index
      %get3A_661 = tpu.vector_load %arg9[%get3A_658, %get3A_659, %get3A_660] {strides = array<i32>} : memref<2x50x64xf32, #tpu.memory_space<vmem>>, vector<1x1x16xf32>,
      %get3A_662 = vector.shape_cast %get3A_661 : vector<1x1x16xf32> to vector<16xf32>
      %add3A_663 = arith.addf %add3A_655, %get3A_662 : vector<16xf32>
      %get3A_664 = arith.constant 0 : i32
      %get3A_665 = arith.constant 17 : i32
      %get3A_666 = arith.index_cast %get3A_664 : i32 to index
      %get3A_667 = arith.index_cast %get3A_665 : i32 to index
      %get3A_668 = arith.constant 16 : index
      %get3A_669 = tpu.vector_load %arg9[%get3A_666, %get3A_667, %get3A_668] {strides = array<i32>} : memref<2x50x64xf32, #tpu.memory_space<vmem>>, vector<1x1x16xf32>,
      %get3A_670 = vector.shape_cast %get3A_669 : vector<1x1x16xf32> to vector<16xf32>
      %add3A_671 = arith.addf %add3A_663, %get3A_670 : vector<16xf32>
      %get3A_672 = arith.constant 0 : i32
      %get3A_673 = arith.constant 18 : i32
      %get3A_674 = arith.index_cast %get3A_672 : i32 to index
      %get3A_675 = arith.index_cast %get3A_673 : i32 to index
      %get3A_676 = arith.constant 16 : index
      %get3A_677 = tpu.vector_load %arg9[%get3A_674, %get3A_675, %get3A_676] {strides = array<i32>} : memref<2x50x64xf32, #tpu.memory_space<vmem>>, vector<1x1x16xf32>,
      %get3A_678 = vector.shape_cast %get3A_677 : vector<1x1x16xf32> to vector<16xf32>
      %add3A_679 = arith.addf %add3A_671, %get3A_678 : vector<16xf32>
      %get3A_680 = arith.constant 0 : i32
      %get3A_681 = arith.constant 19 : i32
      %get3A_682 = arith.index_cast %get3A_680 : i32 to index
      %get3A_683 = arith.index_cast %get3A_681 : i32 to index
      %get3A_684 = arith.constant 16 : index
      %get3A_685 = tpu.vector_load %arg9[%get3A_682, %get3A_683, %get3A_684] {strides = array<i32>} : memref<2x50x64xf32, #tpu.memory_space<vmem>>, vector<1x1x16xf32>,
      %get3A_686 = vector.shape_cast %get3A_685 : vector<1x1x16xf32> to vector<16xf32>
      %add3A_687 = arith.addf %add3A_679, %get3A_686 : vector<16xf32>
      %get3A_688 = arith.constant 0 : i32
      %get3A_689 = arith.constant 20 : i32
      %get3A_690 = arith.index_cast %get3A_688 : i32 to index
      %get3A_691 = arith.index_cast %get3A_689 : i32 to index
      %get3A_692 = arith.constant 16 : index
      %get3A_693 = tpu.vector_load %arg9[%get3A_690, %get3A_691, %get3A_692] {strides = array<i32>} : memref<2x50x64xf32, #tpu.memory_space<vmem>>, vector<1x1x16xf32>,
      %get3A_694 = vector.shape_cast %get3A_693 : vector<1x1x16xf32> to vector<16xf32>
      %add3A_695 = arith.addf %add3A_687, %get3A_694 : vector<16xf32>
      %get3A_696 = arith.constant 0 : i32
      %get3A_697 = arith.constant 21 : i32
      %get3A_698 = arith.index_cast %get3A_696 : i32 to index
      %get3A_699 = arith.index_cast %get3A_697 : i32 to index
      %get3A_700 = arith.constant 16 : index
      %get3A_701 = tpu.vector_load %arg9[%get3A_698, %get3A_699, %get3A_700] {strides = array<i32>} : memref<2x50x64xf32, #tpu.memory_space<vmem>>, vector<1x1x16xf32>,
      %get3A_702 = vector.shape_cast %get3A_701 : vector<1x1x16xf32> to vector<16xf32>
      %add3A_703 = arith.addf %add3A_695, %get3A_702 : vector<16xf32>
      %get3A_704 = arith.constant 0 : i32
      %get3A_705 = arith.constant 22 : i32
      %get3A_706 = arith.index_cast %get3A_704 : i32 to index
      %get3A_707 = arith.index_cast %get3A_705 : i32 to index
      %get3A_708 = arith.constant 16 : index
      %get3A_709 = tpu.vector_load %arg9[%get3A_706, %get3A_707, %get3A_708] {strides = array<i32>} : memref<2x50x64xf32, #tpu.memory_space<vmem>>, vector<1x1x16xf32>,
      %get3A_710 = vector.shape_cast %get3A_709 : vector<1x1x16xf32> to vector<16xf32>
      %add3A_711 = arith.addf %add3A_703, %get3A_710 : vector<16xf32>
      %get3A_712 = arith.constant 0 : i32
      %get3A_713 = arith.constant 23 : i32
      %get3A_714 = arith.index_cast %get3A_712 : i32 to index
      %get3A_715 = arith.index_cast %get3A_713 : i32 to index
      %get3A_716 = arith.constant 16 : index
      %get3A_717 = tpu.vector_load %arg9[%get3A_714, %get3A_715, %get3A_716] {strides = array<i32>} : memref<2x50x64xf32, #tpu.memory_space<vmem>>, vector<1x1x16xf32>,
      %get3A_718 = vector.shape_cast %get3A_717 : vector<1x1x16xf32> to vector<16xf32>
      %add3A_719 = arith.addf %add3A_711, %get3A_718 : vector<16xf32>
      %get3A_720 = arith.constant 0 : i32
      %get3A_721 = arith.constant 24 : i32
      %get3A_722 = arith.index_cast %get3A_720 : i32 to index
      %get3A_723 = arith.index_cast %get3A_721 : i32 to index
      %get3A_724 = arith.constant 16 : index
      %get3A_725 = tpu.vector_load %arg9[%get3A_722, %get3A_723, %get3A_724] {strides = array<i32>} : memref<2x50x64xf32, #tpu.memory_space<vmem>>, vector<1x1x16xf32>,
      %get3A_726 = vector.shape_cast %get3A_725 : vector<1x1x16xf32> to vector<16xf32>
      %add3A_727 = arith.addf %add3A_719, %get3A_726 : vector<16xf32>
      %get3A_728 = arith.constant 0 : i32
      %get3A_729 = arith.constant 25 : i32
      %get3A_730 = arith.index_cast %get3A_728 : i32 to index
      %get3A_731 = arith.index_cast %get3A_729 : i32 to index
      %get3A_732 = arith.constant 16 : index
      %get3A_733 = tpu.vector_load %arg9[%get3A_730, %get3A_731, %get3A_732] {strides = array<i32>} : memref<2x50x64xf32, #tpu.memory_space<vmem>>, vector<1x1x16xf32>,
      %get3A_734 = vector.shape_cast %get3A_733 : vector<1x1x16xf32> to vector<16xf32>
      %add3A_735 = arith.addf %add3A_727, %get3A_734 : vector<16xf32>
      %get3A_736 = arith.constant 0 : i32
      %get3A_737 = arith.constant 26 : i32
      %get3A_738 = arith.index_cast %get3A_736 : i32 to index
      %get3A_739 = arith.index_cast %get3A_737 : i32 to index
      %get3A_740 = arith.constant 16 : index
      %get3A_741 = tpu.vector_load %arg9[%get3A_738, %get3A_739, %get3A_740] {strides = array<i32>} : memref<2x50x64xf32, #tpu.memory_space<vmem>>, vector<1x1x16xf32>,
      %get3A_742 = vector.shape_cast %get3A_741 : vector<1x1x16xf32> to vector<16xf32>
      %add3A_743 = arith.addf %add3A_735, %get3A_742 : vector<16xf32>
      %get3A_744 = arith.constant 0 : i32
      %get3A_745 = arith.constant 27 : i32
      %get3A_746 = arith.index_cast %get3A_744 : i32 to index
      %get3A_747 = arith.index_cast %get3A_745 : i32 to index
      %get3A_748 = arith.constant 16 : index
      %get3A_749 = tpu.vector_load %arg9[%get3A_746, %get3A_747, %get3A_748] {strides = array<i32>} : memref<2x50x64xf32, #tpu.memory_space<vmem>>, vector<1x1x16xf32>,
      %get3A_750 = vector.shape_cast %get3A_749 : vector<1x1x16xf32> to vector<16xf32>
      %add3A_751 = arith.addf %add3A_743, %get3A_750 : vector<16xf32>
      %get3A_752 = arith.constant 0 : i32
      %get3A_753 = arith.constant 28 : i32
      %get3A_754 = arith.index_cast %get3A_752 : i32 to index
      %get3A_755 = arith.index_cast %get3A_753 : i32 to index
      %get3A_756 = arith.constant 16 : index
      %get3A_757 = tpu.vector_load %arg9[%get3A_754, %get3A_755, %get3A_756] {strides = array<i32>} : memref<2x50x64xf32, #tpu.memory_space<vmem>>, vector<1x1x16xf32>,
      %get3A_758 = vector.shape_cast %get3A_757 : vector<1x1x16xf32> to vector<16xf32>
      %add3A_759 = arith.addf %add3A_751, %get3A_758 : vector<16xf32>
      %get3A_760 = arith.constant 0 : i32
      %get3A_761 = arith.constant 29 : i32
      %get3A_762 = arith.index_cast %get3A_760 : i32 to index
      %get3A_763 = arith.index_cast %get3A_761 : i32 to index
      %get3A_764 = arith.constant 16 : index
      %get3A_765 = tpu.vector_load %arg9[%get3A_762, %get3A_763, %get3A_764] {strides = array<i32>} : memref<2x50x64xf32, #tpu.memory_space<vmem>>, vector<1x1x16xf32>,
      %get3A_766 = vector.shape_cast %get3A_765 : vector<1x1x16xf32> to vector<16xf32>
      %add3A_767 = arith.addf %add3A_759, %get3A_766 : vector<16xf32>
      %get3A_768 = arith.constant 0 : i32
      %get3A_769 = arith.constant 30 : i32
      %get3A_770 = arith.index_cast %get3A_768 : i32 to index
      %get3A_771 = arith.index_cast %get3A_769 : i32 to index
      %get3A_772 = arith.constant 16 : index
      %get3A_773 = tpu.vector_load %arg9[%get3A_770, %get3A_771, %get3A_772] {strides = array<i32>} : memref<2x50x64xf32, #tpu.memory_space<vmem>>, vector<1x1x16xf32>,
      %get3A_774 = vector.shape_cast %get3A_773 : vector<1x1x16xf32> to vector<16xf32>
      %add3A_775 = arith.addf %add3A_767, %get3A_774 : vector<16xf32>
      %get3A_776 = arith.constant 0 : i32
      %get3A_777 = arith.constant 31 : i32
      %get3A_778 = arith.index_cast %get3A_776 : i32 to index
      %get3A_779 = arith.index_cast %get3A_777 : i32 to index
      %get3A_780 = arith.constant 16 : index
      %get3A_781 = tpu.vector_load %arg9[%get3A_778, %get3A_779, %get3A_780] {strides = array<i32>} : memref<2x50x64xf32, #tpu.memory_space<vmem>>, vector<1x1x16xf32>,
      %get3A_782 = vector.shape_cast %get3A_781 : vector<1x1x16xf32> to vector<16xf32>
      %add3A_783 = arith.addf %add3A_775, %get3A_782 : vector<16xf32>
      %get3A_784 = arith.constant 0 : i32
      %get3A_785 = arith.constant 32 : i32
      %get3A_786 = arith.index_cast %get3A_784 : i32 to index
      %get3A_787 = arith.index_cast %get3A_785 : i32 to index
      %get3A_788 = arith.constant 16 : index
      %get3A_789 = tpu.vector_load %arg9[%get3A_786, %get3A_787, %get3A_788] {strides = array<i32>} : memref<2x50x64xf32, #tpu.memory_space<vmem>>, vector<1x1x16xf32>,
      %get3A_790 = vector.shape_cast %get3A_789 : vector<1x1x16xf32> to vector<16xf32>
      %add3A_791 = arith.addf %add3A_783, %get3A_790 : vector<16xf32>
      %get3A_792 = arith.constant 0 : i32
      %get3A_793 = arith.constant 33 : i32
      %get3A_794 = arith.index_cast %get3A_792 : i32 to index
      %get3A_795 = arith.index_cast %get3A_793 : i32 to index
      %get3A_796 = arith.constant 16 : index
      %get3A_797 = tpu.vector_load %arg9[%get3A_794, %get3A_795, %get3A_796] {strides = array<i32>} : memref<2x50x64xf32, #tpu.memory_space<vmem>>, vector<1x1x16xf32>,
      %get3A_798 = vector.shape_cast %get3A_797 : vector<1x1x16xf32> to vector<16xf32>
      %add3A_799 = arith.addf %add3A_791, %get3A_798 : vector<16xf32>
      %get3A_800 = arith.constant 0 : i32
      %get3A_801 = arith.constant 34 : i32
      %get3A_802 = arith.index_cast %get3A_800 : i32 to index
      %get3A_803 = arith.index_cast %get3A_801 : i32 to index
      %get3A_804 = arith.constant 16 : index
      %get3A_805 = tpu.vector_load %arg9[%get3A_802, %get3A_803, %get3A_804] {strides = array<i32>} : memref<2x50x64xf32, #tpu.memory_space<vmem>>, vector<1x1x16xf32>,
      %get3A_806 = vector.shape_cast %get3A_805 : vector<1x1x16xf32> to vector<16xf32>
      %add3A_807 = arith.addf %add3A_799, %get3A_806 : vector<16xf32>
      %get3A_808 = arith.constant 0 : i32
      %get3A_809 = arith.constant 35 : i32
      %get3A_810 = arith.index_cast %get3A_808 : i32 to index
      %get3A_811 = arith.index_cast %get3A_809 : i32 to index
      %get3A_812 = arith.constant 16 : index
      %get3A_813 = tpu.vector_load %arg9[%get3A_810, %get3A_811, %get3A_812] {strides = array<i32>} : memref<2x50x64xf32, #tpu.memory_space<vmem>>, vector<1x1x16xf32>,
      %get3A_814 = vector.shape_cast %get3A_813 : vector<1x1x16xf32> to vector<16xf32>
      %add3A_815 = arith.addf %add3A_807, %get3A_814 : vector<16xf32>
      %get3A_816 = arith.constant 0 : i32
      %get3A_817 = arith.constant 36 : i32
      %get3A_818 = arith.index_cast %get3A_816 : i32 to index
      %get3A_819 = arith.index_cast %get3A_817 : i32 to index
      %get3A_820 = arith.constant 16 : index
      %get3A_821 = tpu.vector_load %arg9[%get3A_818, %get3A_819, %get3A_820] {strides = array<i32>} : memref<2x50x64xf32, #tpu.memory_space<vmem>>, vector<1x1x16xf32>,
      %get3A_822 = vector.shape_cast %get3A_821 : vector<1x1x16xf32> to vector<16xf32>
      %add3A_823 = arith.addf %add3A_815, %get3A_822 : vector<16xf32>
      %get3A_824 = arith.constant 0 : i32
      %get3A_825 = arith.constant 37 : i32
      %get3A_826 = arith.index_cast %get3A_824 : i32 to index
      %get3A_827 = arith.index_cast %get3A_825 : i32 to index
      %get3A_828 = arith.constant 16 : index
      %get3A_829 = tpu.vector_load %arg9[%get3A_826, %get3A_827, %get3A_828] {strides = array<i32>} : memref<2x50x64xf32, #tpu.memory_space<vmem>>, vector<1x1x16xf32>,
      %get3A_830 = vector.shape_cast %get3A_829 : vector<1x1x16xf32> to vector<16xf32>
      %add3A_831 = arith.addf %add3A_823, %get3A_830 : vector<16xf32>
      %get3A_832 = arith.constant 0 : i32
      %get3A_833 = arith.constant 38 : i32
      %get3A_834 = arith.index_cast %get3A_832 : i32 to index
      %get3A_835 = arith.index_cast %get3A_833 : i32 to index
      %get3A_836 = arith.constant 16 : index
      %get3A_837 = tpu.vector_load %arg9[%get3A_834, %get3A_835, %get3A_836] {strides = array<i32>} : memref<2x50x64xf32, #tpu.memory_space<vmem>>, vector<1x1x16xf32>,
      %get3A_838 = vector.shape_cast %get3A_837 : vector<1x1x16xf32> to vector<16xf32>
      %add3A_839 = arith.addf %add3A_831, %get3A_838 : vector<16xf32>
      %get3A_840 = arith.constant 0 : i32
      %get3A_841 = arith.constant 39 : i32
      %get3A_842 = arith.index_cast %get3A_840 : i32 to index
      %get3A_843 = arith.index_cast %get3A_841 : i32 to index
      %get3A_844 = arith.constant 16 : index
      %get3A_845 = tpu.vector_load %arg9[%get3A_842, %get3A_843, %get3A_844] {strides = array<i32>} : memref<2x50x64xf32, #tpu.memory_space<vmem>>, vector<1x1x16xf32>,
      %get3A_846 = vector.shape_cast %get3A_845 : vector<1x1x16xf32> to vector<16xf32>
      %add3A_847 = arith.addf %add3A_839, %get3A_846 : vector<16xf32>
      %get3A_848 = arith.constant 0 : i32
      %get3A_849 = arith.constant 40 : i32
      %get3A_850 = arith.index_cast %get3A_848 : i32 to index
      %get3A_851 = arith.index_cast %get3A_849 : i32 to index
      %get3A_852 = arith.constant 16 : index
      %get3A_853 = tpu.vector_load %arg9[%get3A_850, %get3A_851, %get3A_852] {strides = array<i32>} : memref<2x50x64xf32, #tpu.memory_space<vmem>>, vector<1x1x16xf32>,
      %get3A_854 = vector.shape_cast %get3A_853 : vector<1x1x16xf32> to vector<16xf32>
      %add3A_855 = arith.addf %add3A_847, %get3A_854 : vector<16xf32>
      %get3A_856 = arith.constant 0 : i32
      %get3A_857 = arith.constant 41 : i32
      %get3A_858 = arith.index_cast %get3A_856 : i32 to index
      %get3A_859 = arith.index_cast %get3A_857 : i32 to index
      %get3A_860 = arith.constant 16 : index
      %get3A_861 = tpu.vector_load %arg9[%get3A_858, %get3A_859, %get3A_860] {strides = array<i32>} : memref<2x50x64xf32, #tpu.memory_space<vmem>>, vector<1x1x16xf32>,
      %get3A_862 = vector.shape_cast %get3A_861 : vector<1x1x16xf32> to vector<16xf32>
      %add3A_863 = arith.addf %add3A_855, %get3A_862 : vector<16xf32>
      %get3A_864 = arith.constant 0 : i32
      %get3A_865 = arith.constant 42 : i32
      %get3A_866 = arith.index_cast %get3A_864 : i32 to index
      %get3A_867 = arith.index_cast %get3A_865 : i32 to index
      %get3A_868 = arith.constant 16 : index
      %get3A_869 = tpu.vector_load %arg9[%get3A_866, %get3A_867, %get3A_868] {strides = array<i32>} : memref<2x50x64xf32, #tpu.memory_space<vmem>>, vector<1x1x16xf32>,
      %get3A_870 = vector.shape_cast %get3A_869 : vector<1x1x16xf32> to vector<16xf32>
      %add3A_871 = arith.addf %add3A_863, %get3A_870 : vector<16xf32>
      %get3A_872 = arith.constant 0 : i32
      %get3A_873 = arith.constant 43 : i32
      %get3A_874 = arith.index_cast %get3A_872 : i32 to index
      %get3A_875 = arith.index_cast %get3A_873 : i32 to index
      %get3A_876 = arith.constant 16 : index
      %get3A_877 = tpu.vector_load %arg9[%get3A_874, %get3A_875, %get3A_876] {strides = array<i32>} : memref<2x50x64xf32, #tpu.memory_space<vmem>>, vector<1x1x16xf32>,
      %get3A_878 = vector.shape_cast %get3A_877 : vector<1x1x16xf32> to vector<16xf32>
      %add3A_879 = arith.addf %add3A_871, %get3A_878 : vector<16xf32>
      %get3A_880 = arith.constant 0 : i32
      %get3A_881 = arith.constant 44 : i32
      %get3A_882 = arith.index_cast %get3A_880 : i32 to index
      %get3A_883 = arith.index_cast %get3A_881 : i32 to index
      %get3A_884 = arith.constant 16 : index
      %get3A_885 = tpu.vector_load %arg9[%get3A_882, %get3A_883, %get3A_884] {strides = array<i32>} : memref<2x50x64xf32, #tpu.memory_space<vmem>>, vector<1x1x16xf32>,
      %get3A_886 = vector.shape_cast %get3A_885 : vector<1x1x16xf32> to vector<16xf32>
      %add3A_887 = arith.addf %add3A_879, %get3A_886 : vector<16xf32>
      %get3A_888 = arith.constant 0 : i32
      %get3A_889 = arith.constant 45 : i32
      %get3A_890 = arith.index_cast %get3A_888 : i32 to index
      %get3A_891 = arith.index_cast %get3A_889 : i32 to index
      %get3A_892 = arith.constant 16 : index
      %get3A_893 = tpu.vector_load %arg9[%get3A_890, %get3A_891, %get3A_892] {strides = array<i32>} : memref<2x50x64xf32, #tpu.memory_space<vmem>>, vector<1x1x16xf32>,
      %get3A_894 = vector.shape_cast %get3A_893 : vector<1x1x16xf32> to vector<16xf32>
      %add3A_895 = arith.addf %add3A_887, %get3A_894 : vector<16xf32>
      %get3A_896 = arith.constant 0 : i32
      %get3A_897 = arith.constant 46 : i32
      %get3A_898 = arith.index_cast %get3A_896 : i32 to index
      %get3A_899 = arith.index_cast %get3A_897 : i32 to index
      %get3A_900 = arith.constant 16 : index
      %get3A_901 = tpu.vector_load %arg9[%get3A_898, %get3A_899, %get3A_900] {strides = array<i32>} : memref<2x50x64xf32, #tpu.memory_space<vmem>>, vector<1x1x16xf32>,
      %get3A_902 = vector.shape_cast %get3A_901 : vector<1x1x16xf32> to vector<16xf32>
      %add3A_903 = arith.addf %add3A_895, %get3A_902 : vector<16xf32>
      %get3A_904 = arith.constant 0 : i32
      %get3A_905 = arith.constant 47 : i32
      %get3A_906 = arith.index_cast %get3A_904 : i32 to index
      %get3A_907 = arith.index_cast %get3A_905 : i32 to index
      %get3A_908 = arith.constant 16 : index
      %get3A_909 = tpu.vector_load %arg9[%get3A_906, %get3A_907, %get3A_908] {strides = array<i32>} : memref<2x50x64xf32, #tpu.memory_space<vmem>>, vector<1x1x16xf32>,
      %get3A_910 = vector.shape_cast %get3A_909 : vector<1x1x16xf32> to vector<16xf32>
      %add3A_911 = arith.addf %add3A_903, %get3A_910 : vector<16xf32>
      %get3A_912 = arith.constant 0 : i32
      %get3A_913 = arith.constant 48 : i32
      %get3A_914 = arith.index_cast %get3A_912 : i32 to index
      %get3A_915 = arith.index_cast %get3A_913 : i32 to index
      %get3A_916 = arith.constant 16 : index
      %get3A_917 = tpu.vector_load %arg9[%get3A_914, %get3A_915, %get3A_916] {strides = array<i32>} : memref<2x50x64xf32, #tpu.memory_space<vmem>>, vector<1x1x16xf32>,
      %get3A_918 = vector.shape_cast %get3A_917 : vector<1x1x16xf32> to vector<16xf32>
      %add3A_919 = arith.addf %add3A_911, %get3A_918 : vector<16xf32>
      %get3A_920 = arith.constant 0 : i32
      %get3A_921 = arith.constant 49 : i32
      %get3A_922 = arith.index_cast %get3A_920 : i32 to index
      %get3A_923 = arith.index_cast %get3A_921 : i32 to index
      %get3A_924 = arith.constant 16 : index
      %get3A_925 = tpu.vector_load %arg9[%get3A_922, %get3A_923, %get3A_924] {strides = array<i32>} : memref<2x50x64xf32, #tpu.memory_space<vmem>>, vector<1x1x16xf32>,
      %get3A_926 = vector.shape_cast %get3A_925 : vector<1x1x16xf32> to vector<16xf32>
      %add3A_927 = arith.addf %add3A_919, %get3A_926 : vector<16xf32>
      %swap3A_928 = arith.index_cast %mul3A_102 : i32 to index
      %swap3A_929 = arith.constant 16 : index
      %swap3A_930 = tpu.vector_load %arg10[%swap3A_928, %swap3A_929] {strides = array<i32>} : memref<512x64xf32, #tpu.memory_space<vmem>>, vector<1x16xf32>,
      %swap3A_931 = vector.shape_cast %swap3A_930 : vector<1x16xf32> to vector<16xf32>
      %swap3A_932 = vector.shape_cast %add3A_927 : vector<16xf32> to vector<1x16xf32>
      tpu.vector_store %arg10[%swap3A_928, %swap3A_929], %swap3A_932 {strides = array<i32>} : memref<512x64xf32, #tpu.memory_space<vmem>>, vector<1x16xf32>,
      %get3A_933 = arith.constant 0 : i32
      %get3A_934 = arith.constant 0 : i32
      %get3A_935 = arith.index_cast %get3A_933 : i32 to index
      %get3A_936 = arith.index_cast %get3A_934 : i32 to index
      %get3A_937 = arith.constant 32 : index
      %get3A_938 = tpu.vector_load %arg9[%get3A_935, %get3A_936, %get3A_937] {strides = array<i32>} : memref<2x50x64xf32, #tpu.memory_space<vmem>>, vector<1x1x16xf32>,
      %get3A_939 = vector.shape_cast %get3A_938 : vector<1x1x16xf32> to vector<16xf32>
      %get3A_940 = arith.constant 0 : i32
      %get3A_941 = arith.constant 1 : i32
      %get3A_942 = arith.index_cast %get3A_940 : i32 to index
      %get3A_943 = arith.index_cast %get3A_941 : i32 to index
      %get3A_944 = arith.constant 32 : index
      %get3A_945 = tpu.vector_load %arg9[%get3A_942, %get3A_943, %get3A_944] {strides = array<i32>} : memref<2x50x64xf32, #tpu.memory_space<vmem>>, vector<1x1x16xf32>,
      %get3A_946 = vector.shape_cast %get3A_945 : vector<1x1x16xf32> to vector<16xf32>
      %add3A_947 = arith.addf %get3A_939, %get3A_946 : vector<16xf32>
      %get3A_948 = arith.constant 0 : i32
      %get3A_949 = arith.constant 2 : i32
      %get3A_950 = arith.index_cast %get3A_948 : i32 to index
      %get3A_951 = arith.index_cast %get3A_949 : i32 to index
      %get3A_952 = arith.constant 32 : index
      %get3A_953 = tpu.vector_load %arg9[%get3A_950, %get3A_951, %get3A_952] {strides = array<i32>} : memref<2x50x64xf32, #tpu.memory_space<vmem>>, vector<1x1x16xf32>,
      %get3A_954 = vector.shape_cast %get3A_953 : vector<1x1x16xf32> to vector<16xf32>
      %add3A_955 = arith.addf %add3A_947, %get3A_954 : vector<16xf32>
      %get3A_956 = arith.constant 0 : i32
      %get3A_957 = arith.constant 3 : i32
      %get3A_958 = arith.index_cast %get3A_956 : i32 to index
      %get3A_959 = arith.index_cast %get3A_957 : i32 to index
      %get3A_960 = arith.constant 32 : index
      %get3A_961 = tpu.vector_load %arg9[%get3A_958, %get3A_959, %get3A_960] {strides = array<i32>} : memref<2x50x64xf32, #tpu.memory_space<vmem>>, vector<1x1x16xf32>,
      %get3A_962 = vector.shape_cast %get3A_961 : vector<1x1x16xf32> to vector<16xf32>
      %add3A_963 = arith.addf %add3A_955, %get3A_962 : vector<16xf32>
      %get3A_964 = arith.constant 0 : i32
      %get3A_965 = arith.constant 4 : i32
      %get3A_966 = arith.index_cast %get3A_964 : i32 to index
      %get3A_967 = arith.index_cast %get3A_965 : i32 to index
      %get3A_968 = arith.constant 32 : index
      %get3A_969 = tpu.vector_load %arg9[%get3A_966, %get3A_967, %get3A_968] {strides = array<i32>} : memref<2x50x64xf32, #tpu.memory_space<vmem>>, vector<1x1x16xf32>,
      %get3A_970 = vector.shape_cast %get3A_969 : vector<1x1x16xf32> to vector<16xf32>
      %add3A_971 = arith.addf %add3A_963, %get3A_970 : vector<16xf32>
      %get3A_972 = arith.constant 0 : i32
      %get3A_973 = arith.constant 5 : i32
      %get3A_974 = arith.index_cast %get3A_972 : i32 to index
      %get3A_975 = arith.index_cast %get3A_973 : i32 to index
      %get3A_976 = arith.constant 32 : index
      %get3A_977 = tpu.vector_load %arg9[%get3A_974, %get3A_975, %get3A_976] {strides = array<i32>} : memref<2x50x64xf32, #tpu.memory_space<vmem>>, vector<1x1x16xf32>,
      %get3A_978 = vector.shape_cast %get3A_977 : vector<1x1x16xf32> to vector<16xf32>
      %add3A_979 = arith.addf %add3A_971, %get3A_978 : vector<16xf32>
      %get3A_980 = arith.constant 0 : i32
      %get3A_981 = arith.constant 6 : i32
      %get3A_982 = arith.index_cast %get3A_980 : i32 to index
      %get3A_983 = arith.index_cast %get3A_981 : i32 to index
      %get3A_984 = arith.constant 32 : index
      %get3A_985 = tpu.vector_load %arg9[%get3A_982, %get3A_983, %get3A_984] {strides = array<i32>} : memref<2x50x64xf32, #tpu.memory_space<vmem>>, vector<1x1x16xf32>,
      %get3A_986 = vector.shape_cast %get3A_985 : vector<1x1x16xf32> to vector<16xf32>
      %add3A_987 = arith.addf %add3A_979, %get3A_986 : vector<16xf32>
      %get3A_988 = arith.constant 0 : i32
      %get3A_989 = arith.constant 7 : i32
      %get3A_990 = arith.index_cast %get3A_988 : i32 to index
      %get3A_991 = arith.index_cast %get3A_989 : i32 to index
      %get3A_992 = arith.constant 32 : index
      %get3A_993 = tpu.vector_load %arg9[%get3A_990, %get3A_991, %get3A_992] {strides = array<i32>} : memref<2x50x64xf32, #tpu.memory_space<vmem>>, vector<1x1x16xf32>,
      %get3A_994 = vector.shape_cast %get3A_993 : vector<1x1x16xf32> to vector<16xf32>
      %add3A_995 = arith.addf %add3A_987, %get3A_994 : vector<16xf32>
      %get3A_996 = arith.constant 0 : i32
      %get3A_997 = arith.constant 8 : i32
      %get3A_998 = arith.index_cast %get3A_996 : i32 to index
      %get3A_999 = arith.index_cast %get3A_997 : i32 to index
      %get3A_1000 = arith.constant 32 : index
      %get3A_1001 = tpu.vector_load %arg9[%get3A_998, %get3A_999, %get3A_1000] {strides = array<i32>} : memref<2x50x64xf32, #tpu.memory_space<vmem>>, vector<1x1x16xf32>,
      %get3A_1002 = vector.shape_cast %get3A_1001 : vector<1x1x16xf32> to vector<16xf32>
      %add3A_1003 = arith.addf %add3A_995, %get3A_1002 : vector<16xf32>
      %get3A_1004 = arith.constant 0 : i32
      %get3A_1005 = arith.constant 9 : i32
      %get3A_1006 = arith.index_cast %get3A_1004 : i32 to index
      %get3A_1007 = arith.index_cast %get3A_1005 : i32 to index
      %get3A_1008 = arith.constant 32 : index
      %get3A_1009 = tpu.vector_load %arg9[%get3A_1006, %get3A_1007, %get3A_1008] {strides = array<i32>} : memref<2x50x64xf32, #tpu.memory_space<vmem>>, vector<1x1x16xf32>,
      %get3A_1010 = vector.shape_cast %get3A_1009 : vector<1x1x16xf32> to vector<16xf32>
      %add3A_1011 = arith.addf %add3A_1003, %get3A_1010 : vector<16xf32>
      %get3A_1012 = arith.constant 0 : i32
      %get3A_1013 = arith.constant 10 : i32
      %get3A_1014 = arith.index_cast %get3A_1012 : i32 to index
      %get3A_1015 = arith.index_cast %get3A_1013 : i32 to index
      %get3A_1016 = arith.constant 32 : index
      %get3A_1017 = tpu.vector_load %arg9[%get3A_1014, %get3A_1015, %get3A_1016] {strides = array<i32>} : memref<2x50x64xf32, #tpu.memory_space<vmem>>, vector<1x1x16xf32>,
      %get3A_1018 = vector.shape_cast %get3A_1017 : vector<1x1x16xf32> to vector<16xf32>
      %add3A_1019 = arith.addf %add3A_1011, %get3A_1018 : vector<16xf32>
      %get3A_1020 = arith.constant 0 : i32
      %get3A_1021 = arith.constant 11 : i32
      %get3A_1022 = arith.index_cast %get3A_1020 : i32 to index
      %get3A_1023 = arith.index_cast %get3A_1021 : i32 to index
      %get3A_1024 = arith.constant 32 : index
      %get3A_1025 = tpu.vector_load %arg9[%get3A_1022, %get3A_1023, %get3A_1024] {strides = array<i32>} : memref<2x50x64xf32, #tpu.memory_space<vmem>>, vector<1x1x16xf32>,
      %get3A_1026 = vector.shape_cast %get3A_1025 : vector<1x1x16xf32> to vector<16xf32>
      %add3A_1027 = arith.addf %add3A_1019, %get3A_1026 : vector<16xf32>
      %get3A_1028 = arith.constant 0 : i32
      %get3A_1029 = arith.constant 12 : i32
      %get3A_1030 = arith.index_cast %get3A_1028 : i32 to index
      %get3A_1031 = arith.index_cast %get3A_1029 : i32 to index
      %get3A_1032 = arith.constant 32 : index
      %get3A_1033 = tpu.vector_load %arg9[%get3A_1030, %get3A_1031, %get3A_1032] {strides = array<i32>} : memref<2x50x64xf32, #tpu.memory_space<vmem>>, vector<1x1x16xf32>,
      %get3A_1034 = vector.shape_cast %get3A_1033 : vector<1x1x16xf32> to vector<16xf32>
      %add3A_1035 = arith.addf %add3A_1027, %get3A_1034 : vector<16xf32>
      %get3A_1036 = arith.constant 0 : i32
      %get3A_1037 = arith.constant 13 : i32
      %get3A_1038 = arith.index_cast %get3A_1036 : i32 to index
      %get3A_1039 = arith.index_cast %get3A_1037 : i32 to index
      %get3A_1040 = arith.constant 32 : index
      %get3A_1041 = tpu.vector_load %arg9[%get3A_1038, %get3A_1039, %get3A_1040] {strides = array<i32>} : memref<2x50x64xf32, #tpu.memory_space<vmem>>, vector<1x1x16xf32>,
      %get3A_1042 = vector.shape_cast %get3A_1041 : vector<1x1x16xf32> to vector<16xf32>
      %add3A_1043 = arith.addf %add3A_1035, %get3A_1042 : vector<16xf32>
      %get3A_1044 = arith.constant 0 : i32
      %get3A_1045 = arith.constant 14 : i32
      %get3A_1046 = arith.index_cast %get3A_1044 : i32 to index
      %get3A_1047 = arith.index_cast %get3A_1045 : i32 to index
      %get3A_1048 = arith.constant 32 : index
      %get3A_1049 = tpu.vector_load %arg9[%get3A_1046, %get3A_1047, %get3A_1048] {strides = array<i32>} : memref<2x50x64xf32, #tpu.memory_space<vmem>>, vector<1x1x16xf32>,
      %get3A_1050 = vector.shape_cast %get3A_1049 : vector<1x1x16xf32> to vector<16xf32>
      %add3A_1051 = arith.addf %add3A_1043, %get3A_1050 : vector<16xf32>
      %get3A_1052 = arith.constant 0 : i32
      %get3A_1053 = arith.constant 15 : i32
      %get3A_1054 = arith.index_cast %get3A_1052 : i32 to index
      %get3A_1055 = arith.index_cast %get3A_1053 : i32 to index
      %get3A_1056 = arith.constant 32 : index
      %get3A_1057 = tpu.vector_load %arg9[%get3A_1054, %get3A_1055, %get3A_1056] {strides = array<i32>} : memref<2x50x64xf32, #tpu.memory_space<vmem>>, vector<1x1x16xf32>,
      %get3A_1058 = vector.shape_cast %get3A_1057 : vector<1x1x16xf32> to vector<16xf32>
      %add3A_1059 = arith.addf %add3A_1051, %get3A_1058 : vector<16xf32>
      %get3A_1060 = arith.constant 0 : i32
      %get3A_1061 = arith.constant 16 : i32
      %get3A_1062 = arith.index_cast %get3A_1060 : i32 to index
      %get3A_1063 = arith.index_cast %get3A_1061 : i32 to index
      %get3A_1064 = arith.constant 32 : index
      %get3A_1065 = tpu.vector_load %arg9[%get3A_1062, %get3A_1063, %get3A_1064] {strides = array<i32>} : memref<2x50x64xf32, #tpu.memory_space<vmem>>, vector<1x1x16xf32>,
      %get3A_1066 = vector.shape_cast %get3A_1065 : vector<1x1x16xf32> to vector<16xf32>
      %add3A_1067 = arith.addf %add3A_1059, %get3A_1066 : vector<16xf32>
      %get3A_1068 = arith.constant 0 : i32
      %get3A_1069 = arith.constant 17 : i32
      %get3A_1070 = arith.index_cast %get3A_1068 : i32 to index
      %get3A_1071 = arith.index_cast %get3A_1069 : i32 to index
      %get3A_1072 = arith.constant 32 : index
      %get3A_1073 = tpu.vector_load %arg9[%get3A_1070, %get3A_1071, %get3A_1072] {strides = array<i32>} : memref<2x50x64xf32, #tpu.memory_space<vmem>>, vector<1x1x16xf32>,
      %get3A_1074 = vector.shape_cast %get3A_1073 : vector<1x1x16xf32> to vector<16xf32>
      %add3A_1075 = arith.addf %add3A_1067, %get3A_1074 : vector<16xf32>
      %get3A_1076 = arith.constant 0 : i32
      %get3A_1077 = arith.constant 18 : i32
      %get3A_1078 = arith.index_cast %get3A_1076 : i32 to index
      %get3A_1079 = arith.index_cast %get3A_1077 : i32 to index
      %get3A_1080 = arith.constant 32 : index
      %get3A_1081 = tpu.vector_load %arg9[%get3A_1078, %get3A_1079, %get3A_1080] {strides = array<i32>} : memref<2x50x64xf32, #tpu.memory_space<vmem>>, vector<1x1x16xf32>,
      %get3A_1082 = vector.shape_cast %get3A_1081 : vector<1x1x16xf32> to vector<16xf32>
      %add3A_1083 = arith.addf %add3A_1075, %get3A_1082 : vector<16xf32>
      %get3A_1084 = arith.constant 0 : i32
      %get3A_1085 = arith.constant 19 : i32
      %get3A_1086 = arith.index_cast %get3A_1084 : i32 to index
      %get3A_1087 = arith.index_cast %get3A_1085 : i32 to index
      %get3A_1088 = arith.constant 32 : index
      %get3A_1089 = tpu.vector_load %arg9[%get3A_1086, %get3A_1087, %get3A_1088] {strides = array<i32>} : memref<2x50x64xf32, #tpu.memory_space<vmem>>, vector<1x1x16xf32>,
      %get3A_1090 = vector.shape_cast %get3A_1089 : vector<1x1x16xf32> to vector<16xf32>
      %add3A_1091 = arith.addf %add3A_1083, %get3A_1090 : vector<16xf32>
      %get3A_1092 = arith.constant 0 : i32
      %get3A_1093 = arith.constant 20 : i32
      %get3A_1094 = arith.index_cast %get3A_1092 : i32 to index
      %get3A_1095 = arith.index_cast %get3A_1093 : i32 to index
      %get3A_1096 = arith.constant 32 : index
      %get3A_1097 = tpu.vector_load %arg9[%get3A_1094, %get3A_1095, %get3A_1096] {strides = array<i32>} : memref<2x50x64xf32, #tpu.memory_space<vmem>>, vector<1x1x16xf32>,
      %get3A_1098 = vector.shape_cast %get3A_1097 : vector<1x1x16xf32> to vector<16xf32>
      %add3A_1099 = arith.addf %add3A_1091, %get3A_1098 : vector<16xf32>
      %get3A_1100 = arith.constant 0 : i32
      %get3A_1101 = arith.constant 21 : i32
      %get3A_1102 = arith.index_cast %get3A_1100 : i32 to index
      %get3A_1103 = arith.index_cast %get3A_1101 : i32 to index
      %get3A_1104 = arith.constant 32 : index
      %get3A_1105 = tpu.vector_load %arg9[%get3A_1102, %get3A_1103, %get3A_1104] {strides = array<i32>} : memref<2x50x64xf32, #tpu.memory_space<vmem>>, vector<1x1x16xf32>,
      %get3A_1106 = vector.shape_cast %get3A_1105 : vector<1x1x16xf32> to vector<16xf32>
      %add3A_1107 = arith.addf %add3A_1099, %get3A_1106 : vector<16xf32>
      %get3A_1108 = arith.constant 0 : i32
      %get3A_1109 = arith.constant 22 : i32
      %get3A_1110 = arith.index_cast %get3A_1108 : i32 to index
      %get3A_1111 = arith.index_cast %get3A_1109 : i32 to index
      %get3A_1112 = arith.constant 32 : index
      %get3A_1113 = tpu.vector_load %arg9[%get3A_1110, %get3A_1111, %get3A_1112] {strides = array<i32>} : memref<2x50x64xf32, #tpu.memory_space<vmem>>, vector<1x1x16xf32>,
      %get3A_1114 = vector.shape_cast %get3A_1113 : vector<1x1x16xf32> to vector<16xf32>
      %add3A_1115 = arith.addf %add3A_1107, %get3A_1114 : vector<16xf32>
      %get3A_1116 = arith.constant 0 : i32
      %get3A_1117 = arith.constant 23 : i32
      %get3A_1118 = arith.index_cast %get3A_1116 : i32 to index
      %get3A_1119 = arith.index_cast %get3A_1117 : i32 to index
      %get3A_1120 = arith.constant 32 : index
      %get3A_1121 = tpu.vector_load %arg9[%get3A_1118, %get3A_1119, %get3A_1120] {strides = array<i32>} : memref<2x50x64xf32, #tpu.memory_space<vmem>>, vector<1x1x16xf32>,
      %get3A_1122 = vector.shape_cast %get3A_1121 : vector<1x1x16xf32> to vector<16xf32>
      %add3A_1123 = arith.addf %add3A_1115, %get3A_1122 : vector<16xf32>
      %get3A_1124 = arith.constant 0 : i32
      %get3A_1125 = arith.constant 24 : i32
      %get3A_1126 = arith.index_cast %get3A_1124 : i32 to index
      %get3A_1127 = arith.index_cast %get3A_1125 : i32 to index
      %get3A_1128 = arith.constant 32 : index
      %get3A_1129 = tpu.vector_load %arg9[%get3A_1126, %get3A_1127, %get3A_1128] {strides = array<i32>} : memref<2x50x64xf32, #tpu.memory_space<vmem>>, vector<1x1x16xf32>,
      %get3A_1130 = vector.shape_cast %get3A_1129 : vector<1x1x16xf32> to vector<16xf32>
      %add3A_1131 = arith.addf %add3A_1123, %get3A_1130 : vector<16xf32>
      %get3A_1132 = arith.constant 0 : i32
      %get3A_1133 = arith.constant 25 : i32
      %get3A_1134 = arith.index_cast %get3A_1132 : i32 to index
      %get3A_1135 = arith.index_cast %get3A_1133 : i32 to index
      %get3A_1136 = arith.constant 32 : index
      %get3A_1137 = tpu.vector_load %arg9[%get3A_1134, %get3A_1135, %get3A_1136] {strides = array<i32>} : memref<2x50x64xf32, #tpu.memory_space<vmem>>, vector<1x1x16xf32>,
      %get3A_1138 = vector.shape_cast %get3A_1137 : vector<1x1x16xf32> to vector<16xf32>
      %add3A_1139 = arith.addf %add3A_1131, %get3A_1138 : vector<16xf32>
      %get3A_1140 = arith.constant 0 : i32
      %get3A_1141 = arith.constant 26 : i32
      %get3A_1142 = arith.index_cast %get3A_1140 : i32 to index
      %get3A_1143 = arith.index_cast %get3A_1141 : i32 to index
      %get3A_1144 = arith.constant 32 : index
      %get3A_1145 = tpu.vector_load %arg9[%get3A_1142, %get3A_1143, %get3A_1144] {strides = array<i32>} : memref<2x50x64xf32, #tpu.memory_space<vmem>>, vector<1x1x16xf32>,
      %get3A_1146 = vector.shape_cast %get3A_1145 : vector<1x1x16xf32> to vector<16xf32>
      %add3A_1147 = arith.addf %add3A_1139, %get3A_1146 : vector<16xf32>
      %get3A_1148 = arith.constant 0 : i32
      %get3A_1149 = arith.constant 27 : i32
      %get3A_1150 = arith.index_cast %get3A_1148 : i32 to index
      %get3A_1151 = arith.index_cast %get3A_1149 : i32 to index
      %get3A_1152 = arith.constant 32 : index
      %get3A_1153 = tpu.vector_load %arg9[%get3A_1150, %get3A_1151, %get3A_1152] {strides = array<i32>} : memref<2x50x64xf32, #tpu.memory_space<vmem>>, vector<1x1x16xf32>,
      %get3A_1154 = vector.shape_cast %get3A_1153 : vector<1x1x16xf32> to vector<16xf32>
      %add3A_1155 = arith.addf %add3A_1147, %get3A_1154 : vector<16xf32>
      %get3A_1156 = arith.constant 0 : i32
      %get3A_1157 = arith.constant 28 : i32
      %get3A_1158 = arith.index_cast %get3A_1156 : i32 to index
      %get3A_1159 = arith.index_cast %get3A_1157 : i32 to index
      %get3A_1160 = arith.constant 32 : index
      %get3A_1161 = tpu.vector_load %arg9[%get3A_1158, %get3A_1159, %get3A_1160] {strides = array<i32>} : memref<2x50x64xf32, #tpu.memory_space<vmem>>, vector<1x1x16xf32>,
      %get3A_1162 = vector.shape_cast %get3A_1161 : vector<1x1x16xf32> to vector<16xf32>
      %add3A_1163 = arith.addf %add3A_1155, %get3A_1162 : vector<16xf32>
      %get3A_1164 = arith.constant 0 : i32
      %get3A_1165 = arith.constant 29 : i32
      %get3A_1166 = arith.index_cast %get3A_1164 : i32 to index
      %get3A_1167 = arith.index_cast %get3A_1165 : i32 to index
      %get3A_1168 = arith.constant 32 : index
      %get3A_1169 = tpu.vector_load %arg9[%get3A_1166, %get3A_1167, %get3A_1168] {strides = array<i32>} : memref<2x50x64xf32, #tpu.memory_space<vmem>>, vector<1x1x16xf32>,
      %get3A_1170 = vector.shape_cast %get3A_1169 : vector<1x1x16xf32> to vector<16xf32>
      %add3A_1171 = arith.addf %add3A_1163, %get3A_1170 : vector<16xf32>
      %get3A_1172 = arith.constant 0 : i32
      %get3A_1173 = arith.constant 30 : i32
      %get3A_1174 = arith.index_cast %get3A_1172 : i32 to index
      %get3A_1175 = arith.index_cast %get3A_1173 : i32 to index
      %get3A_1176 = arith.constant 32 : index
      %get3A_1177 = tpu.vector_load %arg9[%get3A_1174, %get3A_1175, %get3A_1176] {strides = array<i32>} : memref<2x50x64xf32, #tpu.memory_space<vmem>>, vector<1x1x16xf32>,
      %get3A_1178 = vector.shape_cast %get3A_1177 : vector<1x1x16xf32> to vector<16xf32>
      %add3A_1179 = arith.addf %add3A_1171, %get3A_1178 : vector<16xf32>
      %get3A_1180 = arith.constant 0 : i32
      %get3A_1181 = arith.constant 31 : i32
      %get3A_1182 = arith.index_cast %get3A_1180 : i32 to index
      %get3A_1183 = arith.index_cast %get3A_1181 : i32 to index
      %get3A_1184 = arith.constant 32 : index
      %get3A_1185 = tpu.vector_load %arg9[%get3A_1182, %get3A_1183, %get3A_1184] {strides = array<i32>} : memref<2x50x64xf32, #tpu.memory_space<vmem>>, vector<1x1x16xf32>,
      %get3A_1186 = vector.shape_cast %get3A_1185 : vector<1x1x16xf32> to vector<16xf32>
      %add3A_1187 = arith.addf %add3A_1179, %get3A_1186 : vector<16xf32>
      %get3A_1188 = arith.constant 0 : i32
      %get3A_1189 = arith.constant 32 : i32
      %get3A_1190 = arith.index_cast %get3A_1188 : i32 to index
      %get3A_1191 = arith.index_cast %get3A_1189 : i32 to index
      %get3A_1192 = arith.constant 32 : index
      %get3A_1193 = tpu.vector_load %arg9[%get3A_1190, %get3A_1191, %get3A_1192] {strides = array<i32>} : memref<2x50x64xf32, #tpu.memory_space<vmem>>, vector<1x1x16xf32>,
      %get3A_1194 = vector.shape_cast %get3A_1193 : vector<1x1x16xf32> to vector<16xf32>
      %add3A_1195 = arith.addf %add3A_1187, %get3A_1194 : vector<16xf32>
      %get3A_1196 = arith.constant 0 : i32
      %get3A_1197 = arith.constant 33 : i32
      %get3A_1198 = arith.index_cast %get3A_1196 : i32 to index
      %get3A_1199 = arith.index_cast %get3A_1197 : i32 to index
      %get3A_1200 = arith.constant 32 : index
      %get3A_1201 = tpu.vector_load %arg9[%get3A_1198, %get3A_1199, %get3A_1200] {strides = array<i32>} : memref<2x50x64xf32, #tpu.memory_space<vmem>>, vector<1x1x16xf32>,
      %get3A_1202 = vector.shape_cast %get3A_1201 : vector<1x1x16xf32> to vector<16xf32>
      %add3A_1203 = arith.addf %add3A_1195, %get3A_1202 : vector<16xf32>
      %get3A_1204 = arith.constant 0 : i32
      %get3A_1205 = arith.constant 34 : i32
      %get3A_1206 = arith.index_cast %get3A_1204 : i32 to index
      %get3A_1207 = arith.index_cast %get3A_1205 : i32 to index
      %get3A_1208 = arith.constant 32 : index
      %get3A_1209 = tpu.vector_load %arg9[%get3A_1206, %get3A_1207, %get3A_1208] {strides = array<i32>} : memref<2x50x64xf32, #tpu.memory_space<vmem>>, vector<1x1x16xf32>,
      %get3A_1210 = vector.shape_cast %get3A_1209 : vector<1x1x16xf32> to vector<16xf32>
      %add3A_1211 = arith.addf %add3A_1203, %get3A_1210 : vector<16xf32>
      %get3A_1212 = arith.constant 0 : i32
      %get3A_1213 = arith.constant 35 : i32
      %get3A_1214 = arith.index_cast %get3A_1212 : i32 to index
      %get3A_1215 = arith.index_cast %get3A_1213 : i32 to index
      %get3A_1216 = arith.constant 32 : index
      %get3A_1217 = tpu.vector_load %arg9[%get3A_1214, %get3A_1215, %get3A_1216] {strides = array<i32>} : memref<2x50x64xf32, #tpu.memory_space<vmem>>, vector<1x1x16xf32>,
      %get3A_1218 = vector.shape_cast %get3A_1217 : vector<1x1x16xf32> to vector<16xf32>
      %add3A_1219 = arith.addf %add3A_1211, %get3A_1218 : vector<16xf32>
      %get3A_1220 = arith.constant 0 : i32
      %get3A_1221 = arith.constant 36 : i32
      %get3A_1222 = arith.index_cast %get3A_1220 : i32 to index
      %get3A_1223 = arith.index_cast %get3A_1221 : i32 to index
      %get3A_1224 = arith.constant 32 : index
      %get3A_1225 = tpu.vector_load %arg9[%get3A_1222, %get3A_1223, %get3A_1224] {strides = array<i32>} : memref<2x50x64xf32, #tpu.memory_space<vmem>>, vector<1x1x16xf32>,
      %get3A_1226 = vector.shape_cast %get3A_1225 : vector<1x1x16xf32> to vector<16xf32>
      %add3A_1227 = arith.addf %add3A_1219, %get3A_1226 : vector<16xf32>
      %get3A_1228 = arith.constant 0 : i32
      %get3A_1229 = arith.constant 37 : i32
      %get3A_1230 = arith.index_cast %get3A_1228 : i32 to index
      %get3A_1231 = arith.index_cast %get3A_1229 : i32 to index
      %get3A_1232 = arith.constant 32 : index
      %get3A_1233 = tpu.vector_load %arg9[%get3A_1230, %get3A_1231, %get3A_1232] {strides = array<i32>} : memref<2x50x64xf32, #tpu.memory_space<vmem>>, vector<1x1x16xf32>,
      %get3A_1234 = vector.shape_cast %get3A_1233 : vector<1x1x16xf32> to vector<16xf32>
      %add3A_1235 = arith.addf %add3A_1227, %get3A_1234 : vector<16xf32>
      %get3A_1236 = arith.constant 0 : i32
      %get3A_1237 = arith.constant 38 : i32
      %get3A_1238 = arith.index_cast %get3A_1236 : i32 to index
      %get3A_1239 = arith.index_cast %get3A_1237 : i32 to index
      %get3A_1240 = arith.constant 32 : index
      %get3A_1241 = tpu.vector_load %arg9[%get3A_1238, %get3A_1239, %get3A_1240] {strides = array<i32>} : memref<2x50x64xf32, #tpu.memory_space<vmem>>, vector<1x1x16xf32>,
      %get3A_1242 = vector.shape_cast %get3A_1241 : vector<1x1x16xf32> to vector<16xf32>
      %add3A_1243 = arith.addf %add3A_1235, %get3A_1242 : vector<16xf32>
      %get3A_1244 = arith.constant 0 : i32
      %get3A_1245 = arith.constant 39 : i32
      %get3A_1246 = arith.index_cast %get3A_1244 : i32 to index
      %get3A_1247 = arith.index_cast %get3A_1245 : i32 to index
      %get3A_1248 = arith.constant 32 : index
      %get3A_1249 = tpu.vector_load %arg9[%get3A_1246, %get3A_1247, %get3A_1248] {strides = array<i32>} : memref<2x50x64xf32, #tpu.memory_space<vmem>>, vector<1x1x16xf32>,
      %get3A_1250 = vector.shape_cast %get3A_1249 : vector<1x1x16xf32> to vector<16xf32>
      %add3A_1251 = arith.addf %add3A_1243, %get3A_1250 : vector<16xf32>
      %get3A_1252 = arith.constant 0 : i32
      %get3A_1253 = arith.constant 40 : i32
      %get3A_1254 = arith.index_cast %get3A_1252 : i32 to index
      %get3A_1255 = arith.index_cast %get3A_1253 : i32 to index
      %get3A_1256 = arith.constant 32 : index
      %get3A_1257 = tpu.vector_load %arg9[%get3A_1254, %get3A_1255, %get3A_1256] {strides = array<i32>} : memref<2x50x64xf32, #tpu.memory_space<vmem>>, vector<1x1x16xf32>,
      %get3A_1258 = vector.shape_cast %get3A_1257 : vector<1x1x16xf32> to vector<16xf32>
      %add3A_1259 = arith.addf %add3A_1251, %get3A_1258 : vector<16xf32>
      %get3A_1260 = arith.constant 0 : i32
      %get3A_1261 = arith.constant 41 : i32
      %get3A_1262 = arith.index_cast %get3A_1260 : i32 to index
      %get3A_1263 = arith.index_cast %get3A_1261 : i32 to index
      %get3A_1264 = arith.constant 32 : index
      %get3A_1265 = tpu.vector_load %arg9[%get3A_1262, %get3A_1263, %get3A_1264] {strides = array<i32>} : memref<2x50x64xf32, #tpu.memory_space<vmem>>, vector<1x1x16xf32>,
      %get3A_1266 = vector.shape_cast %get3A_1265 : vector<1x1x16xf32> to vector<16xf32>
      %add3A_1267 = arith.addf %add3A_1259, %get3A_1266 : vector<16xf32>
      %get3A_1268 = arith.constant 0 : i32
      %get3A_1269 = arith.constant 42 : i32
      %get3A_1270 = arith.index_cast %get3A_1268 : i32 to index
      %get3A_1271 = arith.index_cast %get3A_1269 : i32 to index
      %get3A_1272 = arith.constant 32 : index
      %get3A_1273 = tpu.vector_load %arg9[%get3A_1270, %get3A_1271, %get3A_1272] {strides = array<i32>} : memref<2x50x64xf32, #tpu.memory_space<vmem>>, vector<1x1x16xf32>,
      %get3A_1274 = vector.shape_cast %get3A_1273 : vector<1x1x16xf32> to vector<16xf32>
      %add3A_1275 = arith.addf %add3A_1267, %get3A_1274 : vector<16xf32>
      %get3A_1276 = arith.constant 0 : i32
      %get3A_1277 = arith.constant 43 : i32
      %get3A_1278 = arith.index_cast %get3A_1276 : i32 to index
      %get3A_1279 = arith.index_cast %get3A_1277 : i32 to index
      %get3A_1280 = arith.constant 32 : index
      %get3A_1281 = tpu.vector_load %arg9[%get3A_1278, %get3A_1279, %get3A_1280] {strides = array<i32>} : memref<2x50x64xf32, #tpu.memory_space<vmem>>, vector<1x1x16xf32>,
      %get3A_1282 = vector.shape_cast %get3A_1281 : vector<1x1x16xf32> to vector<16xf32>
      %add3A_1283 = arith.addf %add3A_1275, %get3A_1282 : vector<16xf32>
      %get3A_1284 = arith.constant 0 : i32
      %get3A_1285 = arith.constant 44 : i32
      %get3A_1286 = arith.index_cast %get3A_1284 : i32 to index
      %get3A_1287 = arith.index_cast %get3A_1285 : i32 to index
      %get3A_1288 = arith.constant 32 : index
      %get3A_1289 = tpu.vector_load %arg9[%get3A_1286, %get3A_1287, %get3A_1288] {strides = array<i32>} : memref<2x50x64xf32, #tpu.memory_space<vmem>>, vector<1x1x16xf32>,
      %get3A_1290 = vector.shape_cast %get3A_1289 : vector<1x1x16xf32> to vector<16xf32>
      %add3A_1291 = arith.addf %add3A_1283, %get3A_1290 : vector<16xf32>
      %get3A_1292 = arith.constant 0 : i32
      %get3A_1293 = arith.constant 45 : i32
      %get3A_1294 = arith.index_cast %get3A_1292 : i32 to index
      %get3A_1295 = arith.index_cast %get3A_1293 : i32 to index
      %get3A_1296 = arith.constant 32 : index
      %get3A_1297 = tpu.vector_load %arg9[%get3A_1294, %get3A_1295, %get3A_1296] {strides = array<i32>} : memref<2x50x64xf32, #tpu.memory_space<vmem>>, vector<1x1x16xf32>,
      %get3A_1298 = vector.shape_cast %get3A_1297 : vector<1x1x16xf32> to vector<16xf32>
      %add3A_1299 = arith.addf %add3A_1291, %get3A_1298 : vector<16xf32>
      %get3A_1300 = arith.constant 0 : i32
      %get3A_1301 = arith.constant 46 : i32
      %get3A_1302 = arith.index_cast %get3A_1300 : i32 to index
      %get3A_1303 = arith.index_cast %get3A_1301 : i32 to index
      %get3A_1304 = arith.constant 32 : index
      %get3A_1305 = tpu.vector_load %arg9[%get3A_1302, %get3A_1303, %get3A_1304] {strides = array<i32>} : memref<2x50x64xf32, #tpu.memory_space<vmem>>, vector<1x1x16xf32>,
      %get3A_1306 = vector.shape_cast %get3A_1305 : vector<1x1x16xf32> to vector<16xf32>
      %add3A_1307 = arith.addf %add3A_1299, %get3A_1306 : vector<16xf32>
      %get3A_1308 = arith.constant 0 : i32
      %get3A_1309 = arith.constant 47 : i32
      %get3A_1310 = arith.index_cast %get3A_1308 : i32 to index
      %get3A_1311 = arith.index_cast %get3A_1309 : i32 to index
      %get3A_1312 = arith.constant 32 : index
      %get3A_1313 = tpu.vector_load %arg9[%get3A_1310, %get3A_1311, %get3A_1312] {strides = array<i32>} : memref<2x50x64xf32, #tpu.memory_space<vmem>>, vector<1x1x16xf32>,
      %get3A_1314 = vector.shape_cast %get3A_1313 : vector<1x1x16xf32> to vector<16xf32>
      %add3A_1315 = arith.addf %add3A_1307, %get3A_1314 : vector<16xf32>
      %get3A_1316 = arith.constant 0 : i32
      %get3A_1317 = arith.constant 48 : i32
      %get3A_1318 = arith.index_cast %get3A_1316 : i32 to index
      %get3A_1319 = arith.index_cast %get3A_1317 : i32 to index
      %get3A_1320 = arith.constant 32 : index
      %get3A_1321 = tpu.vector_load %arg9[%get3A_1318, %get3A_1319, %get3A_1320] {strides = array<i32>} : memref<2x50x64xf32, #tpu.memory_space<vmem>>, vector<1x1x16xf32>,
      %get3A_1322 = vector.shape_cast %get3A_1321 : vector<1x1x16xf32> to vector<16xf32>
      %add3A_1323 = arith.addf %add3A_1315, %get3A_1322 : vector<16xf32>
      %get3A_1324 = arith.constant 0 : i32
      %get3A_1325 = arith.constant 49 : i32
      %get3A_1326 = arith.index_cast %get3A_1324 : i32 to index
      %get3A_1327 = arith.index_cast %get3A_1325 : i32 to index
      %get3A_1328 = arith.constant 32 : index
      %get3A_1329 = tpu.vector_load %arg9[%get3A_1326, %get3A_1327, %get3A_1328] {strides = array<i32>} : memref<2x50x64xf32, #tpu.memory_space<vmem>>, vector<1x1x16xf32>,
      %get3A_1330 = vector.shape_cast %get3A_1329 : vector<1x1x16xf32> to vector<16xf32>
      %add3A_1331 = arith.addf %add3A_1323, %get3A_1330 : vector<16xf32>
      %swap3A_1332 = arith.index_cast %mul3A_102 : i32 to index
      %swap3A_1333 = arith.constant 32 : index
      %swap3A_1334 = tpu.vector_load %arg10[%swap3A_1332, %swap3A_1333] {strides = array<i32>} : memref<512x64xf32, #tpu.memory_space<vmem>>, vector<1x16xf32>,
      %swap3A_1335 = vector.shape_cast %swap3A_1334 : vector<1x16xf32> to vector<16xf32>
      %swap3A_1336 = vector.shape_cast %add3A_1331 : vector<16xf32> to vector<1x16xf32>
      tpu.vector_store %arg10[%swap3A_1332, %swap3A_1333], %swap3A_1336 {strides = array<i32>} : memref<512x64xf32, #tpu.memory_space<vmem>>, vector<1x16xf32>,
      %get3A_1337 = arith.constant 0 : i32
      %get3A_1338 = arith.constant 0 : i32
      %get3A_1339 = arith.index_cast %get3A_1337 : i32 to index
      %get3A_1340 = arith.index_cast %get3A_1338 : i32 to index
      %get3A_1341 = arith.constant 48 : index
      %get3A_1342 = tpu.vector_load %arg9[%get3A_1339, %get3A_1340, %get3A_1341] {strides = array<i32>} : memref<2x50x64xf32, #tpu.memory_space<vmem>>, vector<1x1x16xf32>,
      %get3A_1343 = vector.shape_cast %get3A_1342 : vector<1x1x16xf32> to vector<16xf32>
      %get3A_1344 = arith.constant 0 : i32
      %get3A_1345 = arith.constant 1 : i32
      %get3A_1346 = arith.index_cast %get3A_1344 : i32 to index
      %get3A_1347 = arith.index_cast %get3A_1345 : i32 to index
      %get3A_1348 = arith.constant 48 : index
      %get3A_1349 = tpu.vector_load %arg9[%get3A_1346, %get3A_1347, %get3A_1348] {strides = array<i32>} : memref<2x50x64xf32, #tpu.memory_space<vmem>>, vector<1x1x16xf32>,
      %get3A_1350 = vector.shape_cast %get3A_1349 : vector<1x1x16xf32> to vector<16xf32>
      %add3A_1351 = arith.addf %get3A_1343, %get3A_1350 : vector<16xf32>
      %get3A_1352 = arith.constant 0 : i32
      %get3A_1353 = arith.constant 2 : i32
      %get3A_1354 = arith.index_cast %get3A_1352 : i32 to index
      %get3A_1355 = arith.index_cast %get3A_1353 : i32 to index
      %get3A_1356 = arith.constant 48 : index
      %get3A_1357 = tpu.vector_load %arg9[%get3A_1354, %get3A_1355, %get3A_1356] {strides = array<i32>} : memref<2x50x64xf32, #tpu.memory_space<vmem>>, vector<1x1x16xf32>,
      %get3A_1358 = vector.shape_cast %get3A_1357 : vector<1x1x16xf32> to vector<16xf32>
      %add3A_1359 = arith.addf %add3A_1351, %get3A_1358 : vector<16xf32>
      %get3A_1360 = arith.constant 0 : i32
      %get3A_1361 = arith.constant 3 : i32
      %get3A_1362 = arith.index_cast %get3A_1360 : i32 to index
      %get3A_1363 = arith.index_cast %get3A_1361 : i32 to index
      %get3A_1364 = arith.constant 48 : index
      %get3A_1365 = tpu.vector_load %arg9[%get3A_1362, %get3A_1363, %get3A_1364] {strides = array<i32>} : memref<2x50x64xf32, #tpu.memory_space<vmem>>, vector<1x1x16xf32>,
      %get3A_1366 = vector.shape_cast %get3A_1365 : vector<1x1x16xf32> to vector<16xf32>
      %add3A_1367 = arith.addf %add3A_1359, %get3A_1366 : vector<16xf32>
      %get3A_1368 = arith.constant 0 : i32
      %get3A_1369 = arith.constant 4 : i32
      %get3A_1370 = arith.index_cast %get3A_1368 : i32 to index
      %get3A_1371 = arith.index_cast %get3A_1369 : i32 to index
      %get3A_1372 = arith.constant 48 : index
      %get3A_1373 = tpu.vector_load %arg9[%get3A_1370, %get3A_1371, %get3A_1372] {strides = array<i32>} : memref<2x50x64xf32, #tpu.memory_space<vmem>>, vector<1x1x16xf32>,
      %get3A_1374 = vector.shape_cast %get3A_1373 : vector<1x1x16xf32> to vector<16xf32>
      %add3A_1375 = arith.addf %add3A_1367, %get3A_1374 : vector<16xf32>
      %get3A_1376 = arith.constant 0 : i32
      %get3A_1377 = arith.constant 5 : i32
      %get3A_1378 = arith.index_cast %get3A_1376 : i32 to index
      %get3A_1379 = arith.index_cast %get3A_1377 : i32 to index
      %get3A_1380 = arith.constant 48 : index
      %get3A_1381 = tpu.vector_load %arg9[%get3A_1378, %get3A_1379, %get3A_1380] {strides = array<i32>} : memref<2x50x64xf32, #tpu.memory_space<vmem>>, vector<1x1x16xf32>,
      %get3A_1382 = vector.shape_cast %get3A_1381 : vector<1x1x16xf32> to vector<16xf32>
      %add3A_1383 = arith.addf %add3A_1375, %get3A_1382 : vector<16xf32>
      %get3A_1384 = arith.constant 0 : i32
      %get3A_1385 = arith.constant 6 : i32
      %get3A_1386 = arith.index_cast %get3A_1384 : i32 to index
      %get3A_1387 = arith.index_cast %get3A_1385 : i32 to index
      %get3A_1388 = arith.constant 48 : index
      %get3A_1389 = tpu.vector_load %arg9[%get3A_1386, %get3A_1387, %get3A_1388] {strides = array<i32>} : memref<2x50x64xf32, #tpu.memory_space<vmem>>, vector<1x1x16xf32>,
      %get3A_1390 = vector.shape_cast %get3A_1389 : vector<1x1x16xf32> to vector<16xf32>
      %add3A_1391 = arith.addf %add3A_1383, %get3A_1390 : vector<16xf32>
      %get3A_1392 = arith.constant 0 : i32
      %get3A_1393 = arith.constant 7 : i32
      %get3A_1394 = arith.index_cast %get3A_1392 : i32 to index
      %get3A_1395 = arith.index_cast %get3A_1393 : i32 to index
      %get3A_1396 = arith.constant 48 : index
      %get3A_1397 = tpu.vector_load %arg9[%get3A_1394, %get3A_1395, %get3A_1396] {strides = array<i32>} : memref<2x50x64xf32, #tpu.memory_space<vmem>>, vector<1x1x16xf32>,
      %get3A_1398 = vector.shape_cast %get3A_1397 : vector<1x1x16xf32> to vector<16xf32>
      %add3A_1399 = arith.addf %add3A_1391, %get3A_1398 : vector<16xf32>
      %get3A_1400 = arith.constant 0 : i32
      %get3A_1401 = arith.constant 8 : i32
      %get3A_1402 = arith.index_cast %get3A_1400 : i32 to index
      %get3A_1403 = arith.index_cast %get3A_1401 : i32 to index
      %get3A_1404 = arith.constant 48 : index
      %get3A_1405 = tpu.vector_load %arg9[%get3A_1402, %get3A_1403, %get3A_1404] {strides = array<i32>} : memref<2x50x64xf32, #tpu.memory_space<vmem>>, vector<1x1x16xf32>,
      %get3A_1406 = vector.shape_cast %get3A_1405 : vector<1x1x16xf32> to vector<16xf32>
      %add3A_1407 = arith.addf %add3A_1399, %get3A_1406 : vector<16xf32>
      %get3A_1408 = arith.constant 0 : i32
      %get3A_1409 = arith.constant 9 : i32
      %get3A_1410 = arith.index_cast %get3A_1408 : i32 to index
      %get3A_1411 = arith.index_cast %get3A_1409 : i32 to index
      %get3A_1412 = arith.constant 48 : index
      %get3A_1413 = tpu.vector_load %arg9[%get3A_1410, %get3A_1411, %get3A_1412] {strides = array<i32>} : memref<2x50x64xf32, #tpu.memory_space<vmem>>, vector<1x1x16xf32>,
      %get3A_1414 = vector.shape_cast %get3A_1413 : vector<1x1x16xf32> to vector<16xf32>
      %add3A_1415 = arith.addf %add3A_1407, %get3A_1414 : vector<16xf32>
      %get3A_1416 = arith.constant 0 : i32
      %get3A_1417 = arith.constant 10 : i32
      %get3A_1418 = arith.index_cast %get3A_1416 : i32 to index
      %get3A_1419 = arith.index_cast %get3A_1417 : i32 to index
      %get3A_1420 = arith.constant 48 : index
      %get3A_1421 = tpu.vector_load %arg9[%get3A_1418, %get3A_1419, %get3A_1420] {strides = array<i32>} : memref<2x50x64xf32, #tpu.memory_space<vmem>>, vector<1x1x16xf32>,
      %get3A_1422 = vector.shape_cast %get3A_1421 : vector<1x1x16xf32> to vector<16xf32>
      %add3A_1423 = arith.addf %add3A_1415, %get3A_1422 : vector<16xf32>
      %get3A_1424 = arith.constant 0 : i32
      %get3A_1425 = arith.constant 11 : i32
      %get3A_1426 = arith.index_cast %get3A_1424 : i32 to index
      %get3A_1427 = arith.index_cast %get3A_1425 : i32 to index
      %get3A_1428 = arith.constant 48 : index
      %get3A_1429 = tpu.vector_load %arg9[%get3A_1426, %get3A_1427, %get3A_1428] {strides = array<i32>} : memref<2x50x64xf32, #tpu.memory_space<vmem>>, vector<1x1x16xf32>,
      %get3A_1430 = vector.shape_cast %get3A_1429 : vector<1x1x16xf32> to vector<16xf32>
      %add3A_1431 = arith.addf %add3A_1423, %get3A_1430 : vector<16xf32>
      %get3A_1432 = arith.constant 0 : i32
      %get3A_1433 = arith.constant 12 : i32
      %get3A_1434 = arith.index_cast %get3A_1432 : i32 to index
      %get3A_1435 = arith.index_cast %get3A_1433 : i32 to index
      %get3A_1436 = arith.constant 48 : index
      %get3A_1437 = tpu.vector_load %arg9[%get3A_1434, %get3A_1435, %get3A_1436] {strides = array<i32>} : memref<2x50x64xf32, #tpu.memory_space<vmem>>, vector<1x1x16xf32>,
      %get3A_1438 = vector.shape_cast %get3A_1437 : vector<1x1x16xf32> to vector<16xf32>
      %add3A_1439 = arith.addf %add3A_1431, %get3A_1438 : vector<16xf32>
      %get3A_1440 = arith.constant 0 : i32
      %get3A_1441 = arith.constant 13 : i32
      %get3A_1442 = arith.index_cast %get3A_1440 : i32 to index
      %get3A_1443 = arith.index_cast %get3A_1441 : i32 to index
      %get3A_1444 = arith.constant 48 : index
      %get3A_1445 = tpu.vector_load %arg9[%get3A_1442, %get3A_1443, %get3A_1444] {strides = array<i32>} : memref<2x50x64xf32, #tpu.memory_space<vmem>>, vector<1x1x16xf32>,
      %get3A_1446 = vector.shape_cast %get3A_1445 : vector<1x1x16xf32> to vector<16xf32>
      %add3A_1447 = arith.addf %add3A_1439, %get3A_1446 : vector<16xf32>
      %get3A_1448 = arith.constant 0 : i32
      %get3A_1449 = arith.constant 14 : i32
      %get3A_1450 = arith.index_cast %get3A_1448 : i32 to index
      %get3A_1451 = arith.index_cast %get3A_1449 : i32 to index
      %get3A_1452 = arith.constant 48 : index
      %get3A_1453 = tpu.vector_load %arg9[%get3A_1450, %get3A_1451, %get3A_1452] {strides = array<i32>} : memref<2x50x64xf32, #tpu.memory_space<vmem>>, vector<1x1x16xf32>,
      %get3A_1454 = vector.shape_cast %get3A_1453 : vector<1x1x16xf32> to vector<16xf32>
      %add3A_1455 = arith.addf %add3A_1447, %get3A_1454 : vector<16xf32>
      %get3A_1456 = arith.constant 0 : i32
      %get3A_1457 = arith.constant 15 : i32
      %get3A_1458 = arith.index_cast %get3A_1456 : i32 to index
      %get3A_1459 = arith.index_cast %get3A_1457 : i32 to index
      %get3A_1460 = arith.constant 48 : index
      %get3A_1461 = tpu.vector_load %arg9[%get3A_1458, %get3A_1459, %get3A_1460] {strides = array<i32>} : memref<2x50x64xf32, #tpu.memory_space<vmem>>, vector<1x1x16xf32>,
      %get3A_1462 = vector.shape_cast %get3A_1461 : vector<1x1x16xf32> to vector<16xf32>
      %add3A_1463 = arith.addf %add3A_1455, %get3A_1462 : vector<16xf32>
      %get3A_1464 = arith.constant 0 : i32
      %get3A_1465 = arith.constant 16 : i32
      %get3A_1466 = arith.index_cast %get3A_1464 : i32 to index
      %get3A_1467 = arith.index_cast %get3A_1465 : i32 to index
      %get3A_1468 = arith.constant 48 : index
      %get3A_1469 = tpu.vector_load %arg9[%get3A_1466, %get3A_1467, %get3A_1468] {strides = array<i32>} : memref<2x50x64xf32, #tpu.memory_space<vmem>>, vector<1x1x16xf32>,
      %get3A_1470 = vector.shape_cast %get3A_1469 : vector<1x1x16xf32> to vector<16xf32>
      %add3A_1471 = arith.addf %add3A_1463, %get3A_1470 : vector<16xf32>
      %get3A_1472 = arith.constant 0 : i32
      %get3A_1473 = arith.constant 17 : i32
      %get3A_1474 = arith.index_cast %get3A_1472 : i32 to index
      %get3A_1475 = arith.index_cast %get3A_1473 : i32 to index
      %get3A_1476 = arith.constant 48 : index
      %get3A_1477 = tpu.vector_load %arg9[%get3A_1474, %get3A_1475, %get3A_1476] {strides = array<i32>} : memref<2x50x64xf32, #tpu.memory_space<vmem>>, vector<1x1x16xf32>,
      %get3A_1478 = vector.shape_cast %get3A_1477 : vector<1x1x16xf32> to vector<16xf32>
      %add3A_1479 = arith.addf %add3A_1471, %get3A_1478 : vector<16xf32>
      %get3A_1480 = arith.constant 0 : i32
      %get3A_1481 = arith.constant 18 : i32
      %get3A_1482 = arith.index_cast %get3A_1480 : i32 to index
      %get3A_1483 = arith.index_cast %get3A_1481 : i32 to index
      %get3A_1484 = arith.constant 48 : index
      %get3A_1485 = tpu.vector_load %arg9[%get3A_1482, %get3A_1483, %get3A_1484] {strides = array<i32>} : memref<2x50x64xf32, #tpu.memory_space<vmem>>, vector<1x1x16xf32>,
      %get3A_1486 = vector.shape_cast %get3A_1485 : vector<1x1x16xf32> to vector<16xf32>
      %add3A_1487 = arith.addf %add3A_1479, %get3A_1486 : vector<16xf32>
      %get3A_1488 = arith.constant 0 : i32
      %get3A_1489 = arith.constant 19 : i32
      %get3A_1490 = arith.index_cast %get3A_1488 : i32 to index
      %get3A_1491 = arith.index_cast %get3A_1489 : i32 to index
      %get3A_1492 = arith.constant 48 : index
      %get3A_1493 = tpu.vector_load %arg9[%get3A_1490, %get3A_1491, %get3A_1492] {strides = array<i32>} : memref<2x50x64xf32, #tpu.memory_space<vmem>>, vector<1x1x16xf32>,
      %get3A_1494 = vector.shape_cast %get3A_1493 : vector<1x1x16xf32> to vector<16xf32>
      %add3A_1495 = arith.addf %add3A_1487, %get3A_1494 : vector<16xf32>
      %get3A_1496 = arith.constant 0 : i32
      %get3A_1497 = arith.constant 20 : i32
      %get3A_1498 = arith.index_cast %get3A_1496 : i32 to index
      %get3A_1499 = arith.index_cast %get3A_1497 : i32 to index
      %get3A_1500 = arith.constant 48 : index
      %get3A_1501 = tpu.vector_load %arg9[%get3A_1498, %get3A_1499, %get3A_1500] {strides = array<i32>} : memref<2x50x64xf32, #tpu.memory_space<vmem>>, vector<1x1x16xf32>,
      %get3A_1502 = vector.shape_cast %get3A_1501 : vector<1x1x16xf32> to vector<16xf32>
      %add3A_1503 = arith.addf %add3A_1495, %get3A_1502 : vector<16xf32>
      %get3A_1504 = arith.constant 0 : i32
      %get3A_1505 = arith.constant 21 : i32
      %get3A_1506 = arith.index_cast %get3A_1504 : i32 to index
      %get3A_1507 = arith.index_cast %get3A_1505 : i32 to index
      %get3A_1508 = arith.constant 48 : index
      %get3A_1509 = tpu.vector_load %arg9[%get3A_1506, %get3A_1507, %get3A_1508] {strides = array<i32>} : memref<2x50x64xf32, #tpu.memory_space<vmem>>, vector<1x1x16xf32>,
      %get3A_1510 = vector.shape_cast %get3A_1509 : vector<1x1x16xf32> to vector<16xf32>
      %add3A_1511 = arith.addf %add3A_1503, %get3A_1510 : vector<16xf32>
      %get3A_1512 = arith.constant 0 : i32
      %get3A_1513 = arith.constant 22 : i32
      %get3A_1514 = arith.index_cast %get3A_1512 : i32 to index
      %get3A_1515 = arith.index_cast %get3A_1513 : i32 to index
      %get3A_1516 = arith.constant 48 : index
      %get3A_1517 = tpu.vector_load %arg9[%get3A_1514, %get3A_1515, %get3A_1516] {strides = array<i32>} : memref<2x50x64xf32, #tpu.memory_space<vmem>>, vector<1x1x16xf32>,
      %get3A_1518 = vector.shape_cast %get3A_1517 : vector<1x1x16xf32> to vector<16xf32>
      %add3A_1519 = arith.addf %add3A_1511, %get3A_1518 : vector<16xf32>
      %get3A_1520 = arith.constant 0 : i32
      %get3A_1521 = arith.constant 23 : i32
      %get3A_1522 = arith.index_cast %get3A_1520 : i32 to index
      %get3A_1523 = arith.index_cast %get3A_1521 : i32 to index
      %get3A_1524 = arith.constant 48 : index
      %get3A_1525 = tpu.vector_load %arg9[%get3A_1522, %get3A_1523, %get3A_1524] {strides = array<i32>} : memref<2x50x64xf32, #tpu.memory_space<vmem>>, vector<1x1x16xf32>,
      %get3A_1526 = vector.shape_cast %get3A_1525 : vector<1x1x16xf32> to vector<16xf32>
      %add3A_1527 = arith.addf %add3A_1519, %get3A_1526 : vector<16xf32>
      %get3A_1528 = arith.constant 0 : i32
      %get3A_1529 = arith.constant 24 : i32
      %get3A_1530 = arith.index_cast %get3A_1528 : i32 to index
      %get3A_1531 = arith.index_cast %get3A_1529 : i32 to index
      %get3A_1532 = arith.constant 48 : index
      %get3A_1533 = tpu.vector_load %arg9[%get3A_1530, %get3A_1531, %get3A_1532] {strides = array<i32>} : memref<2x50x64xf32, #tpu.memory_space<vmem>>, vector<1x1x16xf32>,
      %get3A_1534 = vector.shape_cast %get3A_1533 : vector<1x1x16xf32> to vector<16xf32>
      %add3A_1535 = arith.addf %add3A_1527, %get3A_1534 : vector<16xf32>
      %get3A_1536 = arith.constant 0 : i32
      %get3A_1537 = arith.constant 25 : i32
      %get3A_1538 = arith.index_cast %get3A_1536 : i32 to index
      %get3A_1539 = arith.index_cast %get3A_1537 : i32 to index
      %get3A_1540 = arith.constant 48 : index
      %get3A_1541 = tpu.vector_load %arg9[%get3A_1538, %get3A_1539, %get3A_1540] {strides = array<i32>} : memref<2x50x64xf32, #tpu.memory_space<vmem>>, vector<1x1x16xf32>,
      %get3A_1542 = vector.shape_cast %get3A_1541 : vector<1x1x16xf32> to vector<16xf32>
      %add3A_1543 = arith.addf %add3A_1535, %get3A_1542 : vector<16xf32>
      %get3A_1544 = arith.constant 0 : i32
      %get3A_1545 = arith.constant 26 : i32
      %get3A_1546 = arith.index_cast %get3A_1544 : i32 to index
      %get3A_1547 = arith.index_cast %get3A_1545 : i32 to index
      %get3A_1548 = arith.constant 48 : index
      %get3A_1549 = tpu.vector_load %arg9[%get3A_1546, %get3A_1547, %get3A_1548] {strides = array<i32>} : memref<2x50x64xf32, #tpu.memory_space<vmem>>, vector<1x1x16xf32>,
      %get3A_1550 = vector.shape_cast %get3A_1549 : vector<1x1x16xf32> to vector<16xf32>
      %add3A_1551 = arith.addf %add3A_1543, %get3A_1550 : vector<16xf32>
      %get3A_1552 = arith.constant 0 : i32
      %get3A_1553 = arith.constant 27 : i32
      %get3A_1554 = arith.index_cast %get3A_1552 : i32 to index
      %get3A_1555 = arith.index_cast %get3A_1553 : i32 to index
      %get3A_1556 = arith.constant 48 : index
      %get3A_1557 = tpu.vector_load %arg9[%get3A_1554, %get3A_1555, %get3A_1556] {strides = array<i32>} : memref<2x50x64xf32, #tpu.memory_space<vmem>>, vector<1x1x16xf32>,
      %get3A_1558 = vector.shape_cast %get3A_1557 : vector<1x1x16xf32> to vector<16xf32>
      %add3A_1559 = arith.addf %add3A_1551, %get3A_1558 : vector<16xf32>
      %get3A_1560 = arith.constant 0 : i32
      %get3A_1561 = arith.constant 28 : i32
      %get3A_1562 = arith.index_cast %get3A_1560 : i32 to index
      %get3A_1563 = arith.index_cast %get3A_1561 : i32 to index
      %get3A_1564 = arith.constant 48 : index
      %get3A_1565 = tpu.vector_load %arg9[%get3A_1562, %get3A_1563, %get3A_1564] {strides = array<i32>} : memref<2x50x64xf32, #tpu.memory_space<vmem>>, vector<1x1x16xf32>,
      %get3A_1566 = vector.shape_cast %get3A_1565 : vector<1x1x16xf32> to vector<16xf32>
      %add3A_1567 = arith.addf %add3A_1559, %get3A_1566 : vector<16xf32>
      %get3A_1568 = arith.constant 0 : i32
      %get3A_1569 = arith.constant 29 : i32
      %get3A_1570 = arith.index_cast %get3A_1568 : i32 to index
      %get3A_1571 = arith.index_cast %get3A_1569 : i32 to index
      %get3A_1572 = arith.constant 48 : index
      %get3A_1573 = tpu.vector_load %arg9[%get3A_1570, %get3A_1571, %get3A_1572] {strides = array<i32>} : memref<2x50x64xf32, #tpu.memory_space<vmem>>, vector<1x1x16xf32>,
      %get3A_1574 = vector.shape_cast %get3A_1573 : vector<1x1x16xf32> to vector<16xf32>
      %add3A_1575 = arith.addf %add3A_1567, %get3A_1574 : vector<16xf32>
      %get3A_1576 = arith.constant 0 : i32
      %get3A_1577 = arith.constant 30 : i32
      %get3A_1578 = arith.index_cast %get3A_1576 : i32 to index
      %get3A_1579 = arith.index_cast %get3A_1577 : i32 to index
      %get3A_1580 = arith.constant 48 : index
      %get3A_1581 = tpu.vector_load %arg9[%get3A_1578, %get3A_1579, %get3A_1580] {strides = array<i32>} : memref<2x50x64xf32, #tpu.memory_space<vmem>>, vector<1x1x16xf32>,
      %get3A_1582 = vector.shape_cast %get3A_1581 : vector<1x1x16xf32> to vector<16xf32>
      %add3A_1583 = arith.addf %add3A_1575, %get3A_1582 : vector<16xf32>
      %get3A_1584 = arith.constant 0 : i32
      %get3A_1585 = arith.constant 31 : i32
      %get3A_1586 = arith.index_cast %get3A_1584 : i32 to index
      %get3A_1587 = arith.index_cast %get3A_1585 : i32 to index
      %get3A_1588 = arith.constant 48 : index
      %get3A_1589 = tpu.vector_load %arg9[%get3A_1586, %get3A_1587, %get3A_1588] {strides = array<i32>} : memref<2x50x64xf32, #tpu.memory_space<vmem>>, vector<1x1x16xf32>,
      %get3A_1590 = vector.shape_cast %get3A_1589 : vector<1x1x16xf32> to vector<16xf32>
      %add3A_1591 = arith.addf %add3A_1583, %get3A_1590 : vector<16xf32>
      %get3A_1592 = arith.constant 0 : i32
      %get3A_1593 = arith.constant 32 : i32
      %get3A_1594 = arith.index_cast %get3A_1592 : i32 to index
      %get3A_1595 = arith.index_cast %get3A_1593 : i32 to index
      %get3A_1596 = arith.constant 48 : index
      %get3A_1597 = tpu.vector_load %arg9[%get3A_1594, %get3A_1595, %get3A_1596] {strides = array<i32>} : memref<2x50x64xf32, #tpu.memory_space<vmem>>, vector<1x1x16xf32>,
      %get3A_1598 = vector.shape_cast %get3A_1597 : vector<1x1x16xf32> to vector<16xf32>
      %add3A_1599 = arith.addf %add3A_1591, %get3A_1598 : vector<16xf32>
      %get3A_1600 = arith.constant 0 : i32
      %get3A_1601 = arith.constant 33 : i32
      %get3A_1602 = arith.index_cast %get3A_1600 : i32 to index
      %get3A_1603 = arith.index_cast %get3A_1601 : i32 to index
      %get3A_1604 = arith.constant 48 : index
      %get3A_1605 = tpu.vector_load %arg9[%get3A_1602, %get3A_1603, %get3A_1604] {strides = array<i32>} : memref<2x50x64xf32, #tpu.memory_space<vmem>>, vector<1x1x16xf32>,
      %get3A_1606 = vector.shape_cast %get3A_1605 : vector<1x1x16xf32> to vector<16xf32>
      %add3A_1607 = arith.addf %add3A_1599, %get3A_1606 : vector<16xf32>
      %get3A_1608 = arith.constant 0 : i32
      %get3A_1609 = arith.constant 34 : i32
      %get3A_1610 = arith.index_cast %get3A_1608 : i32 to index
      %get3A_1611 = arith.index_cast %get3A_1609 : i32 to index
      %get3A_1612 = arith.constant 48 : index
      %get3A_1613 = tpu.vector_load %arg9[%get3A_1610, %get3A_1611, %get3A_1612] {strides = array<i32>} : memref<2x50x64xf32, #tpu.memory_space<vmem>>, vector<1x1x16xf32>,
      %get3A_1614 = vector.shape_cast %get3A_1613 : vector<1x1x16xf32> to vector<16xf32>
      %add3A_1615 = arith.addf %add3A_1607, %get3A_1614 : vector<16xf32>
      %get3A_1616 = arith.constant 0 : i32
      %get3A_1617 = arith.constant 35 : i32
      %get3A_1618 = arith.index_cast %get3A_1616 : i32 to index
      %get3A_1619 = arith.index_cast %get3A_1617 : i32 to index
      %get3A_1620 = arith.constant 48 : index
      %get3A_1621 = tpu.vector_load %arg9[%get3A_1618, %get3A_1619, %get3A_1620] {strides = array<i32>} : memref<2x50x64xf32, #tpu.memory_space<vmem>>, vector<1x1x16xf32>,
      %get3A_1622 = vector.shape_cast %get3A_1621 : vector<1x1x16xf32> to vector<16xf32>
      %add3A_1623 = arith.addf %add3A_1615, %get3A_1622 : vector<16xf32>
      %get3A_1624 = arith.constant 0 : i32
      %get3A_1625 = arith.constant 36 : i32
      %get3A_1626 = arith.index_cast %get3A_1624 : i32 to index
      %get3A_1627 = arith.index_cast %get3A_1625 : i32 to index
      %get3A_1628 = arith.constant 48 : index
      %get3A_1629 = tpu.vector_load %arg9[%get3A_1626, %get3A_1627, %get3A_1628] {strides = array<i32>} : memref<2x50x64xf32, #tpu.memory_space<vmem>>, vector<1x1x16xf32>,
      %get3A_1630 = vector.shape_cast %get3A_1629 : vector<1x1x16xf32> to vector<16xf32>
      %add3A_1631 = arith.addf %add3A_1623, %get3A_1630 : vector<16xf32>
      %get3A_1632 = arith.constant 0 : i32
      %get3A_1633 = arith.constant 37 : i32
      %get3A_1634 = arith.index_cast %get3A_1632 : i32 to index
      %get3A_1635 = arith.index_cast %get3A_1633 : i32 to index
      %get3A_1636 = arith.constant 48 : index
      %get3A_1637 = tpu.vector_load %arg9[%get3A_1634, %get3A_1635, %get3A_1636] {strides = array<i32>} : memref<2x50x64xf32, #tpu.memory_space<vmem>>, vector<1x1x16xf32>,
      %get3A_1638 = vector.shape_cast %get3A_1637 : vector<1x1x16xf32> to vector<16xf32>
      %add3A_1639 = arith.addf %add3A_1631, %get3A_1638 : vector<16xf32>
      %get3A_1640 = arith.constant 0 : i32
      %get3A_1641 = arith.constant 38 : i32
      %get3A_1642 = arith.index_cast %get3A_1640 : i32 to index
      %get3A_1643 = arith.index_cast %get3A_1641 : i32 to index
      %get3A_1644 = arith.constant 48 : index
      %get3A_1645 = tpu.vector_load %arg9[%get3A_1642, %get3A_1643, %get3A_1644] {strides = array<i32>} : memref<2x50x64xf32, #tpu.memory_space<vmem>>, vector<1x1x16xf32>,
      %get3A_1646 = vector.shape_cast %get3A_1645 : vector<1x1x16xf32> to vector<16xf32>
      %add3A_1647 = arith.addf %add3A_1639, %get3A_1646 : vector<16xf32>
      %get3A_1648 = arith.constant 0 : i32
      %get3A_1649 = arith.constant 39 : i32
      %get3A_1650 = arith.index_cast %get3A_1648 : i32 to index
      %get3A_1651 = arith.index_cast %get3A_1649 : i32 to index
      %get3A_1652 = arith.constant 48 : index
      %get3A_1653 = tpu.vector_load %arg9[%get3A_1650, %get3A_1651, %get3A_1652] {strides = array<i32>} : memref<2x50x64xf32, #tpu.memory_space<vmem>>, vector<1x1x16xf32>,
      %get3A_1654 = vector.shape_cast %get3A_1653 : vector<1x1x16xf32> to vector<16xf32>
      %add3A_1655 = arith.addf %add3A_1647, %get3A_1654 : vector<16xf32>
      %get3A_1656 = arith.constant 0 : i32
      %get3A_1657 = arith.constant 40 : i32
      %get3A_1658 = arith.index_cast %get3A_1656 : i32 to index
      %get3A_1659 = arith.index_cast %get3A_1657 : i32 to index
      %get3A_1660 = arith.constant 48 : index
      %get3A_1661 = tpu.vector_load %arg9[%get3A_1658, %get3A_1659, %get3A_1660] {strides = array<i32>} : memref<2x50x64xf32, #tpu.memory_space<vmem>>, vector<1x1x16xf32>,
      %get3A_1662 = vector.shape_cast %get3A_1661 : vector<1x1x16xf32> to vector<16xf32>
      %add3A_1663 = arith.addf %add3A_1655, %get3A_1662 : vector<16xf32>
      %get3A_1664 = arith.constant 0 : i32
      %get3A_1665 = arith.constant 41 : i32
      %get3A_1666 = arith.index_cast %get3A_1664 : i32 to index
      %get3A_1667 = arith.index_cast %get3A_1665 : i32 to index
      %get3A_1668 = arith.constant 48 : index
      %get3A_1669 = tpu.vector_load %arg9[%get3A_1666, %get3A_1667, %get3A_1668] {strides = array<i32>} : memref<2x50x64xf32, #tpu.memory_space<vmem>>, vector<1x1x16xf32>,
      %get3A_1670 = vector.shape_cast %get3A_1669 : vector<1x1x16xf32> to vector<16xf32>
      %add3A_1671 = arith.addf %add3A_1663, %get3A_1670 : vector<16xf32>
      %get3A_1672 = arith.constant 0 : i32
      %get3A_1673 = arith.constant 42 : i32
      %get3A_1674 = arith.index_cast %get3A_1672 : i32 to index
      %get3A_1675 = arith.index_cast %get3A_1673 : i32 to index
      %get3A_1676 = arith.constant 48 : index
      %get3A_1677 = tpu.vector_load %arg9[%get3A_1674, %get3A_1675, %get3A_1676] {strides = array<i32>} : memref<2x50x64xf32, #tpu.memory_space<vmem>>, vector<1x1x16xf32>,
      %get3A_1678 = vector.shape_cast %get3A_1677 : vector<1x1x16xf32> to vector<16xf32>
      %add3A_1679 = arith.addf %add3A_1671, %get3A_1678 : vector<16xf32>
      %get3A_1680 = arith.constant 0 : i32
      %get3A_1681 = arith.constant 43 : i32
      %get3A_1682 = arith.index_cast %get3A_1680 : i32 to index
      %get3A_1683 = arith.index_cast %get3A_1681 : i32 to index
      %get3A_1684 = arith.constant 48 : index
      %get3A_1685 = tpu.vector_load %arg9[%get3A_1682, %get3A_1683, %get3A_1684] {strides = array<i32>} : memref<2x50x64xf32, #tpu.memory_space<vmem>>, vector<1x1x16xf32>,
      %get3A_1686 = vector.shape_cast %get3A_1685 : vector<1x1x16xf32> to vector<16xf32>
      %add3A_1687 = arith.addf %add3A_1679, %get3A_1686 : vector<16xf32>
      %get3A_1688 = arith.constant 0 : i32
      %get3A_1689 = arith.constant 44 : i32
      %get3A_1690 = arith.index_cast %get3A_1688 : i32 to index
      %get3A_1691 = arith.index_cast %get3A_1689 : i32 to index
      %get3A_1692 = arith.constant 48 : index
      %get3A_1693 = tpu.vector_load %arg9[%get3A_1690, %get3A_1691, %get3A_1692] {strides = array<i32>} : memref<2x50x64xf32, #tpu.memory_space<vmem>>, vector<1x1x16xf32>,
      %get3A_1694 = vector.shape_cast %get3A_1693 : vector<1x1x16xf32> to vector<16xf32>
      %add3A_1695 = arith.addf %add3A_1687, %get3A_1694 : vector<16xf32>
      %get3A_1696 = arith.constant 0 : i32
      %get3A_1697 = arith.constant 45 : i32
      %get3A_1698 = arith.index_cast %get3A_1696 : i32 to index
      %get3A_1699 = arith.index_cast %get3A_1697 : i32 to index
      %get3A_1700 = arith.constant 48 : index
      %get3A_1701 = tpu.vector_load %arg9[%get3A_1698, %get3A_1699, %get3A_1700] {strides = array<i32>} : memref<2x50x64xf32, #tpu.memory_space<vmem>>, vector<1x1x16xf32>,
      %get3A_1702 = vector.shape_cast %get3A_1701 : vector<1x1x16xf32> to vector<16xf32>
      %add3A_1703 = arith.addf %add3A_1695, %get3A_1702 : vector<16xf32>
      %get3A_1704 = arith.constant 0 : i32
      %get3A_1705 = arith.constant 46 : i32
      %get3A_1706 = arith.index_cast %get3A_1704 : i32 to index
      %get3A_1707 = arith.index_cast %get3A_1705 : i32 to index
      %get3A_1708 = arith.constant 48 : index
      %get3A_1709 = tpu.vector_load %arg9[%get3A_1706, %get3A_1707, %get3A_1708] {strides = array<i32>} : memref<2x50x64xf32, #tpu.memory_space<vmem>>, vector<1x1x16xf32>,
      %get3A_1710 = vector.shape_cast %get3A_1709 : vector<1x1x16xf32> to vector<16xf32>
      %add3A_1711 = arith.addf %add3A_1703, %get3A_1710 : vector<16xf32>
      %get3A_1712 = arith.constant 0 : i32
      %get3A_1713 = arith.constant 47 : i32
      %get3A_1714 = arith.index_cast %get3A_1712 : i32 to index
      %get3A_1715 = arith.index_cast %get3A_1713 : i32 to index
      %get3A_1716 = arith.constant 48 : index
      %get3A_1717 = tpu.vector_load %arg9[%get3A_1714, %get3A_1715, %get3A_1716] {strides = array<i32>} : memref<2x50x64xf32, #tpu.memory_space<vmem>>, vector<1x1x16xf32>,
      %get3A_1718 = vector.shape_cast %get3A_1717 : vector<1x1x16xf32> to vector<16xf32>
      %add3A_1719 = arith.addf %add3A_1711, %get3A_1718 : vector<16xf32>
      %get3A_1720 = arith.constant 0 : i32
      %get3A_1721 = arith.constant 48 : i32
      %get3A_1722 = arith.index_cast %get3A_1720 : i32 to index
      %get3A_1723 = arith.index_cast %get3A_1721 : i32 to index
      %get3A_1724 = arith.constant 48 : index
      %get3A_1725 = tpu.vector_load %arg9[%get3A_1722, %get3A_1723, %get3A_1724] {strides = array<i32>} : memref<2x50x64xf32, #tpu.memory_space<vmem>>, vector<1x1x16xf32>,
      %get3A_1726 = vector.shape_cast %get3A_1725 : vector<1x1x16xf32> to vector<16xf32>
      %add3A_1727 = arith.addf %add3A_1719, %get3A_1726 : vector<16xf32>
      %get3A_1728 = arith.constant 0 : i32
      %get3A_1729 = arith.constant 49 : i32
      %get3A_1730 = arith.index_cast %get3A_1728 : i32 to index
      %get3A_1731 = arith.index_cast %get3A_1729 : i32 to index
      %get3A_1732 = arith.constant 48 : index
      %get3A_1733 = tpu.vector_load %arg9[%get3A_1730, %get3A_1731, %get3A_1732] {strides = array<i32>} : memref<2x50x64xf32, #tpu.memory_space<vmem>>, vector<1x1x16xf32>,
      %get3A_1734 = vector.shape_cast %get3A_1733 : vector<1x1x16xf32> to vector<16xf32>
      %add3A_1735 = arith.addf %add3A_1727, %get3A_1734 : vector<16xf32>
      %swap3A_1736 = arith.index_cast %mul3A_102 : i32 to index
      %swap3A_1737 = arith.constant 48 : index
      %swap3A_1738 = tpu.vector_load %arg10[%swap3A_1736, %swap3A_1737] {strides = array<i32>} : memref<512x64xf32, #tpu.memory_space<vmem>>, vector<1x16xf32>,
      %swap3A_1739 = vector.shape_cast %swap3A_1738 : vector<1x16xf32> to vector<16xf32>
      %swap3A_1740 = vector.shape_cast %add3A_1735 : vector<16xf32> to vector<1x16xf32>
      tpu.vector_store %arg10[%swap3A_1736, %swap3A_1737], %swap3A_1740 {strides = array<i32>} : memref<512x64xf32, #tpu.memory_space<vmem>>, vector<1x16xf32>,
      %add3A_1741 = arith.constant 1 : i32
      %add3A_1742 = arith.addi %scan3A_100, %add3A_1741 : i32
      %lt3A = arith.constant 256 : i32
      %lt3A_1743 = arith.cmpi slt, %add3A_1742, %lt3A : i32
      %convert_element_type3A = arith.extui %lt3A_1743 : i1 to i32
      %cond3A = arith.constant 0 : i32
      %cond3A_1744 = arith.cmpi ne, %convert_element_type3A, %cond3A : i32
      scf.if %cond3A_1744 {
        %add3A_3372 = arith.constant 2 : i32
        %add3A_3373 = arith.addi %mul3A_102, %add3A_3372 : i32
        %dma_start3A_3374 = arith.constant 0 : i32
        %dma_start3A_3375 = arith.constant 0 : i32
        %dma_start3A_3376 = arith.constant 0 : i32
        %dma_start3A_3377 = tpu.memref_slice %arg9[%dma_start3A_3374, %dma_start3A_3375, %dma_start3A_3376] : memref<2x50x64xf32, #tpu.memory_space<vmem>> -> memref<1x50x64xf32, #tpu.memory_space<vmem>>
        %dma_start3A_3378 = tpu.memref_squeeze %dma_start3A_3377 : memref<1x50x64xf32, #tpu.memory_space<vmem>> -> memref<50x64xf32, #tpu.memory_space<vmem>>
        %dma_start3A_3379 = arith.constant 0 : i32
        %dma_start3A_3380 = tpu.memref_slice %arg8[%add3A_3373, %dma_start3A_3379] : memref<512x50xi32, #tpu.memory_space<vmem>> -> memref<1x50xi32, #tpu.memory_space<vmem>>
        %dma_start3A_3381 = tpu.memref_squeeze %dma_start3A_3380 : memref<1x50xi32, #tpu.memory_space<vmem>> -> memref<50xi32, #tpu.memory_space<vmem>>
        %dma_start3A_3382 = arith.constant 0 : i32
        %dma_start3A_3383 = arith.constant 0 : i32
        %dma_start3A_3384 = tpu.memref_slice %arg4[%dma_start3A_3382, %dma_start3A_3383] : memref<1003520x64xf32, #tpu.memory_space<hbm>> -> memref<1003520x64xf32, #tpu.memory_space<hbm>>
        tpu.enqueue_indirect_dma source(%dma_start3A_3384 : memref<1003520x64xf32, #tpu.memory_space<hbm>>) target(%dma_start3A_3378 : memref<50x64xf32, #tpu.memory_space<vmem>>) offsets(%dma_start3A_3381 : memref<50xi32, #tpu.memory_space<vmem>>) semaphore(%arg13 : memref<!tpu.dma_semaphore, #tpu.memory_space<semaphore_mem>>)
      } else {
      }
      %dma_wait3A_1745 = arith.constant 1 : i32
      %dma_wait3A_1746 = arith.constant 0 : i32
      %dma_wait3A_1747 = arith.constant 0 : i32
      %dma_wait3A_1748 = tpu.memref_slice %arg9[%dma_wait3A_1745, %dma_wait3A_1746, %dma_wait3A_1747] : memref<2x50x64xf32, #tpu.memory_space<vmem>> -> memref<1x50x64xf32, #tpu.memory_space<vmem>>
      %dma_wait3A_1749 = tpu.memref_squeeze %dma_wait3A_1748 : memref<1x50x64xf32, #tpu.memory_space<vmem>> -> memref<50x64xf32, #tpu.memory_space<vmem>>
      %dma_wait3A_1750 = arith.constant 0 : i32
      %dma_wait3A_1751 = tpu.memref_slice %arg8[%add3A_104, %dma_wait3A_1750] : memref<512x50xi32, #tpu.memory_space<vmem>> -> memref<1x50xi32, #tpu.memory_space<vmem>>
      %dma_wait3A_1752 = tpu.memref_squeeze %dma_wait3A_1751 : memref<1x50xi32, #tpu.memory_space<vmem>> -> memref<50xi32, #tpu.memory_space<vmem>>
      %dma_wait3A_1753 = arith.constant 0 : i32
      %dma_wait3A_1754 = arith.constant 0 : i32
      %dma_wait3A_1755 = tpu.memref_slice %arg4[%dma_wait3A_1753, %dma_wait3A_1754] : memref<1003520x64xf32, #tpu.memory_space<hbm>> -> memref<1003520x64xf32, #tpu.memory_space<hbm>>
      tpu.wait_indirect_dma semaphore(%arg14 : memref<!tpu.dma_semaphore, #tpu.memory_space<semaphore_mem>>) src(%dma_wait3A_1755 : memref<1003520x64xf32, #tpu.memory_space<hbm>>) dst(%dma_wait3A_1749 : memref<50x64xf32, #tpu.memory_space<vmem>>)
      %get3A_1756 = arith.constant 1 : i32
      %get3A_1757 = arith.constant 0 : i32
      %get3A_1758 = arith.index_cast %get3A_1756 : i32 to index
      %get3A_1759 = arith.index_cast %get3A_1757 : i32 to index
      %get3A_1760 = arith.constant 0 : index
      %get3A_1761 = tpu.vector_load %arg9[%get3A_1758, %get3A_1759, %get3A_1760] {strides = array<i32>} : memref<2x50x64xf32, #tpu.memory_space<vmem>>, vector<1x1x16xf32>,
      %get3A_1762 = vector.shape_cast %get3A_1761 : vector<1x1x16xf32> to vector<16xf32>
      %get3A_1763 = arith.constant 1 : i32
      %get3A_1764 = arith.constant 1 : i32
      %get3A_1765 = arith.index_cast %get3A_1763 : i32 to index
      %get3A_1766 = arith.index_cast %get3A_1764 : i32 to index
      %get3A_1767 = arith.constant 0 : index
      %get3A_1768 = tpu.vector_load %arg9[%get3A_1765, %get3A_1766, %get3A_1767] {strides = array<i32>} : memref<2x50x64xf32, #tpu.memory_space<vmem>>, vector<1x1x16xf32>,
      %get3A_1769 = vector.shape_cast %get3A_1768 : vector<1x1x16xf32> to vector<16xf32>
      %add3A_1770 = arith.addf %get3A_1762, %get3A_1769 : vector<16xf32>
      %get3A_1771 = arith.constant 1 : i32
      %get3A_1772 = arith.constant 2 : i32
      %get3A_1773 = arith.index_cast %get3A_1771 : i32 to index
      %get3A_1774 = arith.index_cast %get3A_1772 : i32 to index
      %get3A_1775 = arith.constant 0 : index
      %get3A_1776 = tpu.vector_load %arg9[%get3A_1773, %get3A_1774, %get3A_1775] {strides = array<i32>} : memref<2x50x64xf32, #tpu.memory_space<vmem>>, vector<1x1x16xf32>,
      %get3A_1777 = vector.shape_cast %get3A_1776 : vector<1x1x16xf32> to vector<16xf32>
      %add3A_1778 = arith.addf %add3A_1770, %get3A_1777 : vector<16xf32>
      %get3A_1779 = arith.constant 1 : i32
      %get3A_1780 = arith.constant 3 : i32
      %get3A_1781 = arith.index_cast %get3A_1779 : i32 to index
      %get3A_1782 = arith.index_cast %get3A_1780 : i32 to index
      %get3A_1783 = arith.constant 0 : index
      %get3A_1784 = tpu.vector_load %arg9[%get3A_1781, %get3A_1782, %get3A_1783] {strides = array<i32>} : memref<2x50x64xf32, #tpu.memory_space<vmem>>, vector<1x1x16xf32>,
      %get3A_1785 = vector.shape_cast %get3A_1784 : vector<1x1x16xf32> to vector<16xf32>
      %add3A_1786 = arith.addf %add3A_1778, %get3A_1785 : vector<16xf32>
      %get3A_1787 = arith.constant 1 : i32
      %get3A_1788 = arith.constant 4 : i32
      %get3A_1789 = arith.index_cast %get3A_1787 : i32 to index
      %get3A_1790 = arith.index_cast %get3A_1788 : i32 to index
      %get3A_1791 = arith.constant 0 : index
      %get3A_1792 = tpu.vector_load %arg9[%get3A_1789, %get3A_1790, %get3A_1791] {strides = array<i32>} : memref<2x50x64xf32, #tpu.memory_space<vmem>>, vector<1x1x16xf32>,
      %get3A_1793 = vector.shape_cast %get3A_1792 : vector<1x1x16xf32> to vector<16xf32>
      %add3A_1794 = arith.addf %add3A_1786, %get3A_1793 : vector<16xf32>
      %get3A_1795 = arith.constant 1 : i32
      %get3A_1796 = arith.constant 5 : i32
      %get3A_1797 = arith.index_cast %get3A_1795 : i32 to index
      %get3A_1798 = arith.index_cast %get3A_1796 : i32 to index
      %get3A_1799 = arith.constant 0 : index
      %get3A_1800 = tpu.vector_load %arg9[%get3A_1797, %get3A_1798, %get3A_1799] {strides = array<i32>} : memref<2x50x64xf32, #tpu.memory_space<vmem>>, vector<1x1x16xf32>,
      %get3A_1801 = vector.shape_cast %get3A_1800 : vector<1x1x16xf32> to vector<16xf32>
      %add3A_1802 = arith.addf %add3A_1794, %get3A_1801 : vector<16xf32>
      %get3A_1803 = arith.constant 1 : i32
      %get3A_1804 = arith.constant 6 : i32
      %get3A_1805 = arith.index_cast %get3A_1803 : i32 to index
      %get3A_1806 = arith.index_cast %get3A_1804 : i32 to index
      %get3A_1807 = arith.constant 0 : index
      %get3A_1808 = tpu.vector_load %arg9[%get3A_1805, %get3A_1806, %get3A_1807] {strides = array<i32>} : memref<2x50x64xf32, #tpu.memory_space<vmem>>, vector<1x1x16xf32>,
      %get3A_1809 = vector.shape_cast %get3A_1808 : vector<1x1x16xf32> to vector<16xf32>
      %add3A_1810 = arith.addf %add3A_1802, %get3A_1809 : vector<16xf32>
      %get3A_1811 = arith.constant 1 : i32
      %get3A_1812 = arith.constant 7 : i32
      %get3A_1813 = arith.index_cast %get3A_1811 : i32 to index
      %get3A_1814 = arith.index_cast %get3A_1812 : i32 to index
      %get3A_1815 = arith.constant 0 : index
      %get3A_1816 = tpu.vector_load %arg9[%get3A_1813, %get3A_1814, %get3A_1815] {strides = array<i32>} : memref<2x50x64xf32, #tpu.memory_space<vmem>>, vector<1x1x16xf32>,
      %get3A_1817 = vector.shape_cast %get3A_1816 : vector<1x1x16xf32> to vector<16xf32>
      %add3A_1818 = arith.addf %add3A_1810, %get3A_1817 : vector<16xf32>
      %get3A_1819 = arith.constant 1 : i32
      %get3A_1820 = arith.constant 8 : i32
      %get3A_1821 = arith.index_cast %get3A_1819 : i32 to index
      %get3A_1822 = arith.index_cast %get3A_1820 : i32 to index
      %get3A_1823 = arith.constant 0 : index
      %get3A_1824 = tpu.vector_load %arg9[%get3A_1821, %get3A_1822, %get3A_1823] {strides = array<i32>} : memref<2x50x64xf32, #tpu.memory_space<vmem>>, vector<1x1x16xf32>,
      %get3A_1825 = vector.shape_cast %get3A_1824 : vector<1x1x16xf32> to vector<16xf32>
      %add3A_1826 = arith.addf %add3A_1818, %get3A_1825 : vector<16xf32>
      %get3A_1827 = arith.constant 1 : i32
      %get3A_1828 = arith.constant 9 : i32
      %get3A_1829 = arith.index_cast %get3A_1827 : i32 to index
      %get3A_1830 = arith.index_cast %get3A_1828 : i32 to index
      %get3A_1831 = arith.constant 0 : index
      %get3A_1832 = tpu.vector_load %arg9[%get3A_1829, %get3A_1830, %get3A_1831] {strides = array<i32>} : memref<2x50x64xf32, #tpu.memory_space<vmem>>, vector<1x1x16xf32>,
      %get3A_1833 = vector.shape_cast %get3A_1832 : vector<1x1x16xf32> to vector<16xf32>
      %add3A_1834 = arith.addf %add3A_1826, %get3A_1833 : vector<16xf32>
      %get3A_1835 = arith.constant 1 : i32
      %get3A_1836 = arith.constant 10 : i32
      %get3A_1837 = arith.index_cast %get3A_1835 : i32 to index
      %get3A_1838 = arith.index_cast %get3A_1836 : i32 to index
      %get3A_1839 = arith.constant 0 : index
      %get3A_1840 = tpu.vector_load %arg9[%get3A_1837, %get3A_1838, %get3A_1839] {strides = array<i32>} : memref<2x50x64xf32, #tpu.memory_space<vmem>>, vector<1x1x16xf32>,
      %get3A_1841 = vector.shape_cast %get3A_1840 : vector<1x1x16xf32> to vector<16xf32>
      %add3A_1842 = arith.addf %add3A_1834, %get3A_1841 : vector<16xf32>
      %get3A_1843 = arith.constant 1 : i32
      %get3A_1844 = arith.constant 11 : i32
      %get3A_1845 = arith.index_cast %get3A_1843 : i32 to index
      %get3A_1846 = arith.index_cast %get3A_1844 : i32 to index
      %get3A_1847 = arith.constant 0 : index
      %get3A_1848 = tpu.vector_load %arg9[%get3A_1845, %get3A_1846, %get3A_1847] {strides = array<i32>} : memref<2x50x64xf32, #tpu.memory_space<vmem>>, vector<1x1x16xf32>,
      %get3A_1849 = vector.shape_cast %get3A_1848 : vector<1x1x16xf32> to vector<16xf32>
      %add3A_1850 = arith.addf %add3A_1842, %get3A_1849 : vector<16xf32>
      %get3A_1851 = arith.constant 1 : i32
      %get3A_1852 = arith.constant 12 : i32
      %get3A_1853 = arith.index_cast %get3A_1851 : i32 to index
      %get3A_1854 = arith.index_cast %get3A_1852 : i32 to index
      %get3A_1855 = arith.constant 0 : index
      %get3A_1856 = tpu.vector_load %arg9[%get3A_1853, %get3A_1854, %get3A_1855] {strides = array<i32>} : memref<2x50x64xf32, #tpu.memory_space<vmem>>, vector<1x1x16xf32>,
      %get3A_1857 = vector.shape_cast %get3A_1856 : vector<1x1x16xf32> to vector<16xf32>
      %add3A_1858 = arith.addf %add3A_1850, %get3A_1857 : vector<16xf32>
      %get3A_1859 = arith.constant 1 : i32
      %get3A_1860 = arith.constant 13 : i32
      %get3A_1861 = arith.index_cast %get3A_1859 : i32 to index
      %get3A_1862 = arith.index_cast %get3A_1860 : i32 to index
      %get3A_1863 = arith.constant 0 : index
      %get3A_1864 = tpu.vector_load %arg9[%get3A_1861, %get3A_1862, %get3A_1863] {strides = array<i32>} : memref<2x50x64xf32, #tpu.memory_space<vmem>>, vector<1x1x16xf32>,
      %get3A_1865 = vector.shape_cast %get3A_1864 : vector<1x1x16xf32> to vector<16xf32>
      %add3A_1866 = arith.addf %add3A_1858, %get3A_1865 : vector<16xf32>
      %get3A_1867 = arith.constant 1 : i32
      %get3A_1868 = arith.constant 14 : i32
      %get3A_1869 = arith.index_cast %get3A_1867 : i32 to index
      %get3A_1870 = arith.index_cast %get3A_1868 : i32 to index
      %get3A_1871 = arith.constant 0 : index
      %get3A_1872 = tpu.vector_load %arg9[%get3A_1869, %get3A_1870, %get3A_1871] {strides = array<i32>} : memref<2x50x64xf32, #tpu.memory_space<vmem>>, vector<1x1x16xf32>,
      %get3A_1873 = vector.shape_cast %get3A_1872 : vector<1x1x16xf32> to vector<16xf32>
      %add3A_1874 = arith.addf %add3A_1866, %get3A_1873 : vector<16xf32>
      %get3A_1875 = arith.constant 1 : i32
      %get3A_1876 = arith.constant 15 : i32
      %get3A_1877 = arith.index_cast %get3A_1875 : i32 to index
      %get3A_1878 = arith.index_cast %get3A_1876 : i32 to index
      %get3A_1879 = arith.constant 0 : index
      %get3A_1880 = tpu.vector_load %arg9[%get3A_1877, %get3A_1878, %get3A_1879] {strides = array<i32>} : memref<2x50x64xf32, #tpu.memory_space<vmem>>, vector<1x1x16xf32>,
      %get3A_1881 = vector.shape_cast %get3A_1880 : vector<1x1x16xf32> to vector<16xf32>
      %add3A_1882 = arith.addf %add3A_1874, %get3A_1881 : vector<16xf32>
      %get3A_1883 = arith.constant 1 : i32
      %get3A_1884 = arith.constant 16 : i32
      %get3A_1885 = arith.index_cast %get3A_1883 : i32 to index
      %get3A_1886 = arith.index_cast %get3A_1884 : i32 to index
      %get3A_1887 = arith.constant 0 : index
      %get3A_1888 = tpu.vector_load %arg9[%get3A_1885, %get3A_1886, %get3A_1887] {strides = array<i32>} : memref<2x50x64xf32, #tpu.memory_space<vmem>>, vector<1x1x16xf32>,
      %get3A_1889 = vector.shape_cast %get3A_1888 : vector<1x1x16xf32> to vector<16xf32>
      %add3A_1890 = arith.addf %add3A_1882, %get3A_1889 : vector<16xf32>
      %get3A_1891 = arith.constant 1 : i32
      %get3A_1892 = arith.constant 17 : i32
      %get3A_1893 = arith.index_cast %get3A_1891 : i32 to index
      %get3A_1894 = arith.index_cast %get3A_1892 : i32 to index
      %get3A_1895 = arith.constant 0 : index
      %get3A_1896 = tpu.vector_load %arg9[%get3A_1893, %get3A_1894, %get3A_1895] {strides = array<i32>} : memref<2x50x64xf32, #tpu.memory_space<vmem>>, vector<1x1x16xf32>,
      %get3A_1897 = vector.shape_cast %get3A_1896 : vector<1x1x16xf32> to vector<16xf32>
      %add3A_1898 = arith.addf %add3A_1890, %get3A_1897 : vector<16xf32>
      %get3A_1899 = arith.constant 1 : i32
      %get3A_1900 = arith.constant 18 : i32
      %get3A_1901 = arith.index_cast %get3A_1899 : i32 to index
      %get3A_1902 = arith.index_cast %get3A_1900 : i32 to index
      %get3A_1903 = arith.constant 0 : index
      %get3A_1904 = tpu.vector_load %arg9[%get3A_1901, %get3A_1902, %get3A_1903] {strides = array<i32>} : memref<2x50x64xf32, #tpu.memory_space<vmem>>, vector<1x1x16xf32>,
      %get3A_1905 = vector.shape_cast %get3A_1904 : vector<1x1x16xf32> to vector<16xf32>
      %add3A_1906 = arith.addf %add3A_1898, %get3A_1905 : vector<16xf32>
      %get3A_1907 = arith.constant 1 : i32
      %get3A_1908 = arith.constant 19 : i32
      %get3A_1909 = arith.index_cast %get3A_1907 : i32 to index
      %get3A_1910 = arith.index_cast %get3A_1908 : i32 to index
      %get3A_1911 = arith.constant 0 : index
      %get3A_1912 = tpu.vector_load %arg9[%get3A_1909, %get3A_1910, %get3A_1911] {strides = array<i32>} : memref<2x50x64xf32, #tpu.memory_space<vmem>>, vector<1x1x16xf32>,
      %get3A_1913 = vector.shape_cast %get3A_1912 : vector<1x1x16xf32> to vector<16xf32>
      %add3A_1914 = arith.addf %add3A_1906, %get3A_1913 : vector<16xf32>
      %get3A_1915 = arith.constant 1 : i32
      %get3A_1916 = arith.constant 20 : i32
      %get3A_1917 = arith.index_cast %get3A_1915 : i32 to index
      %get3A_1918 = arith.index_cast %get3A_1916 : i32 to index
      %get3A_1919 = arith.constant 0 : index
      %get3A_1920 = tpu.vector_load %arg9[%get3A_1917, %get3A_1918, %get3A_1919] {strides = array<i32>} : memref<2x50x64xf32, #tpu.memory_space<vmem>>, vector<1x1x16xf32>,
      %get3A_1921 = vector.shape_cast %get3A_1920 : vector<1x1x16xf32> to vector<16xf32>
      %add3A_1922 = arith.addf %add3A_1914, %get3A_1921 : vector<16xf32>
      %get3A_1923 = arith.constant 1 : i32
      %get3A_1924 = arith.constant 21 : i32
      %get3A_1925 = arith.index_cast %get3A_1923 : i32 to index
      %get3A_1926 = arith.index_cast %get3A_1924 : i32 to index
      %get3A_1927 = arith.constant 0 : index
      %get3A_1928 = tpu.vector_load %arg9[%get3A_1925, %get3A_1926, %get3A_1927] {strides = array<i32>} : memref<2x50x64xf32, #tpu.memory_space<vmem>>, vector<1x1x16xf32>,
      %get3A_1929 = vector.shape_cast %get3A_1928 : vector<1x1x16xf32> to vector<16xf32>
      %add3A_1930 = arith.addf %add3A_1922, %get3A_1929 : vector<16xf32>
      %get3A_1931 = arith.constant 1 : i32
      %get3A_1932 = arith.constant 22 : i32
      %get3A_1933 = arith.index_cast %get3A_1931 : i32 to index
      %get3A_1934 = arith.index_cast %get3A_1932 : i32 to index
      %get3A_1935 = arith.constant 0 : index
      %get3A_1936 = tpu.vector_load %arg9[%get3A_1933, %get3A_1934, %get3A_1935] {strides = array<i32>} : memref<2x50x64xf32, #tpu.memory_space<vmem>>, vector<1x1x16xf32>,
      %get3A_1937 = vector.shape_cast %get3A_1936 : vector<1x1x16xf32> to vector<16xf32>
      %add3A_1938 = arith.addf %add3A_1930, %get3A_1937 : vector<16xf32>
      %get3A_1939 = arith.constant 1 : i32
      %get3A_1940 = arith.constant 23 : i32
      %get3A_1941 = arith.index_cast %get3A_1939 : i32 to index
      %get3A_1942 = arith.index_cast %get3A_1940 : i32 to index
      %get3A_1943 = arith.constant 0 : index
      %get3A_1944 = tpu.vector_load %arg9[%get3A_1941, %get3A_1942, %get3A_1943] {strides = array<i32>} : memref<2x50x64xf32, #tpu.memory_space<vmem>>, vector<1x1x16xf32>,
      %get3A_1945 = vector.shape_cast %get3A_1944 : vector<1x1x16xf32> to vector<16xf32>
      %add3A_1946 = arith.addf %add3A_1938, %get3A_1945 : vector<16xf32>
      %get3A_1947 = arith.constant 1 : i32
      %get3A_1948 = arith.constant 24 : i32
      %get3A_1949 = arith.index_cast %get3A_1947 : i32 to index
      %get3A_1950 = arith.index_cast %get3A_1948 : i32 to index
      %get3A_1951 = arith.constant 0 : index
      %get3A_1952 = tpu.vector_load %arg9[%get3A_1949, %get3A_1950, %get3A_1951] {strides = array<i32>} : memref<2x50x64xf32, #tpu.memory_space<vmem>>, vector<1x1x16xf32>,
      %get3A_1953 = vector.shape_cast %get3A_1952 : vector<1x1x16xf32> to vector<16xf32>
      %add3A_1954 = arith.addf %add3A_1946, %get3A_1953 : vector<16xf32>
      %get3A_1955 = arith.constant 1 : i32
      %get3A_1956 = arith.constant 25 : i32
      %get3A_1957 = arith.index_cast %get3A_1955 : i32 to index
      %get3A_1958 = arith.index_cast %get3A_1956 : i32 to index
      %get3A_1959 = arith.constant 0 : index
      %get3A_1960 = tpu.vector_load %arg9[%get3A_1957, %get3A_1958, %get3A_1959] {strides = array<i32>} : memref<2x50x64xf32, #tpu.memory_space<vmem>>, vector<1x1x16xf32>,
      %get3A_1961 = vector.shape_cast %get3A_1960 : vector<1x1x16xf32> to vector<16xf32>
      %add3A_1962 = arith.addf %add3A_1954, %get3A_1961 : vector<16xf32>
      %get3A_1963 = arith.constant 1 : i32
      %get3A_1964 = arith.constant 26 : i32
      %get3A_1965 = arith.index_cast %get3A_1963 : i32 to index
      %get3A_1966 = arith.index_cast %get3A_1964 : i32 to index
      %get3A_1967 = arith.constant 0 : index
      %get3A_1968 = tpu.vector_load %arg9[%get3A_1965, %get3A_1966, %get3A_1967] {strides = array<i32>} : memref<2x50x64xf32, #tpu.memory_space<vmem>>, vector<1x1x16xf32>,
      %get3A_1969 = vector.shape_cast %get3A_1968 : vector<1x1x16xf32> to vector<16xf32>
      %add3A_1970 = arith.addf %add3A_1962, %get3A_1969 : vector<16xf32>
      %get3A_1971 = arith.constant 1 : i32
      %get3A_1972 = arith.constant 27 : i32
      %get3A_1973 = arith.index_cast %get3A_1971 : i32 to index
      %get3A_1974 = arith.index_cast %get3A_1972 : i32 to index
      %get3A_1975 = arith.constant 0 : index
      %get3A_1976 = tpu.vector_load %arg9[%get3A_1973, %get3A_1974, %get3A_1975] {strides = array<i32>} : memref<2x50x64xf32, #tpu.memory_space<vmem>>, vector<1x1x16xf32>,
      %get3A_1977 = vector.shape_cast %get3A_1976 : vector<1x1x16xf32> to vector<16xf32>
      %add3A_1978 = arith.addf %add3A_1970, %get3A_1977 : vector<16xf32>
      %get3A_1979 = arith.constant 1 : i32
      %get3A_1980 = arith.constant 28 : i32
      %get3A_1981 = arith.index_cast %get3A_1979 : i32 to index
      %get3A_1982 = arith.index_cast %get3A_1980 : i32 to index
      %get3A_1983 = arith.constant 0 : index
      %get3A_1984 = tpu.vector_load %arg9[%get3A_1981, %get3A_1982, %get3A_1983] {strides = array<i32>} : memref<2x50x64xf32, #tpu.memory_space<vmem>>, vector<1x1x16xf32>,
      %get3A_1985 = vector.shape_cast %get3A_1984 : vector<1x1x16xf32> to vector<16xf32>
      %add3A_1986 = arith.addf %add3A_1978, %get3A_1985 : vector<16xf32>
      %get3A_1987 = arith.constant 1 : i32
      %get3A_1988 = arith.constant 29 : i32
      %get3A_1989 = arith.index_cast %get3A_1987 : i32 to index
      %get3A_1990 = arith.index_cast %get3A_1988 : i32 to index
      %get3A_1991 = arith.constant 0 : index
      %get3A_1992 = tpu.vector_load %arg9[%get3A_1989, %get3A_1990, %get3A_1991] {strides = array<i32>} : memref<2x50x64xf32, #tpu.memory_space<vmem>>, vector<1x1x16xf32>,
      %get3A_1993 = vector.shape_cast %get3A_1992 : vector<1x1x16xf32> to vector<16xf32>
      %add3A_1994 = arith.addf %add3A_1986, %get3A_1993 : vector<16xf32>
      %get3A_1995 = arith.constant 1 : i32
      %get3A_1996 = arith.constant 30 : i32
      %get3A_1997 = arith.index_cast %get3A_1995 : i32 to index
      %get3A_1998 = arith.index_cast %get3A_1996 : i32 to index
      %get3A_1999 = arith.constant 0 : index
      %get3A_2000 = tpu.vector_load %arg9[%get3A_1997, %get3A_1998, %get3A_1999] {strides = array<i32>} : memref<2x50x64xf32, #tpu.memory_space<vmem>>, vector<1x1x16xf32>,
      %get3A_2001 = vector.shape_cast %get3A_2000 : vector<1x1x16xf32> to vector<16xf32>
      %add3A_2002 = arith.addf %add3A_1994, %get3A_2001 : vector<16xf32>
      %get3A_2003 = arith.constant 1 : i32
      %get3A_2004 = arith.constant 31 : i32
      %get3A_2005 = arith.index_cast %get3A_2003 : i32 to index
      %get3A_2006 = arith.index_cast %get3A_2004 : i32 to index
      %get3A_2007 = arith.constant 0 : index
      %get3A_2008 = tpu.vector_load %arg9[%get3A_2005, %get3A_2006, %get3A_2007] {strides = array<i32>} : memref<2x50x64xf32, #tpu.memory_space<vmem>>, vector<1x1x16xf32>,
      %get3A_2009 = vector.shape_cast %get3A_2008 : vector<1x1x16xf32> to vector<16xf32>
      %add3A_2010 = arith.addf %add3A_2002, %get3A_2009 : vector<16xf32>
      %get3A_2011 = arith.constant 1 : i32
      %get3A_2012 = arith.constant 32 : i32
      %get3A_2013 = arith.index_cast %get3A_2011 : i32 to index
      %get3A_2014 = arith.index_cast %get3A_2012 : i32 to index
      %get3A_2015 = arith.constant 0 : index
      %get3A_2016 = tpu.vector_load %arg9[%get3A_2013, %get3A_2014, %get3A_2015] {strides = array<i32>} : memref<2x50x64xf32, #tpu.memory_space<vmem>>, vector<1x1x16xf32>,
      %get3A_2017 = vector.shape_cast %get3A_2016 : vector<1x1x16xf32> to vector<16xf32>
      %add3A_2018 = arith.addf %add3A_2010, %get3A_2017 : vector<16xf32>
      %get3A_2019 = arith.constant 1 : i32
      %get3A_2020 = arith.constant 33 : i32
      %get3A_2021 = arith.index_cast %get3A_2019 : i32 to index
      %get3A_2022 = arith.index_cast %get3A_2020 : i32 to index
      %get3A_2023 = arith.constant 0 : index
      %get3A_2024 = tpu.vector_load %arg9[%get3A_2021, %get3A_2022, %get3A_2023] {strides = array<i32>} : memref<2x50x64xf32, #tpu.memory_space<vmem>>, vector<1x1x16xf32>,
      %get3A_2025 = vector.shape_cast %get3A_2024 : vector<1x1x16xf32> to vector<16xf32>
      %add3A_2026 = arith.addf %add3A_2018, %get3A_2025 : vector<16xf32>
      %get3A_2027 = arith.constant 1 : i32
      %get3A_2028 = arith.constant 34 : i32
      %get3A_2029 = arith.index_cast %get3A_2027 : i32 to index
      %get3A_2030 = arith.index_cast %get3A_2028 : i32 to index
      %get3A_2031 = arith.constant 0 : index
      %get3A_2032 = tpu.vector_load %arg9[%get3A_2029, %get3A_2030, %get3A_2031] {strides = array<i32>} : memref<2x50x64xf32, #tpu.memory_space<vmem>>, vector<1x1x16xf32>,
      %get3A_2033 = vector.shape_cast %get3A_2032 : vector<1x1x16xf32> to vector<16xf32>
      %add3A_2034 = arith.addf %add3A_2026, %get3A_2033 : vector<16xf32>
      %get3A_2035 = arith.constant 1 : i32
      %get3A_2036 = arith.constant 35 : i32
      %get3A_2037 = arith.index_cast %get3A_2035 : i32 to index
      %get3A_2038 = arith.index_cast %get3A_2036 : i32 to index
      %get3A_2039 = arith.constant 0 : index
      %get3A_2040 = tpu.vector_load %arg9[%get3A_2037, %get3A_2038, %get3A_2039] {strides = array<i32>} : memref<2x50x64xf32, #tpu.memory_space<vmem>>, vector<1x1x16xf32>,
      %get3A_2041 = vector.shape_cast %get3A_2040 : vector<1x1x16xf32> to vector<16xf32>
      %add3A_2042 = arith.addf %add3A_2034, %get3A_2041 : vector<16xf32>
      %get3A_2043 = arith.constant 1 : i32
      %get3A_2044 = arith.constant 36 : i32
      %get3A_2045 = arith.index_cast %get3A_2043 : i32 to index
      %get3A_2046 = arith.index_cast %get3A_2044 : i32 to index
      %get3A_2047 = arith.constant 0 : index
      %get3A_2048 = tpu.vector_load %arg9[%get3A_2045, %get3A_2046, %get3A_2047] {strides = array<i32>} : memref<2x50x64xf32, #tpu.memory_space<vmem>>, vector<1x1x16xf32>,
      %get3A_2049 = vector.shape_cast %get3A_2048 : vector<1x1x16xf32> to vector<16xf32>
      %add3A_2050 = arith.addf %add3A_2042, %get3A_2049 : vector<16xf32>
      %get3A_2051 = arith.constant 1 : i32
      %get3A_2052 = arith.constant 37 : i32
      %get3A_2053 = arith.index_cast %get3A_2051 : i32 to index
      %get3A_2054 = arith.index_cast %get3A_2052 : i32 to index
      %get3A_2055 = arith.constant 0 : index
      %get3A_2056 = tpu.vector_load %arg9[%get3A_2053, %get3A_2054, %get3A_2055] {strides = array<i32>} : memref<2x50x64xf32, #tpu.memory_space<vmem>>, vector<1x1x16xf32>,
      %get3A_2057 = vector.shape_cast %get3A_2056 : vector<1x1x16xf32> to vector<16xf32>
      %add3A_2058 = arith.addf %add3A_2050, %get3A_2057 : vector<16xf32>
      %get3A_2059 = arith.constant 1 : i32
      %get3A_2060 = arith.constant 38 : i32
      %get3A_2061 = arith.index_cast %get3A_2059 : i32 to index
      %get3A_2062 = arith.index_cast %get3A_2060 : i32 to index
      %get3A_2063 = arith.constant 0 : index
      %get3A_2064 = tpu.vector_load %arg9[%get3A_2061, %get3A_2062, %get3A_2063] {strides = array<i32>} : memref<2x50x64xf32, #tpu.memory_space<vmem>>, vector<1x1x16xf32>,
      %get3A_2065 = vector.shape_cast %get3A_2064 : vector<1x1x16xf32> to vector<16xf32>
      %add3A_2066 = arith.addf %add3A_2058, %get3A_2065 : vector<16xf32>
      %get3A_2067 = arith.constant 1 : i32
      %get3A_2068 = arith.constant 39 : i32
      %get3A_2069 = arith.index_cast %get3A_2067 : i32 to index
      %get3A_2070 = arith.index_cast %get3A_2068 : i32 to index
      %get3A_2071 = arith.constant 0 : index
      %get3A_2072 = tpu.vector_load %arg9[%get3A_2069, %get3A_2070, %get3A_2071] {strides = array<i32>} : memref<2x50x64xf32, #tpu.memory_space<vmem>>, vector<1x1x16xf32>,
      %get3A_2073 = vector.shape_cast %get3A_2072 : vector<1x1x16xf32> to vector<16xf32>
      %add3A_2074 = arith.addf %add3A_2066, %get3A_2073 : vector<16xf32>
      %get3A_2075 = arith.constant 1 : i32
      %get3A_2076 = arith.constant 40 : i32
      %get3A_2077 = arith.index_cast %get3A_2075 : i32 to index
      %get3A_2078 = arith.index_cast %get3A_2076 : i32 to index
      %get3A_2079 = arith.constant 0 : index
      %get3A_2080 = tpu.vector_load %arg9[%get3A_2077, %get3A_2078, %get3A_2079] {strides = array<i32>} : memref<2x50x64xf32, #tpu.memory_space<vmem>>, vector<1x1x16xf32>,
      %get3A_2081 = vector.shape_cast %get3A_2080 : vector<1x1x16xf32> to vector<16xf32>
      %add3A_2082 = arith.addf %add3A_2074, %get3A_2081 : vector<16xf32>
      %get3A_2083 = arith.constant 1 : i32
      %get3A_2084 = arith.constant 41 : i32
      %get3A_2085 = arith.index_cast %get3A_2083 : i32 to index
      %get3A_2086 = arith.index_cast %get3A_2084 : i32 to index
      %get3A_2087 = arith.constant 0 : index
      %get3A_2088 = tpu.vector_load %arg9[%get3A_2085, %get3A_2086, %get3A_2087] {strides = array<i32>} : memref<2x50x64xf32, #tpu.memory_space<vmem>>, vector<1x1x16xf32>,
      %get3A_2089 = vector.shape_cast %get3A_2088 : vector<1x1x16xf32> to vector<16xf32>
      %add3A_2090 = arith.addf %add3A_2082, %get3A_2089 : vector<16xf32>
      %get3A_2091 = arith.constant 1 : i32
      %get3A_2092 = arith.constant 42 : i32
      %get3A_2093 = arith.index_cast %get3A_2091 : i32 to index
      %get3A_2094 = arith.index_cast %get3A_2092 : i32 to index
      %get3A_2095 = arith.constant 0 : index
      %get3A_2096 = tpu.vector_load %arg9[%get3A_2093, %get3A_2094, %get3A_2095] {strides = array<i32>} : memref<2x50x64xf32, #tpu.memory_space<vmem>>, vector<1x1x16xf32>,
      %get3A_2097 = vector.shape_cast %get3A_2096 : vector<1x1x16xf32> to vector<16xf32>
      %add3A_2098 = arith.addf %add3A_2090, %get3A_2097 : vector<16xf32>
      %get3A_2099 = arith.constant 1 : i32
      %get3A_2100 = arith.constant 43 : i32
      %get3A_2101 = arith.index_cast %get3A_2099 : i32 to index
      %get3A_2102 = arith.index_cast %get3A_2100 : i32 to index
      %get3A_2103 = arith.constant 0 : index
      %get3A_2104 = tpu.vector_load %arg9[%get3A_2101, %get3A_2102, %get3A_2103] {strides = array<i32>} : memref<2x50x64xf32, #tpu.memory_space<vmem>>, vector<1x1x16xf32>,
      %get3A_2105 = vector.shape_cast %get3A_2104 : vector<1x1x16xf32> to vector<16xf32>
      %add3A_2106 = arith.addf %add3A_2098, %get3A_2105 : vector<16xf32>
      %get3A_2107 = arith.constant 1 : i32
      %get3A_2108 = arith.constant 44 : i32
      %get3A_2109 = arith.index_cast %get3A_2107 : i32 to index
      %get3A_2110 = arith.index_cast %get3A_2108 : i32 to index
      %get3A_2111 = arith.constant 0 : index
      %get3A_2112 = tpu.vector_load %arg9[%get3A_2109, %get3A_2110, %get3A_2111] {strides = array<i32>} : memref<2x50x64xf32, #tpu.memory_space<vmem>>, vector<1x1x16xf32>,
      %get3A_2113 = vector.shape_cast %get3A_2112 : vector<1x1x16xf32> to vector<16xf32>
      %add3A_2114 = arith.addf %add3A_2106, %get3A_2113 : vector<16xf32>
      %get3A_2115 = arith.constant 1 : i32
      %get3A_2116 = arith.constant 45 : i32
      %get3A_2117 = arith.index_cast %get3A_2115 : i32 to index
      %get3A_2118 = arith.index_cast %get3A_2116 : i32 to index
      %get3A_2119 = arith.constant 0 : index
      %get3A_2120 = tpu.vector_load %arg9[%get3A_2117, %get3A_2118, %get3A_2119] {strides = array<i32>} : memref<2x50x64xf32, #tpu.memory_space<vmem>>, vector<1x1x16xf32>,
      %get3A_2121 = vector.shape_cast %get3A_2120 : vector<1x1x16xf32> to vector<16xf32>
      %add3A_2122 = arith.addf %add3A_2114, %get3A_2121 : vector<16xf32>
      %get3A_2123 = arith.constant 1 : i32
      %get3A_2124 = arith.constant 46 : i32
      %get3A_2125 = arith.index_cast %get3A_2123 : i32 to index
      %get3A_2126 = arith.index_cast %get3A_2124 : i32 to index
      %get3A_2127 = arith.constant 0 : index
      %get3A_2128 = tpu.vector_load %arg9[%get3A_2125, %get3A_2126, %get3A_2127] {strides = array<i32>} : memref<2x50x64xf32, #tpu.memory_space<vmem>>, vector<1x1x16xf32>,
      %get3A_2129 = vector.shape_cast %get3A_2128 : vector<1x1x16xf32> to vector<16xf32>
      %add3A_2130 = arith.addf %add3A_2122, %get3A_2129 : vector<16xf32>
      %get3A_2131 = arith.constant 1 : i32
      %get3A_2132 = arith.constant 47 : i32
      %get3A_2133 = arith.index_cast %get3A_2131 : i32 to index
      %get3A_2134 = arith.index_cast %get3A_2132 : i32 to index
      %get3A_2135 = arith.constant 0 : index
      %get3A_2136 = tpu.vector_load %arg9[%get3A_2133, %get3A_2134, %get3A_2135] {strides = array<i32>} : memref<2x50x64xf32, #tpu.memory_space<vmem>>, vector<1x1x16xf32>,
      %get3A_2137 = vector.shape_cast %get3A_2136 : vector<1x1x16xf32> to vector<16xf32>
      %add3A_2138 = arith.addf %add3A_2130, %get3A_2137 : vector<16xf32>
      %get3A_2139 = arith.constant 1 : i32
      %get3A_2140 = arith.constant 48 : i32
      %get3A_2141 = arith.index_cast %get3A_2139 : i32 to index
      %get3A_2142 = arith.index_cast %get3A_2140 : i32 to index
      %get3A_2143 = arith.constant 0 : index
      %get3A_2144 = tpu.vector_load %arg9[%get3A_2141, %get3A_2142, %get3A_2143] {strides = array<i32>} : memref<2x50x64xf32, #tpu.memory_space<vmem>>, vector<1x1x16xf32>,
      %get3A_2145 = vector.shape_cast %get3A_2144 : vector<1x1x16xf32> to vector<16xf32>
      %add3A_2146 = arith.addf %add3A_2138, %get3A_2145 : vector<16xf32>
      %get3A_2147 = arith.constant 1 : i32
      %get3A_2148 = arith.constant 49 : i32
      %get3A_2149 = arith.index_cast %get3A_2147 : i32 to index
      %get3A_2150 = arith.index_cast %get3A_2148 : i32 to index
      %get3A_2151 = arith.constant 0 : index
      %get3A_2152 = tpu.vector_load %arg9[%get3A_2149, %get3A_2150, %get3A_2151] {strides = array<i32>} : memref<2x50x64xf32, #tpu.memory_space<vmem>>, vector<1x1x16xf32>,
      %get3A_2153 = vector.shape_cast %get3A_2152 : vector<1x1x16xf32> to vector<16xf32>
      %add3A_2154 = arith.addf %add3A_2146, %get3A_2153 : vector<16xf32>
      %swap3A_2155 = arith.index_cast %add3A_104 : i32 to index
      %swap3A_2156 = arith.constant 0 : index
      %swap3A_2157 = tpu.vector_load %arg10[%swap3A_2155, %swap3A_2156] {strides = array<i32>} : memref<512x64xf32, #tpu.memory_space<vmem>>, vector<1x16xf32>,
      %swap3A_2158 = vector.shape_cast %swap3A_2157 : vector<1x16xf32> to vector<16xf32>
      %swap3A_2159 = vector.shape_cast %add3A_2154 : vector<16xf32> to vector<1x16xf32>
      tpu.vector_store %arg10[%swap3A_2155, %swap3A_2156], %swap3A_2159 {strides = array<i32>} : memref<512x64xf32, #tpu.memory_space<vmem>>, vector<1x16xf32>,
      %get3A_2160 = arith.constant 1 : i32
      %get3A_2161 = arith.constant 0 : i32
      %get3A_2162 = arith.index_cast %get3A_2160 : i32 to index
      %get3A_2163 = arith.index_cast %get3A_2161 : i32 to index
      %get3A_2164 = arith.constant 16 : index
      %get3A_2165 = tpu.vector_load %arg9[%get3A_2162, %get3A_2163, %get3A_2164] {strides = array<i32>} : memref<2x50x64xf32, #tpu.memory_space<vmem>>, vector<1x1x16xf32>,
      %get3A_2166 = vector.shape_cast %get3A_2165 : vector<1x1x16xf32> to vector<16xf32>
      %get3A_2167 = arith.constant 1 : i32
      %get3A_2168 = arith.constant 1 : i32
      %get3A_2169 = arith.index_cast %get3A_2167 : i32 to index
      %get3A_2170 = arith.index_cast %get3A_2168 : i32 to index
      %get3A_2171 = arith.constant 16 : index
      %get3A_2172 = tpu.vector_load %arg9[%get3A_2169, %get3A_2170, %get3A_2171] {strides = array<i32>} : memref<2x50x64xf32, #tpu.memory_space<vmem>>, vector<1x1x16xf32>,
      %get3A_2173 = vector.shape_cast %get3A_2172 : vector<1x1x16xf32> to vector<16xf32>
      %add3A_2174 = arith.addf %get3A_2166, %get3A_2173 : vector<16xf32>
      %get3A_2175 = arith.constant 1 : i32
      %get3A_2176 = arith.constant 2 : i32
      %get3A_2177 = arith.index_cast %get3A_2175 : i32 to index
      %get3A_2178 = arith.index_cast %get3A_2176 : i32 to index
      %get3A_2179 = arith.constant 16 : index
      %get3A_2180 = tpu.vector_load %arg9[%get3A_2177, %get3A_2178, %get3A_2179] {strides = array<i32>} : memref<2x50x64xf32, #tpu.memory_space<vmem>>, vector<1x1x16xf32>,
      %get3A_2181 = vector.shape_cast %get3A_2180 : vector<1x1x16xf32> to vector<16xf32>
      %add3A_2182 = arith.addf %add3A_2174, %get3A_2181 : vector<16xf32>
      %get3A_2183 = arith.constant 1 : i32
      %get3A_2184 = arith.constant 3 : i32
      %get3A_2185 = arith.index_cast %get3A_2183 : i32 to index
      %get3A_2186 = arith.index_cast %get3A_2184 : i32 to index
      %get3A_2187 = arith.constant 16 : index
      %get3A_2188 = tpu.vector_load %arg9[%get3A_2185, %get3A_2186, %get3A_2187] {strides = array<i32>} : memref<2x50x64xf32, #tpu.memory_space<vmem>>, vector<1x1x16xf32>,
      %get3A_2189 = vector.shape_cast %get3A_2188 : vector<1x1x16xf32> to vector<16xf32>
      %add3A_2190 = arith.addf %add3A_2182, %get3A_2189 : vector<16xf32>
      %get3A_2191 = arith.constant 1 : i32
      %get3A_2192 = arith.constant 4 : i32
      %get3A_2193 = arith.index_cast %get3A_2191 : i32 to index
      %get3A_2194 = arith.index_cast %get3A_2192 : i32 to index
      %get3A_2195 = arith.constant 16 : index
      %get3A_2196 = tpu.vector_load %arg9[%get3A_2193, %get3A_2194, %get3A_2195] {strides = array<i32>} : memref<2x50x64xf32, #tpu.memory_space<vmem>>, vector<1x1x16xf32>,
      %get3A_2197 = vector.shape_cast %get3A_2196 : vector<1x1x16xf32> to vector<16xf32>
      %add3A_2198 = arith.addf %add3A_2190, %get3A_2197 : vector<16xf32>
      %get3A_2199 = arith.constant 1 : i32
      %get3A_2200 = arith.constant 5 : i32
      %get3A_2201 = arith.index_cast %get3A_2199 : i32 to index
      %get3A_2202 = arith.index_cast %get3A_2200 : i32 to index
      %get3A_2203 = arith.constant 16 : index
      %get3A_2204 = tpu.vector_load %arg9[%get3A_2201, %get3A_2202, %get3A_2203] {strides = array<i32>} : memref<2x50x64xf32, #tpu.memory_space<vmem>>, vector<1x1x16xf32>,
      %get3A_2205 = vector.shape_cast %get3A_2204 : vector<1x1x16xf32> to vector<16xf32>
      %add3A_2206 = arith.addf %add3A_2198, %get3A_2205 : vector<16xf32>
      %get3A_2207 = arith.constant 1 : i32
      %get3A_2208 = arith.constant 6 : i32
      %get3A_2209 = arith.index_cast %get3A_2207 : i32 to index
      %get3A_2210 = arith.index_cast %get3A_2208 : i32 to index
      %get3A_2211 = arith.constant 16 : index
      %get3A_2212 = tpu.vector_load %arg9[%get3A_2209, %get3A_2210, %get3A_2211] {strides = array<i32>} : memref<2x50x64xf32, #tpu.memory_space<vmem>>, vector<1x1x16xf32>,
      %get3A_2213 = vector.shape_cast %get3A_2212 : vector<1x1x16xf32> to vector<16xf32>
      %add3A_2214 = arith.addf %add3A_2206, %get3A_2213 : vector<16xf32>
      %get3A_2215 = arith.constant 1 : i32
      %get3A_2216 = arith.constant 7 : i32
      %get3A_2217 = arith.index_cast %get3A_2215 : i32 to index
      %get3A_2218 = arith.index_cast %get3A_2216 : i32 to index
      %get3A_2219 = arith.constant 16 : index
      %get3A_2220 = tpu.vector_load %arg9[%get3A_2217, %get3A_2218, %get3A_2219] {strides = array<i32>} : memref<2x50x64xf32, #tpu.memory_space<vmem>>, vector<1x1x16xf32>,
      %get3A_2221 = vector.shape_cast %get3A_2220 : vector<1x1x16xf32> to vector<16xf32>
      %add3A_2222 = arith.addf %add3A_2214, %get3A_2221 : vector<16xf32>
      %get3A_2223 = arith.constant 1 : i32
      %get3A_2224 = arith.constant 8 : i32
      %get3A_2225 = arith.index_cast %get3A_2223 : i32 to index
      %get3A_2226 = arith.index_cast %get3A_2224 : i32 to index
      %get3A_2227 = arith.constant 16 : index
      %get3A_2228 = tpu.vector_load %arg9[%get3A_2225, %get3A_2226, %get3A_2227] {strides = array<i32>} : memref<2x50x64xf32, #tpu.memory_space<vmem>>, vector<1x1x16xf32>,
      %get3A_2229 = vector.shape_cast %get3A_2228 : vector<1x1x16xf32> to vector<16xf32>
      %add3A_2230 = arith.addf %add3A_2222, %get3A_2229 : vector<16xf32>
      %get3A_2231 = arith.constant 1 : i32
      %get3A_2232 = arith.constant 9 : i32
      %get3A_2233 = arith.index_cast %get3A_2231 : i32 to index
      %get3A_2234 = arith.index_cast %get3A_2232 : i32 to index
      %get3A_2235 = arith.constant 16 : index
      %get3A_2236 = tpu.vector_load %arg9[%get3A_2233, %get3A_2234, %get3A_2235] {strides = array<i32>} : memref<2x50x64xf32, #tpu.memory_space<vmem>>, vector<1x1x16xf32>,
      %get3A_2237 = vector.shape_cast %get3A_2236 : vector<1x1x16xf32> to vector<16xf32>
      %add3A_2238 = arith.addf %add3A_2230, %get3A_2237 : vector<16xf32>
      %get3A_2239 = arith.constant 1 : i32
      %get3A_2240 = arith.constant 10 : i32
      %get3A_2241 = arith.index_cast %get3A_2239 : i32 to index
      %get3A_2242 = arith.index_cast %get3A_2240 : i32 to index
      %get3A_2243 = arith.constant 16 : index
      %get3A_2244 = tpu.vector_load %arg9[%get3A_2241, %get3A_2242, %get3A_2243] {strides = array<i32>} : memref<2x50x64xf32, #tpu.memory_space<vmem>>, vector<1x1x16xf32>,
      %get3A_2245 = vector.shape_cast %get3A_2244 : vector<1x1x16xf32> to vector<16xf32>
      %add3A_2246 = arith.addf %add3A_2238, %get3A_2245 : vector<16xf32>
      %get3A_2247 = arith.constant 1 : i32
      %get3A_2248 = arith.constant 11 : i32
      %get3A_2249 = arith.index_cast %get3A_2247 : i32 to index
      %get3A_2250 = arith.index_cast %get3A_2248 : i32 to index
      %get3A_2251 = arith.constant 16 : index
      %get3A_2252 = tpu.vector_load %arg9[%get3A_2249, %get3A_2250, %get3A_2251] {strides = array<i32>} : memref<2x50x64xf32, #tpu.memory_space<vmem>>, vector<1x1x16xf32>,
      %get3A_2253 = vector.shape_cast %get3A_2252 : vector<1x1x16xf32> to vector<16xf32>
      %add3A_2254 = arith.addf %add3A_2246, %get3A_2253 : vector<16xf32>
      %get3A_2255 = arith.constant 1 : i32
      %get3A_2256 = arith.constant 12 : i32
      %get3A_2257 = arith.index_cast %get3A_2255 : i32 to index
      %get3A_2258 = arith.index_cast %get3A_2256 : i32 to index
      %get3A_2259 = arith.constant 16 : index
      %get3A_2260 = tpu.vector_load %arg9[%get3A_2257, %get3A_2258, %get3A_2259] {strides = array<i32>} : memref<2x50x64xf32, #tpu.memory_space<vmem>>, vector<1x1x16xf32>,
      %get3A_2261 = vector.shape_cast %get3A_2260 : vector<1x1x16xf32> to vector<16xf32>
      %add3A_2262 = arith.addf %add3A_2254, %get3A_2261 : vector<16xf32>
      %get3A_2263 = arith.constant 1 : i32
      %get3A_2264 = arith.constant 13 : i32
      %get3A_2265 = arith.index_cast %get3A_2263 : i32 to index
      %get3A_2266 = arith.index_cast %get3A_2264 : i32 to index
      %get3A_2267 = arith.constant 16 : index
      %get3A_2268 = tpu.vector_load %arg9[%get3A_2265, %get3A_2266, %get3A_2267] {strides = array<i32>} : memref<2x50x64xf32, #tpu.memory_space<vmem>>, vector<1x1x16xf32>,
      %get3A_2269 = vector.shape_cast %get3A_2268 : vector<1x1x16xf32> to vector<16xf32>
      %add3A_2270 = arith.addf %add3A_2262, %get3A_2269 : vector<16xf32>
      %get3A_2271 = arith.constant 1 : i32
      %get3A_2272 = arith.constant 14 : i32
      %get3A_2273 = arith.index_cast %get3A_2271 : i32 to index
      %get3A_2274 = arith.index_cast %get3A_2272 : i32 to index
      %get3A_2275 = arith.constant 16 : index
      %get3A_2276 = tpu.vector_load %arg9[%get3A_2273, %get3A_2274, %get3A_2275] {strides = array<i32>} : memref<2x50x64xf32, #tpu.memory_space<vmem>>, vector<1x1x16xf32>,
      %get3A_2277 = vector.shape_cast %get3A_2276 : vector<1x1x16xf32> to vector<16xf32>
      %add3A_2278 = arith.addf %add3A_2270, %get3A_2277 : vector<16xf32>
      %get3A_2279 = arith.constant 1 : i32
      %get3A_2280 = arith.constant 15 : i32
      %get3A_2281 = arith.index_cast %get3A_2279 : i32 to index
      %get3A_2282 = arith.index_cast %get3A_2280 : i32 to index
      %get3A_2283 = arith.constant 16 : index
      %get3A_2284 = tpu.vector_load %arg9[%get3A_2281, %get3A_2282, %get3A_2283] {strides = array<i32>} : memref<2x50x64xf32, #tpu.memory_space<vmem>>, vector<1x1x16xf32>,
      %get3A_2285 = vector.shape_cast %get3A_2284 : vector<1x1x16xf32> to vector<16xf32>
      %add3A_2286 = arith.addf %add3A_2278, %get3A_2285 : vector<16xf32>
      %get3A_2287 = arith.constant 1 : i32
      %get3A_2288 = arith.constant 16 : i32
      %get3A_2289 = arith.index_cast %get3A_2287 : i32 to index
      %get3A_2290 = arith.index_cast %get3A_2288 : i32 to index
      %get3A_2291 = arith.constant 16 : index
      %get3A_2292 = tpu.vector_load %arg9[%get3A_2289, %get3A_2290, %get3A_2291] {strides = array<i32>} : memref<2x50x64xf32, #tpu.memory_space<vmem>>, vector<1x1x16xf32>,
      %get3A_2293 = vector.shape_cast %get3A_2292 : vector<1x1x16xf32> to vector<16xf32>
      %add3A_2294 = arith.addf %add3A_2286, %get3A_2293 : vector<16xf32>
      %get3A_2295 = arith.constant 1 : i32
      %get3A_2296 = arith.constant 17 : i32
      %get3A_2297 = arith.index_cast %get3A_2295 : i32 to index
      %get3A_2298 = arith.index_cast %get3A_2296 : i32 to index
      %get3A_2299 = arith.constant 16 : index
      %get3A_2300 = tpu.vector_load %arg9[%get3A_2297, %get3A_2298, %get3A_2299] {strides = array<i32>} : memref<2x50x64xf32, #tpu.memory_space<vmem>>, vector<1x1x16xf32>,
      %get3A_2301 = vector.shape_cast %get3A_2300 : vector<1x1x16xf32> to vector<16xf32>
      %add3A_2302 = arith.addf %add3A_2294, %get3A_2301 : vector<16xf32>
      %get3A_2303 = arith.constant 1 : i32
      %get3A_2304 = arith.constant 18 : i32
      %get3A_2305 = arith.index_cast %get3A_2303 : i32 to index
      %get3A_2306 = arith.index_cast %get3A_2304 : i32 to index
      %get3A_2307 = arith.constant 16 : index
      %get3A_2308 = tpu.vector_load %arg9[%get3A_2305, %get3A_2306, %get3A_2307] {strides = array<i32>} : memref<2x50x64xf32, #tpu.memory_space<vmem>>, vector<1x1x16xf32>,
      %get3A_2309 = vector.shape_cast %get3A_2308 : vector<1x1x16xf32> to vector<16xf32>
      %add3A_2310 = arith.addf %add3A_2302, %get3A_2309 : vector<16xf32>
      %get3A_2311 = arith.constant 1 : i32
      %get3A_2312 = arith.constant 19 : i32
      %get3A_2313 = arith.index_cast %get3A_2311 : i32 to index
      %get3A_2314 = arith.index_cast %get3A_2312 : i32 to index
      %get3A_2315 = arith.constant 16 : index
      %get3A_2316 = tpu.vector_load %arg9[%get3A_2313, %get3A_2314, %get3A_2315] {strides = array<i32>} : memref<2x50x64xf32, #tpu.memory_space<vmem>>, vector<1x1x16xf32>,
      %get3A_2317 = vector.shape_cast %get3A_2316 : vector<1x1x16xf32> to vector<16xf32>
      %add3A_2318 = arith.addf %add3A_2310, %get3A_2317 : vector<16xf32>
      %get3A_2319 = arith.constant 1 : i32
      %get3A_2320 = arith.constant 20 : i32
      %get3A_2321 = arith.index_cast %get3A_2319 : i32 to index
      %get3A_2322 = arith.index_cast %get3A_2320 : i32 to index
      %get3A_2323 = arith.constant 16 : index
      %get3A_2324 = tpu.vector_load %arg9[%get3A_2321, %get3A_2322, %get3A_2323] {strides = array<i32>} : memref<2x50x64xf32, #tpu.memory_space<vmem>>, vector<1x1x16xf32>,
      %get3A_2325 = vector.shape_cast %get3A_2324 : vector<1x1x16xf32> to vector<16xf32>
      %add3A_2326 = arith.addf %add3A_2318, %get3A_2325 : vector<16xf32>
      %get3A_2327 = arith.constant 1 : i32
      %get3A_2328 = arith.constant 21 : i32
      %get3A_2329 = arith.index_cast %get3A_2327 : i32 to index
      %get3A_2330 = arith.index_cast %get3A_2328 : i32 to index
      %get3A_2331 = arith.constant 16 : index
      %get3A_2332 = tpu.vector_load %arg9[%get3A_2329, %get3A_2330, %get3A_2331] {strides = array<i32>} : memref<2x50x64xf32, #tpu.memory_space<vmem>>, vector<1x1x16xf32>,
      %get3A_2333 = vector.shape_cast %get3A_2332 : vector<1x1x16xf32> to vector<16xf32>
      %add3A_2334 = arith.addf %add3A_2326, %get3A_2333 : vector<16xf32>
      %get3A_2335 = arith.constant 1 : i32
      %get3A_2336 = arith.constant 22 : i32
      %get3A_2337 = arith.index_cast %get3A_2335 : i32 to index
      %get3A_2338 = arith.index_cast %get3A_2336 : i32 to index
      %get3A_2339 = arith.constant 16 : index
      %get3A_2340 = tpu.vector_load %arg9[%get3A_2337, %get3A_2338, %get3A_2339] {strides = array<i32>} : memref<2x50x64xf32, #tpu.memory_space<vmem>>, vector<1x1x16xf32>,
      %get3A_2341 = vector.shape_cast %get3A_2340 : vector<1x1x16xf32> to vector<16xf32>
      %add3A_2342 = arith.addf %add3A_2334, %get3A_2341 : vector<16xf32>
      %get3A_2343 = arith.constant 1 : i32
      %get3A_2344 = arith.constant 23 : i32
      %get3A_2345 = arith.index_cast %get3A_2343 : i32 to index
      %get3A_2346 = arith.index_cast %get3A_2344 : i32 to index
      %get3A_2347 = arith.constant 16 : index
      %get3A_2348 = tpu.vector_load %arg9[%get3A_2345, %get3A_2346, %get3A_2347] {strides = array<i32>} : memref<2x50x64xf32, #tpu.memory_space<vmem>>, vector<1x1x16xf32>,
      %get3A_2349 = vector.shape_cast %get3A_2348 : vector<1x1x16xf32> to vector<16xf32>
      %add3A_2350 = arith.addf %add3A_2342, %get3A_2349 : vector<16xf32>
      %get3A_2351 = arith.constant 1 : i32
      %get3A_2352 = arith.constant 24 : i32
      %get3A_2353 = arith.index_cast %get3A_2351 : i32 to index
      %get3A_2354 = arith.index_cast %get3A_2352 : i32 to index
      %get3A_2355 = arith.constant 16 : index
      %get3A_2356 = tpu.vector_load %arg9[%get3A_2353, %get3A_2354, %get3A_2355] {strides = array<i32>} : memref<2x50x64xf32, #tpu.memory_space<vmem>>, vector<1x1x16xf32>,
      %get3A_2357 = vector.shape_cast %get3A_2356 : vector<1x1x16xf32> to vector<16xf32>
      %add3A_2358 = arith.addf %add3A_2350, %get3A_2357 : vector<16xf32>
      %get3A_2359 = arith.constant 1 : i32
      %get3A_2360 = arith.constant 25 : i32
      %get3A_2361 = arith.index_cast %get3A_2359 : i32 to index
      %get3A_2362 = arith.index_cast %get3A_2360 : i32 to index
      %get3A_2363 = arith.constant 16 : index
      %get3A_2364 = tpu.vector_load %arg9[%get3A_2361, %get3A_2362, %get3A_2363] {strides = array<i32>} : memref<2x50x64xf32, #tpu.memory_space<vmem>>, vector<1x1x16xf32>,
      %get3A_2365 = vector.shape_cast %get3A_2364 : vector<1x1x16xf32> to vector<16xf32>
      %add3A_2366 = arith.addf %add3A_2358, %get3A_2365 : vector<16xf32>
      %get3A_2367 = arith.constant 1 : i32
      %get3A_2368 = arith.constant 26 : i32
      %get3A_2369 = arith.index_cast %get3A_2367 : i32 to index
      %get3A_2370 = arith.index_cast %get3A_2368 : i32 to index
      %get3A_2371 = arith.constant 16 : index
      %get3A_2372 = tpu.vector_load %arg9[%get3A_2369, %get3A_2370, %get3A_2371] {strides = array<i32>} : memref<2x50x64xf32, #tpu.memory_space<vmem>>, vector<1x1x16xf32>,
      %get3A_2373 = vector.shape_cast %get3A_2372 : vector<1x1x16xf32> to vector<16xf32>
      %add3A_2374 = arith.addf %add3A_2366, %get3A_2373 : vector<16xf32>
      %get3A_2375 = arith.constant 1 : i32
      %get3A_2376 = arith.constant 27 : i32
      %get3A_2377 = arith.index_cast %get3A_2375 : i32 to index
      %get3A_2378 = arith.index_cast %get3A_2376 : i32 to index
      %get3A_2379 = arith.constant 16 : index
      %get3A_2380 = tpu.vector_load %arg9[%get3A_2377, %get3A_2378, %get3A_2379] {strides = array<i32>} : memref<2x50x64xf32, #tpu.memory_space<vmem>>, vector<1x1x16xf32>,
      %get3A_2381 = vector.shape_cast %get3A_2380 : vector<1x1x16xf32> to vector<16xf32>
      %add3A_2382 = arith.addf %add3A_2374, %get3A_2381 : vector<16xf32>
      %get3A_2383 = arith.constant 1 : i32
      %get3A_2384 = arith.constant 28 : i32
      %get3A_2385 = arith.index_cast %get3A_2383 : i32 to index
      %get3A_2386 = arith.index_cast %get3A_2384 : i32 to index
      %get3A_2387 = arith.constant 16 : index
      %get3A_2388 = tpu.vector_load %arg9[%get3A_2385, %get3A_2386, %get3A_2387] {strides = array<i32>} : memref<2x50x64xf32, #tpu.memory_space<vmem>>, vector<1x1x16xf32>,
      %get3A_2389 = vector.shape_cast %get3A_2388 : vector<1x1x16xf32> to vector<16xf32>
      %add3A_2390 = arith.addf %add3A_2382, %get3A_2389 : vector<16xf32>
      %get3A_2391 = arith.constant 1 : i32
      %get3A_2392 = arith.constant 29 : i32
      %get3A_2393 = arith.index_cast %get3A_2391 : i32 to index
      %get3A_2394 = arith.index_cast %get3A_2392 : i32 to index
      %get3A_2395 = arith.constant 16 : index
      %get3A_2396 = tpu.vector_load %arg9[%get3A_2393, %get3A_2394, %get3A_2395] {strides = array<i32>} : memref<2x50x64xf32, #tpu.memory_space<vmem>>, vector<1x1x16xf32>,
      %get3A_2397 = vector.shape_cast %get3A_2396 : vector<1x1x16xf32> to vector<16xf32>
      %add3A_2398 = arith.addf %add3A_2390, %get3A_2397 : vector<16xf32>
      %get3A_2399 = arith.constant 1 : i32
      %get3A_2400 = arith.constant 30 : i32
      %get3A_2401 = arith.index_cast %get3A_2399 : i32 to index
      %get3A_2402 = arith.index_cast %get3A_2400 : i32 to index
      %get3A_2403 = arith.constant 16 : index
      %get3A_2404 = tpu.vector_load %arg9[%get3A_2401, %get3A_2402, %get3A_2403] {strides = array<i32>} : memref<2x50x64xf32, #tpu.memory_space<vmem>>, vector<1x1x16xf32>,
      %get3A_2405 = vector.shape_cast %get3A_2404 : vector<1x1x16xf32> to vector<16xf32>
      %add3A_2406 = arith.addf %add3A_2398, %get3A_2405 : vector<16xf32>
      %get3A_2407 = arith.constant 1 : i32
      %get3A_2408 = arith.constant 31 : i32
      %get3A_2409 = arith.index_cast %get3A_2407 : i32 to index
      %get3A_2410 = arith.index_cast %get3A_2408 : i32 to index
      %get3A_2411 = arith.constant 16 : index
      %get3A_2412 = tpu.vector_load %arg9[%get3A_2409, %get3A_2410, %get3A_2411] {strides = array<i32>} : memref<2x50x64xf32, #tpu.memory_space<vmem>>, vector<1x1x16xf32>,
      %get3A_2413 = vector.shape_cast %get3A_2412 : vector<1x1x16xf32> to vector<16xf32>
      %add3A_2414 = arith.addf %add3A_2406, %get3A_2413 : vector<16xf32>
      %get3A_2415 = arith.constant 1 : i32
      %get3A_2416 = arith.constant 32 : i32
      %get3A_2417 = arith.index_cast %get3A_2415 : i32 to index
      %get3A_2418 = arith.index_cast %get3A_2416 : i32 to index
      %get3A_2419 = arith.constant 16 : index
      %get3A_2420 = tpu.vector_load %arg9[%get3A_2417, %get3A_2418, %get3A_2419] {strides = array<i32>} : memref<2x50x64xf32, #tpu.memory_space<vmem>>, vector<1x1x16xf32>,
      %get3A_2421 = vector.shape_cast %get3A_2420 : vector<1x1x16xf32> to vector<16xf32>
      %add3A_2422 = arith.addf %add3A_2414, %get3A_2421 : vector<16xf32>
      %get3A_2423 = arith.constant 1 : i32
      %get3A_2424 = arith.constant 33 : i32
      %get3A_2425 = arith.index_cast %get3A_2423 : i32 to index
      %get3A_2426 = arith.index_cast %get3A_2424 : i32 to index
      %get3A_2427 = arith.constant 16 : index
      %get3A_2428 = tpu.vector_load %arg9[%get3A_2425, %get3A_2426, %get3A_2427] {strides = array<i32>} : memref<2x50x64xf32, #tpu.memory_space<vmem>>, vector<1x1x16xf32>,
      %get3A_2429 = vector.shape_cast %get3A_2428 : vector<1x1x16xf32> to vector<16xf32>
      %add3A_2430 = arith.addf %add3A_2422, %get3A_2429 : vector<16xf32>
      %get3A_2431 = arith.constant 1 : i32
      %get3A_2432 = arith.constant 34 : i32
      %get3A_2433 = arith.index_cast %get3A_2431 : i32 to index
      %get3A_2434 = arith.index_cast %get3A_2432 : i32 to index
      %get3A_2435 = arith.constant 16 : index
      %get3A_2436 = tpu.vector_load %arg9[%get3A_2433, %get3A_2434, %get3A_2435] {strides = array<i32>} : memref<2x50x64xf32, #tpu.memory_space<vmem>>, vector<1x1x16xf32>,
      %get3A_2437 = vector.shape_cast %get3A_2436 : vector<1x1x16xf32> to vector<16xf32>
      %add3A_2438 = arith.addf %add3A_2430, %get3A_2437 : vector<16xf32>
      %get3A_2439 = arith.constant 1 : i32
      %get3A_2440 = arith.constant 35 : i32
      %get3A_2441 = arith.index_cast %get3A_2439 : i32 to index
      %get3A_2442 = arith.index_cast %get3A_2440 : i32 to index
      %get3A_2443 = arith.constant 16 : index
      %get3A_2444 = tpu.vector_load %arg9[%get3A_2441, %get3A_2442, %get3A_2443] {strides = array<i32>} : memref<2x50x64xf32, #tpu.memory_space<vmem>>, vector<1x1x16xf32>,
      %get3A_2445 = vector.shape_cast %get3A_2444 : vector<1x1x16xf32> to vector<16xf32>
      %add3A_2446 = arith.addf %add3A_2438, %get3A_2445 : vector<16xf32>
      %get3A_2447 = arith.constant 1 : i32
      %get3A_2448 = arith.constant 36 : i32
      %get3A_2449 = arith.index_cast %get3A_2447 : i32 to index
      %get3A_2450 = arith.index_cast %get3A_2448 : i32 to index
      %get3A_2451 = arith.constant 16 : index
      %get3A_2452 = tpu.vector_load %arg9[%get3A_2449, %get3A_2450, %get3A_2451] {strides = array<i32>} : memref<2x50x64xf32, #tpu.memory_space<vmem>>, vector<1x1x16xf32>,
      %get3A_2453 = vector.shape_cast %get3A_2452 : vector<1x1x16xf32> to vector<16xf32>
      %add3A_2454 = arith.addf %add3A_2446, %get3A_2453 : vector<16xf32>
      %get3A_2455 = arith.constant 1 : i32
      %get3A_2456 = arith.constant 37 : i32
      %get3A_2457 = arith.index_cast %get3A_2455 : i32 to index
      %get3A_2458 = arith.index_cast %get3A_2456 : i32 to index
      %get3A_2459 = arith.constant 16 : index
      %get3A_2460 = tpu.vector_load %arg9[%get3A_2457, %get3A_2458, %get3A_2459] {strides = array<i32>} : memref<2x50x64xf32, #tpu.memory_space<vmem>>, vector<1x1x16xf32>,
      %get3A_2461 = vector.shape_cast %get3A_2460 : vector<1x1x16xf32> to vector<16xf32>
      %add3A_2462 = arith.addf %add3A_2454, %get3A_2461 : vector<16xf32>
      %get3A_2463 = arith.constant 1 : i32
      %get3A_2464 = arith.constant 38 : i32
      %get3A_2465 = arith.index_cast %get3A_2463 : i32 to index
      %get3A_2466 = arith.index_cast %get3A_2464 : i32 to index
      %get3A_2467 = arith.constant 16 : index
      %get3A_2468 = tpu.vector_load %arg9[%get3A_2465, %get3A_2466, %get3A_2467] {strides = array<i32>} : memref<2x50x64xf32, #tpu.memory_space<vmem>>, vector<1x1x16xf32>,
      %get3A_2469 = vector.shape_cast %get3A_2468 : vector<1x1x16xf32> to vector<16xf32>
      %add3A_2470 = arith.addf %add3A_2462, %get3A_2469 : vector<16xf32>
      %get3A_2471 = arith.constant 1 : i32
      %get3A_2472 = arith.constant 39 : i32
      %get3A_2473 = arith.index_cast %get3A_2471 : i32 to index
      %get3A_2474 = arith.index_cast %get3A_2472 : i32 to index
      %get3A_2475 = arith.constant 16 : index
      %get3A_2476 = tpu.vector_load %arg9[%get3A_2473, %get3A_2474, %get3A_2475] {strides = array<i32>} : memref<2x50x64xf32, #tpu.memory_space<vmem>>, vector<1x1x16xf32>,
      %get3A_2477 = vector.shape_cast %get3A_2476 : vector<1x1x16xf32> to vector<16xf32>
      %add3A_2478 = arith.addf %add3A_2470, %get3A_2477 : vector<16xf32>
      %get3A_2479 = arith.constant 1 : i32
      %get3A_2480 = arith.constant 40 : i32
      %get3A_2481 = arith.index_cast %get3A_2479 : i32 to index
      %get3A_2482 = arith.index_cast %get3A_2480 : i32 to index
      %get3A_2483 = arith.constant 16 : index
      %get3A_2484 = tpu.vector_load %arg9[%get3A_2481, %get3A_2482, %get3A_2483] {strides = array<i32>} : memref<2x50x64xf32, #tpu.memory_space<vmem>>, vector<1x1x16xf32>,
      %get3A_2485 = vector.shape_cast %get3A_2484 : vector<1x1x16xf32> to vector<16xf32>
      %add3A_2486 = arith.addf %add3A_2478, %get3A_2485 : vector<16xf32>
      %get3A_2487 = arith.constant 1 : i32
      %get3A_2488 = arith.constant 41 : i32
      %get3A_2489 = arith.index_cast %get3A_2487 : i32 to index
      %get3A_2490 = arith.index_cast %get3A_2488 : i32 to index
      %get3A_2491 = arith.constant 16 : index
      %get3A_2492 = tpu.vector_load %arg9[%get3A_2489, %get3A_2490, %get3A_2491] {strides = array<i32>} : memref<2x50x64xf32, #tpu.memory_space<vmem>>, vector<1x1x16xf32>,
      %get3A_2493 = vector.shape_cast %get3A_2492 : vector<1x1x16xf32> to vector<16xf32>
      %add3A_2494 = arith.addf %add3A_2486, %get3A_2493 : vector<16xf32>
      %get3A_2495 = arith.constant 1 : i32
      %get3A_2496 = arith.constant 42 : i32
      %get3A_2497 = arith.index_cast %get3A_2495 : i32 to index
      %get3A_2498 = arith.index_cast %get3A_2496 : i32 to index
      %get3A_2499 = arith.constant 16 : index
      %get3A_2500 = tpu.vector_load %arg9[%get3A_2497, %get3A_2498, %get3A_2499] {strides = array<i32>} : memref<2x50x64xf32, #tpu.memory_space<vmem>>, vector<1x1x16xf32>,
      %get3A_2501 = vector.shape_cast %get3A_2500 : vector<1x1x16xf32> to vector<16xf32>
      %add3A_2502 = arith.addf %add3A_2494, %get3A_2501 : vector<16xf32>
      %get3A_2503 = arith.constant 1 : i32
      %get3A_2504 = arith.constant 43 : i32
      %get3A_2505 = arith.index_cast %get3A_2503 : i32 to index
      %get3A_2506 = arith.index_cast %get3A_2504 : i32 to index
      %get3A_2507 = arith.constant 16 : index
      %get3A_2508 = tpu.vector_load %arg9[%get3A_2505, %get3A_2506, %get3A_2507] {strides = array<i32>} : memref<2x50x64xf32, #tpu.memory_space<vmem>>, vector<1x1x16xf32>,
      %get3A_2509 = vector.shape_cast %get3A_2508 : vector<1x1x16xf32> to vector<16xf32>
      %add3A_2510 = arith.addf %add3A_2502, %get3A_2509 : vector<16xf32>
      %get3A_2511 = arith.constant 1 : i32
      %get3A_2512 = arith.constant 44 : i32
      %get3A_2513 = arith.index_cast %get3A_2511 : i32 to index
      %get3A_2514 = arith.index_cast %get3A_2512 : i32 to index
      %get3A_2515 = arith.constant 16 : index
      %get3A_2516 = tpu.vector_load %arg9[%get3A_2513, %get3A_2514, %get3A_2515] {strides = array<i32>} : memref<2x50x64xf32, #tpu.memory_space<vmem>>, vector<1x1x16xf32>,
      %get3A_2517 = vector.shape_cast %get3A_2516 : vector<1x1x16xf32> to vector<16xf32>
      %add3A_2518 = arith.addf %add3A_2510, %get3A_2517 : vector<16xf32>
      %get3A_2519 = arith.constant 1 : i32
      %get3A_2520 = arith.constant 45 : i32
      %get3A_2521 = arith.index_cast %get3A_2519 : i32 to index
      %get3A_2522 = arith.index_cast %get3A_2520 : i32 to index
      %get3A_2523 = arith.constant 16 : index
      %get3A_2524 = tpu.vector_load %arg9[%get3A_2521, %get3A_2522, %get3A_2523] {strides = array<i32>} : memref<2x50x64xf32, #tpu.memory_space<vmem>>, vector<1x1x16xf32>,
      %get3A_2525 = vector.shape_cast %get3A_2524 : vector<1x1x16xf32> to vector<16xf32>
      %add3A_2526 = arith.addf %add3A_2518, %get3A_2525 : vector<16xf32>
      %get3A_2527 = arith.constant 1 : i32
      %get3A_2528 = arith.constant 46 : i32
      %get3A_2529 = arith.index_cast %get3A_2527 : i32 to index
      %get3A_2530 = arith.index_cast %get3A_2528 : i32 to index
      %get3A_2531 = arith.constant 16 : index
      %get3A_2532 = tpu.vector_load %arg9[%get3A_2529, %get3A_2530, %get3A_2531] {strides = array<i32>} : memref<2x50x64xf32, #tpu.memory_space<vmem>>, vector<1x1x16xf32>,
      %get3A_2533 = vector.shape_cast %get3A_2532 : vector<1x1x16xf32> to vector<16xf32>
      %add3A_2534 = arith.addf %add3A_2526, %get3A_2533 : vector<16xf32>
      %get3A_2535 = arith.constant 1 : i32
      %get3A_2536 = arith.constant 47 : i32
      %get3A_2537 = arith.index_cast %get3A_2535 : i32 to index
      %get3A_2538 = arith.index_cast %get3A_2536 : i32 to index
      %get3A_2539 = arith.constant 16 : index
      %get3A_2540 = tpu.vector_load %arg9[%get3A_2537, %get3A_2538, %get3A_2539] {strides = array<i32>} : memref<2x50x64xf32, #tpu.memory_space<vmem>>, vector<1x1x16xf32>,
      %get3A_2541 = vector.shape_cast %get3A_2540 : vector<1x1x16xf32> to vector<16xf32>
      %add3A_2542 = arith.addf %add3A_2534, %get3A_2541 : vector<16xf32>
      %get3A_2543 = arith.constant 1 : i32
      %get3A_2544 = arith.constant 48 : i32
      %get3A_2545 = arith.index_cast %get3A_2543 : i32 to index
      %get3A_2546 = arith.index_cast %get3A_2544 : i32 to index
      %get3A_2547 = arith.constant 16 : index
      %get3A_2548 = tpu.vector_load %arg9[%get3A_2545, %get3A_2546, %get3A_2547] {strides = array<i32>} : memref<2x50x64xf32, #tpu.memory_space<vmem>>, vector<1x1x16xf32>,
      %get3A_2549 = vector.shape_cast %get3A_2548 : vector<1x1x16xf32> to vector<16xf32>
      %add3A_2550 = arith.addf %add3A_2542, %get3A_2549 : vector<16xf32>
      %get3A_2551 = arith.constant 1 : i32
      %get3A_2552 = arith.constant 49 : i32
      %get3A_2553 = arith.index_cast %get3A_2551 : i32 to index
      %get3A_2554 = arith.index_cast %get3A_2552 : i32 to index
      %get3A_2555 = arith.constant 16 : index
      %get3A_2556 = tpu.vector_load %arg9[%get3A_2553, %get3A_2554, %get3A_2555] {strides = array<i32>} : memref<2x50x64xf32, #tpu.memory_space<vmem>>, vector<1x1x16xf32>,
      %get3A_2557 = vector.shape_cast %get3A_2556 : vector<1x1x16xf32> to vector<16xf32>
      %add3A_2558 = arith.addf %add3A_2550, %get3A_2557 : vector<16xf32>
      %swap3A_2559 = arith.index_cast %add3A_104 : i32 to index
      %swap3A_2560 = arith.constant 16 : index
      %swap3A_2561 = tpu.vector_load %arg10[%swap3A_2559, %swap3A_2560] {strides = array<i32>} : memref<512x64xf32, #tpu.memory_space<vmem>>, vector<1x16xf32>,
      %swap3A_2562 = vector.shape_cast %swap3A_2561 : vector<1x16xf32> to vector<16xf32>
      %swap3A_2563 = vector.shape_cast %add3A_2558 : vector<16xf32> to vector<1x16xf32>
      tpu.vector_store %arg10[%swap3A_2559, %swap3A_2560], %swap3A_2563 {strides = array<i32>} : memref<512x64xf32, #tpu.memory_space<vmem>>, vector<1x16xf32>,
      %get3A_2564 = arith.constant 1 : i32
      %get3A_2565 = arith.constant 0 : i32
      %get3A_2566 = arith.index_cast %get3A_2564 : i32 to index
      %get3A_2567 = arith.index_cast %get3A_2565 : i32 to index
      %get3A_2568 = arith.constant 32 : index
      %get3A_2569 = tpu.vector_load %arg9[%get3A_2566, %get3A_2567, %get3A_2568] {strides = array<i32>} : memref<2x50x64xf32, #tpu.memory_space<vmem>>, vector<1x1x16xf32>,
      %get3A_2570 = vector.shape_cast %get3A_2569 : vector<1x1x16xf32> to vector<16xf32>
      %get3A_2571 = arith.constant 1 : i32
      %get3A_2572 = arith.constant 1 : i32
      %get3A_2573 = arith.index_cast %get3A_2571 : i32 to index
      %get3A_2574 = arith.index_cast %get3A_2572 : i32 to index
      %get3A_2575 = arith.constant 32 : index
      %get3A_2576 = tpu.vector_load %arg9[%get3A_2573, %get3A_2574, %get3A_2575] {strides = array<i32>} : memref<2x50x64xf32, #tpu.memory_space<vmem>>, vector<1x1x16xf32>,
      %get3A_2577 = vector.shape_cast %get3A_2576 : vector<1x1x16xf32> to vector<16xf32>
      %add3A_2578 = arith.addf %get3A_2570, %get3A_2577 : vector<16xf32>
      %get3A_2579 = arith.constant 1 : i32
      %get3A_2580 = arith.constant 2 : i32
      %get3A_2581 = arith.index_cast %get3A_2579 : i32 to index
      %get3A_2582 = arith.index_cast %get3A_2580 : i32 to index
      %get3A_2583 = arith.constant 32 : index
      %get3A_2584 = tpu.vector_load %arg9[%get3A_2581, %get3A_2582, %get3A_2583] {strides = array<i32>} : memref<2x50x64xf32, #tpu.memory_space<vmem>>, vector<1x1x16xf32>,
      %get3A_2585 = vector.shape_cast %get3A_2584 : vector<1x1x16xf32> to vector<16xf32>
      %add3A_2586 = arith.addf %add3A_2578, %get3A_2585 : vector<16xf32>
      %get3A_2587 = arith.constant 1 : i32
      %get3A_2588 = arith.constant 3 : i32
      %get3A_2589 = arith.index_cast %get3A_2587 : i32 to index
      %get3A_2590 = arith.index_cast %get3A_2588 : i32 to index
      %get3A_2591 = arith.constant 32 : index
      %get3A_2592 = tpu.vector_load %arg9[%get3A_2589, %get3A_2590, %get3A_2591] {strides = array<i32>} : memref<2x50x64xf32, #tpu.memory_space<vmem>>, vector<1x1x16xf32>,
      %get3A_2593 = vector.shape_cast %get3A_2592 : vector<1x1x16xf32> to vector<16xf32>
      %add3A_2594 = arith.addf %add3A_2586, %get3A_2593 : vector<16xf32>
      %get3A_2595 = arith.constant 1 : i32
      %get3A_2596 = arith.constant 4 : i32
      %get3A_2597 = arith.index_cast %get3A_2595 : i32 to index
      %get3A_2598 = arith.index_cast %get3A_2596 : i32 to index
      %get3A_2599 = arith.constant 32 : index
      %get3A_2600 = tpu.vector_load %arg9[%get3A_2597, %get3A_2598, %get3A_2599] {strides = array<i32>} : memref<2x50x64xf32, #tpu.memory_space<vmem>>, vector<1x1x16xf32>,
      %get3A_2601 = vector.shape_cast %get3A_2600 : vector<1x1x16xf32> to vector<16xf32>
      %add3A_2602 = arith.addf %add3A_2594, %get3A_2601 : vector<16xf32>
      %get3A_2603 = arith.constant 1 : i32
      %get3A_2604 = arith.constant 5 : i32
      %get3A_2605 = arith.index_cast %get3A_2603 : i32 to index
      %get3A_2606 = arith.index_cast %get3A_2604 : i32 to index
      %get3A_2607 = arith.constant 32 : index
      %get3A_2608 = tpu.vector_load %arg9[%get3A_2605, %get3A_2606, %get3A_2607] {strides = array<i32>} : memref<2x50x64xf32, #tpu.memory_space<vmem>>, vector<1x1x16xf32>,
      %get3A_2609 = vector.shape_cast %get3A_2608 : vector<1x1x16xf32> to vector<16xf32>
      %add3A_2610 = arith.addf %add3A_2602, %get3A_2609 : vector<16xf32>
      %get3A_2611 = arith.constant 1 : i32
      %get3A_2612 = arith.constant 6 : i32
      %get3A_2613 = arith.index_cast %get3A_2611 : i32 to index
      %get3A_2614 = arith.index_cast %get3A_2612 : i32 to index
      %get3A_2615 = arith.constant 32 : index
      %get3A_2616 = tpu.vector_load %arg9[%get3A_2613, %get3A_2614, %get3A_2615] {strides = array<i32>} : memref<2x50x64xf32, #tpu.memory_space<vmem>>, vector<1x1x16xf32>,
      %get3A_2617 = vector.shape_cast %get3A_2616 : vector<1x1x16xf32> to vector<16xf32>
      %add3A_2618 = arith.addf %add3A_2610, %get3A_2617 : vector<16xf32>
      %get3A_2619 = arith.constant 1 : i32
      %get3A_2620 = arith.constant 7 : i32
      %get3A_2621 = arith.index_cast %get3A_2619 : i32 to index
      %get3A_2622 = arith.index_cast %get3A_2620 : i32 to index
      %get3A_2623 = arith.constant 32 : index
      %get3A_2624 = tpu.vector_load %arg9[%get3A_2621, %get3A_2622, %get3A_2623] {strides = array<i32>} : memref<2x50x64xf32, #tpu.memory_space<vmem>>, vector<1x1x16xf32>,
      %get3A_2625 = vector.shape_cast %get3A_2624 : vector<1x1x16xf32> to vector<16xf32>
      %add3A_2626 = arith.addf %add3A_2618, %get3A_2625 : vector<16xf32>
      %get3A_2627 = arith.constant 1 : i32
      %get3A_2628 = arith.constant 8 : i32
      %get3A_2629 = arith.index_cast %get3A_2627 : i32 to index
      %get3A_2630 = arith.index_cast %get3A_2628 : i32 to index
      %get3A_2631 = arith.constant 32 : index
      %get3A_2632 = tpu.vector_load %arg9[%get3A_2629, %get3A_2630, %get3A_2631] {strides = array<i32>} : memref<2x50x64xf32, #tpu.memory_space<vmem>>, vector<1x1x16xf32>,
      %get3A_2633 = vector.shape_cast %get3A_2632 : vector<1x1x16xf32> to vector<16xf32>
      %add3A_2634 = arith.addf %add3A_2626, %get3A_2633 : vector<16xf32>
      %get3A_2635 = arith.constant 1 : i32
      %get3A_2636 = arith.constant 9 : i32
      %get3A_2637 = arith.index_cast %get3A_2635 : i32 to index
      %get3A_2638 = arith.index_cast %get3A_2636 : i32 to index
      %get3A_2639 = arith.constant 32 : index
      %get3A_2640 = tpu.vector_load %arg9[%get3A_2637, %get3A_2638, %get3A_2639] {strides = array<i32>} : memref<2x50x64xf32, #tpu.memory_space<vmem>>, vector<1x1x16xf32>,
      %get3A_2641 = vector.shape_cast %get3A_2640 : vector<1x1x16xf32> to vector<16xf32>
      %add3A_2642 = arith.addf %add3A_2634, %get3A_2641 : vector<16xf32>
      %get3A_2643 = arith.constant 1 : i32
      %get3A_2644 = arith.constant 10 : i32
      %get3A_2645 = arith.index_cast %get3A_2643 : i32 to index
      %get3A_2646 = arith.index_cast %get3A_2644 : i32 to index
      %get3A_2647 = arith.constant 32 : index
      %get3A_2648 = tpu.vector_load %arg9[%get3A_2645, %get3A_2646, %get3A_2647] {strides = array<i32>} : memref<2x50x64xf32, #tpu.memory_space<vmem>>, vector<1x1x16xf32>,
      %get3A_2649 = vector.shape_cast %get3A_2648 : vector<1x1x16xf32> to vector<16xf32>
      %add3A_2650 = arith.addf %add3A_2642, %get3A_2649 : vector<16xf32>
      %get3A_2651 = arith.constant 1 : i32
      %get3A_2652 = arith.constant 11 : i32
      %get3A_2653 = arith.index_cast %get3A_2651 : i32 to index
      %get3A_2654 = arith.index_cast %get3A_2652 : i32 to index
      %get3A_2655 = arith.constant 32 : index
      %get3A_2656 = tpu.vector_load %arg9[%get3A_2653, %get3A_2654, %get3A_2655] {strides = array<i32>} : memref<2x50x64xf32, #tpu.memory_space<vmem>>, vector<1x1x16xf32>,
      %get3A_2657 = vector.shape_cast %get3A_2656 : vector<1x1x16xf32> to vector<16xf32>
      %add3A_2658 = arith.addf %add3A_2650, %get3A_2657 : vector<16xf32>
      %get3A_2659 = arith.constant 1 : i32
      %get3A_2660 = arith.constant 12 : i32
      %get3A_2661 = arith.index_cast %get3A_2659 : i32 to index
      %get3A_2662 = arith.index_cast %get3A_2660 : i32 to index
      %get3A_2663 = arith.constant 32 : index
      %get3A_2664 = tpu.vector_load %arg9[%get3A_2661, %get3A_2662, %get3A_2663] {strides = array<i32>} : memref<2x50x64xf32, #tpu.memory_space<vmem>>, vector<1x1x16xf32>,
      %get3A_2665 = vector.shape_cast %get3A_2664 : vector<1x1x16xf32> to vector<16xf32>
      %add3A_2666 = arith.addf %add3A_2658, %get3A_2665 : vector<16xf32>
      %get3A_2667 = arith.constant 1 : i32
      %get3A_2668 = arith.constant 13 : i32
      %get3A_2669 = arith.index_cast %get3A_2667 : i32 to index
      %get3A_2670 = arith.index_cast %get3A_2668 : i32 to index
      %get3A_2671 = arith.constant 32 : index
      %get3A_2672 = tpu.vector_load %arg9[%get3A_2669, %get3A_2670, %get3A_2671] {strides = array<i32>} : memref<2x50x64xf32, #tpu.memory_space<vmem>>, vector<1x1x16xf32>,
      %get3A_2673 = vector.shape_cast %get3A_2672 : vector<1x1x16xf32> to vector<16xf32>
      %add3A_2674 = arith.addf %add3A_2666, %get3A_2673 : vector<16xf32>
      %get3A_2675 = arith.constant 1 : i32
      %get3A_2676 = arith.constant 14 : i32
      %get3A_2677 = arith.index_cast %get3A_2675 : i32 to index
      %get3A_2678 = arith.index_cast %get3A_2676 : i32 to index
      %get3A_2679 = arith.constant 32 : index
      %get3A_2680 = tpu.vector_load %arg9[%get3A_2677, %get3A_2678, %get3A_2679] {strides = array<i32>} : memref<2x50x64xf32, #tpu.memory_space<vmem>>, vector<1x1x16xf32>,
      %get3A_2681 = vector.shape_cast %get3A_2680 : vector<1x1x16xf32> to vector<16xf32>
      %add3A_2682 = arith.addf %add3A_2674, %get3A_2681 : vector<16xf32>
      %get3A_2683 = arith.constant 1 : i32
      %get3A_2684 = arith.constant 15 : i32
      %get3A_2685 = arith.index_cast %get3A_2683 : i32 to index
      %get3A_2686 = arith.index_cast %get3A_2684 : i32 to index
      %get3A_2687 = arith.constant 32 : index
      %get3A_2688 = tpu.vector_load %arg9[%get3A_2685, %get3A_2686, %get3A_2687] {strides = array<i32>} : memref<2x50x64xf32, #tpu.memory_space<vmem>>, vector<1x1x16xf32>,
      %get3A_2689 = vector.shape_cast %get3A_2688 : vector<1x1x16xf32> to vector<16xf32>
      %add3A_2690 = arith.addf %add3A_2682, %get3A_2689 : vector<16xf32>
      %get3A_2691 = arith.constant 1 : i32
      %get3A_2692 = arith.constant 16 : i32
      %get3A_2693 = arith.index_cast %get3A_2691 : i32 to index
      %get3A_2694 = arith.index_cast %get3A_2692 : i32 to index
      %get3A_2695 = arith.constant 32 : index
      %get3A_2696 = tpu.vector_load %arg9[%get3A_2693, %get3A_2694, %get3A_2695] {strides = array<i32>} : memref<2x50x64xf32, #tpu.memory_space<vmem>>, vector<1x1x16xf32>,
      %get3A_2697 = vector.shape_cast %get3A_2696 : vector<1x1x16xf32> to vector<16xf32>
      %add3A_2698 = arith.addf %add3A_2690, %get3A_2697 : vector<16xf32>
      %get3A_2699 = arith.constant 1 : i32
      %get3A_2700 = arith.constant 17 : i32
      %get3A_2701 = arith.index_cast %get3A_2699 : i32 to index
      %get3A_2702 = arith.index_cast %get3A_2700 : i32 to index
      %get3A_2703 = arith.constant 32 : index
      %get3A_2704 = tpu.vector_load %arg9[%get3A_2701, %get3A_2702, %get3A_2703] {strides = array<i32>} : memref<2x50x64xf32, #tpu.memory_space<vmem>>, vector<1x1x16xf32>,
      %get3A_2705 = vector.shape_cast %get3A_2704 : vector<1x1x16xf32> to vector<16xf32>
      %add3A_2706 = arith.addf %add3A_2698, %get3A_2705 : vector<16xf32>
      %get3A_2707 = arith.constant 1 : i32
      %get3A_2708 = arith.constant 18 : i32
      %get3A_2709 = arith.index_cast %get3A_2707 : i32 to index
      %get3A_2710 = arith.index_cast %get3A_2708 : i32 to index
      %get3A_2711 = arith.constant 32 : index
      %get3A_2712 = tpu.vector_load %arg9[%get3A_2709, %get3A_2710, %get3A_2711] {strides = array<i32>} : memref<2x50x64xf32, #tpu.memory_space<vmem>>, vector<1x1x16xf32>,
      %get3A_2713 = vector.shape_cast %get3A_2712 : vector<1x1x16xf32> to vector<16xf32>
      %add3A_2714 = arith.addf %add3A_2706, %get3A_2713 : vector<16xf32>
      %get3A_2715 = arith.constant 1 : i32
      %get3A_2716 = arith.constant 19 : i32
      %get3A_2717 = arith.index_cast %get3A_2715 : i32 to index
      %get3A_2718 = arith.index_cast %get3A_2716 : i32 to index
      %get3A_2719 = arith.constant 32 : index
      %get3A_2720 = tpu.vector_load %arg9[%get3A_2717, %get3A_2718, %get3A_2719] {strides = array<i32>} : memref<2x50x64xf32, #tpu.memory_space<vmem>>, vector<1x1x16xf32>,
      %get3A_2721 = vector.shape_cast %get3A_2720 : vector<1x1x16xf32> to vector<16xf32>
      %add3A_2722 = arith.addf %add3A_2714, %get3A_2721 : vector<16xf32>
      %get3A_2723 = arith.constant 1 : i32
      %get3A_2724 = arith.constant 20 : i32
      %get3A_2725 = arith.index_cast %get3A_2723 : i32 to index
      %get3A_2726 = arith.index_cast %get3A_2724 : i32 to index
      %get3A_2727 = arith.constant 32 : index
      %get3A_2728 = tpu.vector_load %arg9[%get3A_2725, %get3A_2726, %get3A_2727] {strides = array<i32>} : memref<2x50x64xf32, #tpu.memory_space<vmem>>, vector<1x1x16xf32>,
      %get3A_2729 = vector.shape_cast %get3A_2728 : vector<1x1x16xf32> to vector<16xf32>
      %add3A_2730 = arith.addf %add3A_2722, %get3A_2729 : vector<16xf32>
      %get3A_2731 = arith.constant 1 : i32
      %get3A_2732 = arith.constant 21 : i32
      %get3A_2733 = arith.index_cast %get3A_2731 : i32 to index
      %get3A_2734 = arith.index_cast %get3A_2732 : i32 to index
      %get3A_2735 = arith.constant 32 : index
      %get3A_2736 = tpu.vector_load %arg9[%get3A_2733, %get3A_2734, %get3A_2735] {strides = array<i32>} : memref<2x50x64xf32, #tpu.memory_space<vmem>>, vector<1x1x16xf32>,
      %get3A_2737 = vector.shape_cast %get3A_2736 : vector<1x1x16xf32> to vector<16xf32>
      %add3A_2738 = arith.addf %add3A_2730, %get3A_2737 : vector<16xf32>
      %get3A_2739 = arith.constant 1 : i32
      %get3A_2740 = arith.constant 22 : i32
      %get3A_2741 = arith.index_cast %get3A_2739 : i32 to index
      %get3A_2742 = arith.index_cast %get3A_2740 : i32 to index
      %get3A_2743 = arith.constant 32 : index
      %get3A_2744 = tpu.vector_load %arg9[%get3A_2741, %get3A_2742, %get3A_2743] {strides = array<i32>} : memref<2x50x64xf32, #tpu.memory_space<vmem>>, vector<1x1x16xf32>,
      %get3A_2745 = vector.shape_cast %get3A_2744 : vector<1x1x16xf32> to vector<16xf32>
      %add3A_2746 = arith.addf %add3A_2738, %get3A_2745 : vector<16xf32>
      %get3A_2747 = arith.constant 1 : i32
      %get3A_2748 = arith.constant 23 : i32
      %get3A_2749 = arith.index_cast %get3A_2747 : i32 to index
      %get3A_2750 = arith.index_cast %get3A_2748 : i32 to index
      %get3A_2751 = arith.constant 32 : index
      %get3A_2752 = tpu.vector_load %arg9[%get3A_2749, %get3A_2750, %get3A_2751] {strides = array<i32>} : memref<2x50x64xf32, #tpu.memory_space<vmem>>, vector<1x1x16xf32>,
      %get3A_2753 = vector.shape_cast %get3A_2752 : vector<1x1x16xf32> to vector<16xf32>
      %add3A_2754 = arith.addf %add3A_2746, %get3A_2753 : vector<16xf32>
      %get3A_2755 = arith.constant 1 : i32
      %get3A_2756 = arith.constant 24 : i32
      %get3A_2757 = arith.index_cast %get3A_2755 : i32 to index
      %get3A_2758 = arith.index_cast %get3A_2756 : i32 to index
      %get3A_2759 = arith.constant 32 : index
      %get3A_2760 = tpu.vector_load %arg9[%get3A_2757, %get3A_2758, %get3A_2759] {strides = array<i32>} : memref<2x50x64xf32, #tpu.memory_space<vmem>>, vector<1x1x16xf32>,
      %get3A_2761 = vector.shape_cast %get3A_2760 : vector<1x1x16xf32> to vector<16xf32>
      %add3A_2762 = arith.addf %add3A_2754, %get3A_2761 : vector<16xf32>
      %get3A_2763 = arith.constant 1 : i32
      %get3A_2764 = arith.constant 25 : i32
      %get3A_2765 = arith.index_cast %get3A_2763 : i32 to index
      %get3A_2766 = arith.index_cast %get3A_2764 : i32 to index
      %get3A_2767 = arith.constant 32 : index
      %get3A_2768 = tpu.vector_load %arg9[%get3A_2765, %get3A_2766, %get3A_2767] {strides = array<i32>} : memref<2x50x64xf32, #tpu.memory_space<vmem>>, vector<1x1x16xf32>,
      %get3A_2769 = vector.shape_cast %get3A_2768 : vector<1x1x16xf32> to vector<16xf32>
      %add3A_2770 = arith.addf %add3A_2762, %get3A_2769 : vector<16xf32>
      %get3A_2771 = arith.constant 1 : i32
      %get3A_2772 = arith.constant 26 : i32
      %get3A_2773 = arith.index_cast %get3A_2771 : i32 to index
      %get3A_2774 = arith.index_cast %get3A_2772 : i32 to index
      %get3A_2775 = arith.constant 32 : index
      %get3A_2776 = tpu.vector_load %arg9[%get3A_2773, %get3A_2774, %get3A_2775] {strides = array<i32>} : memref<2x50x64xf32, #tpu.memory_space<vmem>>, vector<1x1x16xf32>,
      %get3A_2777 = vector.shape_cast %get3A_2776 : vector<1x1x16xf32> to vector<16xf32>
      %add3A_2778 = arith.addf %add3A_2770, %get3A_2777 : vector<16xf32>
      %get3A_2779 = arith.constant 1 : i32
      %get3A_2780 = arith.constant 27 : i32
      %get3A_2781 = arith.index_cast %get3A_2779 : i32 to index
      %get3A_2782 = arith.index_cast %get3A_2780 : i32 to index
      %get3A_2783 = arith.constant 32 : index
      %get3A_2784 = tpu.vector_load %arg9[%get3A_2781, %get3A_2782, %get3A_2783] {strides = array<i32>} : memref<2x50x64xf32, #tpu.memory_space<vmem>>, vector<1x1x16xf32>,
      %get3A_2785 = vector.shape_cast %get3A_2784 : vector<1x1x16xf32> to vector<16xf32>
      %add3A_2786 = arith.addf %add3A_2778, %get3A_2785 : vector<16xf32>
      %get3A_2787 = arith.constant 1 : i32
      %get3A_2788 = arith.constant 28 : i32
      %get3A_2789 = arith.index_cast %get3A_2787 : i32 to index
      %get3A_2790 = arith.index_cast %get3A_2788 : i32 to index
      %get3A_2791 = arith.constant 32 : index
      %get3A_2792 = tpu.vector_load %arg9[%get3A_2789, %get3A_2790, %get3A_2791] {strides = array<i32>} : memref<2x50x64xf32, #tpu.memory_space<vmem>>, vector<1x1x16xf32>,
      %get3A_2793 = vector.shape_cast %get3A_2792 : vector<1x1x16xf32> to vector<16xf32>
      %add3A_2794 = arith.addf %add3A_2786, %get3A_2793 : vector<16xf32>
      %get3A_2795 = arith.constant 1 : i32
      %get3A_2796 = arith.constant 29 : i32
      %get3A_2797 = arith.index_cast %get3A_2795 : i32 to index
      %get3A_2798 = arith.index_cast %get3A_2796 : i32 to index
      %get3A_2799 = arith.constant 32 : index
      %get3A_2800 = tpu.vector_load %arg9[%get3A_2797, %get3A_2798, %get3A_2799] {strides = array<i32>} : memref<2x50x64xf32, #tpu.memory_space<vmem>>, vector<1x1x16xf32>,
      %get3A_2801 = vector.shape_cast %get3A_2800 : vector<1x1x16xf32> to vector<16xf32>
      %add3A_2802 = arith.addf %add3A_2794, %get3A_2801 : vector<16xf32>
      %get3A_2803 = arith.constant 1 : i32
      %get3A_2804 = arith.constant 30 : i32
      %get3A_2805 = arith.index_cast %get3A_2803 : i32 to index
      %get3A_2806 = arith.index_cast %get3A_2804 : i32 to index
      %get3A_2807 = arith.constant 32 : index
      %get3A_2808 = tpu.vector_load %arg9[%get3A_2805, %get3A_2806, %get3A_2807] {strides = array<i32>} : memref<2x50x64xf32, #tpu.memory_space<vmem>>, vector<1x1x16xf32>,
      %get3A_2809 = vector.shape_cast %get3A_2808 : vector<1x1x16xf32> to vector<16xf32>
      %add3A_2810 = arith.addf %add3A_2802, %get3A_2809 : vector<16xf32>
      %get3A_2811 = arith.constant 1 : i32
      %get3A_2812 = arith.constant 31 : i32
      %get3A_2813 = arith.index_cast %get3A_2811 : i32 to index
      %get3A_2814 = arith.index_cast %get3A_2812 : i32 to index
      %get3A_2815 = arith.constant 32 : index
      %get3A_2816 = tpu.vector_load %arg9[%get3A_2813, %get3A_2814, %get3A_2815] {strides = array<i32>} : memref<2x50x64xf32, #tpu.memory_space<vmem>>, vector<1x1x16xf32>,
      %get3A_2817 = vector.shape_cast %get3A_2816 : vector<1x1x16xf32> to vector<16xf32>
      %add3A_2818 = arith.addf %add3A_2810, %get3A_2817 : vector<16xf32>
      %get3A_2819 = arith.constant 1 : i32
      %get3A_2820 = arith.constant 32 : i32
      %get3A_2821 = arith.index_cast %get3A_2819 : i32 to index
      %get3A_2822 = arith.index_cast %get3A_2820 : i32 to index
      %get3A_2823 = arith.constant 32 : index
      %get3A_2824 = tpu.vector_load %arg9[%get3A_2821, %get3A_2822, %get3A_2823] {strides = array<i32>} : memref<2x50x64xf32, #tpu.memory_space<vmem>>, vector<1x1x16xf32>,
      %get3A_2825 = vector.shape_cast %get3A_2824 : vector<1x1x16xf32> to vector<16xf32>
      %add3A_2826 = arith.addf %add3A_2818, %get3A_2825 : vector<16xf32>
      %get3A_2827 = arith.constant 1 : i32
      %get3A_2828 = arith.constant 33 : i32
      %get3A_2829 = arith.index_cast %get3A_2827 : i32 to index
      %get3A_2830 = arith.index_cast %get3A_2828 : i32 to index
      %get3A_2831 = arith.constant 32 : index
      %get3A_2832 = tpu.vector_load %arg9[%get3A_2829, %get3A_2830, %get3A_2831] {strides = array<i32>} : memref<2x50x64xf32, #tpu.memory_space<vmem>>, vector<1x1x16xf32>,
      %get3A_2833 = vector.shape_cast %get3A_2832 : vector<1x1x16xf32> to vector<16xf32>
      %add3A_2834 = arith.addf %add3A_2826, %get3A_2833 : vector<16xf32>
      %get3A_2835 = arith.constant 1 : i32
      %get3A_2836 = arith.constant 34 : i32
      %get3A_2837 = arith.index_cast %get3A_2835 : i32 to index
      %get3A_2838 = arith.index_cast %get3A_2836 : i32 to index
      %get3A_2839 = arith.constant 32 : index
      %get3A_2840 = tpu.vector_load %arg9[%get3A_2837, %get3A_2838, %get3A_2839] {strides = array<i32>} : memref<2x50x64xf32, #tpu.memory_space<vmem>>, vector<1x1x16xf32>,
      %get3A_2841 = vector.shape_cast %get3A_2840 : vector<1x1x16xf32> to vector<16xf32>
      %add3A_2842 = arith.addf %add3A_2834, %get3A_2841 : vector<16xf32>
      %get3A_2843 = arith.constant 1 : i32
      %get3A_2844 = arith.constant 35 : i32
      %get3A_2845 = arith.index_cast %get3A_2843 : i32 to index
      %get3A_2846 = arith.index_cast %get3A_2844 : i32 to index
      %get3A_2847 = arith.constant 32 : index
      %get3A_2848 = tpu.vector_load %arg9[%get3A_2845, %get3A_2846, %get3A_2847] {strides = array<i32>} : memref<2x50x64xf32, #tpu.memory_space<vmem>>, vector<1x1x16xf32>,
      %get3A_2849 = vector.shape_cast %get3A_2848 : vector<1x1x16xf32> to vector<16xf32>
      %add3A_2850 = arith.addf %add3A_2842, %get3A_2849 : vector<16xf32>
      %get3A_2851 = arith.constant 1 : i32
      %get3A_2852 = arith.constant 36 : i32
      %get3A_2853 = arith.index_cast %get3A_2851 : i32 to index
      %get3A_2854 = arith.index_cast %get3A_2852 : i32 to index
      %get3A_2855 = arith.constant 32 : index
      %get3A_2856 = tpu.vector_load %arg9[%get3A_2853, %get3A_2854, %get3A_2855] {strides = array<i32>} : memref<2x50x64xf32, #tpu.memory_space<vmem>>, vector<1x1x16xf32>,
      %get3A_2857 = vector.shape_cast %get3A_2856 : vector<1x1x16xf32> to vector<16xf32>
      %add3A_2858 = arith.addf %add3A_2850, %get3A_2857 : vector<16xf32>
      %get3A_2859 = arith.constant 1 : i32
      %get3A_2860 = arith.constant 37 : i32
      %get3A_2861 = arith.index_cast %get3A_2859 : i32 to index
      %get3A_2862 = arith.index_cast %get3A_2860 : i32 to index
      %get3A_2863 = arith.constant 32 : index
      %get3A_2864 = tpu.vector_load %arg9[%get3A_2861, %get3A_2862, %get3A_2863] {strides = array<i32>} : memref<2x50x64xf32, #tpu.memory_space<vmem>>, vector<1x1x16xf32>,
      %get3A_2865 = vector.shape_cast %get3A_2864 : vector<1x1x16xf32> to vector<16xf32>
      %add3A_2866 = arith.addf %add3A_2858, %get3A_2865 : vector<16xf32>
      %get3A_2867 = arith.constant 1 : i32
      %get3A_2868 = arith.constant 38 : i32
      %get3A_2869 = arith.index_cast %get3A_2867 : i32 to index
      %get3A_2870 = arith.index_cast %get3A_2868 : i32 to index
      %get3A_2871 = arith.constant 32 : index
      %get3A_2872 = tpu.vector_load %arg9[%get3A_2869, %get3A_2870, %get3A_2871] {strides = array<i32>} : memref<2x50x64xf32, #tpu.memory_space<vmem>>, vector<1x1x16xf32>,
      %get3A_2873 = vector.shape_cast %get3A_2872 : vector<1x1x16xf32> to vector<16xf32>
      %add3A_2874 = arith.addf %add3A_2866, %get3A_2873 : vector<16xf32>
      %get3A_2875 = arith.constant 1 : i32
      %get3A_2876 = arith.constant 39 : i32
      %get3A_2877 = arith.index_cast %get3A_2875 : i32 to index
      %get3A_2878 = arith.index_cast %get3A_2876 : i32 to index
      %get3A_2879 = arith.constant 32 : index
      %get3A_2880 = tpu.vector_load %arg9[%get3A_2877, %get3A_2878, %get3A_2879] {strides = array<i32>} : memref<2x50x64xf32, #tpu.memory_space<vmem>>, vector<1x1x16xf32>,
      %get3A_2881 = vector.shape_cast %get3A_2880 : vector<1x1x16xf32> to vector<16xf32>
      %add3A_2882 = arith.addf %add3A_2874, %get3A_2881 : vector<16xf32>
      %get3A_2883 = arith.constant 1 : i32
      %get3A_2884 = arith.constant 40 : i32
      %get3A_2885 = arith.index_cast %get3A_2883 : i32 to index
      %get3A_2886 = arith.index_cast %get3A_2884 : i32 to index
      %get3A_2887 = arith.constant 32 : index
      %get3A_2888 = tpu.vector_load %arg9[%get3A_2885, %get3A_2886, %get3A_2887] {strides = array<i32>} : memref<2x50x64xf32, #tpu.memory_space<vmem>>, vector<1x1x16xf32>,
      %get3A_2889 = vector.shape_cast %get3A_2888 : vector<1x1x16xf32> to vector<16xf32>
      %add3A_2890 = arith.addf %add3A_2882, %get3A_2889 : vector<16xf32>
      %get3A_2891 = arith.constant 1 : i32
      %get3A_2892 = arith.constant 41 : i32
      %get3A_2893 = arith.index_cast %get3A_2891 : i32 to index
      %get3A_2894 = arith.index_cast %get3A_2892 : i32 to index
      %get3A_2895 = arith.constant 32 : index
      %get3A_2896 = tpu.vector_load %arg9[%get3A_2893, %get3A_2894, %get3A_2895] {strides = array<i32>} : memref<2x50x64xf32, #tpu.memory_space<vmem>>, vector<1x1x16xf32>,
      %get3A_2897 = vector.shape_cast %get3A_2896 : vector<1x1x16xf32> to vector<16xf32>
      %add3A_2898 = arith.addf %add3A_2890, %get3A_2897 : vector<16xf32>
      %get3A_2899 = arith.constant 1 : i32
      %get3A_2900 = arith.constant 42 : i32
      %get3A_2901 = arith.index_cast %get3A_2899 : i32 to index
      %get3A_2902 = arith.index_cast %get3A_2900 : i32 to index
      %get3A_2903 = arith.constant 32 : index
      %get3A_2904 = tpu.vector_load %arg9[%get3A_2901, %get3A_2902, %get3A_2903] {strides = array<i32>} : memref<2x50x64xf32, #tpu.memory_space<vmem>>, vector<1x1x16xf32>,
      %get3A_2905 = vector.shape_cast %get3A_2904 : vector<1x1x16xf32> to vector<16xf32>
      %add3A_2906 = arith.addf %add3A_2898, %get3A_2905 : vector<16xf32>
      %get3A_2907 = arith.constant 1 : i32
      %get3A_2908 = arith.constant 43 : i32
      %get3A_2909 = arith.index_cast %get3A_2907 : i32 to index
      %get3A_2910 = arith.index_cast %get3A_2908 : i32 to index
      %get3A_2911 = arith.constant 32 : index
      %get3A_2912 = tpu.vector_load %arg9[%get3A_2909, %get3A_2910, %get3A_2911] {strides = array<i32>} : memref<2x50x64xf32, #tpu.memory_space<vmem>>, vector<1x1x16xf32>,
      %get3A_2913 = vector.shape_cast %get3A_2912 : vector<1x1x16xf32> to vector<16xf32>
      %add3A_2914 = arith.addf %add3A_2906, %get3A_2913 : vector<16xf32>
      %get3A_2915 = arith.constant 1 : i32
      %get3A_2916 = arith.constant 44 : i32
      %get3A_2917 = arith.index_cast %get3A_2915 : i32 to index
      %get3A_2918 = arith.index_cast %get3A_2916 : i32 to index
      %get3A_2919 = arith.constant 32 : index
      %get3A_2920 = tpu.vector_load %arg9[%get3A_2917, %get3A_2918, %get3A_2919] {strides = array<i32>} : memref<2x50x64xf32, #tpu.memory_space<vmem>>, vector<1x1x16xf32>,
      %get3A_2921 = vector.shape_cast %get3A_2920 : vector<1x1x16xf32> to vector<16xf32>
      %add3A_2922 = arith.addf %add3A_2914, %get3A_2921 : vector<16xf32>
      %get3A_2923 = arith.constant 1 : i32
      %get3A_2924 = arith.constant 45 : i32
      %get3A_2925 = arith.index_cast %get3A_2923 : i32 to index
      %get3A_2926 = arith.index_cast %get3A_2924 : i32 to index
      %get3A_2927 = arith.constant 32 : index
      %get3A_2928 = tpu.vector_load %arg9[%get3A_2925, %get3A_2926, %get3A_2927] {strides = array<i32>} : memref<2x50x64xf32, #tpu.memory_space<vmem>>, vector<1x1x16xf32>,
      %get3A_2929 = vector.shape_cast %get3A_2928 : vector<1x1x16xf32> to vector<16xf32>
      %add3A_2930 = arith.addf %add3A_2922, %get3A_2929 : vector<16xf32>
      %get3A_2931 = arith.constant 1 : i32
      %get3A_2932 = arith.constant 46 : i32
      %get3A_2933 = arith.index_cast %get3A_2931 : i32 to index
      %get3A_2934 = arith.index_cast %get3A_2932 : i32 to index
      %get3A_2935 = arith.constant 32 : index
      %get3A_2936 = tpu.vector_load %arg9[%get3A_2933, %get3A_2934, %get3A_2935] {strides = array<i32>} : memref<2x50x64xf32, #tpu.memory_space<vmem>>, vector<1x1x16xf32>,
      %get3A_2937 = vector.shape_cast %get3A_2936 : vector<1x1x16xf32> to vector<16xf32>
      %add3A_2938 = arith.addf %add3A_2930, %get3A_2937 : vector<16xf32>
      %get3A_2939 = arith.constant 1 : i32
      %get3A_2940 = arith.constant 47 : i32
      %get3A_2941 = arith.index_cast %get3A_2939 : i32 to index
      %get3A_2942 = arith.index_cast %get3A_2940 : i32 to index
      %get3A_2943 = arith.constant 32 : index
      %get3A_2944 = tpu.vector_load %arg9[%get3A_2941, %get3A_2942, %get3A_2943] {strides = array<i32>} : memref<2x50x64xf32, #tpu.memory_space<vmem>>, vector<1x1x16xf32>,
      %get3A_2945 = vector.shape_cast %get3A_2944 : vector<1x1x16xf32> to vector<16xf32>
      %add3A_2946 = arith.addf %add3A_2938, %get3A_2945 : vector<16xf32>
      %get3A_2947 = arith.constant 1 : i32
      %get3A_2948 = arith.constant 48 : i32
      %get3A_2949 = arith.index_cast %get3A_2947 : i32 to index
      %get3A_2950 = arith.index_cast %get3A_2948 : i32 to index
      %get3A_2951 = arith.constant 32 : index
      %get3A_2952 = tpu.vector_load %arg9[%get3A_2949, %get3A_2950, %get3A_2951] {strides = array<i32>} : memref<2x50x64xf32, #tpu.memory_space<vmem>>, vector<1x1x16xf32>,
      %get3A_2953 = vector.shape_cast %get3A_2952 : vector<1x1x16xf32> to vector<16xf32>
      %add3A_2954 = arith.addf %add3A_2946, %get3A_2953 : vector<16xf32>
      %get3A_2955 = arith.constant 1 : i32
      %get3A_2956 = arith.constant 49 : i32
      %get3A_2957 = arith.index_cast %get3A_2955 : i32 to index
      %get3A_2958 = arith.index_cast %get3A_2956 : i32 to index
      %get3A_2959 = arith.constant 32 : index
      %get3A_2960 = tpu.vector_load %arg9[%get3A_2957, %get3A_2958, %get3A_2959] {strides = array<i32>} : memref<2x50x64xf32, #tpu.memory_space<vmem>>, vector<1x1x16xf32>,
      %get3A_2961 = vector.shape_cast %get3A_2960 : vector<1x1x16xf32> to vector<16xf32>
      %add3A_2962 = arith.addf %add3A_2954, %get3A_2961 : vector<16xf32>
      %swap3A_2963 = arith.index_cast %add3A_104 : i32 to index
      %swap3A_2964 = arith.constant 32 : index
      %swap3A_2965 = tpu.vector_load %arg10[%swap3A_2963, %swap3A_2964] {strides = array<i32>} : memref<512x64xf32, #tpu.memory_space<vmem>>, vector<1x16xf32>,
      %swap3A_2966 = vector.shape_cast %swap3A_2965 : vector<1x16xf32> to vector<16xf32>
      %swap3A_2967 = vector.shape_cast %add3A_2962 : vector<16xf32> to vector<1x16xf32>
      tpu.vector_store %arg10[%swap3A_2963, %swap3A_2964], %swap3A_2967 {strides = array<i32>} : memref<512x64xf32, #tpu.memory_space<vmem>>, vector<1x16xf32>,
      %get3A_2968 = arith.constant 1 : i32
      %get3A_2969 = arith.constant 0 : i32
      %get3A_2970 = arith.index_cast %get3A_2968 : i32 to index
      %get3A_2971 = arith.index_cast %get3A_2969 : i32 to index
      %get3A_2972 = arith.constant 48 : index
      %get3A_2973 = tpu.vector_load %arg9[%get3A_2970, %get3A_2971, %get3A_2972] {strides = array<i32>} : memref<2x50x64xf32, #tpu.memory_space<vmem>>, vector<1x1x16xf32>,
      %get3A_2974 = vector.shape_cast %get3A_2973 : vector<1x1x16xf32> to vector<16xf32>
      %get3A_2975 = arith.constant 1 : i32
      %get3A_2976 = arith.constant 1 : i32
      %get3A_2977 = arith.index_cast %get3A_2975 : i32 to index
      %get3A_2978 = arith.index_cast %get3A_2976 : i32 to index
      %get3A_2979 = arith.constant 48 : index
      %get3A_2980 = tpu.vector_load %arg9[%get3A_2977, %get3A_2978, %get3A_2979] {strides = array<i32>} : memref<2x50x64xf32, #tpu.memory_space<vmem>>, vector<1x1x16xf32>,
      %get3A_2981 = vector.shape_cast %get3A_2980 : vector<1x1x16xf32> to vector<16xf32>
      %add3A_2982 = arith.addf %get3A_2974, %get3A_2981 : vector<16xf32>
      %get3A_2983 = arith.constant 1 : i32
      %get3A_2984 = arith.constant 2 : i32
      %get3A_2985 = arith.index_cast %get3A_2983 : i32 to index
      %get3A_2986 = arith.index_cast %get3A_2984 : i32 to index
      %get3A_2987 = arith.constant 48 : index
      %get3A_2988 = tpu.vector_load %arg9[%get3A_2985, %get3A_2986, %get3A_2987] {strides = array<i32>} : memref<2x50x64xf32, #tpu.memory_space<vmem>>, vector<1x1x16xf32>,
      %get3A_2989 = vector.shape_cast %get3A_2988 : vector<1x1x16xf32> to vector<16xf32>
      %add3A_2990 = arith.addf %add3A_2982, %get3A_2989 : vector<16xf32>
      %get3A_2991 = arith.constant 1 : i32
      %get3A_2992 = arith.constant 3 : i32
      %get3A_2993 = arith.index_cast %get3A_2991 : i32 to index
      %get3A_2994 = arith.index_cast %get3A_2992 : i32 to index
      %get3A_2995 = arith.constant 48 : index
      %get3A_2996 = tpu.vector_load %arg9[%get3A_2993, %get3A_2994, %get3A_2995] {strides = array<i32>} : memref<2x50x64xf32, #tpu.memory_space<vmem>>, vector<1x1x16xf32>,
      %get3A_2997 = vector.shape_cast %get3A_2996 : vector<1x1x16xf32> to vector<16xf32>
      %add3A_2998 = arith.addf %add3A_2990, %get3A_2997 : vector<16xf32>
      %get3A_2999 = arith.constant 1 : i32
      %get3A_3000 = arith.constant 4 : i32
      %get3A_3001 = arith.index_cast %get3A_2999 : i32 to index
      %get3A_3002 = arith.index_cast %get3A_3000 : i32 to index
      %get3A_3003 = arith.constant 48 : index
      %get3A_3004 = tpu.vector_load %arg9[%get3A_3001, %get3A_3002, %get3A_3003] {strides = array<i32>} : memref<2x50x64xf32, #tpu.memory_space<vmem>>, vector<1x1x16xf32>,
      %get3A_3005 = vector.shape_cast %get3A_3004 : vector<1x1x16xf32> to vector<16xf32>
      %add3A_3006 = arith.addf %add3A_2998, %get3A_3005 : vector<16xf32>
      %get3A_3007 = arith.constant 1 : i32
      %get3A_3008 = arith.constant 5 : i32
      %get3A_3009 = arith.index_cast %get3A_3007 : i32 to index
      %get3A_3010 = arith.index_cast %get3A_3008 : i32 to index
      %get3A_3011 = arith.constant 48 : index
      %get3A_3012 = tpu.vector_load %arg9[%get3A_3009, %get3A_3010, %get3A_3011] {strides = array<i32>} : memref<2x50x64xf32, #tpu.memory_space<vmem>>, vector<1x1x16xf32>,
      %get3A_3013 = vector.shape_cast %get3A_3012 : vector<1x1x16xf32> to vector<16xf32>
      %add3A_3014 = arith.addf %add3A_3006, %get3A_3013 : vector<16xf32>
      %get3A_3015 = arith.constant 1 : i32
      %get3A_3016 = arith.constant 6 : i32
      %get3A_3017 = arith.index_cast %get3A_3015 : i32 to index
      %get3A_3018 = arith.index_cast %get3A_3016 : i32 to index
      %get3A_3019 = arith.constant 48 : index
      %get3A_3020 = tpu.vector_load %arg9[%get3A_3017, %get3A_3018, %get3A_3019] {strides = array<i32>} : memref<2x50x64xf32, #tpu.memory_space<vmem>>, vector<1x1x16xf32>,
      %get3A_3021 = vector.shape_cast %get3A_3020 : vector<1x1x16xf32> to vector<16xf32>
      %add3A_3022 = arith.addf %add3A_3014, %get3A_3021 : vector<16xf32>
      %get3A_3023 = arith.constant 1 : i32
      %get3A_3024 = arith.constant 7 : i32
      %get3A_3025 = arith.index_cast %get3A_3023 : i32 to index
      %get3A_3026 = arith.index_cast %get3A_3024 : i32 to index
      %get3A_3027 = arith.constant 48 : index
      %get3A_3028 = tpu.vector_load %arg9[%get3A_3025, %get3A_3026, %get3A_3027] {strides = array<i32>} : memref<2x50x64xf32, #tpu.memory_space<vmem>>, vector<1x1x16xf32>,
      %get3A_3029 = vector.shape_cast %get3A_3028 : vector<1x1x16xf32> to vector<16xf32>
      %add3A_3030 = arith.addf %add3A_3022, %get3A_3029 : vector<16xf32>
      %get3A_3031 = arith.constant 1 : i32
      %get3A_3032 = arith.constant 8 : i32
      %get3A_3033 = arith.index_cast %get3A_3031 : i32 to index
      %get3A_3034 = arith.index_cast %get3A_3032 : i32 to index
      %get3A_3035 = arith.constant 48 : index
      %get3A_3036 = tpu.vector_load %arg9[%get3A_3033, %get3A_3034, %get3A_3035] {strides = array<i32>} : memref<2x50x64xf32, #tpu.memory_space<vmem>>, vector<1x1x16xf32>,
      %get3A_3037 = vector.shape_cast %get3A_3036 : vector<1x1x16xf32> to vector<16xf32>
      %add3A_3038 = arith.addf %add3A_3030, %get3A_3037 : vector<16xf32>
      %get3A_3039 = arith.constant 1 : i32
      %get3A_3040 = arith.constant 9 : i32
      %get3A_3041 = arith.index_cast %get3A_3039 : i32 to index
      %get3A_3042 = arith.index_cast %get3A_3040 : i32 to index
      %get3A_3043 = arith.constant 48 : index
      %get3A_3044 = tpu.vector_load %arg9[%get3A_3041, %get3A_3042, %get3A_3043] {strides = array<i32>} : memref<2x50x64xf32, #tpu.memory_space<vmem>>, vector<1x1x16xf32>,
      %get3A_3045 = vector.shape_cast %get3A_3044 : vector<1x1x16xf32> to vector<16xf32>
      %add3A_3046 = arith.addf %add3A_3038, %get3A_3045 : vector<16xf32>
      %get3A_3047 = arith.constant 1 : i32
      %get3A_3048 = arith.constant 10 : i32
      %get3A_3049 = arith.index_cast %get3A_3047 : i32 to index
      %get3A_3050 = arith.index_cast %get3A_3048 : i32 to index
      %get3A_3051 = arith.constant 48 : index
      %get3A_3052 = tpu.vector_load %arg9[%get3A_3049, %get3A_3050, %get3A_3051] {strides = array<i32>} : memref<2x50x64xf32, #tpu.memory_space<vmem>>, vector<1x1x16xf32>,
      %get3A_3053 = vector.shape_cast %get3A_3052 : vector<1x1x16xf32> to vector<16xf32>
      %add3A_3054 = arith.addf %add3A_3046, %get3A_3053 : vector<16xf32>
      %get3A_3055 = arith.constant 1 : i32
      %get3A_3056 = arith.constant 11 : i32
      %get3A_3057 = arith.index_cast %get3A_3055 : i32 to index
      %get3A_3058 = arith.index_cast %get3A_3056 : i32 to index
      %get3A_3059 = arith.constant 48 : index
      %get3A_3060 = tpu.vector_load %arg9[%get3A_3057, %get3A_3058, %get3A_3059] {strides = array<i32>} : memref<2x50x64xf32, #tpu.memory_space<vmem>>, vector<1x1x16xf32>,
      %get3A_3061 = vector.shape_cast %get3A_3060 : vector<1x1x16xf32> to vector<16xf32>
      %add3A_3062 = arith.addf %add3A_3054, %get3A_3061 : vector<16xf32>
      %get3A_3063 = arith.constant 1 : i32
      %get3A_3064 = arith.constant 12 : i32
      %get3A_3065 = arith.index_cast %get3A_3063 : i32 to index
      %get3A_3066 = arith.index_cast %get3A_3064 : i32 to index
      %get3A_3067 = arith.constant 48 : index
      %get3A_3068 = tpu.vector_load %arg9[%get3A_3065, %get3A_3066, %get3A_3067] {strides = array<i32>} : memref<2x50x64xf32, #tpu.memory_space<vmem>>, vector<1x1x16xf32>,
      %get3A_3069 = vector.shape_cast %get3A_3068 : vector<1x1x16xf32> to vector<16xf32>
      %add3A_3070 = arith.addf %add3A_3062, %get3A_3069 : vector<16xf32>
      %get3A_3071 = arith.constant 1 : i32
      %get3A_3072 = arith.constant 13 : i32
      %get3A_3073 = arith.index_cast %get3A_3071 : i32 to index
      %get3A_3074 = arith.index_cast %get3A_3072 : i32 to index
      %get3A_3075 = arith.constant 48 : index
      %get3A_3076 = tpu.vector_load %arg9[%get3A_3073, %get3A_3074, %get3A_3075] {strides = array<i32>} : memref<2x50x64xf32, #tpu.memory_space<vmem>>, vector<1x1x16xf32>,
      %get3A_3077 = vector.shape_cast %get3A_3076 : vector<1x1x16xf32> to vector<16xf32>
      %add3A_3078 = arith.addf %add3A_3070, %get3A_3077 : vector<16xf32>
      %get3A_3079 = arith.constant 1 : i32
      %get3A_3080 = arith.constant 14 : i32
      %get3A_3081 = arith.index_cast %get3A_3079 : i32 to index
      %get3A_3082 = arith.index_cast %get3A_3080 : i32 to index
      %get3A_3083 = arith.constant 48 : index
      %get3A_3084 = tpu.vector_load %arg9[%get3A_3081, %get3A_3082, %get3A_3083] {strides = array<i32>} : memref<2x50x64xf32, #tpu.memory_space<vmem>>, vector<1x1x16xf32>,
      %get3A_3085 = vector.shape_cast %get3A_3084 : vector<1x1x16xf32> to vector<16xf32>
      %add3A_3086 = arith.addf %add3A_3078, %get3A_3085 : vector<16xf32>
      %get3A_3087 = arith.constant 1 : i32
      %get3A_3088 = arith.constant 15 : i32
      %get3A_3089 = arith.index_cast %get3A_3087 : i32 to index
      %get3A_3090 = arith.index_cast %get3A_3088 : i32 to index
      %get3A_3091 = arith.constant 48 : index
      %get3A_3092 = tpu.vector_load %arg9[%get3A_3089, %get3A_3090, %get3A_3091] {strides = array<i32>} : memref<2x50x64xf32, #tpu.memory_space<vmem>>, vector<1x1x16xf32>,
      %get3A_3093 = vector.shape_cast %get3A_3092 : vector<1x1x16xf32> to vector<16xf32>
      %add3A_3094 = arith.addf %add3A_3086, %get3A_3093 : vector<16xf32>
      %get3A_3095 = arith.constant 1 : i32
      %get3A_3096 = arith.constant 16 : i32
      %get3A_3097 = arith.index_cast %get3A_3095 : i32 to index
      %get3A_3098 = arith.index_cast %get3A_3096 : i32 to index
      %get3A_3099 = arith.constant 48 : index
      %get3A_3100 = tpu.vector_load %arg9[%get3A_3097, %get3A_3098, %get3A_3099] {strides = array<i32>} : memref<2x50x64xf32, #tpu.memory_space<vmem>>, vector<1x1x16xf32>,
      %get3A_3101 = vector.shape_cast %get3A_3100 : vector<1x1x16xf32> to vector<16xf32>
      %add3A_3102 = arith.addf %add3A_3094, %get3A_3101 : vector<16xf32>
      %get3A_3103 = arith.constant 1 : i32
      %get3A_3104 = arith.constant 17 : i32
      %get3A_3105 = arith.index_cast %get3A_3103 : i32 to index
      %get3A_3106 = arith.index_cast %get3A_3104 : i32 to index
      %get3A_3107 = arith.constant 48 : index
      %get3A_3108 = tpu.vector_load %arg9[%get3A_3105, %get3A_3106, %get3A_3107] {strides = array<i32>} : memref<2x50x64xf32, #tpu.memory_space<vmem>>, vector<1x1x16xf32>,
      %get3A_3109 = vector.shape_cast %get3A_3108 : vector<1x1x16xf32> to vector<16xf32>
      %add3A_3110 = arith.addf %add3A_3102, %get3A_3109 : vector<16xf32>
      %get3A_3111 = arith.constant 1 : i32
      %get3A_3112 = arith.constant 18 : i32
      %get3A_3113 = arith.index_cast %get3A_3111 : i32 to index
      %get3A_3114 = arith.index_cast %get3A_3112 : i32 to index
      %get3A_3115 = arith.constant 48 : index
      %get3A_3116 = tpu.vector_load %arg9[%get3A_3113, %get3A_3114, %get3A_3115] {strides = array<i32>} : memref<2x50x64xf32, #tpu.memory_space<vmem>>, vector<1x1x16xf32>,
      %get3A_3117 = vector.shape_cast %get3A_3116 : vector<1x1x16xf32> to vector<16xf32>
      %add3A_3118 = arith.addf %add3A_3110, %get3A_3117 : vector<16xf32>
      %get3A_3119 = arith.constant 1 : i32
      %get3A_3120 = arith.constant 19 : i32
      %get3A_3121 = arith.index_cast %get3A_3119 : i32 to index
      %get3A_3122 = arith.index_cast %get3A_3120 : i32 to index
      %get3A_3123 = arith.constant 48 : index
      %get3A_3124 = tpu.vector_load %arg9[%get3A_3121, %get3A_3122, %get3A_3123] {strides = array<i32>} : memref<2x50x64xf32, #tpu.memory_space<vmem>>, vector<1x1x16xf32>,
      %get3A_3125 = vector.shape_cast %get3A_3124 : vector<1x1x16xf32> to vector<16xf32>
      %add3A_3126 = arith.addf %add3A_3118, %get3A_3125 : vector<16xf32>
      %get3A_3127 = arith.constant 1 : i32
      %get3A_3128 = arith.constant 20 : i32
      %get3A_3129 = arith.index_cast %get3A_3127 : i32 to index
      %get3A_3130 = arith.index_cast %get3A_3128 : i32 to index
      %get3A_3131 = arith.constant 48 : index
      %get3A_3132 = tpu.vector_load %arg9[%get3A_3129, %get3A_3130, %get3A_3131] {strides = array<i32>} : memref<2x50x64xf32, #tpu.memory_space<vmem>>, vector<1x1x16xf32>,
      %get3A_3133 = vector.shape_cast %get3A_3132 : vector<1x1x16xf32> to vector<16xf32>
      %add3A_3134 = arith.addf %add3A_3126, %get3A_3133 : vector<16xf32>
      %get3A_3135 = arith.constant 1 : i32
      %get3A_3136 = arith.constant 21 : i32
      %get3A_3137 = arith.index_cast %get3A_3135 : i32 to index
      %get3A_3138 = arith.index_cast %get3A_3136 : i32 to index
      %get3A_3139 = arith.constant 48 : index
      %get3A_3140 = tpu.vector_load %arg9[%get3A_3137, %get3A_3138, %get3A_3139] {strides = array<i32>} : memref<2x50x64xf32, #tpu.memory_space<vmem>>, vector<1x1x16xf32>,
      %get3A_3141 = vector.shape_cast %get3A_3140 : vector<1x1x16xf32> to vector<16xf32>
      %add3A_3142 = arith.addf %add3A_3134, %get3A_3141 : vector<16xf32>
      %get3A_3143 = arith.constant 1 : i32
      %get3A_3144 = arith.constant 22 : i32
      %get3A_3145 = arith.index_cast %get3A_3143 : i32 to index
      %get3A_3146 = arith.index_cast %get3A_3144 : i32 to index
      %get3A_3147 = arith.constant 48 : index
      %get3A_3148 = tpu.vector_load %arg9[%get3A_3145, %get3A_3146, %get3A_3147] {strides = array<i32>} : memref<2x50x64xf32, #tpu.memory_space<vmem>>, vector<1x1x16xf32>,
      %get3A_3149 = vector.shape_cast %get3A_3148 : vector<1x1x16xf32> to vector<16xf32>
      %add3A_3150 = arith.addf %add3A_3142, %get3A_3149 : vector<16xf32>
      %get3A_3151 = arith.constant 1 : i32
      %get3A_3152 = arith.constant 23 : i32
      %get3A_3153 = arith.index_cast %get3A_3151 : i32 to index
      %get3A_3154 = arith.index_cast %get3A_3152 : i32 to index
      %get3A_3155 = arith.constant 48 : index
      %get3A_3156 = tpu.vector_load %arg9[%get3A_3153, %get3A_3154, %get3A_3155] {strides = array<i32>} : memref<2x50x64xf32, #tpu.memory_space<vmem>>, vector<1x1x16xf32>,
      %get3A_3157 = vector.shape_cast %get3A_3156 : vector<1x1x16xf32> to vector<16xf32>
      %add3A_3158 = arith.addf %add3A_3150, %get3A_3157 : vector<16xf32>
      %get3A_3159 = arith.constant 1 : i32
      %get3A_3160 = arith.constant 24 : i32
      %get3A_3161 = arith.index_cast %get3A_3159 : i32 to index
      %get3A_3162 = arith.index_cast %get3A_3160 : i32 to index
      %get3A_3163 = arith.constant 48 : index
      %get3A_3164 = tpu.vector_load %arg9[%get3A_3161, %get3A_3162, %get3A_3163] {strides = array<i32>} : memref<2x50x64xf32, #tpu.memory_space<vmem>>, vector<1x1x16xf32>,
      %get3A_3165 = vector.shape_cast %get3A_3164 : vector<1x1x16xf32> to vector<16xf32>
      %add3A_3166 = arith.addf %add3A_3158, %get3A_3165 : vector<16xf32>
      %get3A_3167 = arith.constant 1 : i32
      %get3A_3168 = arith.constant 25 : i32
      %get3A_3169 = arith.index_cast %get3A_3167 : i32 to index
      %get3A_3170 = arith.index_cast %get3A_3168 : i32 to index
      %get3A_3171 = arith.constant 48 : index
      %get3A_3172 = tpu.vector_load %arg9[%get3A_3169, %get3A_3170, %get3A_3171] {strides = array<i32>} : memref<2x50x64xf32, #tpu.memory_space<vmem>>, vector<1x1x16xf32>,
      %get3A_3173 = vector.shape_cast %get3A_3172 : vector<1x1x16xf32> to vector<16xf32>
      %add3A_3174 = arith.addf %add3A_3166, %get3A_3173 : vector<16xf32>
      %get3A_3175 = arith.constant 1 : i32
      %get3A_3176 = arith.constant 26 : i32
      %get3A_3177 = arith.index_cast %get3A_3175 : i32 to index
      %get3A_3178 = arith.index_cast %get3A_3176 : i32 to index
      %get3A_3179 = arith.constant 48 : index
      %get3A_3180 = tpu.vector_load %arg9[%get3A_3177, %get3A_3178, %get3A_3179] {strides = array<i32>} : memref<2x50x64xf32, #tpu.memory_space<vmem>>, vector<1x1x16xf32>,
      %get3A_3181 = vector.shape_cast %get3A_3180 : vector<1x1x16xf32> to vector<16xf32>
      %add3A_3182 = arith.addf %add3A_3174, %get3A_3181 : vector<16xf32>
      %get3A_3183 = arith.constant 1 : i32
      %get3A_3184 = arith.constant 27 : i32
      %get3A_3185 = arith.index_cast %get3A_3183 : i32 to index
      %get3A_3186 = arith.index_cast %get3A_3184 : i32 to index
      %get3A_3187 = arith.constant 48 : index
      %get3A_3188 = tpu.vector_load %arg9[%get3A_3185, %get3A_3186, %get3A_3187] {strides = array<i32>} : memref<2x50x64xf32, #tpu.memory_space<vmem>>, vector<1x1x16xf32>,
      %get3A_3189 = vector.shape_cast %get3A_3188 : vector<1x1x16xf32> to vector<16xf32>
      %add3A_3190 = arith.addf %add3A_3182, %get3A_3189 : vector<16xf32>
      %get3A_3191 = arith.constant 1 : i32
      %get3A_3192 = arith.constant 28 : i32
      %get3A_3193 = arith.index_cast %get3A_3191 : i32 to index
      %get3A_3194 = arith.index_cast %get3A_3192 : i32 to index
      %get3A_3195 = arith.constant 48 : index
      %get3A_3196 = tpu.vector_load %arg9[%get3A_3193, %get3A_3194, %get3A_3195] {strides = array<i32>} : memref<2x50x64xf32, #tpu.memory_space<vmem>>, vector<1x1x16xf32>,
      %get3A_3197 = vector.shape_cast %get3A_3196 : vector<1x1x16xf32> to vector<16xf32>
      %add3A_3198 = arith.addf %add3A_3190, %get3A_3197 : vector<16xf32>
      %get3A_3199 = arith.constant 1 : i32
      %get3A_3200 = arith.constant 29 : i32
      %get3A_3201 = arith.index_cast %get3A_3199 : i32 to index
      %get3A_3202 = arith.index_cast %get3A_3200 : i32 to index
      %get3A_3203 = arith.constant 48 : index
      %get3A_3204 = tpu.vector_load %arg9[%get3A_3201, %get3A_3202, %get3A_3203] {strides = array<i32>} : memref<2x50x64xf32, #tpu.memory_space<vmem>>, vector<1x1x16xf32>,
      %get3A_3205 = vector.shape_cast %get3A_3204 : vector<1x1x16xf32> to vector<16xf32>
      %add3A_3206 = arith.addf %add3A_3198, %get3A_3205 : vector<16xf32>
      %get3A_3207 = arith.constant 1 : i32
      %get3A_3208 = arith.constant 30 : i32
      %get3A_3209 = arith.index_cast %get3A_3207 : i32 to index
      %get3A_3210 = arith.index_cast %get3A_3208 : i32 to index
      %get3A_3211 = arith.constant 48 : index
      %get3A_3212 = tpu.vector_load %arg9[%get3A_3209, %get3A_3210, %get3A_3211] {strides = array<i32>} : memref<2x50x64xf32, #tpu.memory_space<vmem>>, vector<1x1x16xf32>,
      %get3A_3213 = vector.shape_cast %get3A_3212 : vector<1x1x16xf32> to vector<16xf32>
      %add3A_3214 = arith.addf %add3A_3206, %get3A_3213 : vector<16xf32>
      %get3A_3215 = arith.constant 1 : i32
      %get3A_3216 = arith.constant 31 : i32
      %get3A_3217 = arith.index_cast %get3A_3215 : i32 to index
      %get3A_3218 = arith.index_cast %get3A_3216 : i32 to index
      %get3A_3219 = arith.constant 48 : index
      %get3A_3220 = tpu.vector_load %arg9[%get3A_3217, %get3A_3218, %get3A_3219] {strides = array<i32>} : memref<2x50x64xf32, #tpu.memory_space<vmem>>, vector<1x1x16xf32>,
      %get3A_3221 = vector.shape_cast %get3A_3220 : vector<1x1x16xf32> to vector<16xf32>
      %add3A_3222 = arith.addf %add3A_3214, %get3A_3221 : vector<16xf32>
      %get3A_3223 = arith.constant 1 : i32
      %get3A_3224 = arith.constant 32 : i32
      %get3A_3225 = arith.index_cast %get3A_3223 : i32 to index
      %get3A_3226 = arith.index_cast %get3A_3224 : i32 to index
      %get3A_3227 = arith.constant 48 : index
      %get3A_3228 = tpu.vector_load %arg9[%get3A_3225, %get3A_3226, %get3A_3227] {strides = array<i32>} : memref<2x50x64xf32, #tpu.memory_space<vmem>>, vector<1x1x16xf32>,
      %get3A_3229 = vector.shape_cast %get3A_3228 : vector<1x1x16xf32> to vector<16xf32>
      %add3A_3230 = arith.addf %add3A_3222, %get3A_3229 : vector<16xf32>
      %get3A_3231 = arith.constant 1 : i32
      %get3A_3232 = arith.constant 33 : i32
      %get3A_3233 = arith.index_cast %get3A_3231 : i32 to index
      %get3A_3234 = arith.index_cast %get3A_3232 : i32 to index
      %get3A_3235 = arith.constant 48 : index
      %get3A_3236 = tpu.vector_load %arg9[%get3A_3233, %get3A_3234, %get3A_3235] {strides = array<i32>} : memref<2x50x64xf32, #tpu.memory_space<vmem>>, vector<1x1x16xf32>,
      %get3A_3237 = vector.shape_cast %get3A_3236 : vector<1x1x16xf32> to vector<16xf32>
      %add3A_3238 = arith.addf %add3A_3230, %get3A_3237 : vector<16xf32>
      %get3A_3239 = arith.constant 1 : i32
      %get3A_3240 = arith.constant 34 : i32
      %get3A_3241 = arith.index_cast %get3A_3239 : i32 to index
      %get3A_3242 = arith.index_cast %get3A_3240 : i32 to index
      %get3A_3243 = arith.constant 48 : index
      %get3A_3244 = tpu.vector_load %arg9[%get3A_3241, %get3A_3242, %get3A_3243] {strides = array<i32>} : memref<2x50x64xf32, #tpu.memory_space<vmem>>, vector<1x1x16xf32>,
      %get3A_3245 = vector.shape_cast %get3A_3244 : vector<1x1x16xf32> to vector<16xf32>
      %add3A_3246 = arith.addf %add3A_3238, %get3A_3245 : vector<16xf32>
      %get3A_3247 = arith.constant 1 : i32
      %get3A_3248 = arith.constant 35 : i32
      %get3A_3249 = arith.index_cast %get3A_3247 : i32 to index
      %get3A_3250 = arith.index_cast %get3A_3248 : i32 to index
      %get3A_3251 = arith.constant 48 : index
      %get3A_3252 = tpu.vector_load %arg9[%get3A_3249, %get3A_3250, %get3A_3251] {strides = array<i32>} : memref<2x50x64xf32, #tpu.memory_space<vmem>>, vector<1x1x16xf32>,
      %get3A_3253 = vector.shape_cast %get3A_3252 : vector<1x1x16xf32> to vector<16xf32>
      %add3A_3254 = arith.addf %add3A_3246, %get3A_3253 : vector<16xf32>
      %get3A_3255 = arith.constant 1 : i32
      %get3A_3256 = arith.constant 36 : i32
      %get3A_3257 = arith.index_cast %get3A_3255 : i32 to index
      %get3A_3258 = arith.index_cast %get3A_3256 : i32 to index
      %get3A_3259 = arith.constant 48 : index
      %get3A_3260 = tpu.vector_load %arg9[%get3A_3257, %get3A_3258, %get3A_3259] {strides = array<i32>} : memref<2x50x64xf32, #tpu.memory_space<vmem>>, vector<1x1x16xf32>,
      %get3A_3261 = vector.shape_cast %get3A_3260 : vector<1x1x16xf32> to vector<16xf32>
      %add3A_3262 = arith.addf %add3A_3254, %get3A_3261 : vector<16xf32>
      %get3A_3263 = arith.constant 1 : i32
      %get3A_3264 = arith.constant 37 : i32
      %get3A_3265 = arith.index_cast %get3A_3263 : i32 to index
      %get3A_3266 = arith.index_cast %get3A_3264 : i32 to index
      %get3A_3267 = arith.constant 48 : index
      %get3A_3268 = tpu.vector_load %arg9[%get3A_3265, %get3A_3266, %get3A_3267] {strides = array<i32>} : memref<2x50x64xf32, #tpu.memory_space<vmem>>, vector<1x1x16xf32>,
      %get3A_3269 = vector.shape_cast %get3A_3268 : vector<1x1x16xf32> to vector<16xf32>
      %add3A_3270 = arith.addf %add3A_3262, %get3A_3269 : vector<16xf32>
      %get3A_3271 = arith.constant 1 : i32
      %get3A_3272 = arith.constant 38 : i32
      %get3A_3273 = arith.index_cast %get3A_3271 : i32 to index
      %get3A_3274 = arith.index_cast %get3A_3272 : i32 to index
      %get3A_3275 = arith.constant 48 : index
      %get3A_3276 = tpu.vector_load %arg9[%get3A_3273, %get3A_3274, %get3A_3275] {strides = array<i32>} : memref<2x50x64xf32, #tpu.memory_space<vmem>>, vector<1x1x16xf32>,
      %get3A_3277 = vector.shape_cast %get3A_3276 : vector<1x1x16xf32> to vector<16xf32>
      %add3A_3278 = arith.addf %add3A_3270, %get3A_3277 : vector<16xf32>
      %get3A_3279 = arith.constant 1 : i32
      %get3A_3280 = arith.constant 39 : i32
      %get3A_3281 = arith.index_cast %get3A_3279 : i32 to index
      %get3A_3282 = arith.index_cast %get3A_3280 : i32 to index
      %get3A_3283 = arith.constant 48 : index
      %get3A_3284 = tpu.vector_load %arg9[%get3A_3281, %get3A_3282, %get3A_3283] {strides = array<i32>} : memref<2x50x64xf32, #tpu.memory_space<vmem>>, vector<1x1x16xf32>,
      %get3A_3285 = vector.shape_cast %get3A_3284 : vector<1x1x16xf32> to vector<16xf32>
      %add3A_3286 = arith.addf %add3A_3278, %get3A_3285 : vector<16xf32>
      %get3A_3287 = arith.constant 1 : i32
      %get3A_3288 = arith.constant 40 : i32
      %get3A_3289 = arith.index_cast %get3A_3287 : i32 to index
      %get3A_3290 = arith.index_cast %get3A_3288 : i32 to index
      %get3A_3291 = arith.constant 48 : index
      %get3A_3292 = tpu.vector_load %arg9[%get3A_3289, %get3A_3290, %get3A_3291] {strides = array<i32>} : memref<2x50x64xf32, #tpu.memory_space<vmem>>, vector<1x1x16xf32>,
      %get3A_3293 = vector.shape_cast %get3A_3292 : vector<1x1x16xf32> to vector<16xf32>
      %add3A_3294 = arith.addf %add3A_3286, %get3A_3293 : vector<16xf32>
      %get3A_3295 = arith.constant 1 : i32
      %get3A_3296 = arith.constant 41 : i32
      %get3A_3297 = arith.index_cast %get3A_3295 : i32 to index
      %get3A_3298 = arith.index_cast %get3A_3296 : i32 to index
      %get3A_3299 = arith.constant 48 : index
      %get3A_3300 = tpu.vector_load %arg9[%get3A_3297, %get3A_3298, %get3A_3299] {strides = array<i32>} : memref<2x50x64xf32, #tpu.memory_space<vmem>>, vector<1x1x16xf32>,
      %get3A_3301 = vector.shape_cast %get3A_3300 : vector<1x1x16xf32> to vector<16xf32>
      %add3A_3302 = arith.addf %add3A_3294, %get3A_3301 : vector<16xf32>
      %get3A_3303 = arith.constant 1 : i32
      %get3A_3304 = arith.constant 42 : i32
      %get3A_3305 = arith.index_cast %get3A_3303 : i32 to index
      %get3A_3306 = arith.index_cast %get3A_3304 : i32 to index
      %get3A_3307 = arith.constant 48 : index
      %get3A_3308 = tpu.vector_load %arg9[%get3A_3305, %get3A_3306, %get3A_3307] {strides = array<i32>} : memref<2x50x64xf32, #tpu.memory_space<vmem>>, vector<1x1x16xf32>,
      %get3A_3309 = vector.shape_cast %get3A_3308 : vector<1x1x16xf32> to vector<16xf32>
      %add3A_3310 = arith.addf %add3A_3302, %get3A_3309 : vector<16xf32>
      %get3A_3311 = arith.constant 1 : i32
      %get3A_3312 = arith.constant 43 : i32
      %get3A_3313 = arith.index_cast %get3A_3311 : i32 to index
      %get3A_3314 = arith.index_cast %get3A_3312 : i32 to index
      %get3A_3315 = arith.constant 48 : index
      %get3A_3316 = tpu.vector_load %arg9[%get3A_3313, %get3A_3314, %get3A_3315] {strides = array<i32>} : memref<2x50x64xf32, #tpu.memory_space<vmem>>, vector<1x1x16xf32>,
      %get3A_3317 = vector.shape_cast %get3A_3316 : vector<1x1x16xf32> to vector<16xf32>
      %add3A_3318 = arith.addf %add3A_3310, %get3A_3317 : vector<16xf32>
      %get3A_3319 = arith.constant 1 : i32
      %get3A_3320 = arith.constant 44 : i32
      %get3A_3321 = arith.index_cast %get3A_3319 : i32 to index
      %get3A_3322 = arith.index_cast %get3A_3320 : i32 to index
      %get3A_3323 = arith.constant 48 : index
      %get3A_3324 = tpu.vector_load %arg9[%get3A_3321, %get3A_3322, %get3A_3323] {strides = array<i32>} : memref<2x50x64xf32, #tpu.memory_space<vmem>>, vector<1x1x16xf32>,
      %get3A_3325 = vector.shape_cast %get3A_3324 : vector<1x1x16xf32> to vector<16xf32>
      %add3A_3326 = arith.addf %add3A_3318, %get3A_3325 : vector<16xf32>
      %get3A_3327 = arith.constant 1 : i32
      %get3A_3328 = arith.constant 45 : i32
      %get3A_3329 = arith.index_cast %get3A_3327 : i32 to index
      %get3A_3330 = arith.index_cast %get3A_3328 : i32 to index
      %get3A_3331 = arith.constant 48 : index
      %get3A_3332 = tpu.vector_load %arg9[%get3A_3329, %get3A_3330, %get3A_3331] {strides = array<i32>} : memref<2x50x64xf32, #tpu.memory_space<vmem>>, vector<1x1x16xf32>,
      %get3A_3333 = vector.shape_cast %get3A_3332 : vector<1x1x16xf32> to vector<16xf32>
      %add3A_3334 = arith.addf %add3A_3326, %get3A_3333 : vector<16xf32>
      %get3A_3335 = arith.constant 1 : i32
      %get3A_3336 = arith.constant 46 : i32
      %get3A_3337 = arith.index_cast %get3A_3335 : i32 to index
      %get3A_3338 = arith.index_cast %get3A_3336 : i32 to index
      %get3A_3339 = arith.constant 48 : index
      %get3A_3340 = tpu.vector_load %arg9[%get3A_3337, %get3A_3338, %get3A_3339] {strides = array<i32>} : memref<2x50x64xf32, #tpu.memory_space<vmem>>, vector<1x1x16xf32>,
      %get3A_3341 = vector.shape_cast %get3A_3340 : vector<1x1x16xf32> to vector<16xf32>
      %add3A_3342 = arith.addf %add3A_3334, %get3A_3341 : vector<16xf32>
      %get3A_3343 = arith.constant 1 : i32
      %get3A_3344 = arith.constant 47 : i32
      %get3A_3345 = arith.index_cast %get3A_3343 : i32 to index
      %get3A_3346 = arith.index_cast %get3A_3344 : i32 to index
      %get3A_3347 = arith.constant 48 : index
      %get3A_3348 = tpu.vector_load %arg9[%get3A_3345, %get3A_3346, %get3A_3347] {strides = array<i32>} : memref<2x50x64xf32, #tpu.memory_space<vmem>>, vector<1x1x16xf32>,
      %get3A_3349 = vector.shape_cast %get3A_3348 : vector<1x1x16xf32> to vector<16xf32>
      %add3A_3350 = arith.addf %add3A_3342, %get3A_3349 : vector<16xf32>
      %get3A_3351 = arith.constant 1 : i32
      %get3A_3352 = arith.constant 48 : i32
      %get3A_3353 = arith.index_cast %get3A_3351 : i32 to index
      %get3A_3354 = arith.index_cast %get3A_3352 : i32 to index
      %get3A_3355 = arith.constant 48 : index
      %get3A_3356 = tpu.vector_load %arg9[%get3A_3353, %get3A_3354, %get3A_3355] {strides = array<i32>} : memref<2x50x64xf32, #tpu.memory_space<vmem>>, vector<1x1x16xf32>,
      %get3A_3357 = vector.shape_cast %get3A_3356 : vector<1x1x16xf32> to vector<16xf32>
      %add3A_3358 = arith.addf %add3A_3350, %get3A_3357 : vector<16xf32>
      %get3A_3359 = arith.constant 1 : i32
      %get3A_3360 = arith.constant 49 : i32
      %get3A_3361 = arith.index_cast %get3A_3359 : i32 to index
      %get3A_3362 = arith.index_cast %get3A_3360 : i32 to index
      %get3A_3363 = arith.constant 48 : index
      %get3A_3364 = tpu.vector_load %arg9[%get3A_3361, %get3A_3362, %get3A_3363] {strides = array<i32>} : memref<2x50x64xf32, #tpu.memory_space<vmem>>, vector<1x1x16xf32>,
      %get3A_3365 = vector.shape_cast %get3A_3364 : vector<1x1x16xf32> to vector<16xf32>
      %add3A_3366 = arith.addf %add3A_3358, %get3A_3365 : vector<16xf32>
      %swap3A_3367 = arith.index_cast %add3A_104 : i32 to index
      %swap3A_3368 = arith.constant 48 : index
      %swap3A_3369 = tpu.vector_load %arg10[%swap3A_3367, %swap3A_3368] {strides = array<i32>} : memref<512x64xf32, #tpu.memory_space<vmem>>, vector<1x16xf32>,
      %swap3A_3370 = vector.shape_cast %swap3A_3369 : vector<1x16xf32> to vector<16xf32>
      %swap3A_3371 = vector.shape_cast %add3A_3366 : vector<16xf32> to vector<1x16xf32>
      tpu.vector_store %arg10[%swap3A_3367, %swap3A_3368], %swap3A_3371 {strides = array<i32>} : memref<512x64xf32, #tpu.memory_space<vmem>>, vector<1x16xf32>,
    }
    %scan3A_60 = arith.constant 256 : i32
    "tpu.region"() ({
      %run_scoped3A = tpu.sem_alloc : memref<!tpu.dma_semaphore, #tpu.memory_space<semaphore_mem>>
      %dma_start3A_100 = arith.constant 0 : i32
      %dma_start3A_101 = tpu.memref_slice %arg6[%mul3A_2, %dma_start3A_100] : memref<16384x64xf32, #tpu.memory_space<hbm>> -> memref<512x64xf32, #tpu.memory_space<hbm>>
      %dma_start3A_102 = arith.constant 0 : i32
      %dma_start3A_103 = tpu.memref_slice %arg6[%mul3A_2, %dma_start3A_102] : memref<16384x64xf32, #tpu.memory_space<hbm>> -> memref<512x64xf32, #tpu.memory_space<hbm>>
      tpu.enqueue_dma source(%arg10 : memref<512x64xf32, #tpu.memory_space<vmem>>) target(%dma_start3A_103 : memref<512x64xf32, #tpu.memory_space<hbm>>) target_semaphore(%run_scoped3A : memref<!tpu.dma_semaphore, #tpu.memory_space<semaphore_mem>>)
      %dma_wait3A_104 = arith.constant 0 : i32
      %dma_wait3A_105 = tpu.memref_slice %arg6[%mul3A_2, %dma_wait3A_104] : memref<16384x64xf32, #tpu.memory_space<hbm>> -> memref<512x64xf32, #tpu.memory_space<hbm>>
      %dma_wait3A_106 = arith.constant 0 : i32
      %dma_wait3A_107 = tpu.memref_slice %arg6[%mul3A_2, %dma_wait3A_106] : memref<16384x64xf32, #tpu.memory_space<hbm>> -> memref<512x64xf32, #tpu.memory_space<hbm>>
      tpu.wait_dma2 semaphore(%run_scoped3A : memref<!tpu.dma_semaphore, #tpu.memory_space<semaphore_mem>>) src(%arg10 : memref<512x64xf32, #tpu.memory_space<vmem>>) dst(%dma_wait3A_107 : memref<512x64xf32, #tpu.memory_space<hbm>>)
      tpu.yield
    }) : () -> ()
    %dma_wait3A = arith.constant 0 : i32
    %dma_wait3A_61 = arith.constant 0 : i32
    %dma_wait3A_62 = arith.constant 0 : i32
    %dma_wait3A_63 = tpu.memref_slice %arg12[%dma_wait3A_61, %dma_wait3A_62] : memref<512x64xf32, #tpu.memory_space<vmem>> -> memref<128x64xf32, #tpu.memory_space<vmem>>
    %dma_wait3A_64 = arith.constant 0 : i32
    %dma_wait3A_65 = tpu.memref_slice %arg11[%dma_wait3A, %dma_wait3A_64] : memref<4x128xi32, #tpu.memory_space<vmem>> -> memref<1x128xi32, #tpu.memory_space<vmem>>
    %dma_wait3A_66 = tpu.memref_squeeze %dma_wait3A_65 : memref<1x128xi32, #tpu.memory_space<vmem>> -> memref<128xi32, #tpu.memory_space<vmem>>
    %dma_wait3A_67 = arith.constant 0 : i32
    %dma_wait3A_68 = arith.constant 0 : i32
    %dma_wait3A_69 = tpu.memref_slice %arg5[%dma_wait3A_67, %dma_wait3A_68] : memref<1001x64xf32, #tpu.memory_space<hbm>> -> memref<1001x64xf32, #tpu.memory_space<hbm>>
    tpu.wait_indirect_dma semaphore(%arg15 : memref<!tpu.dma_semaphore, #tpu.memory_space<semaphore_mem>>) src(%dma_wait3A_69 : memref<1001x64xf32, #tpu.memory_space<hbm>>) dst(%dma_wait3A_63 : memref<128x64xf32, #tpu.memory_space<vmem>>)
    %dma_wait3A_70 = arith.constant 1 : i32
    %dma_wait3A_71 = arith.constant 128 : i32
    %dma_wait3A_72 = arith.constant 0 : i32
    %dma_wait3A_73 = tpu.memref_slice %arg12[%dma_wait3A_71, %dma_wait3A_72] : memref<512x64xf32, #tpu.memory_space<vmem>> -> memref<128x64xf32, #tpu.memory_space<vmem>>
    %dma_wait3A_74 = arith.constant 0 : i32
    %dma_wait3A_75 = tpu.memref_slice %arg11[%dma_wait3A_70, %dma_wait3A_74] : memref<4x128xi32, #tpu.memory_space<vmem>> -> memref<1x128xi32, #tpu.memory_space<vmem>>
    %dma_wait3A_76 = tpu.memref_squeeze %dma_wait3A_75 : memref<1x128xi32, #tpu.memory_space<vmem>> -> memref<128xi32, #tpu.memory_space<vmem>>
    %dma_wait3A_77 = arith.constant 0 : i32
    %dma_wait3A_78 = arith.constant 0 : i32
    %dma_wait3A_79 = tpu.memref_slice %arg5[%dma_wait3A_77, %dma_wait3A_78] : memref<1001x64xf32, #tpu.memory_space<hbm>> -> memref<1001x64xf32, #tpu.memory_space<hbm>>
    tpu.wait_indirect_dma semaphore(%arg15 : memref<!tpu.dma_semaphore, #tpu.memory_space<semaphore_mem>>) src(%dma_wait3A_79 : memref<1001x64xf32, #tpu.memory_space<hbm>>) dst(%dma_wait3A_73 : memref<128x64xf32, #tpu.memory_space<vmem>>)
    %dma_wait3A_80 = arith.constant 2 : i32
    %dma_wait3A_81 = arith.constant 256 : i32
    %dma_wait3A_82 = arith.constant 0 : i32
    %dma_wait3A_83 = tpu.memref_slice %arg12[%dma_wait3A_81, %dma_wait3A_82] : memref<512x64xf32, #tpu.memory_space<vmem>> -> memref<128x64xf32, #tpu.memory_space<vmem>>
    %dma_wait3A_84 = arith.constant 0 : i32
    %dma_wait3A_85 = tpu.memref_slice %arg11[%dma_wait3A_80, %dma_wait3A_84] : memref<4x128xi32, #tpu.memory_space<vmem>> -> memref<1x128xi32, #tpu.memory_space<vmem>>
    %dma_wait3A_86 = tpu.memref_squeeze %dma_wait3A_85 : memref<1x128xi32, #tpu.memory_space<vmem>> -> memref<128xi32, #tpu.memory_space<vmem>>
    %dma_wait3A_87 = arith.constant 0 : i32
    %dma_wait3A_88 = arith.constant 0 : i32
    %dma_wait3A_89 = tpu.memref_slice %arg5[%dma_wait3A_87, %dma_wait3A_88] : memref<1001x64xf32, #tpu.memory_space<hbm>> -> memref<1001x64xf32, #tpu.memory_space<hbm>>
    tpu.wait_indirect_dma semaphore(%arg15 : memref<!tpu.dma_semaphore, #tpu.memory_space<semaphore_mem>>) src(%dma_wait3A_89 : memref<1001x64xf32, #tpu.memory_space<hbm>>) dst(%dma_wait3A_83 : memref<128x64xf32, #tpu.memory_space<vmem>>)
    %dma_wait3A_90 = arith.constant 3 : i32
    %dma_wait3A_91 = arith.constant 384 : i32
    %dma_wait3A_92 = arith.constant 0 : i32
    %dma_wait3A_93 = tpu.memref_slice %arg12[%dma_wait3A_91, %dma_wait3A_92] : memref<512x64xf32, #tpu.memory_space<vmem>> -> memref<128x64xf32, #tpu.memory_space<vmem>>
    %dma_wait3A_94 = arith.constant 0 : i32
    %dma_wait3A_95 = tpu.memref_slice %arg11[%dma_wait3A_90, %dma_wait3A_94] : memref<4x128xi32, #tpu.memory_space<vmem>> -> memref<1x128xi32, #tpu.memory_space<vmem>>
    %dma_wait3A_96 = tpu.memref_squeeze %dma_wait3A_95 : memref<1x128xi32, #tpu.memory_space<vmem>> -> memref<128xi32, #tpu.memory_space<vmem>>
    %dma_wait3A_97 = arith.constant 0 : i32
    %dma_wait3A_98 = arith.constant 0 : i32
    %dma_wait3A_99 = tpu.memref_slice %arg5[%dma_wait3A_97, %dma_wait3A_98] : memref<1001x64xf32, #tpu.memory_space<hbm>> -> memref<1001x64xf32, #tpu.memory_space<hbm>>
    tpu.wait_indirect_dma semaphore(%arg15 : memref<!tpu.dma_semaphore, #tpu.memory_space<semaphore_mem>>) src(%dma_wait3A_99 : memref<1001x64xf32, #tpu.memory_space<hbm>>) dst(%dma_wait3A_93 : memref<128x64xf32, #tpu.memory_space<vmem>>)
    "tpu.region"() ({
      %run_scoped3A = tpu.sem_alloc : memref<!tpu.dma_semaphore, #tpu.memory_space<semaphore_mem>>
      %dma_start3A_100 = arith.constant 0 : i32
      %dma_start3A_101 = tpu.memref_slice %arg7[%mul3A_2, %dma_start3A_100] : memref<16384x64xf32, #tpu.memory_space<hbm>> -> memref<512x64xf32, #tpu.memory_space<hbm>>
      %dma_start3A_102 = arith.constant 0 : i32
      %dma_start3A_103 = tpu.memref_slice %arg7[%mul3A_2, %dma_start3A_102] : memref<16384x64xf32, #tpu.memory_space<hbm>> -> memref<512x64xf32, #tpu.memory_space<hbm>>
      tpu.enqueue_dma source(%arg12 : memref<512x64xf32, #tpu.memory_space<vmem>>) target(%dma_start3A_103 : memref<512x64xf32, #tpu.memory_space<hbm>>) target_semaphore(%run_scoped3A : memref<!tpu.dma_semaphore, #tpu.memory_space<semaphore_mem>>)
      %dma_wait3A_104 = arith.constant 0 : i32
      %dma_wait3A_105 = tpu.memref_slice %arg7[%mul3A_2, %dma_wait3A_104] : memref<16384x64xf32, #tpu.memory_space<hbm>> -> memref<512x64xf32, #tpu.memory_space<hbm>>
      %dma_wait3A_106 = arith.constant 0 : i32
      %dma_wait3A_107 = tpu.memref_slice %arg7[%mul3A_2, %dma_wait3A_106] : memref<16384x64xf32, #tpu.memory_space<hbm>> -> memref<512x64xf32, #tpu.memory_space<hbm>>
      tpu.wait_dma2 semaphore(%run_scoped3A : memref<!tpu.dma_semaphore, #tpu.memory_space<semaphore_mem>>) src(%arg12 : memref<512x64xf32, #tpu.memory_space<vmem>>) dst(%dma_wait3A_107 : memref<512x64xf32, #tpu.memory_space<hbm>>)
      tpu.yield
    }) : () -> ()
    return
  }
}

module attributes {stable_mosaic.version = 14 : i64} {
  func.func @_tc_transpose_body(%arg0: i32, %arg1: memref<64x2048xf32, #tpu.memory_space<vmem>>, %arg2: memref<64x2048xf32, #tpu.memory_space<vmem>>, %arg3: memref<2048x128xf32, #tpu.memory_space<vmem>>) attributes {dimension_semantics = [#tpu.dimension_semantics<arbitrary>], iteration_bounds = array<i64: 245>, scalar_prefetch = 0 : i64, scratch_operands = 0 : i64, tpu.core_type = #tpu.core_type<tc>, window_params = [{transform_indices = @transform_0, window_bounds = array<i64: 64, 2048>}, {transform_indices = @transform_1, window_bounds = array<i64: 64, 2048>}, {transform_indices = @transform_2, window_bounds = array<i64: 2048, 128>}]} {
    %get3A = arith.constant 0 : index
    %get3A_0 = arith.constant 0 : index
    %get3A_1 = vector.load %arg1[%get3A, %get3A_0] : memref<64x2048xf32, #tpu.memory_space<vmem>>, vector<64x2048xf32>
    %transpose3A = tpu.transpose %get3A_1, [1, 0] : vector<64x2048xf32> -> vector<2048x64xf32>
    %get3A_2 = arith.constant 0 : index
    %get3A_3 = arith.constant 0 : index
    %get3A_4 = vector.load %arg2[%get3A_2, %get3A_3] : memref<64x2048xf32, #tpu.memory_space<vmem>>, vector<64x2048xf32>
    %transpose3A_5 = tpu.transpose %get3A_4, [1, 0] : vector<64x2048xf32> -> vector<2048x64xf32>
    %concatenate3A = tpu.concatenate %transpose3A, %transpose3A_5 in 1 : vector<2048x64xf32>, vector<2048x64xf32> -> vector<2048x128xf32>
    %swap3A = arith.constant 0 : index
    %swap3A_6 = arith.constant 0 : index
    %swap3A_7 = vector.load %arg3[%swap3A, %swap3A_6] : memref<2048x128xf32, #tpu.memory_space<vmem>>, vector<2048x128xf32>
    tpu.vector_store %arg3[%swap3A, %swap3A_6], %concatenate3A {strides = array<i32>} : memref<2048x128xf32, #tpu.memory_space<vmem>>, vector<2048x128xf32>,
    return
  }
  func.func @transform_0(%arg0: i32) -> (i32, i32) {
    %c0_i32 = arith.constant 0 : i32
    %c0_i32_0 = arith.constant 0 : i32
    return %c0_i32, %arg0 : i32, i32
  }
  func.func @transform_1(%arg0: i32) -> (i32, i32) {
    %add3A = arith.constant 245 : i32
    %add3A_0 = arith.addi %arg0, %add3A : i32
    %min3A = arith.constant 488 : i32
    %min3A_1 = arith.minsi %add3A_0, %min3A : i32
    %c0_i32 = arith.constant 0 : i32
    %c0_i32_2 = arith.constant 0 : i32
    return %c0_i32, %min3A_1 : i32, i32
  }
  func.func @transform_2(%arg0: i32) -> (i32, i32) {
    %c0_i32 = arith.constant 0 : i32
    %c0_i32_0 = arith.constant 0 : i32
    return %arg0, %c0_i32 : i32, i32
  }
}

module attributes {stable_mosaic.version = 14 : i64} {
  func.func @_mlp_body(%arg0: i32, %arg1: memref<2048x50xi32, #tpu.memory_space<vmem>>, %arg2: memref<2048x64xf32, #tpu.memory_space<vmem>>, %arg3: memref<2048x64xf32, #tpu.memory_space<vmem>>, %arg4: memref<64x64xf32, #tpu.memory_space<vmem>>, %arg5: memref<64x64xf32, #tpu.memory_space<vmem>>, %arg6: memref<1x64xf32, #tpu.memory_space<vmem>>, %arg7: memref<1x64xf32, #tpu.memory_space<vmem>>, %arg8: memref<1x1xf32, #tpu.memory_space<vmem>>, %arg9: memref<2048x1xf32, #tpu.memory_space<vmem>>) attributes {dimension_semantics = [#tpu.dimension_semantics<arbitrary>], iteration_bounds = array<i64: 8>, scalar_prefetch = 0 : i64, scratch_operands = 0 : i64, tpu.core_type = #tpu.core_type<tc>, window_params = [{transform_indices = @transform_0, window_bounds = array<i64: 2048, 50>}, {transform_indices = @transform_1, window_bounds = array<i64: 2048, 64>}, {transform_indices = @transform_2, window_bounds = array<i64: 2048, 64>}, {pipeline_mode = #tpu.pipeline_mode<synchronous>, transform_indices = @transform_3, window_bounds = array<i64: 64, 64>}, {pipeline_mode = #tpu.pipeline_mode<synchronous>, transform_indices = @transform_4, window_bounds = array<i64: 64, 64>}, {pipeline_mode = #tpu.pipeline_mode<synchronous>, transform_indices = @transform_5, window_bounds = array<i64: 1, 64>}, {pipeline_mode = #tpu.pipeline_mode<synchronous>, transform_indices = @transform_6, window_bounds = array<i64: 1, 64>}, {pipeline_mode = #tpu.pipeline_mode<synchronous>, transform_indices = @transform_7, window_bounds = array<i64: 1, 1>}, {transform_indices = @transform_8, window_bounds = array<i64: 2048, 1>}]} {
    %get3A = arith.constant 0 : index
    %get3A_0 = arith.constant 0 : index
    %get3A_1 = vector.load %arg1[%get3A, %get3A_0] : memref<2048x50xi32, #tpu.memory_space<vmem>>, vector<2048x50xi32>
    %ne3A = arith.constant 0 : i32
    %ne3A_2 = vector.broadcast %ne3A : i32 to vector<2048x50xi32>
    %ne3A_3 = arith.cmpi ne, %get3A_1, %ne3A_2 : vector<2048x50xi32>
    %convert_element_type3A = arith.extui %ne3A_3 : vector<2048x50xi1> to vector<2048x50xi32>
    %convert_element_type3A_4 = arith.sitofp %convert_element_type3A : vector<2048x50xi32> to vector<2048x50xf32>
    %reduce_sum3A = arith.constant dense<0.000000e+00> : vector<2048xf32>
    %reduce_sum3A_5 = vector.multi_reduction <add>, %convert_element_type3A_4, %reduce_sum3A [1] : vector<2048x50xf32> to vector<2048xf32>
    %broadcast_in_dim3A = vector.shape_cast %reduce_sum3A_5 : vector<2048xf32> to vector<2048x1xf32>
    %add3A = arith.constant 9.99999993E-9 : f32
    %add3A_6 = vector.broadcast %add3A : f32 to vector<2048x1xf32>
    %add3A_7 = arith.addf %broadcast_in_dim3A, %add3A_6 : vector<2048x1xf32>
    %div3A = arith.constant 1.000000e+00 : f32
    %div3A_8 = vector.broadcast %div3A : f32 to vector<2048x1xf32>
    %div3A_9 = arith.divf %div3A_8, %add3A_7 : vector<2048x1xf32>
    %ge3A = arith.constant 1.000000e+08 : f32
    %ge3A_10 = vector.broadcast %ge3A : f32 to vector<2048x1xf32>
    %ge3A_11 = arith.cmpf oge, %div3A_9, %ge3A_10 : vector<2048x1xf32>
    %jit3A = arith.constant 0.000000e+00 : f32
    %broadcast_in_dim3A_12 = vector.broadcast %jit3A : f32 to vector<2048x1xf32>
    %select_n3A = arith.select %ge3A_11, %broadcast_in_dim3A_12, %div3A_9 : vector<2048x1xi1>, vector<2048x1xf32>
    %get3A_13 = arith.constant 0 : index
    %get3A_14 = arith.constant 0 : index
    %get3A_15 = vector.load %arg2[%get3A_13, %get3A_14] : memref<2048x64xf32, #tpu.memory_space<vmem>>, vector<2048x64xf32>
    %mul3A = vector.broadcast %select_n3A : vector<2048x1xf32> to vector<2048x64xf32>
    %mul3A_16 = arith.mulf %get3A_15, %mul3A : vector<2048x64xf32>
    %max3A = arith.constant 0.000000e+00 : f32
    %max3A_17 = vector.broadcast %max3A : f32 to vector<2048x64xf32>
    %max3A_18 = arith.maximumf %mul3A_16, %max3A_17 : vector<2048x64xf32>
    %get3A_19 = arith.constant 0 : index
    %get3A_20 = arith.constant 0 : index
    %get3A_21 = vector.load %arg3[%get3A_19, %get3A_20] : memref<2048x64xf32, #tpu.memory_space<vmem>>, vector<2048x64xf32>
    %max3A_22 = arith.constant 0.000000e+00 : f32
    %max3A_23 = vector.broadcast %max3A_22 : f32 to vector<2048x64xf32>
    %max3A_24 = arith.maximumf %get3A_21, %max3A_23 : vector<2048x64xf32>
    %get3A_25 = arith.constant 0 : index
    %get3A_26 = arith.constant 0 : index
    %get3A_27 = vector.load %arg4[%get3A_25, %get3A_26] : memref<64x64xf32, #tpu.memory_space<vmem>>, vector<64x64xf32>
    %dot_general3A = arith.constant dense<0.000000e+00> : vector<2048x64xf32>
    %dot_general3A_28 = tpu.matmul %max3A_18, %get3A_27, %dot_general3A {dimension_numbers = #tpu.dot_dimension_numbers<[1], [0], [0], [1], [0, 0, 1, 1], [], []>, transpose_lhs_hint = false} : vector<2048x64xf32>, vector<64x64xf32>, vector<2048x64xf32> -> vector<2048x64xf32>
    %get3A_29 = arith.constant 0 : index
    %get3A_30 = arith.constant 0 : index
    %get3A_31 = vector.load %arg5[%get3A_29, %get3A_30] : memref<64x64xf32, #tpu.memory_space<vmem>>, vector<64x64xf32>
    %dot_general3A_32 = arith.constant dense<0.000000e+00> : vector<2048x64xf32>
    %dot_general3A_33 = tpu.matmul %max3A_24, %get3A_31, %dot_general3A_32 {dimension_numbers = #tpu.dot_dimension_numbers<[1], [0], [0], [1], [0, 0, 1, 1], [], []>, transpose_lhs_hint = false} : vector<2048x64xf32>, vector<64x64xf32>, vector<2048x64xf32> -> vector<2048x64xf32>
    %add3A_34 = arith.addf %dot_general3A_28, %dot_general3A_33 : vector<2048x64xf32>
    %get3A_35 = arith.constant 0 : index
    %get3A_36 = arith.constant 0 : index
    %get3A_37 = vector.load %arg6[%get3A_35, %get3A_36] : memref<1x64xf32, #tpu.memory_space<vmem>>, vector<1x64xf32>
    %add3A_38 = vector.broadcast %get3A_37 : vector<1x64xf32> to vector<2048x64xf32>
    %add3A_39 = arith.addf %add3A_34, %add3A_38 : vector<2048x64xf32>
    %max3A_40 = arith.constant 0.000000e+00 : f32
    %max3A_41 = vector.broadcast %max3A_40 : f32 to vector<2048x64xf32>
    %max3A_42 = arith.maximumf %add3A_39, %max3A_41 : vector<2048x64xf32>
    %get3A_43 = arith.constant 0 : index
    %get3A_44 = arith.constant 0 : index
    %get3A_45 = vector.load %arg7[%get3A_43, %get3A_44] : memref<1x64xf32, #tpu.memory_space<vmem>>, vector<1x64xf32>
    %mul3A_46 = vector.broadcast %get3A_45 : vector<1x64xf32> to vector<2048x64xf32>
    %mul3A_47 = arith.mulf %max3A_42, %mul3A_46 : vector<2048x64xf32>
    %reduce_sum3A_48 = arith.constant dense<0.000000e+00> : vector<2048xf32>
    %reduce_sum3A_49 = vector.multi_reduction <add>, %mul3A_47, %reduce_sum3A_48 [1] : vector<2048x64xf32> to vector<2048xf32>
    %broadcast_in_dim3A_50 = vector.shape_cast %reduce_sum3A_49 : vector<2048xf32> to vector<2048x1xf32>
    %get3A_51 = arith.constant 0 : index
    %get3A_52 = arith.constant 0 : index
    %get3A_53 = vector.load %arg8[%get3A_51, %get3A_52] : memref<1x1xf32, #tpu.memory_space<vmem>>, vector<1x1xf32>
    %add3A_54 = vector.broadcast %get3A_53 : vector<1x1xf32> to vector<2048x1xf32>
    %add3A_55 = arith.addf %broadcast_in_dim3A_50, %add3A_54 : vector<2048x1xf32>
    %swap3A = arith.constant 0 : index
    %swap3A_56 = arith.constant 0 : index
    %swap3A_57 = vector.load %arg9[%swap3A, %swap3A_56] : memref<2048x1xf32, #tpu.memory_space<vmem>>, vector<2048x1xf32>
    tpu.vector_store %arg9[%swap3A, %swap3A_56], %add3A_55 {strides = array<i32>} : memref<2048x1xf32, #tpu.memory_space<vmem>>, vector<2048x1xf32>,
    return
  }
  func.func @transform_0(%arg0: i32) -> (i32, i32) {
    %c0_i32 = arith.constant 0 : i32
    %c0_i32_0 = arith.constant 0 : i32
    return %arg0, %c0_i32 : i32, i32
  }
  func.func @transform_1(%arg0: i32) -> (i32, i32) {
    %c0_i32 = arith.constant 0 : i32
    %c0_i32_0 = arith.constant 0 : i32
    return %arg0, %c0_i32 : i32, i32
  }
  func.func @transform_2(%arg0: i32) -> (i32, i32) {
    %c0_i32 = arith.constant 0 : i32
    %c0_i32_0 = arith.constant 0 : i32
    return %arg0, %c0_i32 : i32, i32
  }
  func.func @transform_3(%arg0: i32) -> (i32, i32) {
    %c0_i32 = arith.constant 0 : i32
    %c0_i32_0 = arith.constant 0 : i32
    %c0_i32_1 = arith.constant 0 : i32
    return %c0_i32, %c0_i32_0 : i32, i32
  }
  func.func @transform_4(%arg0: i32) -> (i32, i32) {
    %c0_i32 = arith.constant 0 : i32
    %c0_i32_0 = arith.constant 0 : i32
    %c0_i32_1 = arith.constant 0 : i32
    return %c0_i32, %c0_i32_0 : i32, i32
  }
  func.func @transform_5(%arg0: i32) -> (i32, i32) {
    %c0_i32 = arith.constant 0 : i32
    %c0_i32_0 = arith.constant 0 : i32
    %c0_i32_1 = arith.constant 0 : i32
    return %c0_i32, %c0_i32_0 : i32, i32
  }
  func.func @transform_6(%arg0: i32) -> (i32, i32) {
    %c0_i32 = arith.constant 0 : i32
    %c0_i32_0 = arith.constant 0 : i32
    %c0_i32_1 = arith.constant 0 : i32
    return %c0_i32, %c0_i32_0 : i32, i32
  }
  func.func @transform_7(%arg0: i32) -> (i32, i32) {
    %c0_i32 = arith.constant 0 : i32
    %c0_i32_0 = arith.constant 0 : i32
    %c0_i32_1 = arith.constant 0 : i32
    return %c0_i32, %c0_i32_0 : i32, i32
  }
  func.func @transform_8(%arg0: i32) -> (i32, i32) {
    %c0_i32 = arith.constant 0 : i32
    %c0_i32_0 = arith.constant 0 : i32
    return %arg0, %c0_i32 : i32, i32
  }
}

</mosaic_0001>

<sc_bundles>
// kernel: kernel.5.cloned.1.call-start
scs
__scs_entry_jumppad:
0x0: {  	(pc) =	sbr.rel $0x88, $3  }
0x1: {  	(tag) =	ssettag $0x0;
	lr =	simm.s32 $0x1  }
0x2: {  	[smem:$0x3F99] =	sst lr;
	_ =	strace $0xD0000000  }
0x3: {  	_ = 	snop  }
0x4: {  	_ = 	snop  }
0x5: {  	_ = 	snop  }
0x6: {  	_ = 	snop  }
0x7: {  	_ = 	snop  }
__scs_overlays_trampoline_lowered:
0x8: {  	[smem:$0x3FA8] =	sst s0  }
0x9: {  	[smem:$0x3FA9] =	sst s1  }
0xa: {  	[smem:$0x3FAA] =	sst s2  }
0xb: {  	[smem:$0x3FAB] =	sst s3  }
0xc: {  	[smem:$0x3FAC] =	sst s4  }
0xd: {  	[smem:$0x3FAD] =	sst s5  }
0xe: {  	[smem:$0x3FAE] =	sst s6  }
0xf: {  	[smem:$0x3FAF] =	sst s7  }
0x10: {  	[smem:$0x3FB0] =	sst s8  }
0x11: {  	[smem:$0x3FB1] =	sst s9;
	s0 =	simm.s32 @!p0 $0x0  }
0x12: {  	s1 =	sld [smem:$0x3F97];
	s0 =	simm.s32 @p0 $0x1  }
0x13: {  	[smem:$0x3FB2] =	sst s0;
	s0 =	simm.s32 @!p1 $0x0  }
0x14: {  	s2 =	sld [smem:$0x3F96];
	s0 =	simm.s32 @p1 $0x1  }
0x15: {  	[smem:$0x3FB3] =	sst s0;
	s0 =	simm.s32 @!p2 $0x0  }
0x16: {  	s3 =	sld [smem:$0x3FDB];
	s0 =	simm.s32 @p2 $0x1  }
0x17: {  	s4 =	simm.s32 $0x1BF5;
	[smem:$0x3FB5] =	sst s0  }
0x18: {  	s0 =	sld [smem:$0x3F98];
	_ =	swait.ge [sflag:s4], $0x0  }
0x19: {  	s7 =	sld [smem:$0x3F99]  }
0x1a: {  	s8 =	sadd.s32 $0xFFFFE003, lr  }
0x1b: {  	s9 =	sadd.s32 $0xFFFFFEF7, lr;
	s5 =	simm.s32 $0xFFFFFFFF;
	p2 =	slt.u32 s8, $0xFFFFF086  }
0x1c: {  	p1 =	slt.u32 s9, $0xF7A;
	s5 =	simm.s32 @!p2 $0x0  }
0x1d: {  	s5 =	simm.s32 @p1 $0x1;
	p0 =	seq.s32 s7, s2  }
0x1e: {  	s7 =	smul.u32 @!p0 $0xF7A, s2;
	p2 =	seq.s32 @!p0 s5, $0x0  }
0x1f: {  	s9 =	smul.u32 $0xF7A, s1;
	s8 =	simm.s32 @!p0 $0x1BF5;
	p2 =	por !p2, p0  }
0x20: {  	[sflag:s8] =	ssyncset.s32 @!p0 $0xFFFFF086;
	s6 =	sadd.s32 @!p0 s3, s7;
	s7 =	simm.s32 @!p0 $0x108  }
0x21: {  	s3 =	sadd.s32 s3, s9;
	s6 =	sadd.s32 @!p0 $0x88, s6;
	s7 =	simm.s32 @p2 $0x1082  }
0x22: {  	[simem:s7], [sflag:s8] =	dma.local @!p0 [hbm:s6], $0xF7A  }
0x23: {  	s9 =	sor.u32 $0xD0000000, s2;
	s6 =	simm.s32 $0x108;
	_ =	swait.ge @!p0 [sflag:s8], $0x0  }
0x24: {  	s3 =	sadd.s32 $0x88, s3;
	s6 =	simm.s32 @!p1 $0x1082;
	[sflag:s4] =	ssyncset.s32 $0xFFFFF086  }
0x25: {  	[simem:s6], [sflag:s4] =	dma.local [hbm:s3], $0xF7A  }
0x26: {  	[smem:$0x3F99] =	sst s1;
	(tag) =	ssettag s2;
	_ =	strace s9  }
0x27: {  	s1 =	sld [smem:$0x3FA9]  }
0x28: {  	s2 =	sld [smem:$0x3FAA]  }
0x29: {  	s4 =	sld [smem:$0x3FAC]  }
0x2a: {  	p0 =	seq.s32 s5, $0x0;
	s5 =	sld [smem:$0x3FAD]  }
0x2b: {  	s6 =	sld [smem:$0x3FAE]  }
0x2c: {  	s7 =	sld [smem:$0x3FAF]  }
0x2d: {  	s3 =	simm.s32 $0x108;
	s8 =	sld [smem:$0x3FB0]  }
0x2e: {  	s3 =	simm.s32 @!p0 $0x1082;
	s9 =	sld [smem:$0x3FB1]  }
0x2f: {  	lr =	sadd.s32 s0, s3;
	s0 =	sld [smem:$0x3FA8]  }
0x30: {  	s3 =	sld [smem:$0x3FAB]  }
0x31: {  	[smem:$0x3FB4] =	sst s10  }
0x32: {  	s10 =	sld [smem:$0x3FB2];
	_ =	sdelay $0x3  }
0x33: {  	p0 =	seq.s32 s10, $0x1;
	s10 =	sld [smem:$0x3FB4];
	_ =	sdelay $0x3  }
0x34: {  	[smem:$0x3FB4] =	sst s10  }
0x35: {  	s10 =	sld [smem:$0x3FB3];
	_ =	sdelay $0x3  }
0x36: {  	p1 =	seq.s32 s10, $0x1;
	s10 =	sld [smem:$0x3FB4];
	_ =	sdelay $0x3  }
0x37: {  	[smem:$0x3FB4] =	sst s10  }
0x38: {  	s10 =	sld [smem:$0x3FB5]  }
0x39: {  	_ = 	snop;
	(pc) =	sbr.ind lr, $3  }
0x3a: {  	_ = 	snop  }
0x3b: {  	_ = 	snop  }
0x3c: {  	p2 =	seq.s32 s10, $0x1;
	s10 =	sld [smem:$0x3FB4]  }
0x3d: {  	_ =	shalt  }
0x3e: {  	_ =	shalt  }
0x3f: {  	_ =	shalt  }
0x40: {  	_ =	shalt  }
0x41: {  	_ =	shalt  }
0x42: {  	_ =	shalt  }
0x43: {  	_ =	shalt  }
0x44: {  	_ =	shalt  }
0x45: {  	_ =	shalt  }
0x46: {  	_ =	shalt  }
0x47: {  	_ =	shalt  }
0x48: {  	_ =	shalt  }
0x49: {  	_ =	shalt  }
0x4a: {  	_ =	shalt  }
0x4b: {  	_ =	shalt  }
0x4c: {  	_ =	shalt  }
0x4d: {  	_ =	shalt  }
0x4e: {  	_ =	shalt  }
0x4f: {  	_ =	shalt  }
0x50: {  	_ =	shalt  }
0x51: {  	_ =	shalt  }
0x52: {  	_ =	shalt  }
0x53: {  	_ =	shalt  }
0x54: {  	_ =	shalt  }
0x55: {  	_ =	shalt  }
0x56: {  	_ =	shalt  }
0x57: {  	_ =	shalt  }
0x58: {  	_ =	shalt  }
0x59: {  	_ =	shalt  }
0x5a: {  	_ =	shalt  }
0x5b: {  	_ =	shalt  }
0x5c: {  	_ =	shalt  }
0x5d: {  	_ =	shalt  }
0x5e: {  	_ =	shalt  }
0x5f: {  	_ =	shalt  }
0x60: {  	_ =	shalt  }
0x61: {  	_ =	shalt  }
0x62: {  	_ =	shalt  }
0x63: {  	_ =	shalt  }
0x64: {  	_ =	shalt  }
0x65: {  	_ =	shalt  }
0x66: {  	_ =	shalt  }
0x67: {  	_ =	shalt  }
0x68: {  	_ =	shalt  }
0x69: {  	_ =	shalt  }
0x6a: {  	_ =	shalt  }
0x6b: {  	_ =	shalt  }
0x6c: {  	_ =	shalt  }
0x6d: {  	_ =	shalt  }
0x6e: {  	_ =	shalt  }
0x6f: {  	_ =	shalt  }
0x70: {  	_ =	shalt  }
0x71: {  	_ =	shalt  }
0x72: {  	_ =	shalt  }
0x73: {  	_ =	shalt  }
0x74: {  	_ =	shalt  }
0x75: {  	_ =	shalt  }
0x76: {  	_ =	shalt  }
0x77: {  	_ =	shalt  }
0x78: {  	_ =	shalt  }
0x79: {  	_ =	shalt  }
0x7a: {  	_ =	shalt  }
0x7b: {  	_ =	shalt  }
0x7c: {  	_ =	shalt  }
0x7d: {  	_ =	shalt  }
0x7e: {  	_ =	shalt  }
0x7f: {  	_ =	shalt  }
0x80: {  	_ =	shalt  }
0x81: {  	_ =	shalt  }
0x82: {  	_ =	shalt  }
0x83: {  	_ =	shalt  }
0x84: {  	_ =	shalt  }
0x85: {  	_ =	shalt  }
0x86: {  	_ =	shalt  }
0x87: {  	_ =	shalt  }
.Lfunc_end0:
.L_simem_size_0:
called_computation_lowered:
.L_overlay_start_0:
0x88: {  	s2 =	sld [smem:$0x3FD9]  }
0x89: {  	s3 =	sld [smem:$0x3FFE];
	_ =	sdelay $0x1  }
0x8a: {  	s1 =	srdreg.scid  }
0x8b: {  	s0 =	sand.u32 $0x1, s1  }
0x8c: {  	s17 =	sshll.u32 s0, $0xA;
	s2 =	sadd.s32 s3, s2  }
0x8d: {  	s2 =	sadd.s32 s2, s17  }
0x8e: {  	[smem:$0x3FC0] =	sst s2  }
0x8f: {  	_ = 	snop  }
0x90: {  	s2 =	sld [smem:$0x3FC8];
	(tm) =	ssettm $0x1  }
0x91: {  	s18 =	sld [smem:$0x3FFB];
	_ =	sdelay $0x3  }
0x92: {  	_ =	strace s18  }
0x93: {  	s3 =	sld [smem:$0x3FFC];
	_ =	sdelay $0x3  }
0x94: {  	_ =	strace s3  }
0x95: {  	s3 =	sld [smem:$0x3FFD];
	_ =	sdelay $0x3  }
0x96: {  	_ =	strace s3  }
0x97: {  	_ =	strace $0x8FFFFFFF  }
0x98: {  	s19 =	sld [smem:$0x3FDB];
	_ =	sdelay $0x1  }
0x99: {  	s4 =	simm.s32 $_scs_section_size  }
0x9a: {  	s5 =	simm.s32 $_size__tile_overlayer_lowered;
	s6 =	simm.s32 $_tile_overlayer_lowered  }
0x9b: {  	s22 =	simm.s32 $0x1BFF;
	s21 =	sshll.u32 s6, $0x1;
	s3 =	sadd.s32 s4, s19  }
0x9c: {  	s7 =	simm.s32 $0x0;
	s20 =	sshll.u32 s5, $0x1;
	s5 =	sadd.s32 s21, s3  }
0x9d: {  	[timem:s7], [sflag:s22] =	dma.local [hbm:s5], s20  }
0x9e: {  	_ =	swait.ge [sflag:s22], s20  }
0x9f: {  	s4 =	ssub.s32 $0x0, s20;
	[sflag:s22] =	ssyncset.done $0x0  }
0xa0: {  	[sflag:s22] =	ssyncadd.s32 s4;
	_ =	sdelay $0x1  }
0xa1: {  	s23 =	simm.s32 $0x1B8B  }
0xa2: {  	_ =	swait.ge [sflag:s23], $0x1  }
0xa3: {  	[sflag:s23] =	ssyncset.done $0x0  }
0xa4: {  	s25 =	simm.s32 $0x1B8E;
	s24 =	sld [smem:$0x3FFE];
	[sflag:s23] =	ssyncadd.s32 $0xFFFFFFFF  }
0xa5: {  	s26 =	simm.s32 $execute0_lowered;
	[smem:$0x3FD2] =	sst s25  }
0xa6: {  	s5 =	sshll.u32 s26, $0x1;
	_ =	strace $0x80000046;
	[dreg:$0x1] =	wrdreg $0xFFFFFFFF  }
0xa7: {  	s28 =	simm.s32 $_size_execute0_lowered;
	s3 =	sadd.s32 s3, s5;
	[dreg:$0x0] =	wrdreg $0x0  }
0xa8: {  	s5 =	sshll.u32 s28, $0x1;
	[dreg:$0x2] =	wrdreg s3  }
0xa9: {  	[dreg:$0x3] =	wrdreg s5  }
0xaa: {  	[dreg:$0x4] =	wrdreg $0xC0  }
0xab: {  	_ =	task [dreg:s7], $0x5FFFF  }
0xac: {  	[dreg:$0x1] =	wrdreg $0xFFFFFFFF  }
0xad: {  	[dreg:$0x0] =	wrdreg $0x60  }
0xae: {  	[dreg:$0x2] =	wrdreg s24  }
0xaf: {  	[dreg:$0x3] =	wrdreg s2  }
0xb0: {  	[dreg:$0x4] =	wrdreg $0x9  }
0xb1: {  	_ =	task.clear_ibuf [dreg:s7], $0x5FFFF;
	_ =	strace $0x90000046  }
0xb2: {  	s29 =	simm.s32 $0x9;
	_ =	strace $0x80000048  }
0xb3: {  	_ =	swait.ge [sflag:s29], $0x1  }
0xb4: {  	[sflag:s29] =	ssyncadd.s32 $0xFFFFFFFF  }
0xb5: {  	_ =	strace $0x90000048  }
0xb6: {  	_ =	sfence  }
0xb7: {  	s30 =	sld [smem:$0x0];
	_ =	sdelay $0x2  }
0xb8: {  	s31 =	sshll.u32 s1, $0xD;
	s1 =	sshrl.u32 s1, $0x2  }
0xb9: {  	s3 =	sand.u32 $0x4000, s31;
	s1 =	sadd.s32 s1, s30  }
0xba: {  	s0 =	sor.u32 s3, s0;
	s1 =	sshll.u32 s1, $0x11  }
0xbb: {  	s0 =	sor.u32 s1, s0  }
0xbc: {  	s0 =	sadd.s32 $0x8F2B, s0  }
0xbd: {  	[sflag:s0] =	ssyncadd.remote.s32 $0x1  }
0xbe: {  	_ =	sfence.sel $0xFFFF  }
0xbf: {  	[dreg:$0x0] =	wrdreg $0xFFFFFFFF;
	(pc) =	sbr.abs _section_cstart, $3  }
0xc0: {  	[dreg:$0x1] =	wrdreg $0xFFFFFFFF  }
0xc1: {  	_ =	task.clear_ibuf [dreg:s7], $0x2FFFF;
	_ =	strace $0x9FFFFFFF  }
0xc2: {  	(tm) =	ssettm $0x7FFFFFFF  }
0xc3: {  	_ =	shalt  }
tec
execute0_lowered:
.L_overlay_start_1:
0x0: {  	(tag) =	ssettag $0x1  }
0x1: {  	s1 =	srdreg.scid;
	s5 =	rddreg [dreg:$0x0]  }
0x2: {  	s0 =	stileid.u32;
	s7 =	rddreg [dreg:$0x1]  }
0x3: {  	s2 =	simm.s32 $0x0;
	s12 =	simm.s32 $0x80;
	s13 =	simm.s32 $0x10B00  }
0x4: {  	s14 =	simm.s32 $0x10980;
	s15 =	simm.s32 $0x12B00;
	s16 =	simm.s32 $0x10A00  }
0x5: {  	s17 =	simm.s32 $0x14B00;
	s18 =	simm.s32 $0x10A80;
	s19 =	simm.s32 $0x16B00  }
0x6: {  	s20 =	simm.s32 $0x32;
	s21 =	simm.s32 $0x7000;
	s22 =	simm.s32 $0x7C80  }
0x7: {  	s23 =	simm.s32 $0x1;
	s24 =	simm.s32 $0x2;
	s25 =	simm.s32 $0x8900  }
0x8: {  	s26 =	simm.s32 $0x3;
	s28 =	simm.s32 $0x0;
	s6 =	sand.u32 $0x1, s1  }
0x9: {  	s30 =	sshll.u32 s0, $0x1;
	[smem:$0x7FF] =	sst s2;
	s4 =	sadd.s32 $0x805E00, s5  }
0xa: {  	s8 =	sor.u32 s6, s30;
	_ =	strace $0x80000047;
	s6 =	ssub.s32 $0x2, s6  }
0xb: {  	s3 =	smul.u32 $0xE00, s8;
	s10 =	sshll.u32 s8, $0xC;
	s31 =	sshrl.u32 s6, $0x1  }
0xc: {  	s8 =	sshll.u32 s8, $0x6;
	s10 =	sadd.s32 s10, s5;
	s11 =	ssub.s32 s6, s31  }
0xd: {  	s6 =	sadd.s32 s7, s8;
	s9 =	sadd.s32 s3, s5;
	s3 =	sadd.s32 $0x5DE00, s5  }
0xe: {  	s7 =	sadd.s32 $0x827E00, s10;
	s8 =	sadd.s32 $0x807E00, s10;
	s10 =	simm.s32 $0x4  }
0xf: {  	s5 =	sadd.s32 $0x41E00, s9;
	s9 =	smax.u32 s11, $0x1;
	s11 =	simm.s32 $0x10900  }
.LBB2_1:
0x10: {  	[tilespmem:s2], [sflag:$0x4] =	stream.linear.gather [hbm4b:s5+s2], $0x7000, $0x38;
	[tilespmem:$0x18B00] =	vst v63  }
0x11: {  	_ =	swait.ge [sflag:s10], $0x7000  }
0x12: {  	[sflag:s10] =	ssyncset.done $0x0  }
0x13: {  	[sflag:s10] =	ssyncadd.s32 $0xFFFF9000  }
0x14: {  	[tilespmem:s11], [sflag:$0x4] =	stream.linear.gather [hbm4b:s6+s2], $0x200, $0x38;
	[tilespmem:$0x18B00] =	vst v63  }
0x15: {  	_ =	swait.ge [sflag:s10], $0x200  }
0x16: {  	[sflag:s10] =	ssyncset.done $0x0  }
0x17: {  	[sflag:s10] =	ssyncadd.s32 $0xFFFFFE00  }
0x18: {  	[tilespmem:s13], [sflag:$0x3] =	stream.indirect.gather [hbm4b:s4+s12], $0x40, s11, s12, $0xb8;
	[tilespmem:$0x18B00] =	vst v63  }
0x19: {  	_ = 	snop  }
0x1a: {  	[tilespmem:s15], [sflag:$0x3] =	stream.indirect.gather [hbm4b:s4+s12], $0x40, s14, s12, $0xb8;
	[tilespmem:$0x18B00] =	vst v63  }
0x1b: {  	_ = 	snop  }
0x1c: {  	[tilespmem:s17], [sflag:$0x3] =	stream.indirect.gather [hbm4b:s4+s12], $0x40, s16, s12, $0xb8;
	[tilespmem:$0x18B00] =	vst v63  }
0x1d: {  	_ = 	snop  }
0x1e: {  	[tilespmem:s19], [sflag:$0x3] =	stream.indirect.gather [hbm4b:s4+s12], $0x40, s18, s12, $0xb8;
	[tilespmem:$0x18B00] =	vst v63  }
0x1f: {  	s29 =	simm.s32 $0xFFFE4000;
	s30 =	simm.s32 $0x8940  }
0x20: {  	[tilespmem:s21], [sflag:$0x1] =	stream.indirect.gather [hbm4b:s3+s20], $0x40, s2, s20, $0xb8;
	[tilespmem:$0x18B00] =	vst v63  }
.LBB2_2:
0x21: {  	s31 =	sshra.s32 s29, $0x2  }
0x22: {  	s31 =	sadd.s32 $0x7038, s31  }
0x23: {  	[tilespmem:s22], [sflag:$0x2] =	stream.indirect.gather [hbm4b:s3+s20], $0x40, s31, s20, $0xb8;
	[tilespmem:$0x18B00] =	vst v63  }
0x24: {  	_ =	swait.ge [sflag:s23], $0xC80  }
0x25: {  	[sflag:s23] =	ssyncset.done $0x0  }
0x26: {  	[sflag:s23] =	ssyncadd.s32 $0xFFFFF380  }
0x27: {  	v0 =	vld [tilespmem:$0x7000]  }
0x28: {  	v1 =	vld [tilespmem:$0x7040];
	_ =	sdelay $0x1  }
0x29: {  	v2 =	vld [tilespmem:$0x7080];
	_ =	sdelay $0x1  }
0x2a: {  	v3 =	vld [tilespmem:$0x70C0]  }
0x2b: {  	v0 =	vadd.f32 v1, v0  }
0x2c: {  	v22 =	vld [tilespmem:$0x7100]  }
0x2d: {  	v0 =	vadd.f32 v2, v0  }
0x2e: {  	v23 =	vld [tilespmem:$0x7140]  }
0x2f: {  	v0 =	vadd.f32 v3, v0  }
0x30: {  	v24 =	vld [tilespmem:$0x7180]  }
0x31: {  	v0 =	vadd.f32 v22, v0  }
0x32: {  	v25 =	vld [tilespmem:$0x71C0]  }
0x33: {  	v0 =	vadd.f32 v23, v0  }
0x34: {  	v26 =	vld [tilespmem:$0x7200]  }
0x35: {  	v0 =	vadd.f32 v24, v0  }
0x36: {  	v27 =	vld [tilespmem:$0x7240]  }
0x37: {  	v0 =	vadd.f32 v25, v0  }
0x38: {  	v28 =	vld [tilespmem:$0x7280]  }
0x39: {  	v0 =	vadd.f32 v26, v0  }
0x3a: {  	v29 =	vld [tilespmem:$0x72C0]  }
0x3b: {  	v0 =	vadd.f32 v27, v0  }
0x3c: {  	v30 =	vld [tilespmem:$0x7300]  }
0x3d: {  	v0 =	vadd.f32 v28, v0  }
0x3e: {  	v31 =	vld [tilespmem:$0x7340]  }
0x3f: {  	v0 =	vadd.f32 v29, v0  }
0x40: {  	v32 =	vld [tilespmem:$0x7380]  }
0x41: {  	v0 =	vadd.f32 v30, v0  }
0x42: {  	v33 =	vld [tilespmem:$0x73C0]  }
0x43: {  	v0 =	vadd.f32 v31, v0  }
0x44: {  	v34 =	vld [tilespmem:$0x7400]  }
0x45: {  	v0 =	vadd.f32 v32, v0  }
0x46: {  	v35 =	vld [tilespmem:$0x7440]  }
0x47: {  	v0 =	vadd.f32 v33, v0  }
0x48: {  	v36 =	vld [tilespmem:$0x7480]  }
0x49: {  	v0 =	vadd.f32 v34, v0  }
0x4a: {  	v37 =	vld [tilespmem:$0x74C0]  }
0x4b: {  	v0 =	vadd.f32 v35, v0  }
0x4c: {  	v38 =	vld [tilespmem:$0x7500]  }
0x4d: {  	v0 =	vadd.f32 v36, v0  }
0x4e: {  	v39 =	vld [tilespmem:$0x7540]  }
0x4f: {  	v0 =	vadd.f32 v37, v0  }
0x50: {  	v40 =	vld [tilespmem:$0x7580]  }
0x51: {  	v0 =	vadd.f32 v38, v0  }
0x52: {  	v41 =	vld [tilespmem:$0x75C0]  }
0x53: {  	v0 =	vadd.f32 v39, v0  }
0x54: {  	v42 =	vld [tilespmem:$0x7600]  }
0x55: {  	v0 =	vadd.f32 v40, v0  }
0x56: {  	v43 =	vld [tilespmem:$0x7640]  }
0x57: {  	v0 =	vadd.f32 v41, v0  }
0x58: {  	v44 =	vld [tilespmem:$0x7680]  }
0x59: {  	v0 =	vadd.f32 v42, v0  }
0x5a: {  	v45 =	vld [tilespmem:$0x76C0]  }
0x5b: {  	v0 =	vadd.f32 v43, v0  }
0x5c: {  	v46 =	vld [tilespmem:$0x7700]  }
0x5d: {  	v0 =	vadd.f32 v44, v0  }
0x5e: {  	v47 =	vld [tilespmem:$0x7740]  }
0x5f: {  	v0 =	vadd.f32 v45, v0  }
0x60: {  	v48 =	vld [tilespmem:$0x7780]  }
0x61: {  	v0 =	vadd.f32 v46, v0  }
0x62: {  	v49 =	vld [tilespmem:$0x77C0]  }
0x63: {  	v0 =	vadd.f32 v47, v0  }
0x64: {  	v50 =	vld [tilespmem:$0x7800]  }
0x65: {  	v0 =	vadd.f32 v48, v0  }
0x66: {  	v51 =	vld [tilespmem:$0x7840]  }
0x67: {  	v0 =	vadd.f32 v49, v0  }
0x68: {  	v52 =	vld [tilespmem:$0x7880]  }
0x69: {  	v0 =	vadd.f32 v50, v0  }
0x6a: {  	v53 =	vld [tilespmem:$0x78C0]  }
0x6b: {  	v0 =	vadd.f32 v51, v0  }
0x6c: {  	v54 =	vld [tilespmem:$0x7900]  }
0x6d: {  	v0 =	vadd.f32 v52, v0  }
0x6e: {  	v55 =	vld [tilespmem:$0x7940]  }
0x6f: {  	v0 =	vadd.f32 v53, v0  }
0x70: {  	v56 =	vld [tilespmem:$0x7980]  }
0x71: {  	v0 =	vadd.f32 v54, v0  }
0x72: {  	v57 =	vld [tilespmem:$0x79C0]  }
0x73: {  	v0 =	vadd.f32 v55, v0  }
0x74: {  	v58 =	vld [tilespmem:$0x7A00]  }
0x75: {  	v0 =	vadd.f32 v56, v0  }
0x76: {  	v59 =	vld [tilespmem:$0x7A40]  }
0x77: {  	v0 =	vadd.f32 v57, v0  }
0x78: {  	v60 =	vld [tilespmem:$0x7A80]  }
0x79: {  	v0 =	vadd.f32 v58, v0  }
0x7a: {  	v61 =	vld [tilespmem:$0x7AC0]  }
0x7b: {  	v0 =	vadd.f32 v59, v0  }
0x7c: {  	v62 =	vld [tilespmem:$0x7B00]  }
0x7d: {  	v0 =	vadd.f32 v60, v0  }
0x7e: {  	v63 =	vld [tilespmem:$0x7B40]  }
0x7f: {  	v0 =	vadd.f32 v61, v0  }
0x80: {  	v6 =	vld [tilespmem:$0x7B80]  }
0x81: {  	v0 =	vadd.f32 v62, v0  }
0x82: {  	v7 =	vld [tilespmem:$0x7BC0]  }
0x83: {  	v0 =	vadd.f32 v63, v0  }
0x84: {  	v8 =	vld [tilespmem:$0x7C00]  }
0x85: {  	v0 =	vadd.f32 v6, v0  }
0x86: {  	v9 =	vld [tilespmem:$0x7C40]  }
0x87: {  	v0 =	vadd.f32 v7, v0;
	_ =	sdelay $0x1  }
0x88: {  	v0 =	vadd.f32 v8, v0;
	_ =	sdelay $0x1  }
0x89: {  	v0 =	vadd.f32 v9, v0;
	_ =	sdelay $0x1  }
0x8a: {  	[tilespmem:s30+$0xFFFFFFC0] =	vst v0  }
0x8b: {  	v0 =	vld [tilespmem:$0x7010]  }
0x8c: {  	v10 =	vld [tilespmem:$0x7050];
	_ =	sdelay $0x1  }
0x8d: {  	v11 =	vld [tilespmem:$0x7090];
	_ =	sdelay $0x1  }
0x8e: {  	v12 =	vld [tilespmem:$0x70D0]  }
0x8f: {  	v0 =	vadd.f32 v10, v0  }
0x90: {  	v13 =	vld [tilespmem:$0x7110]  }
0x91: {  	v0 =	vadd.f32 v11, v0  }
0x92: {  	v14 =	vld [tilespmem:$0x7150]  }
0x93: {  	v0 =	vadd.f32 v12, v0  }
0x94: {  	v15 =	vld [tilespmem:$0x7190]  }
0x95: {  	v0 =	vadd.f32 v13, v0  }
0x96: {  	v16 =	vld [tilespmem:$0x71D0]  }
0x97: {  	v0 =	vadd.f32 v14, v0  }
0x98: {  	v17 =	vld [tilespmem:$0x7210]  }
0x99: {  	v0 =	vadd.f32 v15, v0  }
0x9a: {  	v18 =	vld [tilespmem:$0x7250]  }
0x9b: {  	v0 =	vadd.f32 v16, v0  }
0x9c: {  	v19 =	vld [tilespmem:$0x7290]  }
0x9d: {  	v0 =	vadd.f32 v17, v0  }
0x9e: {  	v20 =	vld [tilespmem:$0x72D0]  }
0x9f: {  	v0 =	vadd.f32 v18, v0  }
0xa0: {  	v21 =	vld [tilespmem:$0x7310]  }
0xa1: {  	v0 =	vadd.f32 v19, v0  }
0xa2: {  	v22 =	vld [tilespmem:$0x7350]  }
0xa3: {  	v0 =	vadd.f32 v20, v0  }
0xa4: {  	v23 =	vld [tilespmem:$0x7390]  }
0xa5: {  	v0 =	vadd.f32 v21, v0  }
0xa6: {  	v24 =	vld [tilespmem:$0x73D0]  }
0xa7: {  	v0 =	vadd.f32 v22, v0  }
0xa8: {  	v25 =	vld [tilespmem:$0x7410]  }
0xa9: {  	v0 =	vadd.f32 v23, v0  }
0xaa: {  	v26 =	vld [tilespmem:$0x7450]  }
0xab: {  	v0 =	vadd.f32 v24, v0  }
0xac: {  	v27 =	vld [tilespmem:$0x7490]  }
0xad: {  	v0 =	vadd.f32 v25, v0  }
0xae: {  	v28 =	vld [tilespmem:$0x74D0]  }
0xaf: {  	v0 =	vadd.f32 v26, v0  }
0xb0: {  	v29 =	vld [tilespmem:$0x7510]  }
0xb1: {  	v0 =	vadd.f32 v27, v0  }
0xb2: {  	v30 =	vld [tilespmem:$0x7550]  }
0xb3: {  	v0 =	vadd.f32 v28, v0  }
0xb4: {  	v31 =	vld [tilespmem:$0x7590]  }
0xb5: {  	v0 =	vadd.f32 v29, v0  }
0xb6: {  	v32 =	vld [tilespmem:$0x75D0]  }
0xb7: {  	v0 =	vadd.f32 v30, v0  }
0xb8: {  	v33 =	vld [tilespmem:$0x7610]  }
0xb9: {  	v0 =	vadd.f32 v31, v0  }
0xba: {  	v34 =	vld [tilespmem:$0x7650]  }
0xbb: {  	v0 =	vadd.f32 v32, v0  }
0xbc: {  	v35 =	vld [tilespmem:$0x7690]  }
0xbd: {  	v0 =	vadd.f32 v33, v0  }
0xbe: {  	v36 =	vld [tilespmem:$0x76D0]  }
0xbf: {  	v0 =	vadd.f32 v34, v0  }
0xc0: {  	v37 =	vld [tilespmem:$0x7710]  }
0xc1: {  	v0 =	vadd.f32 v35, v0  }
0xc2: {  	v38 =	vld [tilespmem:$0x7750]  }
0xc3: {  	v0 =	vadd.f32 v36, v0  }
0xc4: {  	v39 =	vld [tilespmem:$0x7790]  }
0xc5: {  	v0 =	vadd.f32 v37, v0  }
0xc6: {  	v40 =	vld [tilespmem:$0x77D0]  }
0xc7: {  	v0 =	vadd.f32 v38, v0  }
0xc8: {  	v41 =	vld [tilespmem:$0x7810]  }
0xc9: {  	v0 =	vadd.f32 v39, v0  }
0xca: {  	v42 =	vld [tilespmem:$0x7850]  }
0xcb: {  	v0 =	vadd.f32 v40, v0  }
0xcc: {  	v43 =	vld [tilespmem:$0x7890]  }
0xcd: {  	v0 =	vadd.f32 v41, v0  }
0xce: {  	v44 =	vld [tilespmem:$0x78D0]  }
0xcf: {  	v0 =	vadd.f32 v42, v0  }
0xd0: {  	v45 =	vld [tilespmem:$0x7910]  }
0xd1: {  	v0 =	vadd.f32 v43, v0  }
0xd2: {  	v46 =	vld [tilespmem:$0x7950]  }
0xd3: {  	v0 =	vadd.f32 v44, v0  }
0xd4: {  	v47 =	vld [tilespmem:$0x7990]  }
0xd5: {  	v0 =	vadd.f32 v45, v0  }
0xd6: {  	v48 =	vld [tilespmem:$0x79D0]  }
0xd7: {  	v0 =	vadd.f32 v46, v0  }
0xd8: {  	v49 =	vld [tilespmem:$0x7A10]  }
0xd9: {  	v0 =	vadd.f32 v47, v0  }
0xda: {  	v50 =	vld [tilespmem:$0x7A50]  }
0xdb: {  	v0 =	vadd.f32 v48, v0  }
0xdc: {  	v51 =	vld [tilespmem:$0x7A90]  }
0xdd: {  	v0 =	vadd.f32 v49, v0  }
0xde: {  	v52 =	vld [tilespmem:$0x7AD0]  }
0xdf: {  	v0 =	vadd.f32 v50, v0  }
0xe0: {  	v53 =	vld [tilespmem:$0x7B10]  }
0xe1: {  	v0 =	vadd.f32 v51, v0  }
0xe2: {  	v54 =	vld [tilespmem:$0x7B50]  }
0xe3: {  	v0 =	vadd.f32 v52, v0  }
0xe4: {  	v55 =	vld [tilespmem:$0x7B90]  }
0xe5: {  	v0 =	vadd.f32 v53, v0  }
0xe6: {  	v56 =	vld [tilespmem:$0x7BD0]  }
0xe7: {  	v0 =	vadd.f32 v54, v0  }
0xe8: {  	v57 =	vld [tilespmem:$0x7C10]  }
0xe9: {  	v0 =	vadd.f32 v55, v0  }
0xea: {  	v58 =	vld [tilespmem:$0x7C50]  }
0xeb: {  	v0 =	vadd.f32 v56, v0;
	_ =	sdelay $0x1  }
0xec: {  	v0 =	vadd.f32 v57, v0;
	_ =	sdelay $0x1  }
0xed: {  	v0 =	vadd.f32 v58, v0;
	_ =	sdelay $0x1  }
0xee: {  	[tilespmem:s30+$0xFFFFFFD0] =	vst v0  }
0xef: {  	v0 =	vld [tilespmem:$0x7020]  }
0xf0: {  	v59 =	vld [tilespmem:$0x7060];
	_ =	sdelay $0x1  }
0xf1: {  	v60 =	vld [tilespmem:$0x70A0];
	_ =	sdelay $0x1  }
0xf2: {  	v61 =	vld [tilespmem:$0x70E0]  }
0xf3: {  	v0 =	vadd.f32 v59, v0  }
0xf4: {  	v62 =	vld [tilespmem:$0x7120]  }
0xf5: {  	v0 =	vadd.f32 v60, v0  }
0xf6: {  	v63 =	vld [tilespmem:$0x7160]  }
0xf7: {  	v0 =	vadd.f32 v61, v0  }
0xf8: {  	v6 =	vld [tilespmem:$0x71A0]  }
0xf9: {  	v0 =	vadd.f32 v62, v0  }
0xfa: {  	v7 =	vld [tilespmem:$0x71E0]  }
0xfb: {  	v0 =	vadd.f32 v63, v0  }
0xfc: {  	v8 =	vld [tilespmem:$0x7220]  }
0xfd: {  	v0 =	vadd.f32 v6, v0  }
0xfe: {  	v9 =	vld [tilespmem:$0x7260]  }
0xff: {  	v0 =	vadd.f32 v7, v0  }
0x100: {  	v10 =	vld [tilespmem:$0x72A0]  }
0x101: {  	v0 =	vadd.f32 v8, v0  }
0x102: {  	v11 =	vld [tilespmem:$0x72E0]  }
0x103: {  	v0 =	vadd.f32 v9, v0  }
0x104: {  	v12 =	vld [tilespmem:$0x7320]  }
0x105: {  	v0 =	vadd.f32 v10, v0  }
0x106: {  	v13 =	vld [tilespmem:$0x7360]  }
0x107: {  	v0 =	vadd.f32 v11, v0  }
0x108: {  	v14 =	vld [tilespmem:$0x73A0]  }
0x109: {  	v0 =	vadd.f32 v12, v0  }
0x10a: {  	v15 =	vld [tilespmem:$0x73E0]  }
0x10b: {  	v0 =	vadd.f32 v13, v0  }
0x10c: {  	v16 =	vld [tilespmem:$0x7420]  }
0x10d: {  	v0 =	vadd.f32 v14, v0  }
0x10e: {  	v17 =	vld [tilespmem:$0x7460]  }
0x10f: {  	v0 =	vadd.f32 v15, v0  }
0x110: {  	v18 =	vld [tilespmem:$0x74A0]  }
0x111: {  	v0 =	vadd.f32 v16, v0  }
0x112: {  	v19 =	vld [tilespmem:$0x74E0]  }
0x113: {  	v0 =	vadd.f32 v17, v0  }
0x114: {  	v20 =	vld [tilespmem:$0x7520]  }
0x115: {  	v0 =	vadd.f32 v18, v0  }
0x116: {  	v21 =	vld [tilespmem:$0x7560]  }
0x117: {  	v0 =	vadd.f32 v19, v0  }
0x118: {  	v22 =	vld [tilespmem:$0x75A0]  }
0x119: {  	v0 =	vadd.f32 v20, v0  }
0x11a: {  	v23 =	vld [tilespmem:$0x75E0]  }
0x11b: {  	v0 =	vadd.f32 v21, v0  }
0x11c: {  	v24 =	vld [tilespmem:$0x7620]  }
0x11d: {  	v0 =	vadd.f32 v22, v0  }
0x11e: {  	v25 =	vld [tilespmem:$0x7660]  }
0x11f: {  	v0 =	vadd.f32 v23, v0  }
0x120: {  	v26 =	vld [tilespmem:$0x76A0]  }
0x121: {  	v0 =	vadd.f32 v24, v0  }
0x122: {  	v27 =	vld [tilespmem:$0x76E0]  }
0x123: {  	v0 =	vadd.f32 v25, v0  }
0x124: {  	v28 =	vld [tilespmem:$0x7720]  }
0x125: {  	v0 =	vadd.f32 v26, v0  }
0x126: {  	v29 =	vld [tilespmem:$0x7760]  }
0x127: {  	v0 =	vadd.f32 v27, v0  }
0x128: {  	v30 =	vld [tilespmem:$0x77A0]  }
0x129: {  	v0 =	vadd.f32 v28, v0  }
0x12a: {  	v31 =	vld [tilespmem:$0x77E0]  }
0x12b: {  	v0 =	vadd.f32 v29, v0  }
0x12c: {  	v32 =	vld [tilespmem:$0x7820]  }
0x12d: {  	v0 =	vadd.f32 v30, v0  }
0x12e: {  	v33 =	vld [tilespmem:$0x7860]  }
0x12f: {  	v0 =	vadd.f32 v31, v0  }
0x130: {  	v34 =	vld [tilespmem:$0x78A0]  }
0x131: {  	v0 =	vadd.f32 v32, v0  }
0x132: {  	v35 =	vld [tilespmem:$0x78E0]  }
0x133: {  	v0 =	vadd.f32 v33, v0  }
0x134: {  	v36 =	vld [tilespmem:$0x7920]  }
0x135: {  	v0 =	vadd.f32 v34, v0  }
0x136: {  	v37 =	vld [tilespmem:$0x7960]  }
0x137: {  	v0 =	vadd.f32 v35, v0  }
0x138: {  	v38 =	vld [tilespmem:$0x79A0]  }
0x139: {  	v0 =	vadd.f32 v36, v0  }
0x13a: {  	v39 =	vld [tilespmem:$0x79E0]  }
0x13b: {  	v0 =	vadd.f32 v37, v0  }
0x13c: {  	v40 =	vld [tilespmem:$0x7A20]  }
0x13d: {  	v0 =	vadd.f32 v38, v0  }
0x13e: {  	v41 =	vld [tilespmem:$0x7A60]  }
0x13f: {  	v0 =	vadd.f32 v39, v0  }
0x140: {  	v42 =	vld [tilespmem:$0x7AA0]  }
0x141: {  	v0 =	vadd.f32 v40, v0  }
0x142: {  	v43 =	vld [tilespmem:$0x7AE0]  }
0x143: {  	v0 =	vadd.f32 v41, v0  }
0x144: {  	v44 =	vld [tilespmem:$0x7B20]  }
0x145: {  	v0 =	vadd.f32 v42, v0  }
0x146: {  	v45 =	vld [tilespmem:$0x7B60]  }
0x147: {  	v0 =	vadd.f32 v43, v0  }
0x148: {  	v46 =	vld [tilespmem:$0x7BA0]  }
0x149: {  	v0 =	vadd.f32 v44, v0  }
0x14a: {  	v47 =	vld [tilespmem:$0x7BE0]  }
0x14b: {  	v0 =	vadd.f32 v45, v0  }
0x14c: {  	v48 =	vld [tilespmem:$0x7C20]  }
0x14d: {  	v0 =	vadd.f32 v46, v0  }
0x14e: {  	v49 =	vld [tilespmem:$0x7C60]  }
0x14f: {  	v0 =	vadd.f32 v47, v0;
	_ =	sdelay $0x1  }
0x150: {  	v0 =	vadd.f32 v48, v0;
	_ =	sdelay $0x1  }
0x151: {  	v0 =	vadd.f32 v49, v0;
	_ =	sdelay $0x1  }
0x152: {  	[tilespmem:s30+$0xFFFFFFE0] =	vst v0  }
0x153: {  	v0 =	vld [tilespmem:$0x7030]  }
0x154: {  	v50 =	vld [tilespmem:$0x7070];
	_ =	sdelay $0x1  }
0x155: {  	v51 =	vld [tilespmem:$0x70B0];
	_ =	sdelay $0x1  }
0x156: {  	v52 =	vld [tilespmem:$0x70F0]  }
0x157: {  	v0 =	vadd.f32 v50, v0  }
0x158: {  	v53 =	vld [tilespmem:$0x7130]  }
0x159: {  	v0 =	vadd.f32 v51, v0  }
0x15a: {  	v54 =	vld [tilespmem:$0x7170]  }
0x15b: {  	v0 =	vadd.f32 v52, v0  }
0x15c: {  	v55 =	vld [tilespmem:$0x71B0]  }
0x15d: {  	v0 =	vadd.f32 v53, v0  }
0x15e: {  	v56 =	vld [tilespmem:$0x71F0]  }
0x15f: {  	v0 =	vadd.f32 v54, v0  }
0x160: {  	v57 =	vld [tilespmem:$0x7230]  }
0x161: {  	v0 =	vadd.f32 v55, v0  }
0x162: {  	v58 =	vld [tilespmem:$0x7270]  }
0x163: {  	v0 =	vadd.f32 v56, v0  }
0x164: {  	v59 =	vld [tilespmem:$0x72B0]  }
0x165: {  	v0 =	vadd.f32 v57, v0  }
0x166: {  	v60 =	vld [tilespmem:$0x72F0]  }
0x167: {  	v0 =	vadd.f32 v58, v0  }
0x168: {  	v61 =	vld [tilespmem:$0x7330]  }
0x169: {  	v0 =	vadd.f32 v59, v0  }
0x16a: {  	v62 =	vld [tilespmem:$0x7370]  }
0x16b: {  	v0 =	vadd.f32 v60, v0  }
0x16c: {  	v63 =	vld [tilespmem:$0x73B0]  }
0x16d: {  	v0 =	vadd.f32 v61, v0  }
0x16e: {  	v6 =	vld [tilespmem:$0x73F0]  }
0x16f: {  	v0 =	vadd.f32 v62, v0  }
0x170: {  	v7 =	vld [tilespmem:$0x7430]  }
0x171: {  	v0 =	vadd.f32 v63, v0  }
0x172: {  	v8 =	vld [tilespmem:$0x7470]  }
0x173: {  	v0 =	vadd.f32 v6, v0  }
0x174: {  	v9 =	vld [tilespmem:$0x74B0]  }
0x175: {  	v0 =	vadd.f32 v7, v0  }
0x176: {  	v10 =	vld [tilespmem:$0x74F0]  }
0x177: {  	v0 =	vadd.f32 v8, v0  }
0x178: {  	v11 =	vld [tilespmem:$0x7530]  }
0x179: {  	v0 =	vadd.f32 v9, v0  }
0x17a: {  	v12 =	vld [tilespmem:$0x7570]  }
0x17b: {  	v0 =	vadd.f32 v10, v0  }
0x17c: {  	v13 =	vld [tilespmem:$0x75B0]  }
0x17d: {  	v0 =	vadd.f32 v11, v0  }
0x17e: {  	v14 =	vld [tilespmem:$0x75F0]  }
0x17f: {  	v0 =	vadd.f32 v12, v0  }
0x180: {  	v15 =	vld [tilespmem:$0x7630]  }
0x181: {  	v0 =	vadd.f32 v13, v0  }
0x182: {  	v16 =	vld [tilespmem:$0x7670]  }
0x183: {  	v0 =	vadd.f32 v14, v0  }
0x184: {  	v17 =	vld [tilespmem:$0x76B0]  }
0x185: {  	v0 =	vadd.f32 v15, v0  }
0x186: {  	v18 =	vld [tilespmem:$0x76F0]  }
0x187: {  	v0 =	vadd.f32 v16, v0  }
0x188: {  	v19 =	vld [tilespmem:$0x7730]  }
0x189: {  	v0 =	vadd.f32 v17, v0  }
0x18a: {  	v20 =	vld [tilespmem:$0x7770]  }
0x18b: {  	v0 =	vadd.f32 v18, v0  }
0x18c: {  	v21 =	vld [tilespmem:$0x77B0]  }
0x18d: {  	v0 =	vadd.f32 v19, v0  }
0x18e: {  	v22 =	vld [tilespmem:$0x77F0]  }
0x18f: {  	v0 =	vadd.f32 v20, v0  }
0x190: {  	v23 =	vld [tilespmem:$0x7830]  }
0x191: {  	v0 =	vadd.f32 v21, v0  }
0x192: {  	v24 =	vld [tilespmem:$0x7870]  }
0x193: {  	v0 =	vadd.f32 v22, v0  }
0x194: {  	v25 =	vld [tilespmem:$0x78B0]  }
0x195: {  	v0 =	vadd.f32 v23, v0  }
0x196: {  	v26 =	vld [tilespmem:$0x78F0]  }
0x197: {  	v0 =	vadd.f32 v24, v0  }
0x198: {  	v27 =	vld [tilespmem:$0x7930]  }
0x199: {  	v0 =	vadd.f32 v25, v0  }
0x19a: {  	v28 =	vld [tilespmem:$0x7970]  }
0x19b: {  	v0 =	vadd.f32 v26, v0  }
0x19c: {  	v29 =	vld [tilespmem:$0x79B0]  }
0x19d: {  	v0 =	vadd.f32 v27, v0  }
0x19e: {  	v30 =	vld [tilespmem:$0x79F0]  }
0x19f: {  	v0 =	vadd.f32 v28, v0  }
0x1a0: {  	v31 =	vld [tilespmem:$0x7A30]  }
0x1a1: {  	v0 =	vadd.f32 v29, v0  }
0x1a2: {  	v32 =	vld [tilespmem:$0x7A70]  }
0x1a3: {  	v0 =	vadd.f32 v30, v0  }
0x1a4: {  	v33 =	vld [tilespmem:$0x7AB0]  }
0x1a5: {  	v0 =	vadd.f32 v31, v0  }
0x1a6: {  	v34 =	vld [tilespmem:$0x7AF0]  }
0x1a7: {  	v0 =	vadd.f32 v32, v0  }
0x1a8: {  	v35 =	vld [tilespmem:$0x7B30]  }
0x1a9: {  	v0 =	vadd.f32 v33, v0  }
0x1aa: {  	v36 =	vld [tilespmem:$0x7B70]  }
0x1ab: {  	v0 =	vadd.f32 v34, v0  }
0x1ac: {  	v37 =	vld [tilespmem:$0x7BB0]  }
0x1ad: {  	v0 =	vadd.f32 v35, v0  }
0x1ae: {  	v38 =	vld [tilespmem:$0x7BF0]  }
0x1af: {  	v0 =	vadd.f32 v36, v0  }
0x1b0: {  	v39 =	vld [tilespmem:$0x7C30]  }
0x1b1: {  	v0 =	vadd.f32 v37, v0  }
0x1b2: {  	v40 =	vld [tilespmem:$0x7C70]  }
0x1b3: {  	v0 =	vadd.f32 v38, v0;
	_ =	sdelay $0x1  }
0x1b4: {  	v0 =	vadd.f32 v39, v0;
	_ =	sdelay $0x1  }
0x1b5: {  	p0 =	seq.s32 s29, $0xFFFFFE40;
	v0 =	vadd.f32 v40, v0  }
0x1b6: {  	s31 =	sshra.s32 @!p0 s29, $0x2  }
0x1b7: {  	s1 =	simm.s32 @!p0 $0x32;
	s0 =	simm.s32 @!p0 $0x7000;
	s31 =	sadd.s32 @!p0 $0x7070, s31;
	[tilespmem:s30+$0xFFFFFFF0] =	vst v0  }
0x1b8: {  	[tilespmem:s0], [sflag:$0x1] =	stream.indirect.gather @!p0 [hbm4b:s3+s1], $0x40, s31, s1, $0xb8;
	[tilespmem:$0x18B00] =	vst v63  }
0x1b9: {  	_ =	swait.ge [sflag:s24], $0xC80  }
0x1ba: {  	[sflag:s24] =	ssyncset.done $0x0  }
0x1bb: {  	[sflag:s24] =	ssyncadd.s32 $0xFFFFF380  }
0x1bc: {  	v41 =	vld [tilespmem:$0x7C80]  }
0x1bd: {  	v42 =	vld [tilespmem:$0x7CC0];
	_ =	sdelay $0x1  }
0x1be: {  	v43 =	vld [tilespmem:$0x7D00];
	_ =	sdelay $0x1  }
0x1bf: {  	v44 =	vld [tilespmem:$0x7D40]  }
0x1c0: {  	v0 =	vadd.f32 v42, v41  }
0x1c1: {  	v45 =	vld [tilespmem:$0x7D80]  }
0x1c2: {  	v0 =	vadd.f32 v43, v0  }
0x1c3: {  	v46 =	vld [tilespmem:$0x7DC0]  }
0x1c4: {  	v0 =	vadd.f32 v44, v0  }
0x1c5: {  	v47 =	vld [tilespmem:$0x7E00]  }
0x1c6: {  	v0 =	vadd.f32 v45, v0  }
0x1c7: {  	v48 =	vld [tilespmem:$0x7E40]  }
0x1c8: {  	v0 =	vadd.f32 v46, v0  }
0x1c9: {  	v49 =	vld [tilespmem:$0x7E80]  }
0x1ca: {  	v0 =	vadd.f32 v47, v0  }
0x1cb: {  	v50 =	vld [tilespmem:$0x7EC0]  }
0x1cc: {  	v0 =	vadd.f32 v48, v0  }
0x1cd: {  	v51 =	vld [tilespmem:$0x7F00]  }
0x1ce: {  	v0 =	vadd.f32 v49, v0  }
0x1cf: {  	v52 =	vld [tilespmem:$0x7F40]  }
0x1d0: {  	v0 =	vadd.f32 v50, v0  }
0x1d1: {  	v53 =	vld [tilespmem:$0x7F80]  }
0x1d2: {  	v0 =	vadd.f32 v51, v0  }
0x1d3: {  	v54 =	vld [tilespmem:$0x7FC0]  }
0x1d4: {  	v0 =	vadd.f32 v52, v0  }
0x1d5: {  	v55 =	vld [tilespmem:$0x8000]  }
0x1d6: {  	v0 =	vadd.f32 v53, v0  }
0x1d7: {  	v56 =	vld [tilespmem:$0x8040]  }
0x1d8: {  	v0 =	vadd.f32 v54, v0  }
0x1d9: {  	v57 =	vld [tilespmem:$0x8080]  }
0x1da: {  	v0 =	vadd.f32 v55, v0  }
0x1db: {  	v58 =	vld [tilespmem:$0x80C0]  }
0x1dc: {  	v0 =	vadd.f32 v56, v0  }
0x1dd: {  	v59 =	vld [tilespmem:$0x8100]  }
0x1de: {  	v0 =	vadd.f32 v57, v0  }
0x1df: {  	v60 =	vld [tilespmem:$0x8140]  }
0x1e0: {  	v0 =	vadd.f32 v58, v0  }
0x1e1: {  	v61 =	vld [tilespmem:$0x8180]  }
0x1e2: {  	v0 =	vadd.f32 v59, v0  }
0x1e3: {  	v62 =	vld [tilespmem:$0x81C0]  }
0x1e4: {  	v0 =	vadd.f32 v60, v0  }
0x1e5: {  	v63 =	vld [tilespmem:$0x8200]  }
0x1e6: {  	v0 =	vadd.f32 v61, v0  }
0x1e7: {  	v6 =	vld [tilespmem:$0x8240]  }
0x1e8: {  	v0 =	vadd.f32 v62, v0  }
0x1e9: {  	v7 =	vld [tilespmem:$0x8280]  }
0x1ea: {  	v0 =	vadd.f32 v63, v0  }
0x1eb: {  	v8 =	vld [tilespmem:$0x82C0]  }
0x1ec: {  	v0 =	vadd.f32 v6, v0  }
0x1ed: {  	v9 =	vld [tilespmem:$0x8300]  }
0x1ee: {  	v0 =	vadd.f32 v7, v0  }
0x1ef: {  	v10 =	vld [tilespmem:$0x8340]  }
0x1f0: {  	v0 =	vadd.f32 v8, v0  }
0x1f1: {  	v11 =	vld [tilespmem:$0x8380]  }
0x1f2: {  	v0 =	vadd.f32 v9, v0  }
0x1f3: {  	v12 =	vld [tilespmem:$0x83C0]  }
0x1f4: {  	v0 =	vadd.f32 v10, v0  }
0x1f5: {  	v13 =	vld [tilespmem:$0x8400]  }
0x1f6: {  	v0 =	vadd.f32 v11, v0  }
0x1f7: {  	v14 =	vld [tilespmem:$0x8440]  }
0x1f8: {  	v0 =	vadd.f32 v12, v0  }
0x1f9: {  	v15 =	vld [tilespmem:$0x8480]  }
0x1fa: {  	v0 =	vadd.f32 v13, v0  }
0x1fb: {  	v16 =	vld [tilespmem:$0x84C0]  }
0x1fc: {  	v0 =	vadd.f32 v14, v0  }
0x1fd: {  	v17 =	vld [tilespmem:$0x8500]  }
0x1fe: {  	v0 =	vadd.f32 v15, v0  }
0x1ff: {  	v18 =	vld [tilespmem:$0x8540]  }
0x200: {  	v0 =	vadd.f32 v16, v0  }
0x201: {  	v19 =	vld [tilespmem:$0x8580]  }
0x202: {  	v0 =	vadd.f32 v17, v0  }
0x203: {  	v20 =	vld [tilespmem:$0x85C0]  }
0x204: {  	v0 =	vadd.f32 v18, v0  }
0x205: {  	v21 =	vld [tilespmem:$0x8600]  }
0x206: {  	v0 =	vadd.f32 v19, v0  }
0x207: {  	v22 =	vld [tilespmem:$0x8640]  }
0x208: {  	v0 =	vadd.f32 v20, v0  }
0x209: {  	v23 =	vld [tilespmem:$0x8680]  }
0x20a: {  	v0 =	vadd.f32 v21, v0  }
0x20b: {  	v24 =	vld [tilespmem:$0x86C0]  }
0x20c: {  	v0 =	vadd.f32 v22, v0  }
0x20d: {  	v25 =	vld [tilespmem:$0x8700]  }
0x20e: {  	v0 =	vadd.f32 v23, v0  }
0x20f: {  	v26 =	vld [tilespmem:$0x8740]  }
0x210: {  	v0 =	vadd.f32 v24, v0  }
0x211: {  	v27 =	vld [tilespmem:$0x8780]  }
0x212: {  	v0 =	vadd.f32 v25, v0  }
0x213: {  	v28 =	vld [tilespmem:$0x87C0]  }
0x214: {  	v0 =	vadd.f32 v26, v0  }
0x215: {  	v29 =	vld [tilespmem:$0x8800]  }
0x216: {  	v0 =	vadd.f32 v27, v0  }
0x217: {  	v30 =	vld [tilespmem:$0x8840]  }
0x218: {  	v0 =	vadd.f32 v28, v0  }
0x219: {  	v31 =	vld [tilespmem:$0x8880]  }
0x21a: {  	v0 =	vadd.f32 v29, v0  }
0x21b: {  	v32 =	vld [tilespmem:$0x88C0]  }
0x21c: {  	v0 =	vadd.f32 v30, v0;
	_ =	sdelay $0x1  }
0x21d: {  	v0 =	vadd.f32 v31, v0;
	_ =	sdelay $0x1  }
0x21e: {  	v0 =	vadd.f32 v32, v0;
	_ =	sdelay $0x1  }
0x21f: {  	[tilespmem:s30+$0x0] =	vst v0  }
0x220: {  	v0 =	vld [tilespmem:$0x7C90]  }
0x221: {  	v33 =	vld [tilespmem:$0x7CD0];
	_ =	sdelay $0x1  }
0x222: {  	v34 =	vld [tilespmem:$0x7D10];
	_ =	sdelay $0x1  }
0x223: {  	v35 =	vld [tilespmem:$0x7D50]  }
0x224: {  	v0 =	vadd.f32 v33, v0  }
0x225: {  	v36 =	vld [tilespmem:$0x7D90]  }
0x226: {  	v0 =	vadd.f32 v34, v0  }
0x227: {  	v37 =	vld [tilespmem:$0x7DD0]  }
0x228: {  	v0 =	vadd.f32 v35, v0  }
0x229: {  	v38 =	vld [tilespmem:$0x7E10]  }
0x22a: {  	v0 =	vadd.f32 v36, v0  }
0x22b: {  	v39 =	vld [tilespmem:$0x7E50]  }
0x22c: {  	v0 =	vadd.f32 v37, v0  }
0x22d: {  	v40 =	vld [tilespmem:$0x7E90]  }
0x22e: {  	v0 =	vadd.f32 v38, v0  }
0x22f: {  	v41 =	vld [tilespmem:$0x7ED0]  }
0x230: {  	v0 =	vadd.f32 v39, v0  }
0x231: {  	v42 =	vld [tilespmem:$0x7F10]  }
0x232: {  	v0 =	vadd.f32 v40, v0  }
0x233: {  	v43 =	vld [tilespmem:$0x7F50]  }
0x234: {  	v0 =	vadd.f32 v41, v0  }
0x235: {  	v44 =	vld [tilespmem:$0x7F90]  }
0x236: {  	v0 =	vadd.f32 v42, v0  }
0x237: {  	v45 =	vld [tilespmem:$0x7FD0]  }
0x238: {  	v0 =	vadd.f32 v43, v0  }
0x239: {  	v46 =	vld [tilespmem:$0x8010]  }
0x23a: {  	v0 =	vadd.f32 v44, v0  }
0x23b: {  	v47 =	vld [tilespmem:$0x8050]  }
0x23c: {  	v0 =	vadd.f32 v45, v0  }
0x23d: {  	v48 =	vld [tilespmem:$0x8090]  }
0x23e: {  	v0 =	vadd.f32 v46, v0  }
0x23f: {  	v49 =	vld [tilespmem:$0x80D0]  }
0x240: {  	v0 =	vadd.f32 v47, v0  }
0x241: {  	v50 =	vld [tilespmem:$0x8110]  }
0x242: {  	v0 =	vadd.f32 v48, v0  }
0x243: {  	v51 =	vld [tilespmem:$0x8150]  }
0x244: {  	v0 =	vadd.f32 v49, v0  }
0x245: {  	v52 =	vld [tilespmem:$0x8190]  }
0x246: {  	v0 =	vadd.f32 v50, v0  }
0x247: {  	v53 =	vld [tilespmem:$0x81D0]  }
0x248: {  	v0 =	vadd.f32 v51, v0  }
0x249: {  	v54 =	vld [tilespmem:$0x8210]  }
0x24a: {  	v0 =	vadd.f32 v52, v0  }
0x24b: {  	v55 =	vld [tilespmem:$0x8250]  }
0x24c: {  	v0 =	vadd.f32 v53, v0  }
0x24d: {  	v56 =	vld [tilespmem:$0x8290]  }
0x24e: {  	v0 =	vadd.f32 v54, v0  }
0x24f: {  	v57 =	vld [tilespmem:$0x82D0]  }
0x250: {  	v0 =	vadd.f32 v55, v0  }
0x251: {  	v58 =	vld [tilespmem:$0x8310]  }
0x252: {  	v0 =	vadd.f32 v56, v0  }
0x253: {  	v59 =	vld [tilespmem:$0x8350]  }
0x254: {  	v0 =	vadd.f32 v57, v0  }
0x255: {  	v60 =	vld [tilespmem:$0x8390]  }
0x256: {  	v0 =	vadd.f32 v58, v0  }
0x257: {  	v61 =	vld [tilespmem:$0x83D0]  }
0x258: {  	v0 =	vadd.f32 v59, v0  }
0x259: {  	v62 =	vld [tilespmem:$0x8410]  }
0x25a: {  	v0 =	vadd.f32 v60, v0  }
0x25b: {  	v63 =	vld [tilespmem:$0x8450]  }
0x25c: {  	v0 =	vadd.f32 v61, v0  }
0x25d: {  	v6 =	vld [tilespmem:$0x8490]  }
0x25e: {  	v0 =	vadd.f32 v62, v0  }
0x25f: {  	v7 =	vld [tilespmem:$0x84D0]  }
0x260: {  	v0 =	vadd.f32 v63, v0  }
0x261: {  	v8 =	vld [tilespmem:$0x8510]  }
0x262: {  	v0 =	vadd.f32 v6, v0  }
0x263: {  	v9 =	vld [tilespmem:$0x8550]  }
0x264: {  	v0 =	vadd.f32 v7, v0  }
0x265: {  	v10 =	vld [tilespmem:$0x8590]  }
0x266: {  	v0 =	vadd.f32 v8, v0  }
0x267: {  	v11 =	vld [tilespmem:$0x85D0]  }
0x268: {  	v0 =	vadd.f32 v9, v0  }
0x269: {  	v12 =	vld [tilespmem:$0x8610]  }
0x26a: {  	v0 =	vadd.f32 v10, v0  }
0x26b: {  	v13 =	vld [tilespmem:$0x8650]  }
0x26c: {  	v0 =	vadd.f32 v11, v0  }
0x26d: {  	v14 =	vld [tilespmem:$0x8690]  }
0x26e: {  	v0 =	vadd.f32 v12, v0  }
0x26f: {  	v15 =	vld [tilespmem:$0x86D0]  }
0x270: {  	v0 =	vadd.f32 v13, v0  }
0x271: {  	v16 =	vld [tilespmem:$0x8710]  }
0x272: {  	v0 =	vadd.f32 v14, v0  }
0x273: {  	v17 =	vld [tilespmem:$0x8750]  }
0x274: {  	v0 =	vadd.f32 v15, v0  }
0x275: {  	v18 =	vld [tilespmem:$0x8790]  }
0x276: {  	v0 =	vadd.f32 v16, v0  }
0x277: {  	v19 =	vld [tilespmem:$0x87D0]  }
0x278: {  	v0 =	vadd.f32 v17, v0  }
0x279: {  	v20 =	vld [tilespmem:$0x8810]  }
0x27a: {  	v0 =	vadd.f32 v18, v0  }
0x27b: {  	v21 =	vld [tilespmem:$0x8850]  }
0x27c: {  	v0 =	vadd.f32 v19, v0  }
0x27d: {  	v22 =	vld [tilespmem:$0x8890]  }
0x27e: {  	v0 =	vadd.f32 v20, v0  }
0x27f: {  	v23 =	vld [tilespmem:$0x88D0]  }
0x280: {  	v0 =	vadd.f32 v21, v0;
	_ =	sdelay $0x1  }
0x281: {  	v0 =	vadd.f32 v22, v0;
	_ =	sdelay $0x1  }
0x282: {  	v0 =	vadd.f32 v23, v0;
	_ =	sdelay $0x1  }
0x283: {  	[tilespmem:s30+$0x10] =	vst v0  }
0x284: {  	v0 =	vld [tilespmem:$0x7CA0]  }
0x285: {  	v24 =	vld [tilespmem:$0x7CE0];
	_ =	sdelay $0x1  }
0x286: {  	v25 =	vld [tilespmem:$0x7D20];
	_ =	sdelay $0x1  }
0x287: {  	v26 =	vld [tilespmem:$0x7D60]  }
0x288: {  	v0 =	vadd.f32 v24, v0  }
0x289: {  	v27 =	vld [tilespmem:$0x7DA0]  }
0x28a: {  	v0 =	vadd.f32 v25, v0  }
0x28b: {  	v28 =	vld [tilespmem:$0x7DE0]  }
0x28c: {  	v0 =	vadd.f32 v26, v0  }
0x28d: {  	v29 =	vld [tilespmem:$0x7E20]  }
0x28e: {  	v0 =	vadd.f32 v27, v0  }
0x28f: {  	v30 =	vld [tilespmem:$0x7E60]  }
0x290: {  	v0 =	vadd.f32 v28, v0  }
0x291: {  	v31 =	vld [tilespmem:$0x7EA0]  }
0x292: {  	v0 =	vadd.f32 v29, v0  }
0x293: {  	v32 =	vld [tilespmem:$0x7EE0]  }
0x294: {  	v0 =	vadd.f32 v30, v0  }
0x295: {  	v33 =	vld [tilespmem:$0x7F20]  }
0x296: {  	v0 =	vadd.f32 v31, v0  }
0x297: {  	v34 =	vld [tilespmem:$0x7F60]  }
0x298: {  	v0 =	vadd.f32 v32, v0  }
0x299: {  	v35 =	vld [tilespmem:$0x7FA0]  }
0x29a: {  	v0 =	vadd.f32 v33, v0  }
0x29b: {  	v36 =	vld [tilespmem:$0x7FE0]  }
0x29c: {  	v0 =	vadd.f32 v34, v0  }
0x29d: {  	v37 =	vld [tilespmem:$0x8020]  }
0x29e: {  	v0 =	vadd.f32 v35, v0  }
0x29f: {  	v38 =	vld [tilespmem:$0x8060]  }
0x2a0: {  	v0 =	vadd.f32 v36, v0  }
0x2a1: {  	v39 =	vld [tilespmem:$0x80A0]  }
0x2a2: {  	v0 =	vadd.f32 v37, v0  }
0x2a3: {  	v40 =	vld [tilespmem:$0x80E0]  }
0x2a4: {  	v0 =	vadd.f32 v38, v0  }
0x2a5: {  	v41 =	vld [tilespmem:$0x8120]  }
0x2a6: {  	v0 =	vadd.f32 v39, v0  }
0x2a7: {  	v42 =	vld [tilespmem:$0x8160]  }
0x2a8: {  	v0 =	vadd.f32 v40, v0  }
0x2a9: {  	v43 =	vld [tilespmem:$0x81A0]  }
0x2aa: {  	v0 =	vadd.f32 v41, v0  }
0x2ab: {  	v44 =	vld [tilespmem:$0x81E0]  }
0x2ac: {  	v0 =	vadd.f32 v42, v0  }
0x2ad: {  	v45 =	vld [tilespmem:$0x8220]  }
0x2ae: {  	v0 =	vadd.f32 v43, v0  }
0x2af: {  	v46 =	vld [tilespmem:$0x8260]  }
0x2b0: {  	v0 =	vadd.f32 v44, v0  }
0x2b1: {  	v47 =	vld [tilespmem:$0x82A0]  }
0x2b2: {  	v0 =	vadd.f32 v45, v0  }
0x2b3: {  	v48 =	vld [tilespmem:$0x82E0]  }
0x2b4: {  	v0 =	vadd.f32 v46, v0  }
0x2b5: {  	v49 =	vld [tilespmem:$0x8320]  }
0x2b6: {  	v0 =	vadd.f32 v47, v0  }
0x2b7: {  	v50 =	vld [tilespmem:$0x8360]  }
0x2b8: {  	v0 =	vadd.f32 v48, v0  }
0x2b9: {  	v51 =	vld [tilespmem:$0x83A0]  }
0x2ba: {  	v0 =	vadd.f32 v49, v0  }
0x2bb: {  	v52 =	vld [tilespmem:$0x83E0]  }
0x2bc: {  	v0 =	vadd.f32 v50, v0  }
0x2bd: {  	v53 =	vld [tilespmem:$0x8420]  }
0x2be: {  	v0 =	vadd.f32 v51, v0  }
0x2bf: {  	v54 =	vld [tilespmem:$0x8460]  }
0x2c0: {  	v0 =	vadd.f32 v52, v0  }
0x2c1: {  	v55 =	vld [tilespmem:$0x84A0]  }
0x2c2: {  	v0 =	vadd.f32 v53, v0  }
0x2c3: {  	v56 =	vld [tilespmem:$0x84E0]  }
0x2c4: {  	v0 =	vadd.f32 v54, v0  }
0x2c5: {  	v57 =	vld [tilespmem:$0x8520]  }
0x2c6: {  	v0 =	vadd.f32 v55, v0  }
0x2c7: {  	v58 =	vld [tilespmem:$0x8560]  }
0x2c8: {  	v0 =	vadd.f32 v56, v0  }
0x2c9: {  	v59 =	vld [tilespmem:$0x85A0]  }
0x2ca: {  	v0 =	vadd.f32 v57, v0  }
0x2cb: {  	v60 =	vld [tilespmem:$0x85E0]  }
0x2cc: {  	v0 =	vadd.f32 v58, v0  }
0x2cd: {  	v61 =	vld [tilespmem:$0x8620]  }
0x2ce: {  	v0 =	vadd.f32 v59, v0  }
0x2cf: {  	v62 =	vld [tilespmem:$0x8660]  }
0x2d0: {  	v0 =	vadd.f32 v60, v0  }
0x2d1: {  	v63 =	vld [tilespmem:$0x86A0]  }
0x2d2: {  	v0 =	vadd.f32 v61, v0  }
0x2d3: {  	v6 =	vld [tilespmem:$0x86E0]  }
0x2d4: {  	v0 =	vadd.f32 v62, v0  }
0x2d5: {  	v7 =	vld [tilespmem:$0x8720]  }
0x2d6: {  	v0 =	vadd.f32 v63, v0  }
0x2d7: {  	v8 =	vld [tilespmem:$0x8760]  }
0x2d8: {  	v0 =	vadd.f32 v6, v0  }
0x2d9: {  	v9 =	vld [tilespmem:$0x87A0]  }
0x2da: {  	v0 =	vadd.f32 v7, v0  }
0x2db: {  	v10 =	vld [tilespmem:$0x87E0]  }
0x2dc: {  	v0 =	vadd.f32 v8, v0  }
0x2dd: {  	v11 =	vld [tilespmem:$0x8820]  }
0x2de: {  	v0 =	vadd.f32 v9, v0  }
0x2df: {  	v12 =	vld [tilespmem:$0x8860]  }
0x2e0: {  	v0 =	vadd.f32 v10, v0  }
0x2e1: {  	v13 =	vld [tilespmem:$0x88A0]  }
0x2e2: {  	v0 =	vadd.f32 v11, v0  }
0x2e3: {  	v14 =	vld [tilespmem:$0x88E0]  }
0x2e4: {  	v0 =	vadd.f32 v12, v0;
	_ =	sdelay $0x1  }
0x2e5: {  	v0 =	vadd.f32 v13, v0;
	_ =	sdelay $0x1  }
0x2e6: {  	v0 =	vadd.f32 v14, v0;
	_ =	sdelay $0x1  }
0x2e7: {  	[tilespmem:s30+$0x20] =	vst v0  }
0x2e8: {  	v0 =	vld [tilespmem:$0x7CB0]  }
0x2e9: {  	v15 =	vld [tilespmem:$0x7CF0];
	_ =	sdelay $0x1  }
0x2ea: {  	v16 =	vld [tilespmem:$0x7D30];
	_ =	sdelay $0x1  }
0x2eb: {  	v17 =	vld [tilespmem:$0x7D70]  }
0x2ec: {  	v0 =	vadd.f32 v15, v0  }
0x2ed: {  	v18 =	vld [tilespmem:$0x7DB0]  }
0x2ee: {  	v0 =	vadd.f32 v16, v0  }
0x2ef: {  	v19 =	vld [tilespmem:$0x7DF0]  }
0x2f0: {  	v0 =	vadd.f32 v17, v0  }
0x2f1: {  	v20 =	vld [tilespmem:$0x7E30]  }
0x2f2: {  	v0 =	vadd.f32 v18, v0  }
0x2f3: {  	v21 =	vld [tilespmem:$0x7E70]  }
0x2f4: {  	v0 =	vadd.f32 v19, v0  }
0x2f5: {  	v22 =	vld [tilespmem:$0x7EB0]  }
0x2f6: {  	v0 =	vadd.f32 v20, v0  }
0x2f7: {  	v23 =	vld [tilespmem:$0x7EF0]  }
0x2f8: {  	v0 =	vadd.f32 v21, v0  }
0x2f9: {  	v24 =	vld [tilespmem:$0x7F30]  }
0x2fa: {  	v0 =	vadd.f32 v22, v0  }
0x2fb: {  	v25 =	vld [tilespmem:$0x7F70]  }
0x2fc: {  	v0 =	vadd.f32 v23, v0  }
0x2fd: {  	v26 =	vld [tilespmem:$0x7FB0]  }
0x2fe: {  	v0 =	vadd.f32 v24, v0  }
0x2ff: {  	v27 =	vld [tilespmem:$0x7FF0]  }
0x300: {  	v0 =	vadd.f32 v25, v0  }
0x301: {  	v28 =	vld [tilespmem:$0x8030]  }
0x302: {  	v0 =	vadd.f32 v26, v0  }
0x303: {  	v29 =	vld [tilespmem:$0x8070]  }
0x304: {  	v0 =	vadd.f32 v27, v0  }
0x305: {  	v30 =	vld [tilespmem:$0x80B0]  }
0x306: {  	v0 =	vadd.f32 v28, v0  }
0x307: {  	v31 =	vld [tilespmem:$0x80F0]  }
0x308: {  	v0 =	vadd.f32 v29, v0  }
0x309: {  	v32 =	vld [tilespmem:$0x8130]  }
0x30a: {  	v0 =	vadd.f32 v30, v0  }
0x30b: {  	v33 =	vld [tilespmem:$0x8170]  }
0x30c: {  	v0 =	vadd.f32 v31, v0  }
0x30d: {  	v34 =	vld [tilespmem:$0x81B0]  }
0x30e: {  	v0 =	vadd.f32 v32, v0  }
0x30f: {  	v35 =	vld [tilespmem:$0x81F0]  }
0x310: {  	v0 =	vadd.f32 v33, v0  }
0x311: {  	v36 =	vld [tilespmem:$0x8230]  }
0x312: {  	v0 =	vadd.f32 v34, v0  }
0x313: {  	v37 =	vld [tilespmem:$0x8270]  }
0x314: {  	v0 =	vadd.f32 v35, v0  }
0x315: {  	v38 =	vld [tilespmem:$0x82B0]  }
0x316: {  	v0 =	vadd.f32 v36, v0  }
0x317: {  	v39 =	vld [tilespmem:$0x82F0]  }
0x318: {  	v0 =	vadd.f32 v37, v0  }
0x319: {  	v40 =	vld [tilespmem:$0x8330]  }
0x31a: {  	v0 =	vadd.f32 v38, v0  }
0x31b: {  	v41 =	vld [tilespmem:$0x8370]  }
0x31c: {  	v0 =	vadd.f32 v39, v0  }
0x31d: {  	v42 =	vld [tilespmem:$0x83B0]  }
0x31e: {  	v0 =	vadd.f32 v40, v0  }
0x31f: {  	v43 =	vld [tilespmem:$0x83F0]  }
0x320: {  	v0 =	vadd.f32 v41, v0  }
0x321: {  	v44 =	vld [tilespmem:$0x8430]  }
0x322: {  	v0 =	vadd.f32 v42, v0  }
0x323: {  	v45 =	vld [tilespmem:$0x8470]  }
0x324: {  	v0 =	vadd.f32 v43, v0  }
0x325: {  	v46 =	vld [tilespmem:$0x84B0]  }
0x326: {  	v0 =	vadd.f32 v44, v0  }
0x327: {  	v47 =	vld [tilespmem:$0x84F0]  }
0x328: {  	v0 =	vadd.f32 v45, v0  }
0x329: {  	v48 =	vld [tilespmem:$0x8530]  }
0x32a: {  	v0 =	vadd.f32 v46, v0  }
0x32b: {  	v49 =	vld [tilespmem:$0x8570]  }
0x32c: {  	v0 =	vadd.f32 v47, v0  }
0x32d: {  	v50 =	vld [tilespmem:$0x85B0]  }
0x32e: {  	v0 =	vadd.f32 v48, v0  }
0x32f: {  	v51 =	vld [tilespmem:$0x85F0]  }
0x330: {  	v0 =	vadd.f32 v49, v0  }
0x331: {  	v52 =	vld [tilespmem:$0x8630]  }
0x332: {  	v0 =	vadd.f32 v50, v0  }
0x333: {  	v53 =	vld [tilespmem:$0x8670]  }
0x334: {  	v0 =	vadd.f32 v51, v0  }
0x335: {  	v54 =	vld [tilespmem:$0x86B0]  }
0x336: {  	v0 =	vadd.f32 v52, v0  }
0x337: {  	v55 =	vld [tilespmem:$0x86F0]  }
0x338: {  	v0 =	vadd.f32 v53, v0  }
0x339: {  	v56 =	vld [tilespmem:$0x8730]  }
0x33a: {  	v0 =	vadd.f32 v54, v0  }
0x33b: {  	v57 =	vld [tilespmem:$0x8770]  }
0x33c: {  	v0 =	vadd.f32 v55, v0  }
0x33d: {  	v58 =	vld [tilespmem:$0x87B0]  }
0x33e: {  	v0 =	vadd.f32 v56, v0  }
0x33f: {  	v59 =	vld [tilespmem:$0x87F0]  }
0x340: {  	v0 =	vadd.f32 v57, v0  }
0x341: {  	v60 =	vld [tilespmem:$0x8830]  }
0x342: {  	v0 =	vadd.f32 v58, v0  }
0x343: {  	v61 =	vld [tilespmem:$0x8870]  }
0x344: {  	v0 =	vadd.f32 v59, v0  }
0x345: {  	v62 =	vld [tilespmem:$0x88B0]  }
0x346: {  	v0 =	vadd.f32 v60, v0  }
0x347: {  	v63 =	vld [tilespmem:$0x88F0]  }
0x348: {  	s29 =	sadd.s32 $0x1C0, s29;
	v0 =	vadd.f32 v61, v0  }
0x349: {  	p0 =	sne.s32 s29, $0x0  }
.Ltmp0:
0x34a: {  	v0 =	vadd.f32 v62, v0;
	(pc) =	sbr.rel @p0 .LBB2_2-.Ltmp0, $3  }
0x34b: {  	_ = 	snop  }
0x34c: {  	v0 =	vadd.f32 v63, v0;
	_ =	sdelay $0x1  }
0x34d: {  	[tilespmem:s30+$0x30] =	vst v0;
	s30 =	sadd.s32 $0x80, s30  }
0x34e: {  	[hbm4b:s7+s2] =	stream.linear.scatter [tilespmem:s25], [sflag:$0x4], $0x8000, $0x38;
	[tilespmem:$0x18B00] =	vst v63  }
0x34f: {  	_ =	swait.ge [sflag:s10], $0x8000  }
0x350: {  	[sflag:s10] =	ssyncset.done $0x0  }
0x351: {  	[sflag:s10] =	ssyncadd.s32 $0xFFFF8000  }
0x352: {  	_ =	swait.ge [sflag:s26], $0x2000  }
0x353: {  	[sflag:s26] =	ssyncset.done $0x0  }
0x354: {  	[sflag:s26] =	ssyncadd.s32 $0xFFFFE000  }
0x355: {  	_ =	swait.ge [sflag:s26], $0x2000  }
0x356: {  	[sflag:s26] =	ssyncset.done $0x0  }
0x357: {  	[sflag:s26] =	ssyncadd.s32 $0xFFFFE000  }
0x358: {  	_ =	swait.ge [sflag:s26], $0x2000  }
0x359: {  	[sflag:s26] =	ssyncset.done $0x0  }
0x35a: {  	[sflag:s26] =	ssyncadd.s32 $0xFFFFE000  }
0x35b: {  	s28 =	sadd.s32 $0x1, s28;
	_ =	swait.ge [sflag:s26], $0x2000  }
0x35c: {  	p0 =	sne.s32 s28, s9;
	[sflag:s26] =	ssyncset.done $0x0  }
.Ltmp1:
0x35d: {  	[sflag:s26] =	ssyncadd.s32 $0xFFFFE000;
	(pc) =	sbr.rel @p0 .LBB2_1-.Ltmp1, $4  }
0x35e: {  	[hbm4b:s8+s2] =	stream.linear.scatter [tilespmem:s13], [sflag:$0x4], $0x8000, $0x38;
	[tilespmem:$0x18B00] =	vst v63  }
0x35f: {  	_ =	swait.ge [sflag:s10], $0x8000  }
0x360: {  	[sflag:s10] =	ssyncset.done $0x0  }
0x361: {  	[sflag:s10] =	ssyncadd.s32 $0xFFFF8000  }
0x362: {  	_ =	sfence.sel $0x180000  }
0x363: {  	[bflag:$0x0] =	sbarrier.arrive $0xFFFF  }
0x364: {  	_ =	strace $0x90000047  }
0x365: {  	s0 =	stileid.u32;
	[bflag:$0x2] =	sbarrier.arrive $0xFFFF  }
0x366: {  	p0 =	sne.s32 s0, $0x0;
	s0 =	rddreg [dreg:$0x2]  }
0x367: {  	s0 =	sadd.s32 @!p0 $0x100000, s0  }
0x368: {  	[sflag:s0] =	ssyncadd.tile.s32 @!p0 $0x1;
	_ =	shalt  }
.Lfunc_end2:
_tile_overlayer_lowered:
.L_overlay_start_2:
0x369: {  	(tag) =	ssettag $0x2  }
0x36a: {  	s0 =	rddreg [dreg:$0x0];
	s2 =	stileid.u32  }
0x36b: {  	s1 =	rddreg [dreg:$0x1];
	p0 =	sne.s32 s2, $0x0  }
0x36c: {  	s3 =	rddreg [dreg:$0x2];
	[bflag:$0x3] =	sbarrier.arrive $0xFFFF;
	s2 =	simm.s32 @!p0 $0x1C04  }
0x36d: {  	[timem:s3], [sflag:s2] =	dma.local @!p0 [hbm:s0], s1  }
0x36e: {  	s0 =	simm.s32 @!p0 $0x4  }
0x36f: {  	_ =	swait.ge @!p0 [sflag:s0], s1  }
0x370: {  	s1 =	ssub.s32 @!p0 $0x0, s1;
	[sflag:s0] =	ssyncset.done @!p0 $0x0  }
0x371: {  	[sflag:s0] =	ssyncadd.s32 @!p0 s1  }
0x372: {  	[bflag:$0x3] =	sbarrier.arrive $0xFFFF  }
0x373: {  	_ =	shalt  }

</sc_bundles>
